<compile_context>
chip_gen: v7x
topology: tpu7x:2x2x1
jax: 0.10.2.dev20260603
libtpu: 0.0.44.dev20260713+nightly
codegen_flags: <defaults>
</compile_context>

<pallas_src>
import functools

import jax
import jax.numpy as jnp
from jax import lax
from jax.experimental import pallas as pl
from jax.experimental.pallas import tpu as pltpu
from jax.experimental.pallas import tpu_sc as plsc

_N = 10000
_E = 320000
_D = 128
_EPS = 1e-5

_NC = 2
_NS = 16
_NW = _NC * _NS
_EPW = 10240
_EP = _NW * _EPW
_C = 128
_T = _EPW // _C
_CC = 128
_TC_ = _EPW // _CC
_RPT = 632
_R = _NS * _RPT
_BR = 400
_NB = _N // _BR


def _sc_mesh():
    return plsc.VectorSubcoreMesh(core_axis_name="c", subcore_axis_name="s",
                                  num_cores=_NC, num_subcores=_NS)


def _sc_agg_body(h_hbm, src_hbm, dst_hbm, z128,
                 part_out,
                 src_r, dst_r, buf0, buf1, sem0, sem1,
                 isem0, isem1, isem2, isem3, acc_sh):
    c = lax.axis_index("c")
    s = lax.axis_index("s")
    wid = s * _NC + c
    r0 = s * _RPT

    pltpu.sync_copy(z128.at[pl.ds(r0, _RPT)], acc_sh.at[pl.ds(r0, _RPT)])
    plsc.subcore_barrier()

    bufs = (buf0, buf1)
    sems = (sem0, sem1)
    isems = (isem0, isem1, isem2, isem3)

    def idx_copies(jj, slot, isem):
        return (pltpu.make_async_copy(src_hbm.at[wid, jj], src_r.at[slot], isem),
                pltpu.make_async_copy(dst_hbm.at[wid, jj], dst_r.at[slot], isem))

    for d in idx_copies(0, 0, isems[0]):
        d.start()
        d.wait()
    pltpu.make_async_copy(h_hbm.at[src_r.at[0]], buf0, sem0).start()
    for k in (1, 2, 3):
        for d in idx_copies(k, k, isems[k]):
            d.start()

    def step(i, _):
        j = i * 4
        for k in range(4):
            jj = j + k
            b = k % 2
            sn = (k + 1) % 4

            @pl.when(jj + 1 < _T)
            def _start_gather():
                for d in idx_copies(jj + 1, sn, isems[sn]):
                    d.wait()
                pltpu.make_async_copy(
                    h_hbm.at[src_r.at[sn]], bufs[1 - b], sems[1 - b]
                ).start()

            pltpu.make_async_copy(h_hbm.at[src_r.at[k]], bufs[b], sems[b]).wait()
            pltpu.sync_copy(bufs[b], acc_sh.at[dst_r.at[k]], add=True)

            @pl.when(jj + 4 < _T)
            def _prefetch_idx():
                for d in idx_copies(jj + 4, k, isems[k]):
                    d.start()
        return 0

    lax.fori_loop(0, _T // 4, step, 0)

    plsc.subcore_barrier()
    pltpu.sync_copy(acc_sh.at[pl.ds(r0, _RPT)], part_out.at[c, pl.ds(r0, _RPT)])


@functools.lru_cache(maxsize=None)
def _get_sc_agg():
    return pl.kernel(
        _sc_agg_body,
        out_type=(jax.ShapeDtypeStruct((_NC, _R, _D), jnp.float32),),
        mesh=_sc_mesh(),
        scratch_types=[
            pltpu.VMEM((4, _C), jnp.int32),
            pltpu.VMEM((4, _C), jnp.int32),
            pltpu.VMEM((_C, _D), jnp.float32),
            pltpu.VMEM((_C, _D), jnp.float32),
            pltpu.SemaphoreType.DMA,
            pltpu.SemaphoreType.DMA,
            pltpu.SemaphoreType.DMA,
            pltpu.SemaphoreType.DMA,
            pltpu.SemaphoreType.DMA,
            pltpu.SemaphoreType.DMA,
            pltpu.VMEM_SHARED((_R, _D), jnp.float32),
        ],
        name="sc_sage_agg",
    )


def _sc_cnt_body(dst_hbm, z128, o128,
                 cnt_out,
                 dst_r, ones_v, isem0, isem1, isem2, isem3, cnt_sh):
    c = lax.axis_index("c")
    s = lax.axis_index("s")
    wid = s * _NC + c
    r0 = s * _RPT

    pltpu.sync_copy(o128, ones_v)
    pltpu.sync_copy(z128.at[pl.ds(r0, _RPT)], cnt_sh.at[pl.ds(r0, _RPT)])
    plsc.subcore_barrier()

    isems = (isem0, isem1, isem2, isem3)
    d0 = pltpu.make_async_copy(dst_hbm.at[wid, 0], dst_r.at[0], isems[0])
    d0.start()
    d0.wait()
    for k in (1, 2, 3):
        pltpu.make_async_copy(dst_hbm.at[wid, k], dst_r.at[k], isems[k]).start()

    def step(i, _):
        j = i * 4
        for k in range(4):
            jj = j + k

            @pl.when(jj > 0)
            def _wait_idx():
                pltpu.make_async_copy(
                    dst_hbm.at[wid, jj], dst_r.at[k], isems[k]
                ).wait()

            pltpu.sync_copy(ones_v, cnt_sh.at[dst_r.at[k]], add=True)

            @pl.when(jj + 4 < _T)
            def _prefetch_idx():
                pltpu.make_async_copy(
                    dst_hbm.at[wid, jj + 4], dst_r.at[k], isems[k]
                ).start()
        return 0

    lax.fori_loop(0, _T // 4, step, 0)

    plsc.subcore_barrier()
    pltpu.sync_copy(cnt_sh.at[pl.ds(r0, _RPT)], cnt_out.at[c, pl.ds(r0, _RPT)])


@functools.lru_cache(maxsize=None)
def _get_sc_cnt():
    return pl.kernel(
        _sc_cnt_body,
        out_type=(jax.ShapeDtypeStruct((_NC, _R, _D), jnp.float32),),
        mesh=_sc_mesh(),
        scratch_types=[
            pltpu.VMEM((4, _C), jnp.int32),
            pltpu.VMEM((_C, _D), jnp.float32),
            pltpu.SemaphoreType.DMA,
            pltpu.SemaphoreType.DMA,
            pltpu.SemaphoreType.DMA,
            pltpu.SemaphoreType.DMA,
            pltpu.VMEM_SHARED((_R, _D), jnp.float32),
        ],
        name="sc_sage_cnt",
    )


def _tc_inv_body(cnt_ref, inv_ref):
    cnt = cnt_ref[0, :, :1] + cnt_ref[1, :, :1]
    inv = 1.0 / jnp.maximum(cnt, 1.0)
    inv_ref[:] = jnp.broadcast_to(inv, inv_ref.shape)


_tc_inv = pl.pallas_call(
    _tc_inv_body,
    grid=(_NB,),
    in_specs=[pl.BlockSpec((_NC, _BR, _D), lambda i: (0, i, 0))],
    out_specs=pl.BlockSpec((_BR, 8), lambda i: (i, 0)),
    out_shape=jax.ShapeDtypeStruct((_N, 8), jnp.float32),
)


def _tc_linear_body(part_ref, inv_ref, h_ref, wl_ref, wr_ref, b_ref,
                    z_ref, stats_ref, acc):
    i = pl.program_id(0)
    p = part_ref[0] + part_ref[1]
    mean = p * inv_ref[:, :1]
    z = (jnp.dot(mean, wl_ref[:], preferred_element_type=jnp.float32)
         + jnp.dot(h_ref[:], wr_ref[:], preferred_element_type=jnp.float32)
         + b_ref[:])
    z_ref[:] = z

    @pl.when(i == 0)
    def _init():
        acc[:] = jnp.zeros_like(acc)

    acc[0:1] = acc[0:1] + jnp.sum(z, axis=0, keepdims=True)
    acc[1:2] = acc[1:2] + jnp.sum(z * z, axis=0, keepdims=True)

    @pl.when(i == _NB - 1)
    def _flush():
        stats_ref[:] = acc[:]


_tc_linear = pl.pallas_call(
    _tc_linear_body,
    grid=(_NB,),
    in_specs=[
        pl.BlockSpec((_NC, _BR, _D), lambda i: (0, i, 0)),
        pl.BlockSpec((_BR, 8), lambda i: (i, 0)),
        pl.BlockSpec((_BR, _D), lambda i: (i, 0)),
        pl.BlockSpec((_D, _D), lambda i: (0, 0)),
        pl.BlockSpec((_D, _D), lambda i: (0, 0)),
        pl.BlockSpec((1, _D), lambda i: (0, 0)),
    ],
    out_specs=[
        pl.BlockSpec((_BR, _D), lambda i: (i, 0)),
        pl.BlockSpec((8, _D), lambda i: (0, 0)),
    ],
    out_shape=[
        jax.ShapeDtypeStruct((_N, _D), jnp.float32),
        jax.ShapeDtypeStruct((8, _D), jnp.float32),
    ],
    scratch_shapes=[pltpu.VMEM((8, _D), jnp.float32)],
)


def _tc_bn_relu_body(z_ref, stats_ref, g_ref, be_ref, out_ref):
    mu = stats_ref[0:1] * (1.0 / _N)
    ex2 = stats_ref[1:2] * (1.0 / _N)
    var = ex2 - mu * mu
    scale = g_ref[:] * lax.rsqrt(var + _EPS)
    out_ref[:] = jnp.maximum((z_ref[:] - mu) * scale + be_ref[:], 0.0)


_tc_bn_relu = pl.pallas_call(
    _tc_bn_relu_body,
    grid=(_NB,),
    in_specs=[
        pl.BlockSpec((_BR, _D), lambda i: (i, 0)),
        pl.BlockSpec((8, _D), lambda i: (0, 0)),
        pl.BlockSpec((1, _D), lambda i: (0, 0)),
        pl.BlockSpec((1, _D), lambda i: (0, 0)),
    ],
    out_specs=pl.BlockSpec((_BR, _D), lambda i: (i, 0)),
    out_shape=jax.ShapeDtypeStruct((_N, _D), jnp.float32),
)


def kernel(x, edge_index, Wl0, Wr0, b0, g0, be0, Wl1, Wr1, b1, g1, be1,
           Wl2, Wr2, b2, g2, be2):
    src = edge_index[0].astype(jnp.int32)
    dst = edge_index[1].astype(jnp.int32)

    npad = _EP - _E
    pad_ids = jnp.arange(npad, dtype=jnp.int32)
    src_flat = jnp.concatenate([src, (pad_ids * 37) % _N])
    dst_flat = jnp.concatenate([dst, _N + pad_ids % (_R - _N)])
    src_p = src_flat.reshape(_NW, _T, _C)
    dst_p = dst_flat.reshape(_NW, _T, _C)

    z128 = jnp.zeros((_R, _D), jnp.float32)
    o128 = jnp.ones((_C, _D), jnp.float32)

    (cnt,) = _get_sc_cnt()(dst_p, z128, o128)
    inv = _tc_inv(cnt)

    params = [(Wl0, Wr0, b0, g0, be0), (Wl1, Wr1, b1, g1, be1),
              (Wl2, Wr2, b2, g2, be2)]
    h = x
    for (Wl, Wr, b, g, be) in params:
        (part,) = _get_sc_agg()(h, src_p, dst_p, z128)
        z, stats = _tc_linear(part, inv, h, Wl, Wr, b.reshape(1, _D))
        h = _tc_bn_relu(z, stats, g.reshape(1, _D), be.reshape(1, _D))
    return h

# --- scband reference (transcript-rebuilt; emitter-appended) ---
"""Pipeline reference for scband-gnnencoder-54666343744020 (READ-ONLY COPY).

The authoritative reference and input builder live on the scoring server;
editing this copy changes nothing except your own understanding.
"""

import jax, jax.numpy as jnp
import numpy as np

N = 10000
E = 320000
DIN = 128
DH = 128
EPS = 1e-5

def setup_inputs(seed: int = 0):
    key = jax.random.key(seed)
    inp = {}
    inp["x"] = jax.random.normal(jax.random.fold_in(key, 0), (N, DIN), dtype=jnp.float32)
    inp["edge_index"] = jax.random.randint(jax.random.fold_in(key, 1), (2, E), 0, N)
    dims = [DIN, DH, DH, DH]
    for i in range(3):
        s = 1.0 / np.sqrt(dims[i])
        inp[f"Wl{i}"] = jax.random.uniform(jax.random.fold_in(key, 10 + i), (dims[i], dims[i + 1]), minval=-s, maxval=s, dtype=jnp.float32)
        inp[f"Wr{i}"] = jax.random.uniform(jax.random.fold_in(key, 20 + i), (dims[i], dims[i + 1]), minval=-s, maxval=s, dtype=jnp.float32)
        inp[f"b{i}"] = jnp.zeros((dims[i + 1],), dtype=jnp.float32)
        inp[f"g{i}"] = jnp.ones((dims[i + 1],), dtype=jnp.float32)
        inp[f"be{i}"] = jnp.zeros((dims[i + 1],), dtype=jnp.float32)
    return inp

def _sage(x, src, dst, Wl, Wr, b):
    # PyG SAGEConv with mean aggregation: lin_l(mean_{j in N(i)} x_j) + lin_r(x_i)
    msg = jnp.take(x, src, axis=0)
    agg = jax.ops.segment_sum(msg, dst, num_segments=N)
    cnt = jax.ops.segment_sum(jnp.ones((E,), dtype=x.dtype), dst, num_segments=N)
    mean = agg / jnp.clip(cnt, 1.0)[:, None]
    return mean @ Wl + x @ Wr + b

def _bn(h, g, be):
    mu = jnp.mean(h, axis=0)
    var = jnp.var(h, axis=0)
    return (h - mu) / jnp.sqrt(var + EPS) * g + be

def reference(x, edge_index, Wl0, Wr0, b0, g0, be0, Wl1, Wr1, b1, g1, be1, Wl2, Wr2, b2, g2, be2):
    src = edge_index[0]
    dst = edge_index[1]
    params = [(Wl0, Wr0, b0, g0, be0), (Wl1, Wr1, b1, g1, be1), (Wl2, Wr2, b2, g2, be2)]
    h = x
    for (Wl, Wr, b, g, be) in params:
        h = _sage(h, src, dst, Wl, Wr, b)
        h = _bn(h, g, be)
        h = jax.nn.relu(h)
    return h

if __name__ == "__main__":
    import jax
    _d = setup_inputs()
    print(jax.jit(kernel)(*tuple(_d.values())))

</pallas_src>

<mosaic_0001>
#map = affine_map<(d0, d1) -> (0, 0, 0)>
#map1 = affine_map<(d0, d1) -> (0, 0)>
module attributes {stable_mosaic.version = 14 : i64} {
  func.func @sc_sage_cnt(%arg0: i32, %arg1: i32, %arg2: memref<32x80x128xi32, #tpu.memory_space<hbm>>, %arg3: memref<10112x128xf32, #tpu.memory_space<hbm>>, %arg4: memref<128x128xf32, #tpu.memory_space<hbm>>, %arg5: memref<2x10112x128xf32, #tpu.memory_space<hbm>>, %arg6: memref<4x128xi32, #tpu.memory_space<vmem>>, %arg7: memref<128x128xf32, #tpu.memory_space<vmem>>, %arg8: memref<!tpu.dma_semaphore, #tpu.memory_space<semaphore_mem>>, %arg9: memref<!tpu.dma_semaphore, #tpu.memory_space<semaphore_mem>>, %arg10: memref<!tpu.dma_semaphore, #tpu.memory_space<semaphore_mem>>, %arg11: memref<!tpu.dma_semaphore, #tpu.memory_space<semaphore_mem>>, %arg12: memref<10112x128xf32, #tpu.memory_space<vmem_shared>>) attributes {dimension_semantics = [#tpu.dimension_semantics<core_parallel>, #tpu.dimension_semantics<subcore_parallel>], iteration_bounds = array<i64: 2, 16>, scalar_prefetch = 0 : i64, scratch_operands = 7 : i64, tpu.core_type = #tpu.core_type<sc_vector_subcore>, window_params = [{transform_indices = #map}, {transform_indices = #map1}, {transform_indices = #map1}, {transform_indices = #map}]} {
    %mul3A = arith.constant 2 : i32
    %mul3A_0 = arith.muli %arg1, %mul3A : i32
    %add3A = arith.addi %mul3A_0, %arg0 : i32
    %mul3A_1 = arith.constant 632 : i32
    %mul3A_2 = arith.muli %arg1, %mul3A_1 : i32
    "tpu.region"() ({
      %run_scoped3A = tpu.sem_alloc : memref<!tpu.dma_semaphore, #tpu.memory_space<semaphore_mem>>
      tpu.enqueue_dma source(%arg4 : memref<128x128xf32, #tpu.memory_space<hbm>>) target(%arg7 : memref<128x128xf32, #tpu.memory_space<vmem>>) target_semaphore(%run_scoped3A : memref<!tpu.dma_semaphore, #tpu.memory_space<semaphore_mem>>)
      tpu.wait_dma2 semaphore(%run_scoped3A : memref<!tpu.dma_semaphore, #tpu.memory_space<semaphore_mem>>) src(%arg4 : memref<128x128xf32, #tpu.memory_space<hbm>>) dst(%arg7 : memref<128x128xf32, #tpu.memory_space<vmem>>)
      tpu.yield
    }) : () -> ()
    "tpu.region"() ({
      %run_scoped3A = tpu.sem_alloc : memref<!tpu.dma_semaphore, #tpu.memory_space<semaphore_mem>>
      %dma_start3A_78 = arith.constant 0 : i32
      %dma_start3A_79 = tpu.memref_slice %arg12[%mul3A_2, %dma_start3A_78] : memref<10112x128xf32, #tpu.memory_space<vmem_shared>> -> memref<632x128xf32, #tpu.memory_space<vmem_shared>>
      %dma_start3A_80 = arith.constant 0 : i32
      %dma_start3A_81 = tpu.memref_slice %arg3[%mul3A_2, %dma_start3A_80] : memref<10112x128xf32, #tpu.memory_space<hbm>> -> memref<632x128xf32, #tpu.memory_space<hbm>>
      tpu.enqueue_dma source(%dma_start3A_81 : memref<632x128xf32, #tpu.memory_space<hbm>>) target(%dma_start3A_79 : memref<632x128xf32, #tpu.memory_space<vmem_shared>>) target_semaphore(%run_scoped3A : memref<!tpu.dma_semaphore, #tpu.memory_space<semaphore_mem>>)
      %dma_wait3A_82 = arith.constant 0 : i32
      %dma_wait3A_83 = tpu.memref_slice %arg12[%mul3A_2, %dma_wait3A_82] : memref<10112x128xf32, #tpu.memory_space<vmem_shared>> -> memref<632x128xf32, #tpu.memory_space<vmem_shared>>
      %dma_wait3A_84 = arith.constant 0 : i32
      %dma_wait3A_85 = tpu.memref_slice %arg3[%mul3A_2, %dma_wait3A_84] : memref<10112x128xf32, #tpu.memory_space<hbm>> -> memref<632x128xf32, #tpu.memory_space<hbm>>
      tpu.wait_dma2 semaphore(%run_scoped3A : memref<!tpu.dma_semaphore, #tpu.memory_space<semaphore_mem>>) src(%dma_wait3A_85 : memref<632x128xf32, #tpu.memory_space<hbm>>) dst(%dma_wait3A_83 : memref<632x128xf32, #tpu.memory_space<vmem_shared>>)
      tpu.yield
    }) : () -> ()
    %barrier3A = arith.constant 0 : index
    tpu.barrier barrier_id(%barrier3A)
    %dma_start3A = arith.constant 0 : i32
    %dma_start3A_3 = arith.constant 0 : i32
    %dma_start3A_4 = arith.constant 0 : i32
    %dma_start3A_5 = tpu.memref_slice %arg6[%dma_start3A_3, %dma_start3A_4] : memref<4x128xi32, #tpu.memory_space<vmem>> -> memref<1x128xi32, #tpu.memory_space<vmem>>
    %dma_start3A_6 = tpu.memref_squeeze %dma_start3A_5 : memref<1x128xi32, #tpu.memory_space<vmem>> -> memref<128xi32, #tpu.memory_space<vmem>>
    %dma_start3A_7 = arith.constant 0 : i32
    %dma_start3A_8 = tpu.memref_slice %arg2[%add3A, %dma_start3A, %dma_start3A_7] : memref<32x80x128xi32, #tpu.memory_space<hbm>> -> memref<1x1x128xi32, #tpu.memory_space<hbm>>
    %dma_start3A_9 = tpu.memref_squeeze %dma_start3A_8 : memref<1x1x128xi32, #tpu.memory_space<hbm>> -> memref<128xi32, #tpu.memory_space<hbm>>
    %dma_start3A_10 = arith.constant 0 : i32
    %dma_start3A_11 = tpu.memref_slice %arg6[%dma_start3A_3, %dma_start3A_10] : memref<4x128xi32, #tpu.memory_space<vmem>> -> memref<1x128xi32, #tpu.memory_space<vmem>>
    %dma_start3A_12 = tpu.memref_squeeze %dma_start3A_11 : memref<1x128xi32, #tpu.memory_space<vmem>> -> memref<128xi32, #tpu.memory_space<vmem>>
    %dma_start3A_13 = arith.constant 0 : i32
    %dma_start3A_14 = tpu.memref_slice %arg2[%add3A, %dma_start3A, %dma_start3A_13] : memref<32x80x128xi32, #tpu.memory_space<hbm>> -> memref<1x1x128xi32, #tpu.memory_space<hbm>>
    %dma_start3A_15 = tpu.memref_squeeze %dma_start3A_14 : memref<1x1x128xi32, #tpu.memory_space<hbm>> -> memref<128xi32, #tpu.memory_space<hbm>>
    tpu.enqueue_dma source(%dma_start3A_15 : memref<128xi32, #tpu.memory_space<hbm>>) target(%dma_start3A_12 : memref<128xi32, #tpu.memory_space<vmem>>) target_semaphore(%arg8 : memref<!tpu.dma_semaphore, #tpu.memory_space<semaphore_mem>>)
    %dma_wait3A = arith.constant 0 : i32
    %dma_wait3A_16 = arith.constant 0 : i32
    %dma_wait3A_17 = arith.constant 0 : i32
    %dma_wait3A_18 = tpu.memref_slice %arg6[%dma_wait3A_16, %dma_wait3A_17] : memref<4x128xi32, #tpu.memory_space<vmem>> -> memref<1x128xi32, #tpu.memory_space<vmem>>
    %dma_wait3A_19 = tpu.memref_squeeze %dma_wait3A_18 : memref<1x128xi32, #tpu.memory_space<vmem>> -> memref<128xi32, #tpu.memory_space<vmem>>
    %dma_wait3A_20 = arith.constant 0 : i32
    %dma_wait3A_21 = tpu.memref_slice %arg2[%add3A, %dma_wait3A, %dma_wait3A_20] : memref<32x80x128xi32, #tpu.memory_space<hbm>> -> memref<1x1x128xi32, #tpu.memory_space<hbm>>
    %dma_wait3A_22 = tpu.memref_squeeze %dma_wait3A_21 : memref<1x1x128xi32, #tpu.memory_space<hbm>> -> memref<128xi32, #tpu.memory_space<hbm>>
    %dma_wait3A_23 = arith.constant 0 : i32
    %dma_wait3A_24 = tpu.memref_slice %arg6[%dma_wait3A_16, %dma_wait3A_23] : memref<4x128xi32, #tpu.memory_space<vmem>> -> memref<1x128xi32, #tpu.memory_space<vmem>>
    %dma_wait3A_25 = tpu.memref_squeeze %dma_wait3A_24 : memref<1x128xi32, #tpu.memory_space<vmem>> -> memref<128xi32, #tpu.memory_space<vmem>>
    %dma_wait3A_26 = arith.constant 0 : i32
    %dma_wait3A_27 = tpu.memref_slice %arg2[%add3A, %dma_wait3A, %dma_wait3A_26] : memref<32x80x128xi32, #tpu.memory_space<hbm>> -> memref<1x1x128xi32, #tpu.memory_space<hbm>>
    %dma_wait3A_28 = tpu.memref_squeeze %dma_wait3A_27 : memref<1x1x128xi32, #tpu.memory_space<hbm>> -> memref<128xi32, #tpu.memory_space<hbm>>
    tpu.wait_dma2 semaphore(%arg8 : memref<!tpu.dma_semaphore, #tpu.memory_space<semaphore_mem>>) src(%dma_wait3A_28 : memref<128xi32, #tpu.memory_space<hbm>>) dst(%dma_wait3A_25 : memref<128xi32, #tpu.memory_space<vmem>>)
    %dma_start3A_29 = arith.constant 1 : i32
    %dma_start3A_30 = arith.constant 1 : i32
    %dma_start3A_31 = arith.constant 0 : i32
    %dma_start3A_32 = tpu.memref_slice %arg6[%dma_start3A_30, %dma_start3A_31] : memref<4x128xi32, #tpu.memory_space<vmem>> -> memref<1x128xi32, #tpu.memory_space<vmem>>
    %dma_start3A_33 = tpu.memref_squeeze %dma_start3A_32 : memref<1x128xi32, #tpu.memory_space<vmem>> -> memref<128xi32, #tpu.memory_space<vmem>>
    %dma_start3A_34 = arith.constant 0 : i32
    %dma_start3A_35 = tpu.memref_slice %arg2[%add3A, %dma_start3A_29, %dma_start3A_34] : memref<32x80x128xi32, #tpu.memory_space<hbm>> -> memref<1x1x128xi32, #tpu.memory_space<hbm>>
    %dma_start3A_36 = tpu.memref_squeeze %dma_start3A_35 : memref<1x1x128xi32, #tpu.memory_space<hbm>> -> memref<128xi32, #tpu.memory_space<hbm>>
    %dma_start3A_37 = arith.constant 0 : i32
    %dma_start3A_38 = tpu.memref_slice %arg6[%dma_start3A_30, %dma_start3A_37] : memref<4x128xi32, #tpu.memory_space<vmem>> -> memref<1x128xi32, #tpu.memory_space<vmem>>
    %dma_start3A_39 = tpu.memref_squeeze %dma_start3A_38 : memref<1x128xi32, #tpu.memory_space<vmem>> -> memref<128xi32, #tpu.memory_space<vmem>>
    %dma_start3A_40 = arith.constant 0 : i32
    %dma_start3A_41 = tpu.memref_slice %arg2[%add3A, %dma_start3A_29, %dma_start3A_40] : memref<32x80x128xi32, #tpu.memory_space<hbm>> -> memref<1x1x128xi32, #tpu.memory_space<hbm>>
    %dma_start3A_42 = tpu.memref_squeeze %dma_start3A_41 : memref<1x1x128xi32, #tpu.memory_space<hbm>> -> memref<128xi32, #tpu.memory_space<hbm>>
    tpu.enqueue_dma source(%dma_start3A_42 : memref<128xi32, #tpu.memory_space<hbm>>) target(%dma_start3A_39 : memref<128xi32, #tpu.memory_space<vmem>>) target_semaphore(%arg9 : memref<!tpu.dma_semaphore, #tpu.memory_space<semaphore_mem>>)
    %dma_start3A_43 = arith.constant 2 : i32
    %dma_start3A_44 = arith.constant 2 : i32
    %dma_start3A_45 = arith.constant 0 : i32
    %dma_start3A_46 = tpu.memref_slice %arg6[%dma_start3A_44, %dma_start3A_45] : memref<4x128xi32, #tpu.memory_space<vmem>> -> memref<1x128xi32, #tpu.memory_space<vmem>>
    %dma_start3A_47 = tpu.memref_squeeze %dma_start3A_46 : memref<1x128xi32, #tpu.memory_space<vmem>> -> memref<128xi32, #tpu.memory_space<vmem>>
    %dma_start3A_48 = arith.constant 0 : i32
    %dma_start3A_49 = tpu.memref_slice %arg2[%add3A, %dma_start3A_43, %dma_start3A_48] : memref<32x80x128xi32, #tpu.memory_space<hbm>> -> memref<1x1x128xi32, #tpu.memory_space<hbm>>
    %dma_start3A_50 = tpu.memref_squeeze %dma_start3A_49 : memref<1x1x128xi32, #tpu.memory_space<hbm>> -> memref<128xi32, #tpu.memory_space<hbm>>
    %dma_start3A_51 = arith.constant 0 : i32
    %dma_start3A_52 = tpu.memref_slice %arg6[%dma_start3A_44, %dma_start3A_51] : memref<4x128xi32, #tpu.memory_space<vmem>> -> memref<1x128xi32, #tpu.memory_space<vmem>>
    %dma_start3A_53 = tpu.memref_squeeze %dma_start3A_52 : memref<1x128xi32, #tpu.memory_space<vmem>> -> memref<128xi32, #tpu.memory_space<vmem>>
    %dma_start3A_54 = arith.constant 0 : i32
    %dma_start3A_55 = tpu.memref_slice %arg2[%add3A, %dma_start3A_43, %dma_start3A_54] : memref<32x80x128xi32, #tpu.memory_space<hbm>> -> memref<1x1x128xi32, #tpu.memory_space<hbm>>
    %dma_start3A_56 = tpu.memref_squeeze %dma_start3A_55 : memref<1x1x128xi32, #tpu.memory_space<hbm>> -> memref<128xi32, #tpu.memory_space<hbm>>
    tpu.enqueue_dma source(%dma_start3A_56 : memref<128xi32, #tpu.memory_space<hbm>>) target(%dma_start3A_53 : memref<128xi32, #tpu.memory_space<vmem>>) target_semaphore(%arg10 : memref<!tpu.dma_semaphore, #tpu.memory_space<semaphore_mem>>)
    %dma_start3A_57 = arith.constant 3 : i32
    %dma_start3A_58 = arith.constant 3 : i32
    %dma_start3A_59 = arith.constant 0 : i32
    %dma_start3A_60 = tpu.memref_slice %arg6[%dma_start3A_58, %dma_start3A_59] : memref<4x128xi32, #tpu.memory_space<vmem>> -> memref<1x128xi32, #tpu.memory_space<vmem>>
    %dma_start3A_61 = tpu.memref_squeeze %dma_start3A_60 : memref<1x128xi32, #tpu.memory_space<vmem>> -> memref<128xi32, #tpu.memory_space<vmem>>
    %dma_start3A_62 = arith.constant 0 : i32
    %dma_start3A_63 = tpu.memref_slice %arg2[%add3A, %dma_start3A_57, %dma_start3A_62] : memref<32x80x128xi32, #tpu.memory_space<hbm>> -> memref<1x1x128xi32, #tpu.memory_space<hbm>>
    %dma_start3A_64 = tpu.memref_squeeze %dma_start3A_63 : memref<1x1x128xi32, #tpu.memory_space<hbm>> -> memref<128xi32, #tpu.memory_space<hbm>>
    %dma_start3A_65 = arith.constant 0 : i32
    %dma_start3A_66 = tpu.memref_slice %arg6[%dma_start3A_58, %dma_start3A_65] : memref<4x128xi32, #tpu.memory_space<vmem>> -> memref<1x128xi32, #tpu.memory_space<vmem>>
    %dma_start3A_67 = tpu.memref_squeeze %dma_start3A_66 : memref<1x128xi32, #tpu.memory_space<vmem>> -> memref<128xi32, #tpu.memory_space<vmem>>
    %dma_start3A_68 = arith.constant 0 : i32
    %dma_start3A_69 = tpu.memref_slice %arg2[%add3A, %dma_start3A_57, %dma_start3A_68] : memref<32x80x128xi32, #tpu.memory_space<hbm>> -> memref<1x1x128xi32, #tpu.memory_space<hbm>>
    %dma_start3A_70 = tpu.memref_squeeze %dma_start3A_69 : memref<1x1x128xi32, #tpu.memory_space<hbm>> -> memref<128xi32, #tpu.memory_space<hbm>>
    tpu.enqueue_dma source(%dma_start3A_70 : memref<128xi32, #tpu.memory_space<hbm>>) target(%dma_start3A_67 : memref<128xi32, #tpu.memory_space<vmem>>) target_semaphore(%arg11 : memref<!tpu.dma_semaphore, #tpu.memory_space<semaphore_mem>>)
    %scan3A = arith.constant 0 : i32
    %scan3A_71 = arith.constant 0 : i32
    %scan3A_72 = arith.constant 20 : i32
    %scan3A_73 = arith.addi %scan3A_71, %scan3A_72 : i32
    %scan3A_74 = arith.constant 1 : i32
    %scan3A_75 = scf.for %scan3A_78 = %scan3A_71 to %scan3A_73 step %scan3A_74 iter_args(%scan3A_79 = %scan3A) -> (i32)  : i32 {
      %mul3A_80 = arith.constant 4 : i32
      %mul3A_81 = arith.muli %scan3A_78, %mul3A_80 : i32
      %add3A_82 = arith.constant 0 : i32
      %add3A_83 = arith.addi %mul3A_81, %add3A_82 : i32
      %gt3A = arith.constant 0 : i32
      %gt3A_84 = arith.cmpi sgt, %add3A_83, %gt3A : i32
      %convert_element_type3A = arith.extui %gt3A_84 : i1 to i32
      %cond3A = arith.constant 0 : i32
      %cond3A_85 = arith.cmpi ne, %convert_element_type3A, %cond3A : i32
      scf.if %cond3A_85 {
        %dma_wait3A_138 = arith.constant 0 : i32
        %dma_wait3A_139 = arith.constant 0 : i32
        %dma_wait3A_140 = tpu.memref_slice %arg6[%dma_wait3A_138, %dma_wait3A_139] : memref<4x128xi32, #tpu.memory_space<vmem>> -> memref<1x128xi32, #tpu.memory_space<vmem>>
        %dma_wait3A_141 = tpu.memref_squeeze %dma_wait3A_140 : memref<1x128xi32, #tpu.memory_space<vmem>> -> memref<128xi32, #tpu.memory_space<vmem>>
        %dma_wait3A_142 = arith.constant 0 : i32
        %dma_wait3A_143 = tpu.memref_slice %arg2[%add3A, %add3A_83, %dma_wait3A_142] : memref<32x80x128xi32, #tpu.memory_space<hbm>> -> memref<1x1x128xi32, #tpu.memory_space<hbm>>
        %dma_wait3A_144 = tpu.memref_squeeze %dma_wait3A_143 : memref<1x1x128xi32, #tpu.memory_space<hbm>> -> memref<128xi32, #tpu.memory_space<hbm>>
        %dma_wait3A_145 = arith.constant 0 : i32
        %dma_wait3A_146 = tpu.memref_slice %arg6[%dma_wait3A_138, %dma_wait3A_145] : memref<4x128xi32, #tpu.memory_space<vmem>> -> memref<1x128xi32, #tpu.memory_space<vmem>>
        %dma_wait3A_147 = tpu.memref_squeeze %dma_wait3A_146 : memref<1x128xi32, #tpu.memory_space<vmem>> -> memref<128xi32, #tpu.memory_space<vmem>>
        %dma_wait3A_148 = arith.constant 0 : i32
        %dma_wait3A_149 = tpu.memref_slice %arg2[%add3A, %add3A_83, %dma_wait3A_148] : memref<32x80x128xi32, #tpu.memory_space<hbm>> -> memref<1x1x128xi32, #tpu.memory_space<hbm>>
        %dma_wait3A_150 = tpu.memref_squeeze %dma_wait3A_149 : memref<1x1x128xi32, #tpu.memory_space<hbm>> -> memref<128xi32, #tpu.memory_space<hbm>>
        tpu.wait_dma2 semaphore(%arg8 : memref<!tpu.dma_semaphore, #tpu.memory_space<semaphore_mem>>) src(%dma_wait3A_150 : memref<128xi32, #tpu.memory_space<hbm>>) dst(%dma_wait3A_147 : memref<128xi32, #tpu.memory_space<vmem>>)
      } else {
      }
      %run_scoped3A = arith.constant 0 : i32
      "tpu.region"() ({
        %run_scoped3A_138 = tpu.sem_alloc : memref<!tpu.dma_semaphore, #tpu.memory_space<semaphore_mem>>
        %dma_start3A_139 = arith.constant 0 : i32
        %dma_start3A_140 = tpu.memref_slice %arg6[%run_scoped3A, %dma_start3A_139] : memref<4x128xi32, #tpu.memory_space<vmem>> -> memref<1x128xi32, #tpu.memory_space<vmem>>
        %dma_start3A_141 = tpu.memref_squeeze %dma_start3A_140 : memref<1x128xi32, #tpu.memory_space<vmem>> -> memref<128xi32, #tpu.memory_space<vmem>>
        %dma_start3A_142 = arith.constant 0 : i32
        %dma_start3A_143 = arith.constant 0 : i32
        %dma_start3A_144 = tpu.memref_slice %arg12[%dma_start3A_142, %dma_start3A_143] : memref<10112x128xf32, #tpu.memory_space<vmem_shared>> -> memref<10112x128xf32, #tpu.memory_space<vmem_shared>>
        tpu.enqueue_indirect_dma source(%arg7 : memref<128x128xf32, #tpu.memory_space<vmem>>) target(%dma_start3A_144 : memref<10112x128xf32, #tpu.memory_space<vmem_shared>>) offsets(%dma_start3A_141 : memref<128xi32, #tpu.memory_space<vmem>>) semaphore(%run_scoped3A_138 : memref<!tpu.dma_semaphore, #tpu.memory_space<semaphore_mem>>) {add = true}
        %dma_wait3A_145 = arith.constant 0 : i32
        %dma_wait3A_146 = tpu.memref_slice %arg6[%run_scoped3A, %dma_wait3A_145] : memref<4x128xi32, #tpu.memory_space<vmem>> -> memref<1x128xi32, #tpu.memory_space<vmem>>
        %dma_wait3A_147 = tpu.memref_squeeze %dma_wait3A_146 : memref<1x128xi32, #tpu.memory_space<vmem>> -> memref<128xi32, #tpu.memory_space<vmem>>
        %dma_wait3A_148 = arith.constant 0 : i32
        %dma_wait3A_149 = arith.constant 0 : i32
        %dma_wait3A_150 = tpu.memref_slice %arg12[%dma_wait3A_148, %dma_wait3A_149] : memref<10112x128xf32, #tpu.memory_space<vmem_shared>> -> memref<10112x128xf32, #tpu.memory_space<vmem_shared>>
        tpu.wait_indirect_dma semaphore(%run_scoped3A_138 : memref<!tpu.dma_semaphore, #tpu.memory_space<semaphore_mem>>) src(%arg7 : memref<128x128xf32, #tpu.memory_space<vmem>>) dst(%dma_wait3A_150 : memref<10112x128xf32, #tpu.memory_space<vmem_shared>>)
        tpu.yield
      }) : () -> ()
      %add3A_86 = arith.constant 4 : i32
      %add3A_87 = arith.addi %add3A_83, %add3A_86 : i32
      %lt3A = arith.constant 80 : i32
      %lt3A_88 = arith.cmpi slt, %add3A_87, %lt3A : i32
      %convert_element_type3A_89 = arith.extui %lt3A_88 : i1 to i32
      %cond3A_90 = arith.constant 0 : i32
      %cond3A_91 = arith.cmpi ne, %convert_element_type3A_89, %cond3A_90 : i32
      scf.if %cond3A_91 {
        %add3A_138 = arith.constant 4 : i32
        %add3A_139 = arith.addi %add3A_83, %add3A_138 : i32
        %dma_start3A_140 = arith.constant 0 : i32
        %dma_start3A_141 = arith.constant 0 : i32
        %dma_start3A_142 = tpu.memref_slice %arg6[%dma_start3A_140, %dma_start3A_141] : memref<4x128xi32, #tpu.memory_space<vmem>> -> memref<1x128xi32, #tpu.memory_space<vmem>>
        %dma_start3A_143 = tpu.memref_squeeze %dma_start3A_142 : memref<1x128xi32, #tpu.memory_space<vmem>> -> memref<128xi32, #tpu.memory_space<vmem>>
        %dma_start3A_144 = arith.constant 0 : i32
        %dma_start3A_145 = tpu.memref_slice %arg2[%add3A, %add3A_139, %dma_start3A_144] : memref<32x80x128xi32, #tpu.memory_space<hbm>> -> memref<1x1x128xi32, #tpu.memory_space<hbm>>
        %dma_start3A_146 = tpu.memref_squeeze %dma_start3A_145 : memref<1x1x128xi32, #tpu.memory_space<hbm>> -> memref<128xi32, #tpu.memory_space<hbm>>
        %dma_start3A_147 = arith.constant 0 : i32
        %dma_start3A_148 = tpu.memref_slice %arg6[%dma_start3A_140, %dma_start3A_147] : memref<4x128xi32, #tpu.memory_space<vmem>> -> memref<1x128xi32, #tpu.memory_space<vmem>>
        %dma_start3A_149 = tpu.memref_squeeze %dma_start3A_148 : memref<1x128xi32, #tpu.memory_space<vmem>> -> memref<128xi32, #tpu.memory_space<vmem>>
        %dma_start3A_150 = arith.constant 0 : i32
        %dma_start3A_151 = tpu.memref_slice %arg2[%add3A, %add3A_139, %dma_start3A_150] : memref<32x80x128xi32, #tpu.memory_space<hbm>> -> memref<1x1x128xi32, #tpu.memory_space<hbm>>
        %dma_start3A_152 = tpu.memref_squeeze %dma_start3A_151 : memref<1x1x128xi32, #tpu.memory_space<hbm>> -> memref<128xi32, #tpu.memory_space<hbm>>
        tpu.enqueue_dma source(%dma_start3A_152 : memref<128xi32, #tpu.memory_space<hbm>>) target(%dma_start3A_149 : memref<128xi32, #tpu.memory_space<vmem>>) target_semaphore(%arg8 : memref<!tpu.dma_semaphore, #tpu.memory_space<semaphore_mem>>)
      } else {
      }
      %add3A_92 = arith.constant 1 : i32
      %add3A_93 = arith.addi %mul3A_81, %add3A_92 : i32
      %gt3A_94 = arith.constant 0 : i32
      %gt3A_95 = arith.cmpi sgt, %add3A_93, %gt3A_94 : i32
      %convert_element_type3A_96 = arith.extui %gt3A_95 : i1 to i32
      %cond3A_97 = arith.constant 0 : i32
      %cond3A_98 = arith.cmpi ne, %convert_element_type3A_96, %cond3A_97 : i32
      scf.if %cond3A_98 {
        %dma_wait3A_138 = arith.constant 1 : i32
        %dma_wait3A_139 = arith.constant 0 : i32
        %dma_wait3A_140 = tpu.memref_slice %arg6[%dma_wait3A_138, %dma_wait3A_139] : memref<4x128xi32, #tpu.memory_space<vmem>> -> memref<1x128xi32, #tpu.memory_space<vmem>>
        %dma_wait3A_141 = tpu.memref_squeeze %dma_wait3A_140 : memref<1x128xi32, #tpu.memory_space<vmem>> -> memref<128xi32, #tpu.memory_space<vmem>>
        %dma_wait3A_142 = arith.constant 0 : i32
        %dma_wait3A_143 = tpu.memref_slice %arg2[%add3A, %add3A_93, %dma_wait3A_142] : memref<32x80x128xi32, #tpu.memory_space<hbm>> -> memref<1x1x128xi32, #tpu.memory_space<hbm>>
        %dma_wait3A_144 = tpu.memref_squeeze %dma_wait3A_143 : memref<1x1x128xi32, #tpu.memory_space<hbm>> -> memref<128xi32, #tpu.memory_space<hbm>>
        %dma_wait3A_145 = arith.constant 0 : i32
        %dma_wait3A_146 = tpu.memref_slice %arg6[%dma_wait3A_138, %dma_wait3A_145] : memref<4x128xi32, #tpu.memory_space<vmem>> -> memref<1x128xi32, #tpu.memory_space<vmem>>
        %dma_wait3A_147 = tpu.memref_squeeze %dma_wait3A_146 : memref<1x128xi32, #tpu.memory_space<vmem>> -> memref<128xi32, #tpu.memory_space<vmem>>
        %dma_wait3A_148 = arith.constant 0 : i32
        %dma_wait3A_149 = tpu.memref_slice %arg2[%add3A, %add3A_93, %dma_wait3A_148] : memref<32x80x128xi32, #tpu.memory_space<hbm>> -> memref<1x1x128xi32, #tpu.memory_space<hbm>>
        %dma_wait3A_150 = tpu.memref_squeeze %dma_wait3A_149 : memref<1x1x128xi32, #tpu.memory_space<hbm>> -> memref<128xi32, #tpu.memory_space<hbm>>
        tpu.wait_dma2 semaphore(%arg9 : memref<!tpu.dma_semaphore, #tpu.memory_space<semaphore_mem>>) src(%dma_wait3A_150 : memref<128xi32, #tpu.memory_space<hbm>>) dst(%dma_wait3A_147 : memref<128xi32, #tpu.memory_space<vmem>>)
      } else {
      }
      %run_scoped3A_99 = arith.constant 1 : i32
      "tpu.region"() ({
        %run_scoped3A_138 = tpu.sem_alloc : memref<!tpu.dma_semaphore, #tpu.memory_space<semaphore_mem>>
        %dma_start3A_139 = arith.constant 0 : i32
        %dma_start3A_140 = tpu.memref_slice %arg6[%run_scoped3A_99, %dma_start3A_139] : memref<4x128xi32, #tpu.memory_space<vmem>> -> memref<1x128xi32, #tpu.memory_space<vmem>>
        %dma_start3A_141 = tpu.memref_squeeze %dma_start3A_140 : memref<1x128xi32, #tpu.memory_space<vmem>> -> memref<128xi32, #tpu.memory_space<vmem>>
        %dma_start3A_142 = arith.constant 0 : i32
        %dma_start3A_143 = arith.constant 0 : i32
        %dma_start3A_144 = tpu.memref_slice %arg12[%dma_start3A_142, %dma_start3A_143] : memref<10112x128xf32, #tpu.memory_space<vmem_shared>> -> memref<10112x128xf32, #tpu.memory_space<vmem_shared>>
        tpu.enqueue_indirect_dma source(%arg7 : memref<128x128xf32, #tpu.memory_space<vmem>>) target(%dma_start3A_144 : memref<10112x128xf32, #tpu.memory_space<vmem_shared>>) offsets(%dma_start3A_141 : memref<128xi32, #tpu.memory_space<vmem>>) semaphore(%run_scoped3A_138 : memref<!tpu.dma_semaphore, #tpu.memory_space<semaphore_mem>>) {add = true}
        %dma_wait3A_145 = arith.constant 0 : i32
        %dma_wait3A_146 = tpu.memref_slice %arg6[%run_scoped3A_99, %dma_wait3A_145] : memref<4x128xi32, #tpu.memory_space<vmem>> -> memref<1x128xi32, #tpu.memory_space<vmem>>
        %dma_wait3A_147 = tpu.memref_squeeze %dma_wait3A_146 : memref<1x128xi32, #tpu.memory_space<vmem>> -> memref<128xi32, #tpu.memory_space<vmem>>
        %dma_wait3A_148 = arith.constant 0 : i32
        %dma_wait3A_149 = arith.constant 0 : i32
        %dma_wait3A_150 = tpu.memref_slice %arg12[%dma_wait3A_148, %dma_wait3A_149] : memref<10112x128xf32, #tpu.memory_space<vmem_shared>> -> memref<10112x128xf32, #tpu.memory_space<vmem_shared>>
        tpu.wait_indirect_dma semaphore(%run_scoped3A_138 : memref<!tpu.dma_semaphore, #tpu.memory_space<semaphore_mem>>) src(%arg7 : memref<128x128xf32, #tpu.memory_space<vmem>>) dst(%dma_wait3A_150 : memref<10112x128xf32, #tpu.memory_space<vmem_shared>>)
        tpu.yield
      }) : () -> ()
      %add3A_100 = arith.constant 4 : i32
      %add3A_101 = arith.addi %add3A_93, %add3A_100 : i32
      %lt3A_102 = arith.constant 80 : i32
      %lt3A_103 = arith.cmpi slt, %add3A_101, %lt3A_102 : i32
      %convert_element_type3A_104 = arith.extui %lt3A_103 : i1 to i32
      %cond3A_105 = arith.constant 0 : i32
      %cond3A_106 = arith.cmpi ne, %convert_element_type3A_104, %cond3A_105 : i32
      scf.if %cond3A_106 {
        %add3A_138 = arith.constant 4 : i32
        %add3A_139 = arith.addi %add3A_93, %add3A_138 : i32
        %dma_start3A_140 = arith.constant 1 : i32
        %dma_start3A_141 = arith.constant 0 : i32
        %dma_start3A_142 = tpu.memref_slice %arg6[%dma_start3A_140, %dma_start3A_141] : memref<4x128xi32, #tpu.memory_space<vmem>> -> memref<1x128xi32, #tpu.memory_space<vmem>>
        %dma_start3A_143 = tpu.memref_squeeze %dma_start3A_142 : memref<1x128xi32, #tpu.memory_space<vmem>> -> memref<128xi32, #tpu.memory_space<vmem>>
        %dma_start3A_144 = arith.constant 0 : i32
        %dma_start3A_145 = tpu.memref_slice %arg2[%add3A, %add3A_139, %dma_start3A_144] : memref<32x80x128xi32, #tpu.memory_space<hbm>> -> memref<1x1x128xi32, #tpu.memory_space<hbm>>
        %dma_start3A_146 = tpu.memref_squeeze %dma_start3A_145 : memref<1x1x128xi32, #tpu.memory_space<hbm>> -> memref<128xi32, #tpu.memory_space<hbm>>
        %dma_start3A_147 = arith.constant 0 : i32
        %dma_start3A_148 = tpu.memref_slice %arg6[%dma_start3A_140, %dma_start3A_147] : memref<4x128xi32, #tpu.memory_space<vmem>> -> memref<1x128xi32, #tpu.memory_space<vmem>>
        %dma_start3A_149 = tpu.memref_squeeze %dma_start3A_148 : memref<1x128xi32, #tpu.memory_space<vmem>> -> memref<128xi32, #tpu.memory_space<vmem>>
        %dma_start3A_150 = arith.constant 0 : i32
        %dma_start3A_151 = tpu.memref_slice %arg2[%add3A, %add3A_139, %dma_start3A_150] : memref<32x80x128xi32, #tpu.memory_space<hbm>> -> memref<1x1x128xi32, #tpu.memory_space<hbm>>
        %dma_start3A_152 = tpu.memref_squeeze %dma_start3A_151 : memref<1x1x128xi32, #tpu.memory_space<hbm>> -> memref<128xi32, #tpu.memory_space<hbm>>
        tpu.enqueue_dma source(%dma_start3A_152 : memref<128xi32, #tpu.memory_space<hbm>>) target(%dma_start3A_149 : memref<128xi32, #tpu.memory_space<vmem>>) target_semaphore(%arg9 : memref<!tpu.dma_semaphore, #tpu.memory_space<semaphore_mem>>)
      } else {
      }
      %add3A_107 = arith.constant 2 : i32
      %add3A_108 = arith.addi %mul3A_81, %add3A_107 : i32
      %gt3A_109 = arith.constant 0 : i32
      %gt3A_110 = arith.cmpi sgt, %add3A_108, %gt3A_109 : i32
      %convert_element_type3A_111 = arith.extui %gt3A_110 : i1 to i32
      %cond3A_112 = arith.constant 0 : i32
      %cond3A_113 = arith.cmpi ne, %convert_element_type3A_111, %cond3A_112 : i32
      scf.if %cond3A_113 {
        %dma_wait3A_138 = arith.constant 2 : i32
        %dma_wait3A_139 = arith.constant 0 : i32
        %dma_wait3A_140 = tpu.memref_slice %arg6[%dma_wait3A_138, %dma_wait3A_139] : memref<4x128xi32, #tpu.memory_space<vmem>> -> memref<1x128xi32, #tpu.memory_space<vmem>>
        %dma_wait3A_141 = tpu.memref_squeeze %dma_wait3A_140 : memref<1x128xi32, #tpu.memory_space<vmem>> -> memref<128xi32, #tpu.memory_space<vmem>>
        %dma_wait3A_142 = arith.constant 0 : i32
        %dma_wait3A_143 = tpu.memref_slice %arg2[%add3A, %add3A_108, %dma_wait3A_142] : memref<32x80x128xi32, #tpu.memory_space<hbm>> -> memref<1x1x128xi32, #tpu.memory_space<hbm>>
        %dma_wait3A_144 = tpu.memref_squeeze %dma_wait3A_143 : memref<1x1x128xi32, #tpu.memory_space<hbm>> -> memref<128xi32, #tpu.memory_space<hbm>>
        %dma_wait3A_145 = arith.constant 0 : i32
        %dma_wait3A_146 = tpu.memref_slice %arg6[%dma_wait3A_138, %dma_wait3A_145] : memref<4x128xi32, #tpu.memory_space<vmem>> -> memref<1x128xi32, #tpu.memory_space<vmem>>
        %dma_wait3A_147 = tpu.memref_squeeze %dma_wait3A_146 : memref<1x128xi32, #tpu.memory_space<vmem>> -> memref<128xi32, #tpu.memory_space<vmem>>
        %dma_wait3A_148 = arith.constant 0 : i32
        %dma_wait3A_149 = tpu.memref_slice %arg2[%add3A, %add3A_108, %dma_wait3A_148] : memref<32x80x128xi32, #tpu.memory_space<hbm>> -> memref<1x1x128xi32, #tpu.memory_space<hbm>>
        %dma_wait3A_150 = tpu.memref_squeeze %dma_wait3A_149 : memref<1x1x128xi32, #tpu.memory_space<hbm>> -> memref<128xi32, #tpu.memory_space<hbm>>
        tpu.wait_dma2 semaphore(%arg10 : memref<!tpu.dma_semaphore, #tpu.memory_space<semaphore_mem>>) src(%dma_wait3A_150 : memref<128xi32, #tpu.memory_space<hbm>>) dst(%dma_wait3A_147 : memref<128xi32, #tpu.memory_space<vmem>>)
      } else {
      }
      %run_scoped3A_114 = arith.constant 2 : i32
      "tpu.region"() ({
        %run_scoped3A_138 = tpu.sem_alloc : memref<!tpu.dma_semaphore, #tpu.memory_space<semaphore_mem>>
        %dma_start3A_139 = arith.constant 0 : i32
        %dma_start3A_140 = tpu.memref_slice %arg6[%run_scoped3A_114, %dma_start3A_139] : memref<4x128xi32, #tpu.memory_space<vmem>> -> memref<1x128xi32, #tpu.memory_space<vmem>>
        %dma_start3A_141 = tpu.memref_squeeze %dma_start3A_140 : memref<1x128xi32, #tpu.memory_space<vmem>> -> memref<128xi32, #tpu.memory_space<vmem>>
        %dma_start3A_142 = arith.constant 0 : i32
        %dma_start3A_143 = arith.constant 0 : i32
        %dma_start3A_144 = tpu.memref_slice %arg12[%dma_start3A_142, %dma_start3A_143] : memref<10112x128xf32, #tpu.memory_space<vmem_shared>> -> memref<10112x128xf32, #tpu.memory_space<vmem_shared>>
        tpu.enqueue_indirect_dma source(%arg7 : memref<128x128xf32, #tpu.memory_space<vmem>>) target(%dma_start3A_144 : memref<10112x128xf32, #tpu.memory_space<vmem_shared>>) offsets(%dma_start3A_141 : memref<128xi32, #tpu.memory_space<vmem>>) semaphore(%run_scoped3A_138 : memref<!tpu.dma_semaphore, #tpu.memory_space<semaphore_mem>>) {add = true}
        %dma_wait3A_145 = arith.constant 0 : i32
        %dma_wait3A_146 = tpu.memref_slice %arg6[%run_scoped3A_114, %dma_wait3A_145] : memref<4x128xi32, #tpu.memory_space<vmem>> -> memref<1x128xi32, #tpu.memory_space<vmem>>
        %dma_wait3A_147 = tpu.memref_squeeze %dma_wait3A_146 : memref<1x128xi32, #tpu.memory_space<vmem>> -> memref<128xi32, #tpu.memory_space<vmem>>
        %dma_wait3A_148 = arith.constant 0 : i32
        %dma_wait3A_149 = arith.constant 0 : i32
        %dma_wait3A_150 = tpu.memref_slice %arg12[%dma_wait3A_148, %dma_wait3A_149] : memref<10112x128xf32, #tpu.memory_space<vmem_shared>> -> memref<10112x128xf32, #tpu.memory_space<vmem_shared>>
        tpu.wait_indirect_dma semaphore(%run_scoped3A_138 : memref<!tpu.dma_semaphore, #tpu.memory_space<semaphore_mem>>) src(%arg7 : memref<128x128xf32, #tpu.memory_space<vmem>>) dst(%dma_wait3A_150 : memref<10112x128xf32, #tpu.memory_space<vmem_shared>>)
        tpu.yield
      }) : () -> ()
      %add3A_115 = arith.constant 4 : i32
      %add3A_116 = arith.addi %add3A_108, %add3A_115 : i32
      %lt3A_117 = arith.constant 80 : i32
      %lt3A_118 = arith.cmpi slt, %add3A_116, %lt3A_117 : i32
      %convert_element_type3A_119 = arith.extui %lt3A_118 : i1 to i32
      %cond3A_120 = arith.constant 0 : i32
      %cond3A_121 = arith.cmpi ne, %convert_element_type3A_119, %cond3A_120 : i32
      scf.if %cond3A_121 {
        %add3A_138 = arith.constant 4 : i32
        %add3A_139 = arith.addi %add3A_108, %add3A_138 : i32
        %dma_start3A_140 = arith.constant 2 : i32
        %dma_start3A_141 = arith.constant 0 : i32
        %dma_start3A_142 = tpu.memref_slice %arg6[%dma_start3A_140, %dma_start3A_141] : memref<4x128xi32, #tpu.memory_space<vmem>> -> memref<1x128xi32, #tpu.memory_space<vmem>>
        %dma_start3A_143 = tpu.memref_squeeze %dma_start3A_142 : memref<1x128xi32, #tpu.memory_space<vmem>> -> memref<128xi32, #tpu.memory_space<vmem>>
        %dma_start3A_144 = arith.constant 0 : i32
        %dma_start3A_145 = tpu.memref_slice %arg2[%add3A, %add3A_139, %dma_start3A_144] : memref<32x80x128xi32, #tpu.memory_space<hbm>> -> memref<1x1x128xi32, #tpu.memory_space<hbm>>
        %dma_start3A_146 = tpu.memref_squeeze %dma_start3A_145 : memref<1x1x128xi32, #tpu.memory_space<hbm>> -> memref<128xi32, #tpu.memory_space<hbm>>
        %dma_start3A_147 = arith.constant 0 : i32
        %dma_start3A_148 = tpu.memref_slice %arg6[%dma_start3A_140, %dma_start3A_147] : memref<4x128xi32, #tpu.memory_space<vmem>> -> memref<1x128xi32, #tpu.memory_space<vmem>>
        %dma_start3A_149 = tpu.memref_squeeze %dma_start3A_148 : memref<1x128xi32, #tpu.memory_space<vmem>> -> memref<128xi32, #tpu.memory_space<vmem>>
        %dma_start3A_150 = arith.constant 0 : i32
        %dma_start3A_151 = tpu.memref_slice %arg2[%add3A, %add3A_139, %dma_start3A_150] : memref<32x80x128xi32, #tpu.memory_space<hbm>> -> memref<1x1x128xi32, #tpu.memory_space<hbm>>
        %dma_start3A_152 = tpu.memref_squeeze %dma_start3A_151 : memref<1x1x128xi32, #tpu.memory_space<hbm>> -> memref<128xi32, #tpu.memory_space<hbm>>
        tpu.enqueue_dma source(%dma_start3A_152 : memref<128xi32, #tpu.memory_space<hbm>>) target(%dma_start3A_149 : memref<128xi32, #tpu.memory_space<vmem>>) target_semaphore(%arg10 : memref<!tpu.dma_semaphore, #tpu.memory_space<semaphore_mem>>)
      } else {
      }
      %add3A_122 = arith.constant 3 : i32
      %add3A_123 = arith.addi %mul3A_81, %add3A_122 : i32
      %gt3A_124 = arith.constant 0 : i32
      %gt3A_125 = arith.cmpi sgt, %add3A_123, %gt3A_124 : i32
      %convert_element_type3A_126 = arith.extui %gt3A_125 : i1 to i32
      %cond3A_127 = arith.constant 0 : i32
      %cond3A_128 = arith.cmpi ne, %convert_element_type3A_126, %cond3A_127 : i32
      scf.if %cond3A_128 {
        %dma_wait3A_138 = arith.constant 3 : i32
        %dma_wait3A_139 = arith.constant 0 : i32
        %dma_wait3A_140 = tpu.memref_slice %arg6[%dma_wait3A_138, %dma_wait3A_139] : memref<4x128xi32, #tpu.memory_space<vmem>> -> memref<1x128xi32, #tpu.memory_space<vmem>>
        %dma_wait3A_141 = tpu.memref_squeeze %dma_wait3A_140 : memref<1x128xi32, #tpu.memory_space<vmem>> -> memref<128xi32, #tpu.memory_space<vmem>>
        %dma_wait3A_142 = arith.constant 0 : i32
        %dma_wait3A_143 = tpu.memref_slice %arg2[%add3A, %add3A_123, %dma_wait3A_142] : memref<32x80x128xi32, #tpu.memory_space<hbm>> -> memref<1x1x128xi32, #tpu.memory_space<hbm>>
        %dma_wait3A_144 = tpu.memref_squeeze %dma_wait3A_143 : memref<1x1x128xi32, #tpu.memory_space<hbm>> -> memref<128xi32, #tpu.memory_space<hbm>>
        %dma_wait3A_145 = arith.constant 0 : i32
        %dma_wait3A_146 = tpu.memref_slice %arg6[%dma_wait3A_138, %dma_wait3A_145] : memref<4x128xi32, #tpu.memory_space<vmem>> -> memref<1x128xi32, #tpu.memory_space<vmem>>
        %dma_wait3A_147 = tpu.memref_squeeze %dma_wait3A_146 : memref<1x128xi32, #tpu.memory_space<vmem>> -> memref<128xi32, #tpu.memory_space<vmem>>
        %dma_wait3A_148 = arith.constant 0 : i32
        %dma_wait3A_149 = tpu.memref_slice %arg2[%add3A, %add3A_123, %dma_wait3A_148] : memref<32x80x128xi32, #tpu.memory_space<hbm>> -> memref<1x1x128xi32, #tpu.memory_space<hbm>>
        %dma_wait3A_150 = tpu.memref_squeeze %dma_wait3A_149 : memref<1x1x128xi32, #tpu.memory_space<hbm>> -> memref<128xi32, #tpu.memory_space<hbm>>
        tpu.wait_dma2 semaphore(%arg11 : memref<!tpu.dma_semaphore, #tpu.memory_space<semaphore_mem>>) src(%dma_wait3A_150 : memref<128xi32, #tpu.memory_space<hbm>>) dst(%dma_wait3A_147 : memref<128xi32, #tpu.memory_space<vmem>>)
      } else {
      }
      %run_scoped3A_129 = arith.constant 3 : i32
      "tpu.region"() ({
        %run_scoped3A_138 = tpu.sem_alloc : memref<!tpu.dma_semaphore, #tpu.memory_space<semaphore_mem>>
        %dma_start3A_139 = arith.constant 0 : i32
        %dma_start3A_140 = tpu.memref_slice %arg6[%run_scoped3A_129, %dma_start3A_139] : memref<4x128xi32, #tpu.memory_space<vmem>> -> memref<1x128xi32, #tpu.memory_space<vmem>>
        %dma_start3A_141 = tpu.memref_squeeze %dma_start3A_140 : memref<1x128xi32, #tpu.memory_space<vmem>> -> memref<128xi32, #tpu.memory_space<vmem>>
        %dma_start3A_142 = arith.constant 0 : i32
        %dma_start3A_143 = arith.constant 0 : i32
        %dma_start3A_144 = tpu.memref_slice %arg12[%dma_start3A_142, %dma_start3A_143] : memref<10112x128xf32, #tpu.memory_space<vmem_shared>> -> memref<10112x128xf32, #tpu.memory_space<vmem_shared>>
        tpu.enqueue_indirect_dma source(%arg7 : memref<128x128xf32, #tpu.memory_space<vmem>>) target(%dma_start3A_144 : memref<10112x128xf32, #tpu.memory_space<vmem_shared>>) offsets(%dma_start3A_141 : memref<128xi32, #tpu.memory_space<vmem>>) semaphore(%run_scoped3A_138 : memref<!tpu.dma_semaphore, #tpu.memory_space<semaphore_mem>>) {add = true}
        %dma_wait3A_145 = arith.constant 0 : i32
        %dma_wait3A_146 = tpu.memref_slice %arg6[%run_scoped3A_129, %dma_wait3A_145] : memref<4x128xi32, #tpu.memory_space<vmem>> -> memref<1x128xi32, #tpu.memory_space<vmem>>
        %dma_wait3A_147 = tpu.memref_squeeze %dma_wait3A_146 : memref<1x128xi32, #tpu.memory_space<vmem>> -> memref<128xi32, #tpu.memory_space<vmem>>
        %dma_wait3A_148 = arith.constant 0 : i32
        %dma_wait3A_149 = arith.constant 0 : i32
        %dma_wait3A_150 = tpu.memref_slice %arg12[%dma_wait3A_148, %dma_wait3A_149] : memref<10112x128xf32, #tpu.memory_space<vmem_shared>> -> memref<10112x128xf32, #tpu.memory_space<vmem_shared>>
        tpu.wait_indirect_dma semaphore(%run_scoped3A_138 : memref<!tpu.dma_semaphore, #tpu.memory_space<semaphore_mem>>) src(%arg7 : memref<128x128xf32, #tpu.memory_space<vmem>>) dst(%dma_wait3A_150 : memref<10112x128xf32, #tpu.memory_space<vmem_shared>>)
        tpu.yield
      }) : () -> ()
      %add3A_130 = arith.constant 4 : i32
      %add3A_131 = arith.addi %add3A_123, %add3A_130 : i32
      %lt3A_132 = arith.constant 80 : i32
      %lt3A_133 = arith.cmpi slt, %add3A_131, %lt3A_132 : i32
      %convert_element_type3A_134 = arith.extui %lt3A_133 : i1 to i32
      %cond3A_135 = arith.constant 0 : i32
      %cond3A_136 = arith.cmpi ne, %convert_element_type3A_134, %cond3A_135 : i32
      scf.if %cond3A_136 {
        %add3A_138 = arith.constant 4 : i32
        %add3A_139 = arith.addi %add3A_123, %add3A_138 : i32
        %dma_start3A_140 = arith.constant 3 : i32
        %dma_start3A_141 = arith.constant 0 : i32
        %dma_start3A_142 = tpu.memref_slice %arg6[%dma_start3A_140, %dma_start3A_141] : memref<4x128xi32, #tpu.memory_space<vmem>> -> memref<1x128xi32, #tpu.memory_space<vmem>>
        %dma_start3A_143 = tpu.memref_squeeze %dma_start3A_142 : memref<1x128xi32, #tpu.memory_space<vmem>> -> memref<128xi32, #tpu.memory_space<vmem>>
        %dma_start3A_144 = arith.constant 0 : i32
        %dma_start3A_145 = tpu.memref_slice %arg2[%add3A, %add3A_139, %dma_start3A_144] : memref<32x80x128xi32, #tpu.memory_space<hbm>> -> memref<1x1x128xi32, #tpu.memory_space<hbm>>
        %dma_start3A_146 = tpu.memref_squeeze %dma_start3A_145 : memref<1x1x128xi32, #tpu.memory_space<hbm>> -> memref<128xi32, #tpu.memory_space<hbm>>
        %dma_start3A_147 = arith.constant 0 : i32
        %dma_start3A_148 = tpu.memref_slice %arg6[%dma_start3A_140, %dma_start3A_147] : memref<4x128xi32, #tpu.memory_space<vmem>> -> memref<1x128xi32, #tpu.memory_space<vmem>>
        %dma_start3A_149 = tpu.memref_squeeze %dma_start3A_148 : memref<1x128xi32, #tpu.memory_space<vmem>> -> memref<128xi32, #tpu.memory_space<vmem>>
        %dma_start3A_150 = arith.constant 0 : i32
        %dma_start3A_151 = tpu.memref_slice %arg2[%add3A, %add3A_139, %dma_start3A_150] : memref<32x80x128xi32, #tpu.memory_space<hbm>> -> memref<1x1x128xi32, #tpu.memory_space<hbm>>
        %dma_start3A_152 = tpu.memref_squeeze %dma_start3A_151 : memref<1x1x128xi32, #tpu.memory_space<hbm>> -> memref<128xi32, #tpu.memory_space<hbm>>
        tpu.enqueue_dma source(%dma_start3A_152 : memref<128xi32, #tpu.memory_space<hbm>>) target(%dma_start3A_149 : memref<128xi32, #tpu.memory_space<vmem>>) target_semaphore(%arg11 : memref<!tpu.dma_semaphore, #tpu.memory_space<semaphore_mem>>)
      } else {
      }
      %scan3A_137 = arith.constant 0 : i32
      scf.yield %scan3A_137 : i32
    }
    %scan3A_76 = arith.constant 20 : i32
    %barrier3A_77 = arith.constant 0 : index
    tpu.barrier barrier_id(%barrier3A_77)
    "tpu.region"() ({
      %run_scoped3A = tpu.sem_alloc : memref<!tpu.dma_semaphore, #tpu.memory_space<semaphore_mem>>
      %dma_start3A_78 = arith.constant 0 : i32
      %dma_start3A_79 = tpu.memref_slice %arg5[%arg0, %mul3A_2, %dma_start3A_78] : memref<2x10112x128xf32, #tpu.memory_space<hbm>> -> memref<1x632x128xf32, #tpu.memory_space<hbm>>
      %dma_start3A_80 = tpu.memref_squeeze %dma_start3A_79 : memref<1x632x128xf32, #tpu.memory_space<hbm>> -> memref<632x128xf32, #tpu.memory_space<hbm>>
      %dma_start3A_81 = arith.constant 0 : i32
      %dma_start3A_82 = tpu.memref_slice %arg12[%mul3A_2, %dma_start3A_81] : memref<10112x128xf32, #tpu.memory_space<vmem_shared>> -> memref<632x128xf32, #tpu.memory_space<vmem_shared>>
      tpu.enqueue_dma source(%dma_start3A_82 : memref<632x128xf32, #tpu.memory_space<vmem_shared>>) target(%dma_start3A_80 : memref<632x128xf32, #tpu.memory_space<hbm>>) target_semaphore(%run_scoped3A : memref<!tpu.dma_semaphore, #tpu.memory_space<semaphore_mem>>)
      %dma_wait3A_83 = arith.constant 0 : i32
      %dma_wait3A_84 = tpu.memref_slice %arg5[%arg0, %mul3A_2, %dma_wait3A_83] : memref<2x10112x128xf32, #tpu.memory_space<hbm>> -> memref<1x632x128xf32, #tpu.memory_space<hbm>>
      %dma_wait3A_85 = tpu.memref_squeeze %dma_wait3A_84 : memref<1x632x128xf32, #tpu.memory_space<hbm>> -> memref<632x128xf32, #tpu.memory_space<hbm>>
      %dma_wait3A_86 = arith.constant 0 : i32
      %dma_wait3A_87 = tpu.memref_slice %arg12[%mul3A_2, %dma_wait3A_86] : memref<10112x128xf32, #tpu.memory_space<vmem_shared>> -> memref<632x128xf32, #tpu.memory_space<vmem_shared>>
      tpu.wait_dma2 semaphore(%run_scoped3A : memref<!tpu.dma_semaphore, #tpu.memory_space<semaphore_mem>>) src(%dma_wait3A_87 : memref<632x128xf32, #tpu.memory_space<vmem_shared>>) dst(%dma_wait3A_85 : memref<632x128xf32, #tpu.memory_space<hbm>>)
      tpu.yield
    }) : () -> ()
    return
  }
}

#map = affine_map<(d0, d1) -> (0, 0)>
#map1 = affine_map<(d0, d1) -> (0, 0, 0)>
module attributes {stable_mosaic.version = 14 : i64} {
  func.func @sc_sage_agg(%arg0: i32, %arg1: i32, %arg2: memref<10000x128xf32, #tpu.memory_space<hbm>>, %arg3: memref<32x80x128xi32, #tpu.memory_space<hbm>>, %arg4: memref<32x80x128xi32, #tpu.memory_space<hbm>>, %arg5: memref<10112x128xf32, #tpu.memory_space<hbm>>, %arg6: memref<2x10112x128xf32, #tpu.memory_space<hbm>>, %arg7: memref<4x128xi32, #tpu.memory_space<vmem>>, %arg8: memref<4x128xi32, #tpu.memory_space<vmem>>, %arg9: memref<128x128xf32, #tpu.memory_space<vmem>>, %arg10: memref<128x128xf32, #tpu.memory_space<vmem>>, %arg11: memref<!tpu.dma_semaphore, #tpu.memory_space<semaphore_mem>>, %arg12: memref<!tpu.dma_semaphore, #tpu.memory_space<semaphore_mem>>, %arg13: memref<!tpu.dma_semaphore, #tpu.memory_space<semaphore_mem>>, %arg14: memref<!tpu.dma_semaphore, #tpu.memory_space<semaphore_mem>>, %arg15: memref<!tpu.dma_semaphore, #tpu.memory_space<semaphore_mem>>, %arg16: memref<!tpu.dma_semaphore, #tpu.memory_space<semaphore_mem>>, %arg17: memref<10112x128xf32, #tpu.memory_space<vmem_shared>>) attributes {dimension_semantics = [#tpu.dimension_semantics<core_parallel>, #tpu.dimension_semantics<subcore_parallel>], iteration_bounds = array<i64: 2, 16>, scalar_prefetch = 0 : i64, scratch_operands = 11 : i64, tpu.core_type = #tpu.core_type<sc_vector_subcore>, window_params = [{transform_indices = #map}, {transform_indices = #map1}, {transform_indices = #map1}, {transform_indices = #map}, {transform_indices = #map1}]} {
    %mul3A = arith.constant 2 : i32
    %mul3A_0 = arith.muli %arg1, %mul3A : i32
    %add3A = arith.addi %mul3A_0, %arg0 : i32
    %mul3A_1 = arith.constant 632 : i32
    %mul3A_2 = arith.muli %arg1, %mul3A_1 : i32
    "tpu.region"() ({
      %run_scoped3A = tpu.sem_alloc : memref<!tpu.dma_semaphore, #tpu.memory_space<semaphore_mem>>
      %dma_start3A_155 = arith.constant 0 : i32
      %dma_start3A_156 = tpu.memref_slice %arg17[%mul3A_2, %dma_start3A_155] : memref<10112x128xf32, #tpu.memory_space<vmem_shared>> -> memref<632x128xf32, #tpu.memory_space<vmem_shared>>
      %dma_start3A_157 = arith.constant 0 : i32
      %dma_start3A_158 = tpu.memref_slice %arg5[%mul3A_2, %dma_start3A_157] : memref<10112x128xf32, #tpu.memory_space<hbm>> -> memref<632x128xf32, #tpu.memory_space<hbm>>
      tpu.enqueue_dma source(%dma_start3A_158 : memref<632x128xf32, #tpu.memory_space<hbm>>) target(%dma_start3A_156 : memref<632x128xf32, #tpu.memory_space<vmem_shared>>) target_semaphore(%run_scoped3A : memref<!tpu.dma_semaphore, #tpu.memory_space<semaphore_mem>>)
      %dma_wait3A_159 = arith.constant 0 : i32
      %dma_wait3A_160 = tpu.memref_slice %arg17[%mul3A_2, %dma_wait3A_159] : memref<10112x128xf32, #tpu.memory_space<vmem_shared>> -> memref<632x128xf32, #tpu.memory_space<vmem_shared>>
      %dma_wait3A_161 = arith.constant 0 : i32
      %dma_wait3A_162 = tpu.memref_slice %arg5[%mul3A_2, %dma_wait3A_161] : memref<10112x128xf32, #tpu.memory_space<hbm>> -> memref<632x128xf32, #tpu.memory_space<hbm>>
      tpu.wait_dma2 semaphore(%run_scoped3A : memref<!tpu.dma_semaphore, #tpu.memory_space<semaphore_mem>>) src(%dma_wait3A_162 : memref<632x128xf32, #tpu.memory_space<hbm>>) dst(%dma_wait3A_160 : memref<632x128xf32, #tpu.memory_space<vmem_shared>>)
      tpu.yield
    }) : () -> ()
    %barrier3A = arith.constant 0 : index
    tpu.barrier barrier_id(%barrier3A)
    %dma_start3A = arith.constant 0 : i32
    %dma_start3A_3 = arith.constant 0 : i32
    %dma_start3A_4 = arith.constant 0 : i32
    %dma_start3A_5 = tpu.memref_slice %arg7[%dma_start3A_3, %dma_start3A_4] : memref<4x128xi32, #tpu.memory_space<vmem>> -> memref<1x128xi32, #tpu.memory_space<vmem>>
    %dma_start3A_6 = tpu.memref_squeeze %dma_start3A_5 : memref<1x128xi32, #tpu.memory_space<vmem>> -> memref<128xi32, #tpu.memory_space<vmem>>
    %dma_start3A_7 = arith.constant 0 : i32
    %dma_start3A_8 = tpu.memref_slice %arg3[%add3A, %dma_start3A, %dma_start3A_7] : memref<32x80x128xi32, #tpu.memory_space<hbm>> -> memref<1x1x128xi32, #tpu.memory_space<hbm>>
    %dma_start3A_9 = tpu.memref_squeeze %dma_start3A_8 : memref<1x1x128xi32, #tpu.memory_space<hbm>> -> memref<128xi32, #tpu.memory_space<hbm>>
    %dma_start3A_10 = arith.constant 0 : i32
    %dma_start3A_11 = tpu.memref_slice %arg7[%dma_start3A_3, %dma_start3A_10] : memref<4x128xi32, #tpu.memory_space<vmem>> -> memref<1x128xi32, #tpu.memory_space<vmem>>
    %dma_start3A_12 = tpu.memref_squeeze %dma_start3A_11 : memref<1x128xi32, #tpu.memory_space<vmem>> -> memref<128xi32, #tpu.memory_space<vmem>>
    %dma_start3A_13 = arith.constant 0 : i32
    %dma_start3A_14 = tpu.memref_slice %arg3[%add3A, %dma_start3A, %dma_start3A_13] : memref<32x80x128xi32, #tpu.memory_space<hbm>> -> memref<1x1x128xi32, #tpu.memory_space<hbm>>
    %dma_start3A_15 = tpu.memref_squeeze %dma_start3A_14 : memref<1x1x128xi32, #tpu.memory_space<hbm>> -> memref<128xi32, #tpu.memory_space<hbm>>
    tpu.enqueue_dma source(%dma_start3A_15 : memref<128xi32, #tpu.memory_space<hbm>>) target(%dma_start3A_12 : memref<128xi32, #tpu.memory_space<vmem>>) target_semaphore(%arg13 : memref<!tpu.dma_semaphore, #tpu.memory_space<semaphore_mem>>)
    %dma_wait3A = arith.constant 0 : i32
    %dma_wait3A_16 = arith.constant 0 : i32
    %dma_wait3A_17 = arith.constant 0 : i32
    %dma_wait3A_18 = tpu.memref_slice %arg7[%dma_wait3A_16, %dma_wait3A_17] : memref<4x128xi32, #tpu.memory_space<vmem>> -> memref<1x128xi32, #tpu.memory_space<vmem>>
    %dma_wait3A_19 = tpu.memref_squeeze %dma_wait3A_18 : memref<1x128xi32, #tpu.memory_space<vmem>> -> memref<128xi32, #tpu.memory_space<vmem>>
    %dma_wait3A_20 = arith.constant 0 : i32
    %dma_wait3A_21 = tpu.memref_slice %arg3[%add3A, %dma_wait3A, %dma_wait3A_20] : memref<32x80x128xi32, #tpu.memory_space<hbm>> -> memref<1x1x128xi32, #tpu.memory_space<hbm>>
    %dma_wait3A_22 = tpu.memref_squeeze %dma_wait3A_21 : memref<1x1x128xi32, #tpu.memory_space<hbm>> -> memref<128xi32, #tpu.memory_space<hbm>>
    %dma_wait3A_23 = arith.constant 0 : i32
    %dma_wait3A_24 = tpu.memref_slice %arg7[%dma_wait3A_16, %dma_wait3A_23] : memref<4x128xi32, #tpu.memory_space<vmem>> -> memref<1x128xi32, #tpu.memory_space<vmem>>
    %dma_wait3A_25 = tpu.memref_squeeze %dma_wait3A_24 : memref<1x128xi32, #tpu.memory_space<vmem>> -> memref<128xi32, #tpu.memory_space<vmem>>
    %dma_wait3A_26 = arith.constant 0 : i32
    %dma_wait3A_27 = tpu.memref_slice %arg3[%add3A, %dma_wait3A, %dma_wait3A_26] : memref<32x80x128xi32, #tpu.memory_space<hbm>> -> memref<1x1x128xi32, #tpu.memory_space<hbm>>
    %dma_wait3A_28 = tpu.memref_squeeze %dma_wait3A_27 : memref<1x1x128xi32, #tpu.memory_space<hbm>> -> memref<128xi32, #tpu.memory_space<hbm>>
    tpu.wait_dma2 semaphore(%arg13 : memref<!tpu.dma_semaphore, #tpu.memory_space<semaphore_mem>>) src(%dma_wait3A_28 : memref<128xi32, #tpu.memory_space<hbm>>) dst(%dma_wait3A_25 : memref<128xi32, #tpu.memory_space<vmem>>)
    %dma_start3A_29 = arith.constant 0 : i32
    %dma_start3A_30 = arith.constant 0 : i32
    %dma_start3A_31 = arith.constant 0 : i32
    %dma_start3A_32 = tpu.memref_slice %arg8[%dma_start3A_30, %dma_start3A_31] : memref<4x128xi32, #tpu.memory_space<vmem>> -> memref<1x128xi32, #tpu.memory_space<vmem>>
    %dma_start3A_33 = tpu.memref_squeeze %dma_start3A_32 : memref<1x128xi32, #tpu.memory_space<vmem>> -> memref<128xi32, #tpu.memory_space<vmem>>
    %dma_start3A_34 = arith.constant 0 : i32
    %dma_start3A_35 = tpu.memref_slice %arg4[%add3A, %dma_start3A_29, %dma_start3A_34] : memref<32x80x128xi32, #tpu.memory_space<hbm>> -> memref<1x1x128xi32, #tpu.memory_space<hbm>>
    %dma_start3A_36 = tpu.memref_squeeze %dma_start3A_35 : memref<1x1x128xi32, #tpu.memory_space<hbm>> -> memref<128xi32, #tpu.memory_space<hbm>>
    %dma_start3A_37 = arith.constant 0 : i32
    %dma_start3A_38 = tpu.memref_slice %arg8[%dma_start3A_30, %dma_start3A_37] : memref<4x128xi32, #tpu.memory_space<vmem>> -> memref<1x128xi32, #tpu.memory_space<vmem>>
    %dma_start3A_39 = tpu.memref_squeeze %dma_start3A_38 : memref<1x128xi32, #tpu.memory_space<vmem>> -> memref<128xi32, #tpu.memory_space<vmem>>
    %dma_start3A_40 = arith.constant 0 : i32
    %dma_start3A_41 = tpu.memref_slice %arg4[%add3A, %dma_start3A_29, %dma_start3A_40] : memref<32x80x128xi32, #tpu.memory_space<hbm>> -> memref<1x1x128xi32, #tpu.memory_space<hbm>>
    %dma_start3A_42 = tpu.memref_squeeze %dma_start3A_41 : memref<1x1x128xi32, #tpu.memory_space<hbm>> -> memref<128xi32, #tpu.memory_space<hbm>>
    tpu.enqueue_dma source(%dma_start3A_42 : memref<128xi32, #tpu.memory_space<hbm>>) target(%dma_start3A_39 : memref<128xi32, #tpu.memory_space<vmem>>) target_semaphore(%arg13 : memref<!tpu.dma_semaphore, #tpu.memory_space<semaphore_mem>>)
    %dma_wait3A_43 = arith.constant 0 : i32
    %dma_wait3A_44 = arith.constant 0 : i32
    %dma_wait3A_45 = arith.constant 0 : i32
    %dma_wait3A_46 = tpu.memref_slice %arg8[%dma_wait3A_44, %dma_wait3A_45] : memref<4x128xi32, #tpu.memory_space<vmem>> -> memref<1x128xi32, #tpu.memory_space<vmem>>
    %dma_wait3A_47 = tpu.memref_squeeze %dma_wait3A_46 : memref<1x128xi32, #tpu.memory_space<vmem>> -> memref<128xi32, #tpu.memory_space<vmem>>
    %dma_wait3A_48 = arith.constant 0 : i32
    %dma_wait3A_49 = tpu.memref_slice %arg4[%add3A, %dma_wait3A_43, %dma_wait3A_48] : memref<32x80x128xi32, #tpu.memory_space<hbm>> -> memref<1x1x128xi32, #tpu.memory_space<hbm>>
    %dma_wait3A_50 = tpu.memref_squeeze %dma_wait3A_49 : memref<1x1x128xi32, #tpu.memory_space<hbm>> -> memref<128xi32, #tpu.memory_space<hbm>>
    %dma_wait3A_51 = arith.constant 0 : i32
    %dma_wait3A_52 = tpu.memref_slice %arg8[%dma_wait3A_44, %dma_wait3A_51] : memref<4x128xi32, #tpu.memory_space<vmem>> -> memref<1x128xi32, #tpu.memory_space<vmem>>
    %dma_wait3A_53 = tpu.memref_squeeze %dma_wait3A_52 : memref<1x128xi32, #tpu.memory_space<vmem>> -> memref<128xi32, #tpu.memory_space<vmem>>
    %dma_wait3A_54 = arith.constant 0 : i32
    %dma_wait3A_55 = tpu.memref_slice %arg4[%add3A, %dma_wait3A_43, %dma_wait3A_54] : memref<32x80x128xi32, #tpu.memory_space<hbm>> -> memref<1x1x128xi32, #tpu.memory_space<hbm>>
    %dma_wait3A_56 = tpu.memref_squeeze %dma_wait3A_55 : memref<1x1x128xi32, #tpu.memory_space<hbm>> -> memref<128xi32, #tpu.memory_space<hbm>>
    tpu.wait_dma2 semaphore(%arg13 : memref<!tpu.dma_semaphore, #tpu.memory_space<semaphore_mem>>) src(%dma_wait3A_56 : memref<128xi32, #tpu.memory_space<hbm>>) dst(%dma_wait3A_53 : memref<128xi32, #tpu.memory_space<vmem>>)
    %dma_start3A_57 = arith.constant 0 : i32
    %dma_start3A_58 = arith.constant 0 : i32
    %dma_start3A_59 = tpu.memref_slice %arg7[%dma_start3A_57, %dma_start3A_58] : memref<4x128xi32, #tpu.memory_space<vmem>> -> memref<1x128xi32, #tpu.memory_space<vmem>>
    %dma_start3A_60 = tpu.memref_squeeze %dma_start3A_59 : memref<1x128xi32, #tpu.memory_space<vmem>> -> memref<128xi32, #tpu.memory_space<vmem>>
    %dma_start3A_61 = arith.constant 0 : i32
    %dma_start3A_62 = arith.constant 0 : i32
    %dma_start3A_63 = tpu.memref_slice %arg2[%dma_start3A_61, %dma_start3A_62] : memref<10000x128xf32, #tpu.memory_space<hbm>> -> memref<10000x128xf32, #tpu.memory_space<hbm>>
    tpu.enqueue_indirect_dma source(%dma_start3A_63 : memref<10000x128xf32, #tpu.memory_space<hbm>>) target(%arg9 : memref<128x128xf32, #tpu.memory_space<vmem>>) offsets(%dma_start3A_60 : memref<128xi32, #tpu.memory_space<vmem>>) semaphore(%arg11 : memref<!tpu.dma_semaphore, #tpu.memory_space<semaphore_mem>>)
    %dma_start3A_64 = arith.constant 1 : i32
    %dma_start3A_65 = arith.constant 1 : i32
    %dma_start3A_66 = arith.constant 0 : i32
    %dma_start3A_67 = tpu.memref_slice %arg7[%dma_start3A_65, %dma_start3A_66] : memref<4x128xi32, #tpu.memory_space<vmem>> -> memref<1x128xi32, #tpu.memory_space<vmem>>
    %dma_start3A_68 = tpu.memref_squeeze %dma_start3A_67 : memref<1x128xi32, #tpu.memory_space<vmem>> -> memref<128xi32, #tpu.memory_space<vmem>>
    %dma_start3A_69 = arith.constant 0 : i32
    %dma_start3A_70 = tpu.memref_slice %arg3[%add3A, %dma_start3A_64, %dma_start3A_69] : memref<32x80x128xi32, #tpu.memory_space<hbm>> -> memref<1x1x128xi32, #tpu.memory_space<hbm>>
    %dma_start3A_71 = tpu.memref_squeeze %dma_start3A_70 : memref<1x1x128xi32, #tpu.memory_space<hbm>> -> memref<128xi32, #tpu.memory_space<hbm>>
    %dma_start3A_72 = arith.constant 0 : i32
    %dma_start3A_73 = tpu.memref_slice %arg7[%dma_start3A_65, %dma_start3A_72] : memref<4x128xi32, #tpu.memory_space<vmem>> -> memref<1x128xi32, #tpu.memory_space<vmem>>
    %dma_start3A_74 = tpu.memref_squeeze %dma_start3A_73 : memref<1x128xi32, #tpu.memory_space<vmem>> -> memref<128xi32, #tpu.memory_space<vmem>>
    %dma_start3A_75 = arith.constant 0 : i32
    %dma_start3A_76 = tpu.memref_slice %arg3[%add3A, %dma_start3A_64, %dma_start3A_75] : memref<32x80x128xi32, #tpu.memory_space<hbm>> -> memref<1x1x128xi32, #tpu.memory_space<hbm>>
    %dma_start3A_77 = tpu.memref_squeeze %dma_start3A_76 : memref<1x1x128xi32, #tpu.memory_space<hbm>> -> memref<128xi32, #tpu.memory_space<hbm>>
    tpu.enqueue_dma source(%dma_start3A_77 : memref<128xi32, #tpu.memory_space<hbm>>) target(%dma_start3A_74 : memref<128xi32, #tpu.memory_space<vmem>>) target_semaphore(%arg14 : memref<!tpu.dma_semaphore, #tpu.memory_space<semaphore_mem>>)
    %dma_start3A_78 = arith.constant 1 : i32
    %dma_start3A_79 = arith.constant 1 : i32
    %dma_start3A_80 = arith.constant 0 : i32
    %dma_start3A_81 = tpu.memref_slice %arg8[%dma_start3A_79, %dma_start3A_80] : memref<4x128xi32, #tpu.memory_space<vmem>> -> memref<1x128xi32, #tpu.memory_space<vmem>>
    %dma_start3A_82 = tpu.memref_squeeze %dma_start3A_81 : memref<1x128xi32, #tpu.memory_space<vmem>> -> memref<128xi32, #tpu.memory_space<vmem>>
    %dma_start3A_83 = arith.constant 0 : i32
    %dma_start3A_84 = tpu.memref_slice %arg4[%add3A, %dma_start3A_78, %dma_start3A_83] : memref<32x80x128xi32, #tpu.memory_space<hbm>> -> memref<1x1x128xi32, #tpu.memory_space<hbm>>
    %dma_start3A_85 = tpu.memref_squeeze %dma_start3A_84 : memref<1x1x128xi32, #tpu.memory_space<hbm>> -> memref<128xi32, #tpu.memory_space<hbm>>
    %dma_start3A_86 = arith.constant 0 : i32
    %dma_start3A_87 = tpu.memref_slice %arg8[%dma_start3A_79, %dma_start3A_86] : memref<4x128xi32, #tpu.memory_space<vmem>> -> memref<1x128xi32, #tpu.memory_space<vmem>>
    %dma_start3A_88 = tpu.memref_squeeze %dma_start3A_87 : memref<1x128xi32, #tpu.memory_space<vmem>> -> memref<128xi32, #tpu.memory_space<vmem>>
    %dma_start3A_89 = arith.constant 0 : i32
    %dma_start3A_90 = tpu.memref_slice %arg4[%add3A, %dma_start3A_78, %dma_start3A_89] : memref<32x80x128xi32, #tpu.memory_space<hbm>> -> memref<1x1x128xi32, #tpu.memory_space<hbm>>
    %dma_start3A_91 = tpu.memref_squeeze %dma_start3A_90 : memref<1x1x128xi32, #tpu.memory_space<hbm>> -> memref<128xi32, #tpu.memory_space<hbm>>
    tpu.enqueue_dma source(%dma_start3A_91 : memref<128xi32, #tpu.memory_space<hbm>>) target(%dma_start3A_88 : memref<128xi32, #tpu.memory_space<vmem>>) target_semaphore(%arg14 : memref<!tpu.dma_semaphore, #tpu.memory_space<semaphore_mem>>)
    %dma_start3A_92 = arith.constant 2 : i32
    %dma_start3A_93 = arith.constant 2 : i32
    %dma_start3A_94 = arith.constant 0 : i32
    %dma_start3A_95 = tpu.memref_slice %arg7[%dma_start3A_93, %dma_start3A_94] : memref<4x128xi32, #tpu.memory_space<vmem>> -> memref<1x128xi32, #tpu.memory_space<vmem>>
    %dma_start3A_96 = tpu.memref_squeeze %dma_start3A_95 : memref<1x128xi32, #tpu.memory_space<vmem>> -> memref<128xi32, #tpu.memory_space<vmem>>
    %dma_start3A_97 = arith.constant 0 : i32
    %dma_start3A_98 = tpu.memref_slice %arg3[%add3A, %dma_start3A_92, %dma_start3A_97] : memref<32x80x128xi32, #tpu.memory_space<hbm>> -> memref<1x1x128xi32, #tpu.memory_space<hbm>>
    %dma_start3A_99 = tpu.memref_squeeze %dma_start3A_98 : memref<1x1x128xi32, #tpu.memory_space<hbm>> -> memref<128xi32, #tpu.memory_space<hbm>>
    %dma_start3A_100 = arith.constant 0 : i32
    %dma_start3A_101 = tpu.memref_slice %arg7[%dma_start3A_93, %dma_start3A_100] : memref<4x128xi32, #tpu.memory_space<vmem>> -> memref<1x128xi32, #tpu.memory_space<vmem>>
    %dma_start3A_102 = tpu.memref_squeeze %dma_start3A_101 : memref<1x128xi32, #tpu.memory_space<vmem>> -> memref<128xi32, #tpu.memory_space<vmem>>
    %dma_start3A_103 = arith.constant 0 : i32
    %dma_start3A_104 = tpu.memref_slice %arg3[%add3A, %dma_start3A_92, %dma_start3A_103] : memref<32x80x128xi32, #tpu.memory_space<hbm>> -> memref<1x1x128xi32, #tpu.memory_space<hbm>>
    %dma_start3A_105 = tpu.memref_squeeze %dma_start3A_104 : memref<1x1x128xi32, #tpu.memory_space<hbm>> -> memref<128xi32, #tpu.memory_space<hbm>>
    tpu.enqueue_dma source(%dma_start3A_105 : memref<128xi32, #tpu.memory_space<hbm>>) target(%dma_start3A_102 : memref<128xi32, #tpu.memory_space<vmem>>) target_semaphore(%arg15 : memref<!tpu.dma_semaphore, #tpu.memory_space<semaphore_mem>>)
    %dma_start3A_106 = arith.constant 2 : i32
    %dma_start3A_107 = arith.constant 2 : i32
    %dma_start3A_108 = arith.constant 0 : i32
    %dma_start3A_109 = tpu.memref_slice %arg8[%dma_start3A_107, %dma_start3A_108] : memref<4x128xi32, #tpu.memory_space<vmem>> -> memref<1x128xi32, #tpu.memory_space<vmem>>
    %dma_start3A_110 = tpu.memref_squeeze %dma_start3A_109 : memref<1x128xi32, #tpu.memory_space<vmem>> -> memref<128xi32, #tpu.memory_space<vmem>>
    %dma_start3A_111 = arith.constant 0 : i32
    %dma_start3A_112 = tpu.memref_slice %arg4[%add3A, %dma_start3A_106, %dma_start3A_111] : memref<32x80x128xi32, #tpu.memory_space<hbm>> -> memref<1x1x128xi32, #tpu.memory_space<hbm>>
    %dma_start3A_113 = tpu.memref_squeeze %dma_start3A_112 : memref<1x1x128xi32, #tpu.memory_space<hbm>> -> memref<128xi32, #tpu.memory_space<hbm>>
    %dma_start3A_114 = arith.constant 0 : i32
    %dma_start3A_115 = tpu.memref_slice %arg8[%dma_start3A_107, %dma_start3A_114] : memref<4x128xi32, #tpu.memory_space<vmem>> -> memref<1x128xi32, #tpu.memory_space<vmem>>
    %dma_start3A_116 = tpu.memref_squeeze %dma_start3A_115 : memref<1x128xi32, #tpu.memory_space<vmem>> -> memref<128xi32, #tpu.memory_space<vmem>>
    %dma_start3A_117 = arith.constant 0 : i32
    %dma_start3A_118 = tpu.memref_slice %arg4[%add3A, %dma_start3A_106, %dma_start3A_117] : memref<32x80x128xi32, #tpu.memory_space<hbm>> -> memref<1x1x128xi32, #tpu.memory_space<hbm>>
    %dma_start3A_119 = tpu.memref_squeeze %dma_start3A_118 : memref<1x1x128xi32, #tpu.memory_space<hbm>> -> memref<128xi32, #tpu.memory_space<hbm>>
    tpu.enqueue_dma source(%dma_start3A_119 : memref<128xi32, #tpu.memory_space<hbm>>) target(%dma_start3A_116 : memref<128xi32, #tpu.memory_space<vmem>>) target_semaphore(%arg15 : memref<!tpu.dma_semaphore, #tpu.memory_space<semaphore_mem>>)
    %dma_start3A_120 = arith.constant 3 : i32
    %dma_start3A_121 = arith.constant 3 : i32
    %dma_start3A_122 = arith.constant 0 : i32
    %dma_start3A_123 = tpu.memref_slice %arg7[%dma_start3A_121, %dma_start3A_122] : memref<4x128xi32, #tpu.memory_space<vmem>> -> memref<1x128xi32, #tpu.memory_space<vmem>>
    %dma_start3A_124 = tpu.memref_squeeze %dma_start3A_123 : memref<1x128xi32, #tpu.memory_space<vmem>> -> memref<128xi32, #tpu.memory_space<vmem>>
    %dma_start3A_125 = arith.constant 0 : i32
    %dma_start3A_126 = tpu.memref_slice %arg3[%add3A, %dma_start3A_120, %dma_start3A_125] : memref<32x80x128xi32, #tpu.memory_space<hbm>> -> memref<1x1x128xi32, #tpu.memory_space<hbm>>
    %dma_start3A_127 = tpu.memref_squeeze %dma_start3A_126 : memref<1x1x128xi32, #tpu.memory_space<hbm>> -> memref<128xi32, #tpu.memory_space<hbm>>
    %dma_start3A_128 = arith.constant 0 : i32
    %dma_start3A_129 = tpu.memref_slice %arg7[%dma_start3A_121, %dma_start3A_128] : memref<4x128xi32, #tpu.memory_space<vmem>> -> memref<1x128xi32, #tpu.memory_space<vmem>>
    %dma_start3A_130 = tpu.memref_squeeze %dma_start3A_129 : memref<1x128xi32, #tpu.memory_space<vmem>> -> memref<128xi32, #tpu.memory_space<vmem>>
    %dma_start3A_131 = arith.constant 0 : i32
    %dma_start3A_132 = tpu.memref_slice %arg3[%add3A, %dma_start3A_120, %dma_start3A_131] : memref<32x80x128xi32, #tpu.memory_space<hbm>> -> memref<1x1x128xi32, #tpu.memory_space<hbm>>
    %dma_start3A_133 = tpu.memref_squeeze %dma_start3A_132 : memref<1x1x128xi32, #tpu.memory_space<hbm>> -> memref<128xi32, #tpu.memory_space<hbm>>
    tpu.enqueue_dma source(%dma_start3A_133 : memref<128xi32, #tpu.memory_space<hbm>>) target(%dma_start3A_130 : memref<128xi32, #tpu.memory_space<vmem>>) target_semaphore(%arg16 : memref<!tpu.dma_semaphore, #tpu.memory_space<semaphore_mem>>)
    %dma_start3A_134 = arith.constant 3 : i32
    %dma_start3A_135 = arith.constant 3 : i32
    %dma_start3A_136 = arith.constant 0 : i32
    %dma_start3A_137 = tpu.memref_slice %arg8[%dma_start3A_135, %dma_start3A_136] : memref<4x128xi32, #tpu.memory_space<vmem>> -> memref<1x128xi32, #tpu.memory_space<vmem>>
    %dma_start3A_138 = tpu.memref_squeeze %dma_start3A_137 : memref<1x128xi32, #tpu.memory_space<vmem>> -> memref<128xi32, #tpu.memory_space<vmem>>
    %dma_start3A_139 = arith.constant 0 : i32
    %dma_start3A_140 = tpu.memref_slice %arg4[%add3A, %dma_start3A_134, %dma_start3A_139] : memref<32x80x128xi32, #tpu.memory_space<hbm>> -> memref<1x1x128xi32, #tpu.memory_space<hbm>>
    %dma_start3A_141 = tpu.memref_squeeze %dma_start3A_140 : memref<1x1x128xi32, #tpu.memory_space<hbm>> -> memref<128xi32, #tpu.memory_space<hbm>>
    %dma_start3A_142 = arith.constant 0 : i32
    %dma_start3A_143 = tpu.memref_slice %arg8[%dma_start3A_135, %dma_start3A_142] : memref<4x128xi32, #tpu.memory_space<vmem>> -> memref<1x128xi32, #tpu.memory_space<vmem>>
    %dma_start3A_144 = tpu.memref_squeeze %dma_start3A_143 : memref<1x128xi32, #tpu.memory_space<vmem>> -> memref<128xi32, #tpu.memory_space<vmem>>
    %dma_start3A_145 = arith.constant 0 : i32
    %dma_start3A_146 = tpu.memref_slice %arg4[%add3A, %dma_start3A_134, %dma_start3A_145] : memref<32x80x128xi32, #tpu.memory_space<hbm>> -> memref<1x1x128xi32, #tpu.memory_space<hbm>>
    %dma_start3A_147 = tpu.memref_squeeze %dma_start3A_146 : memref<1x1x128xi32, #tpu.memory_space<hbm>> -> memref<128xi32, #tpu.memory_space<hbm>>
    tpu.enqueue_dma source(%dma_start3A_147 : memref<128xi32, #tpu.memory_space<hbm>>) target(%dma_start3A_144 : memref<128xi32, #tpu.memory_space<vmem>>) target_semaphore(%arg16 : memref<!tpu.dma_semaphore, #tpu.memory_space<semaphore_mem>>)
    %scan3A = arith.constant 0 : i32
    %scan3A_148 = arith.constant 0 : i32
    %scan3A_149 = arith.constant 20 : i32
    %scan3A_150 = arith.addi %scan3A_148, %scan3A_149 : i32
    %scan3A_151 = arith.constant 1 : i32
    %scan3A_152 = scf.for %scan3A_155 = %scan3A_148 to %scan3A_150 step %scan3A_151 iter_args(%scan3A_156 = %scan3A) -> (i32)  : i32 {
      %mul3A_157 = arith.constant 4 : i32
      %mul3A_158 = arith.muli %scan3A_155, %mul3A_157 : i32
      %add3A_159 = arith.constant 0 : i32
      %add3A_160 = arith.addi %mul3A_158, %add3A_159 : i32
      %add3A_161 = arith.constant 1 : i32
      %add3A_162 = arith.addi %add3A_160, %add3A_161 : i32
      %lt3A = arith.constant 80 : i32
      %lt3A_163 = arith.cmpi slt, %add3A_162, %lt3A : i32
      %convert_element_type3A = arith.extui %lt3A_163 : i1 to i32
      %cond3A = arith.constant 0 : i32
      %cond3A_164 = arith.cmpi ne, %convert_element_type3A, %cond3A : i32
      scf.if %cond3A_164 {
        %add3A_252 = arith.constant 1 : i32
        %add3A_253 = arith.addi %add3A_160, %add3A_252 : i32
        %dma_wait3A_254 = arith.constant 1 : i32
        %dma_wait3A_255 = arith.constant 0 : i32
        %dma_wait3A_256 = tpu.memref_slice %arg7[%dma_wait3A_254, %dma_wait3A_255] : memref<4x128xi32, #tpu.memory_space<vmem>> -> memref<1x128xi32, #tpu.memory_space<vmem>>
        %dma_wait3A_257 = tpu.memref_squeeze %dma_wait3A_256 : memref<1x128xi32, #tpu.memory_space<vmem>> -> memref<128xi32, #tpu.memory_space<vmem>>
        %dma_wait3A_258 = arith.constant 0 : i32
        %dma_wait3A_259 = tpu.memref_slice %arg3[%add3A, %add3A_253, %dma_wait3A_258] : memref<32x80x128xi32, #tpu.memory_space<hbm>> -> memref<1x1x128xi32, #tpu.memory_space<hbm>>
        %dma_wait3A_260 = tpu.memref_squeeze %dma_wait3A_259 : memref<1x1x128xi32, #tpu.memory_space<hbm>> -> memref<128xi32, #tpu.memory_space<hbm>>
        %dma_wait3A_261 = arith.constant 0 : i32
        %dma_wait3A_262 = tpu.memref_slice %arg7[%dma_wait3A_254, %dma_wait3A_261] : memref<4x128xi32, #tpu.memory_space<vmem>> -> memref<1x128xi32, #tpu.memory_space<vmem>>
        %dma_wait3A_263 = tpu.memref_squeeze %dma_wait3A_262 : memref<1x128xi32, #tpu.memory_space<vmem>> -> memref<128xi32, #tpu.memory_space<vmem>>
        %dma_wait3A_264 = arith.constant 0 : i32
        %dma_wait3A_265 = tpu.memref_slice %arg3[%add3A, %add3A_253, %dma_wait3A_264] : memref<32x80x128xi32, #tpu.memory_space<hbm>> -> memref<1x1x128xi32, #tpu.memory_space<hbm>>
        %dma_wait3A_266 = tpu.memref_squeeze %dma_wait3A_265 : memref<1x1x128xi32, #tpu.memory_space<hbm>> -> memref<128xi32, #tpu.memory_space<hbm>>
        tpu.wait_dma2 semaphore(%arg14 : memref<!tpu.dma_semaphore, #tpu.memory_space<semaphore_mem>>) src(%dma_wait3A_266 : memref<128xi32, #tpu.memory_space<hbm>>) dst(%dma_wait3A_263 : memref<128xi32, #tpu.memory_space<vmem>>)
        %dma_wait3A_267 = arith.constant 1 : i32
        %dma_wait3A_268 = arith.constant 0 : i32
        %dma_wait3A_269 = tpu.memref_slice %arg8[%dma_wait3A_267, %dma_wait3A_268] : memref<4x128xi32, #tpu.memory_space<vmem>> -> memref<1x128xi32, #tpu.memory_space<vmem>>
        %dma_wait3A_270 = tpu.memref_squeeze %dma_wait3A_269 : memref<1x128xi32, #tpu.memory_space<vmem>> -> memref<128xi32, #tpu.memory_space<vmem>>
        %dma_wait3A_271 = arith.constant 0 : i32
        %dma_wait3A_272 = tpu.memref_slice %arg4[%add3A, %add3A_253, %dma_wait3A_271] : memref<32x80x128xi32, #tpu.memory_space<hbm>> -> memref<1x1x128xi32, #tpu.memory_space<hbm>>
        %dma_wait3A_273 = tpu.memref_squeeze %dma_wait3A_272 : memref<1x1x128xi32, #tpu.memory_space<hbm>> -> memref<128xi32, #tpu.memory_space<hbm>>
        %dma_wait3A_274 = arith.constant 0 : i32
        %dma_wait3A_275 = tpu.memref_slice %arg8[%dma_wait3A_267, %dma_wait3A_274] : memref<4x128xi32, #tpu.memory_space<vmem>> -> memref<1x128xi32, #tpu.memory_space<vmem>>
        %dma_wait3A_276 = tpu.memref_squeeze %dma_wait3A_275 : memref<1x128xi32, #tpu.memory_space<vmem>> -> memref<128xi32, #tpu.memory_space<vmem>>
        %dma_wait3A_277 = arith.constant 0 : i32
        %dma_wait3A_278 = tpu.memref_slice %arg4[%add3A, %add3A_253, %dma_wait3A_277] : memref<32x80x128xi32, #tpu.memory_space<hbm>> -> memref<1x1x128xi32, #tpu.memory_space<hbm>>
        %dma_wait3A_279 = tpu.memref_squeeze %dma_wait3A_278 : memref<1x1x128xi32, #tpu.memory_space<hbm>> -> memref<128xi32, #tpu.memory_space<hbm>>
        tpu.wait_dma2 semaphore(%arg14 : memref<!tpu.dma_semaphore, #tpu.memory_space<semaphore_mem>>) src(%dma_wait3A_279 : memref<128xi32, #tpu.memory_space<hbm>>) dst(%dma_wait3A_276 : memref<128xi32, #tpu.memory_space<vmem>>)
        %dma_start3A_280 = arith.constant 1 : i32
        %dma_start3A_281 = arith.constant 0 : i32
        %dma_start3A_282 = tpu.memref_slice %arg7[%dma_start3A_280, %dma_start3A_281] : memref<4x128xi32, #tpu.memory_space<vmem>> -> memref<1x128xi32, #tpu.memory_space<vmem>>
        %dma_start3A_283 = tpu.memref_squeeze %dma_start3A_282 : memref<1x128xi32, #tpu.memory_space<vmem>> -> memref<128xi32, #tpu.memory_space<vmem>>
        %dma_start3A_284 = arith.constant 0 : i32
        %dma_start3A_285 = arith.constant 0 : i32
        %dma_start3A_286 = tpu.memref_slice %arg2[%dma_start3A_284, %dma_start3A_285] : memref<10000x128xf32, #tpu.memory_space<hbm>> -> memref<10000x128xf32, #tpu.memory_space<hbm>>
        tpu.enqueue_indirect_dma source(%dma_start3A_286 : memref<10000x128xf32, #tpu.memory_space<hbm>>) target(%arg10 : memref<128x128xf32, #tpu.memory_space<vmem>>) offsets(%dma_start3A_283 : memref<128xi32, #tpu.memory_space<vmem>>) semaphore(%arg12 : memref<!tpu.dma_semaphore, #tpu.memory_space<semaphore_mem>>)
      } else {
      }
      %dma_wait3A_165 = arith.constant 0 : i32
      %dma_wait3A_166 = arith.constant 0 : i32
      %dma_wait3A_167 = tpu.memref_slice %arg7[%dma_wait3A_165, %dma_wait3A_166] : memref<4x128xi32, #tpu.memory_space<vmem>> -> memref<1x128xi32, #tpu.memory_space<vmem>>
      %dma_wait3A_168 = tpu.memref_squeeze %dma_wait3A_167 : memref<1x128xi32, #tpu.memory_space<vmem>> -> memref<128xi32, #tpu.memory_space<vmem>>
      %dma_wait3A_169 = arith.constant 0 : i32
      %dma_wait3A_170 = arith.constant 0 : i32
      %dma_wait3A_171 = tpu.memref_slice %arg2[%dma_wait3A_169, %dma_wait3A_170] : memref<10000x128xf32, #tpu.memory_space<hbm>> -> memref<10000x128xf32, #tpu.memory_space<hbm>>
      tpu.wait_indirect_dma semaphore(%arg11 : memref<!tpu.dma_semaphore, #tpu.memory_space<semaphore_mem>>) src(%dma_wait3A_171 : memref<10000x128xf32, #tpu.memory_space<hbm>>) dst(%arg9 : memref<128x128xf32, #tpu.memory_space<vmem>>)
      %run_scoped3A = arith.constant 0 : i32
      "tpu.region"() ({
        %run_scoped3A_252 = tpu.sem_alloc : memref<!tpu.dma_semaphore, #tpu.memory_space<semaphore_mem>>
        %dma_start3A_253 = arith.constant 0 : i32
        %dma_start3A_254 = tpu.memref_slice %arg8[%run_scoped3A, %dma_start3A_253] : memref<4x128xi32, #tpu.memory_space<vmem>> -> memref<1x128xi32, #tpu.memory_space<vmem>>
        %dma_start3A_255 = tpu.memref_squeeze %dma_start3A_254 : memref<1x128xi32, #tpu.memory_space<vmem>> -> memref<128xi32, #tpu.memory_space<vmem>>
        %dma_start3A_256 = arith.constant 0 : i32
        %dma_start3A_257 = arith.constant 0 : i32
        %dma_start3A_258 = tpu.memref_slice %arg17[%dma_start3A_256, %dma_start3A_257] : memref<10112x128xf32, #tpu.memory_space<vmem_shared>> -> memref<10112x128xf32, #tpu.memory_space<vmem_shared>>
        tpu.enqueue_indirect_dma source(%arg9 : memref<128x128xf32, #tpu.memory_space<vmem>>) target(%dma_start3A_258 : memref<10112x128xf32, #tpu.memory_space<vmem_shared>>) offsets(%dma_start3A_255 : memref<128xi32, #tpu.memory_space<vmem>>) semaphore(%run_scoped3A_252 : memref<!tpu.dma_semaphore, #tpu.memory_space<semaphore_mem>>) {add = true}
        %dma_wait3A_259 = arith.constant 0 : i32
        %dma_wait3A_260 = tpu.memref_slice %arg8[%run_scoped3A, %dma_wait3A_259] : memref<4x128xi32, #tpu.memory_space<vmem>> -> memref<1x128xi32, #tpu.memory_space<vmem>>
        %dma_wait3A_261 = tpu.memref_squeeze %dma_wait3A_260 : memref<1x128xi32, #tpu.memory_space<vmem>> -> memref<128xi32, #tpu.memory_space<vmem>>
        %dma_wait3A_262 = arith.constant 0 : i32
        %dma_wait3A_263 = arith.constant 0 : i32
        %dma_wait3A_264 = tpu.memref_slice %arg17[%dma_wait3A_262, %dma_wait3A_263] : memref<10112x128xf32, #tpu.memory_space<vmem_shared>> -> memref<10112x128xf32, #tpu.memory_space<vmem_shared>>
        tpu.wait_indirect_dma semaphore(%run_scoped3A_252 : memref<!tpu.dma_semaphore, #tpu.memory_space<semaphore_mem>>) src(%arg9 : memref<128x128xf32, #tpu.memory_space<vmem>>) dst(%dma_wait3A_264 : memref<10112x128xf32, #tpu.memory_space<vmem_shared>>)
        tpu.yield
      }) : () -> ()
      %add3A_172 = arith.constant 4 : i32
      %add3A_173 = arith.addi %add3A_160, %add3A_172 : i32
      %lt3A_174 = arith.constant 80 : i32
      %lt3A_175 = arith.cmpi slt, %add3A_173, %lt3A_174 : i32
      %convert_element_type3A_176 = arith.extui %lt3A_175 : i1 to i32
      %cond3A_177 = arith.constant 0 : i32
      %cond3A_178 = arith.cmpi ne, %convert_element_type3A_176, %cond3A_177 : i32
      scf.if %cond3A_178 {
        %add3A_252 = arith.constant 4 : i32
        %add3A_253 = arith.addi %add3A_160, %add3A_252 : i32
        %dma_start3A_254 = arith.constant 0 : i32
        %dma_start3A_255 = arith.constant 0 : i32
        %dma_start3A_256 = tpu.memref_slice %arg7[%dma_start3A_254, %dma_start3A_255] : memref<4x128xi32, #tpu.memory_space<vmem>> -> memref<1x128xi32, #tpu.memory_space<vmem>>
        %dma_start3A_257 = tpu.memref_squeeze %dma_start3A_256 : memref<1x128xi32, #tpu.memory_space<vmem>> -> memref<128xi32, #tpu.memory_space<vmem>>
        %dma_start3A_258 = arith.constant 0 : i32
        %dma_start3A_259 = tpu.memref_slice %arg3[%add3A, %add3A_253, %dma_start3A_258] : memref<32x80x128xi32, #tpu.memory_space<hbm>> -> memref<1x1x128xi32, #tpu.memory_space<hbm>>
        %dma_start3A_260 = tpu.memref_squeeze %dma_start3A_259 : memref<1x1x128xi32, #tpu.memory_space<hbm>> -> memref<128xi32, #tpu.memory_space<hbm>>
        %dma_start3A_261 = arith.constant 0 : i32
        %dma_start3A_262 = tpu.memref_slice %arg7[%dma_start3A_254, %dma_start3A_261] : memref<4x128xi32, #tpu.memory_space<vmem>> -> memref<1x128xi32, #tpu.memory_space<vmem>>
        %dma_start3A_263 = tpu.memref_squeeze %dma_start3A_262 : memref<1x128xi32, #tpu.memory_space<vmem>> -> memref<128xi32, #tpu.memory_space<vmem>>
        %dma_start3A_264 = arith.constant 0 : i32
        %dma_start3A_265 = tpu.memref_slice %arg3[%add3A, %add3A_253, %dma_start3A_264] : memref<32x80x128xi32, #tpu.memory_space<hbm>> -> memref<1x1x128xi32, #tpu.memory_space<hbm>>
        %dma_start3A_266 = tpu.memref_squeeze %dma_start3A_265 : memref<1x1x128xi32, #tpu.memory_space<hbm>> -> memref<128xi32, #tpu.memory_space<hbm>>
        tpu.enqueue_dma source(%dma_start3A_266 : memref<128xi32, #tpu.memory_space<hbm>>) target(%dma_start3A_263 : memref<128xi32, #tpu.memory_space<vmem>>) target_semaphore(%arg13 : memref<!tpu.dma_semaphore, #tpu.memory_space<semaphore_mem>>)
        %dma_start3A_267 = arith.constant 0 : i32
        %dma_start3A_268 = arith.constant 0 : i32
        %dma_start3A_269 = tpu.memref_slice %arg8[%dma_start3A_267, %dma_start3A_268] : memref<4x128xi32, #tpu.memory_space<vmem>> -> memref<1x128xi32, #tpu.memory_space<vmem>>
        %dma_start3A_270 = tpu.memref_squeeze %dma_start3A_269 : memref<1x128xi32, #tpu.memory_space<vmem>> -> memref<128xi32, #tpu.memory_space<vmem>>
        %dma_start3A_271 = arith.constant 0 : i32
        %dma_start3A_272 = tpu.memref_slice %arg4[%add3A, %add3A_253, %dma_start3A_271] : memref<32x80x128xi32, #tpu.memory_space<hbm>> -> memref<1x1x128xi32, #tpu.memory_space<hbm>>
        %dma_start3A_273 = tpu.memref_squeeze %dma_start3A_272 : memref<1x1x128xi32, #tpu.memory_space<hbm>> -> memref<128xi32, #tpu.memory_space<hbm>>
        %dma_start3A_274 = arith.constant 0 : i32
        %dma_start3A_275 = tpu.memref_slice %arg8[%dma_start3A_267, %dma_start3A_274] : memref<4x128xi32, #tpu.memory_space<vmem>> -> memref<1x128xi32, #tpu.memory_space<vmem>>
        %dma_start3A_276 = tpu.memref_squeeze %dma_start3A_275 : memref<1x128xi32, #tpu.memory_space<vmem>> -> memref<128xi32, #tpu.memory_space<vmem>>
        %dma_start3A_277 = arith.constant 0 : i32
        %dma_start3A_278 = tpu.memref_slice %arg4[%add3A, %add3A_253, %dma_start3A_277] : memref<32x80x128xi32, #tpu.memory_space<hbm>> -> memref<1x1x128xi32, #tpu.memory_space<hbm>>
        %dma_start3A_279 = tpu.memref_squeeze %dma_start3A_278 : memref<1x1x128xi32, #tpu.memory_space<hbm>> -> memref<128xi32, #tpu.memory_space<hbm>>
        tpu.enqueue_dma source(%dma_start3A_279 : memref<128xi32, #tpu.memory_space<hbm>>) target(%dma_start3A_276 : memref<128xi32, #tpu.memory_space<vmem>>) target_semaphore(%arg13 : memref<!tpu.dma_semaphore, #tpu.memory_space<semaphore_mem>>)
      } else {
      }
      %add3A_179 = arith.constant 1 : i32
      %add3A_180 = arith.addi %mul3A_158, %add3A_179 : i32
      %add3A_181 = arith.constant 1 : i32
      %add3A_182 = arith.addi %add3A_180, %add3A_181 : i32
      %lt3A_183 = arith.constant 80 : i32
      %lt3A_184 = arith.cmpi slt, %add3A_182, %lt3A_183 : i32
      %convert_element_type3A_185 = arith.extui %lt3A_184 : i1 to i32
      %cond3A_186 = arith.constant 0 : i32
      %cond3A_187 = arith.cmpi ne, %convert_element_type3A_185, %cond3A_186 : i32
      scf.if %cond3A_187 {
        %add3A_252 = arith.constant 1 : i32
        %add3A_253 = arith.addi %add3A_180, %add3A_252 : i32
        %dma_wait3A_254 = arith.constant 2 : i32
        %dma_wait3A_255 = arith.constant 0 : i32
        %dma_wait3A_256 = tpu.memref_slice %arg7[%dma_wait3A_254, %dma_wait3A_255] : memref<4x128xi32, #tpu.memory_space<vmem>> -> memref<1x128xi32, #tpu.memory_space<vmem>>
        %dma_wait3A_257 = tpu.memref_squeeze %dma_wait3A_256 : memref<1x128xi32, #tpu.memory_space<vmem>> -> memref<128xi32, #tpu.memory_space<vmem>>
        %dma_wait3A_258 = arith.constant 0 : i32
        %dma_wait3A_259 = tpu.memref_slice %arg3[%add3A, %add3A_253, %dma_wait3A_258] : memref<32x80x128xi32, #tpu.memory_space<hbm>> -> memref<1x1x128xi32, #tpu.memory_space<hbm>>
        %dma_wait3A_260 = tpu.memref_squeeze %dma_wait3A_259 : memref<1x1x128xi32, #tpu.memory_space<hbm>> -> memref<128xi32, #tpu.memory_space<hbm>>
        %dma_wait3A_261 = arith.constant 0 : i32
        %dma_wait3A_262 = tpu.memref_slice %arg7[%dma_wait3A_254, %dma_wait3A_261] : memref<4x128xi32, #tpu.memory_space<vmem>> -> memref<1x128xi32, #tpu.memory_space<vmem>>
        %dma_wait3A_263 = tpu.memref_squeeze %dma_wait3A_262 : memref<1x128xi32, #tpu.memory_space<vmem>> -> memref<128xi32, #tpu.memory_space<vmem>>
        %dma_wait3A_264 = arith.constant 0 : i32
        %dma_wait3A_265 = tpu.memref_slice %arg3[%add3A, %add3A_253, %dma_wait3A_264] : memref<32x80x128xi32, #tpu.memory_space<hbm>> -> memref<1x1x128xi32, #tpu.memory_space<hbm>>
        %dma_wait3A_266 = tpu.memref_squeeze %dma_wait3A_265 : memref<1x1x128xi32, #tpu.memory_space<hbm>> -> memref<128xi32, #tpu.memory_space<hbm>>
        tpu.wait_dma2 semaphore(%arg15 : memref<!tpu.dma_semaphore, #tpu.memory_space<semaphore_mem>>) src(%dma_wait3A_266 : memref<128xi32, #tpu.memory_space<hbm>>) dst(%dma_wait3A_263 : memref<128xi32, #tpu.memory_space<vmem>>)
        %dma_wait3A_267 = arith.constant 2 : i32
        %dma_wait3A_268 = arith.constant 0 : i32
        %dma_wait3A_269 = tpu.memref_slice %arg8[%dma_wait3A_267, %dma_wait3A_268] : memref<4x128xi32, #tpu.memory_space<vmem>> -> memref<1x128xi32, #tpu.memory_space<vmem>>
        %dma_wait3A_270 = tpu.memref_squeeze %dma_wait3A_269 : memref<1x128xi32, #tpu.memory_space<vmem>> -> memref<128xi32, #tpu.memory_space<vmem>>
        %dma_wait3A_271 = arith.constant 0 : i32
        %dma_wait3A_272 = tpu.memref_slice %arg4[%add3A, %add3A_253, %dma_wait3A_271] : memref<32x80x128xi32, #tpu.memory_space<hbm>> -> memref<1x1x128xi32, #tpu.memory_space<hbm>>
        %dma_wait3A_273 = tpu.memref_squeeze %dma_wait3A_272 : memref<1x1x128xi32, #tpu.memory_space<hbm>> -> memref<128xi32, #tpu.memory_space<hbm>>
        %dma_wait3A_274 = arith.constant 0 : i32
        %dma_wait3A_275 = tpu.memref_slice %arg8[%dma_wait3A_267, %dma_wait3A_274] : memref<4x128xi32, #tpu.memory_space<vmem>> -> memref<1x128xi32, #tpu.memory_space<vmem>>
        %dma_wait3A_276 = tpu.memref_squeeze %dma_wait3A_275 : memref<1x128xi32, #tpu.memory_space<vmem>> -> memref<128xi32, #tpu.memory_space<vmem>>
        %dma_wait3A_277 = arith.constant 0 : i32
        %dma_wait3A_278 = tpu.memref_slice %arg4[%add3A, %add3A_253, %dma_wait3A_277] : memref<32x80x128xi32, #tpu.memory_space<hbm>> -> memref<1x1x128xi32, #tpu.memory_space<hbm>>
        %dma_wait3A_279 = tpu.memref_squeeze %dma_wait3A_278 : memref<1x1x128xi32, #tpu.memory_space<hbm>> -> memref<128xi32, #tpu.memory_space<hbm>>
        tpu.wait_dma2 semaphore(%arg15 : memref<!tpu.dma_semaphore, #tpu.memory_space<semaphore_mem>>) src(%dma_wait3A_279 : memref<128xi32, #tpu.memory_space<hbm>>) dst(%dma_wait3A_276 : memref<128xi32, #tpu.memory_space<vmem>>)
        %dma_start3A_280 = arith.constant 2 : i32
        %dma_start3A_281 = arith.constant 0 : i32
        %dma_start3A_282 = tpu.memref_slice %arg7[%dma_start3A_280, %dma_start3A_281] : memref<4x128xi32, #tpu.memory_space<vmem>> -> memref<1x128xi32, #tpu.memory_space<vmem>>
        %dma_start3A_283 = tpu.memref_squeeze %dma_start3A_282 : memref<1x128xi32, #tpu.memory_space<vmem>> -> memref<128xi32, #tpu.memory_space<vmem>>
        %dma_start3A_284 = arith.constant 0 : i32
        %dma_start3A_285 = arith.constant 0 : i32
        %dma_start3A_286 = tpu.memref_slice %arg2[%dma_start3A_284, %dma_start3A_285] : memref<10000x128xf32, #tpu.memory_space<hbm>> -> memref<10000x128xf32, #tpu.memory_space<hbm>>
        tpu.enqueue_indirect_dma source(%dma_start3A_286 : memref<10000x128xf32, #tpu.memory_space<hbm>>) target(%arg9 : memref<128x128xf32, #tpu.memory_space<vmem>>) offsets(%dma_start3A_283 : memref<128xi32, #tpu.memory_space<vmem>>) semaphore(%arg11 : memref<!tpu.dma_semaphore, #tpu.memory_space<semaphore_mem>>)
      } else {
      }
      %dma_wait3A_188 = arith.constant 1 : i32
      %dma_wait3A_189 = arith.constant 0 : i32
      %dma_wait3A_190 = tpu.memref_slice %arg7[%dma_wait3A_188, %dma_wait3A_189] : memref<4x128xi32, #tpu.memory_space<vmem>> -> memref<1x128xi32, #tpu.memory_space<vmem>>
      %dma_wait3A_191 = tpu.memref_squeeze %dma_wait3A_190 : memref<1x128xi32, #tpu.memory_space<vmem>> -> memref<128xi32, #tpu.memory_space<vmem>>
      %dma_wait3A_192 = arith.constant 0 : i32
      %dma_wait3A_193 = arith.constant 0 : i32
      %dma_wait3A_194 = tpu.memref_slice %arg2[%dma_wait3A_192, %dma_wait3A_193] : memref<10000x128xf32, #tpu.memory_space<hbm>> -> memref<10000x128xf32, #tpu.memory_space<hbm>>
      tpu.wait_indirect_dma semaphore(%arg12 : memref<!tpu.dma_semaphore, #tpu.memory_space<semaphore_mem>>) src(%dma_wait3A_194 : memref<10000x128xf32, #tpu.memory_space<hbm>>) dst(%arg10 : memref<128x128xf32, #tpu.memory_space<vmem>>)
      %run_scoped3A_195 = arith.constant 1 : i32
      "tpu.region"() ({
        %run_scoped3A_252 = tpu.sem_alloc : memref<!tpu.dma_semaphore, #tpu.memory_space<semaphore_mem>>
        %dma_start3A_253 = arith.constant 0 : i32
        %dma_start3A_254 = tpu.memref_slice %arg8[%run_scoped3A_195, %dma_start3A_253] : memref<4x128xi32, #tpu.memory_space<vmem>> -> memref<1x128xi32, #tpu.memory_space<vmem>>
        %dma_start3A_255 = tpu.memref_squeeze %dma_start3A_254 : memref<1x128xi32, #tpu.memory_space<vmem>> -> memref<128xi32, #tpu.memory_space<vmem>>
        %dma_start3A_256 = arith.constant 0 : i32
        %dma_start3A_257 = arith.constant 0 : i32
        %dma_start3A_258 = tpu.memref_slice %arg17[%dma_start3A_256, %dma_start3A_257] : memref<10112x128xf32, #tpu.memory_space<vmem_shared>> -> memref<10112x128xf32, #tpu.memory_space<vmem_shared>>
        tpu.enqueue_indirect_dma source(%arg10 : memref<128x128xf32, #tpu.memory_space<vmem>>) target(%dma_start3A_258 : memref<10112x128xf32, #tpu.memory_space<vmem_shared>>) offsets(%dma_start3A_255 : memref<128xi32, #tpu.memory_space<vmem>>) semaphore(%run_scoped3A_252 : memref<!tpu.dma_semaphore, #tpu.memory_space<semaphore_mem>>) {add = true}
        %dma_wait3A_259 = arith.constant 0 : i32
        %dma_wait3A_260 = tpu.memref_slice %arg8[%run_scoped3A_195, %dma_wait3A_259] : memref<4x128xi32, #tpu.memory_space<vmem>> -> memref<1x128xi32, #tpu.memory_space<vmem>>
        %dma_wait3A_261 = tpu.memref_squeeze %dma_wait3A_260 : memref<1x128xi32, #tpu.memory_space<vmem>> -> memref<128xi32, #tpu.memory_space<vmem>>
        %dma_wait3A_262 = arith.constant 0 : i32
        %dma_wait3A_263 = arith.constant 0 : i32
        %dma_wait3A_264 = tpu.memref_slice %arg17[%dma_wait3A_262, %dma_wait3A_263] : memref<10112x128xf32, #tpu.memory_space<vmem_shared>> -> memref<10112x128xf32, #tpu.memory_space<vmem_shared>>
        tpu.wait_indirect_dma semaphore(%run_scoped3A_252 : memref<!tpu.dma_semaphore, #tpu.memory_space<semaphore_mem>>) src(%arg10 : memref<128x128xf32, #tpu.memory_space<vmem>>) dst(%dma_wait3A_264 : memref<10112x128xf32, #tpu.memory_space<vmem_shared>>)
        tpu.yield
      }) : () -> ()
      %add3A_196 = arith.constant 4 : i32
      %add3A_197 = arith.addi %add3A_180, %add3A_196 : i32
      %lt3A_198 = arith.constant 80 : i32
      %lt3A_199 = arith.cmpi slt, %add3A_197, %lt3A_198 : i32
      %convert_element_type3A_200 = arith.extui %lt3A_199 : i1 to i32
      %cond3A_201 = arith.constant 0 : i32
      %cond3A_202 = arith.cmpi ne, %convert_element_type3A_200, %cond3A_201 : i32
      scf.if %cond3A_202 {
        %add3A_252 = arith.constant 4 : i32
        %add3A_253 = arith.addi %add3A_180, %add3A_252 : i32
        %dma_start3A_254 = arith.constant 1 : i32
        %dma_start3A_255 = arith.constant 0 : i32
        %dma_start3A_256 = tpu.memref_slice %arg7[%dma_start3A_254, %dma_start3A_255] : memref<4x128xi32, #tpu.memory_space<vmem>> -> memref<1x128xi32, #tpu.memory_space<vmem>>
        %dma_start3A_257 = tpu.memref_squeeze %dma_start3A_256 : memref<1x128xi32, #tpu.memory_space<vmem>> -> memref<128xi32, #tpu.memory_space<vmem>>
        %dma_start3A_258 = arith.constant 0 : i32
        %dma_start3A_259 = tpu.memref_slice %arg3[%add3A, %add3A_253, %dma_start3A_258] : memref<32x80x128xi32, #tpu.memory_space<hbm>> -> memref<1x1x128xi32, #tpu.memory_space<hbm>>
        %dma_start3A_260 = tpu.memref_squeeze %dma_start3A_259 : memref<1x1x128xi32, #tpu.memory_space<hbm>> -> memref<128xi32, #tpu.memory_space<hbm>>
        %dma_start3A_261 = arith.constant 0 : i32
        %dma_start3A_262 = tpu.memref_slice %arg7[%dma_start3A_254, %dma_start3A_261] : memref<4x128xi32, #tpu.memory_space<vmem>> -> memref<1x128xi32, #tpu.memory_space<vmem>>
        %dma_start3A_263 = tpu.memref_squeeze %dma_start3A_262 : memref<1x128xi32, #tpu.memory_space<vmem>> -> memref<128xi32, #tpu.memory_space<vmem>>
        %dma_start3A_264 = arith.constant 0 : i32
        %dma_start3A_265 = tpu.memref_slice %arg3[%add3A, %add3A_253, %dma_start3A_264] : memref<32x80x128xi32, #tpu.memory_space<hbm>> -> memref<1x1x128xi32, #tpu.memory_space<hbm>>
        %dma_start3A_266 = tpu.memref_squeeze %dma_start3A_265 : memref<1x1x128xi32, #tpu.memory_space<hbm>> -> memref<128xi32, #tpu.memory_space<hbm>>
        tpu.enqueue_dma source(%dma_start3A_266 : memref<128xi32, #tpu.memory_space<hbm>>) target(%dma_start3A_263 : memref<128xi32, #tpu.memory_space<vmem>>) target_semaphore(%arg14 : memref<!tpu.dma_semaphore, #tpu.memory_space<semaphore_mem>>)
        %dma_start3A_267 = arith.constant 1 : i32
        %dma_start3A_268 = arith.constant 0 : i32
        %dma_start3A_269 = tpu.memref_slice %arg8[%dma_start3A_267, %dma_start3A_268] : memref<4x128xi32, #tpu.memory_space<vmem>> -> memref<1x128xi32, #tpu.memory_space<vmem>>
        %dma_start3A_270 = tpu.memref_squeeze %dma_start3A_269 : memref<1x128xi32, #tpu.memory_space<vmem>> -> memref<128xi32, #tpu.memory_space<vmem>>
        %dma_start3A_271 = arith.constant 0 : i32
        %dma_start3A_272 = tpu.memref_slice %arg4[%add3A, %add3A_253, %dma_start3A_271] : memref<32x80x128xi32, #tpu.memory_space<hbm>> -> memref<1x1x128xi32, #tpu.memory_space<hbm>>
        %dma_start3A_273 = tpu.memref_squeeze %dma_start3A_272 : memref<1x1x128xi32, #tpu.memory_space<hbm>> -> memref<128xi32, #tpu.memory_space<hbm>>
        %dma_start3A_274 = arith.constant 0 : i32
        %dma_start3A_275 = tpu.memref_slice %arg8[%dma_start3A_267, %dma_start3A_274] : memref<4x128xi32, #tpu.memory_space<vmem>> -> memref<1x128xi32, #tpu.memory_space<vmem>>
        %dma_start3A_276 = tpu.memref_squeeze %dma_start3A_275 : memref<1x128xi32, #tpu.memory_space<vmem>> -> memref<128xi32, #tpu.memory_space<vmem>>
        %dma_start3A_277 = arith.constant 0 : i32
        %dma_start3A_278 = tpu.memref_slice %arg4[%add3A, %add3A_253, %dma_start3A_277] : memref<32x80x128xi32, #tpu.memory_space<hbm>> -> memref<1x1x128xi32, #tpu.memory_space<hbm>>
        %dma_start3A_279 = tpu.memref_squeeze %dma_start3A_278 : memref<1x1x128xi32, #tpu.memory_space<hbm>> -> memref<128xi32, #tpu.memory_space<hbm>>
        tpu.enqueue_dma source(%dma_start3A_279 : memref<128xi32, #tpu.memory_space<hbm>>) target(%dma_start3A_276 : memref<128xi32, #tpu.memory_space<vmem>>) target_semaphore(%arg14 : memref<!tpu.dma_semaphore, #tpu.memory_space<semaphore_mem>>)
      } else {
      }
      %add3A_203 = arith.constant 2 : i32
      %add3A_204 = arith.addi %mul3A_158, %add3A_203 : i32
      %add3A_205 = arith.constant 1 : i32
      %add3A_206 = arith.addi %add3A_204, %add3A_205 : i32
      %lt3A_207 = arith.constant 80 : i32
      %lt3A_208 = arith.cmpi slt, %add3A_206, %lt3A_207 : i32
      %convert_element_type3A_209 = arith.extui %lt3A_208 : i1 to i32
      %cond3A_210 = arith.constant 0 : i32
      %cond3A_211 = arith.cmpi ne, %convert_element_type3A_209, %cond3A_210 : i32
      scf.if %cond3A_211 {
        %add3A_252 = arith.constant 1 : i32
        %add3A_253 = arith.addi %add3A_204, %add3A_252 : i32
        %dma_wait3A_254 = arith.constant 3 : i32
        %dma_wait3A_255 = arith.constant 0 : i32
        %dma_wait3A_256 = tpu.memref_slice %arg7[%dma_wait3A_254, %dma_wait3A_255] : memref<4x128xi32, #tpu.memory_space<vmem>> -> memref<1x128xi32, #tpu.memory_space<vmem>>
        %dma_wait3A_257 = tpu.memref_squeeze %dma_wait3A_256 : memref<1x128xi32, #tpu.memory_space<vmem>> -> memref<128xi32, #tpu.memory_space<vmem>>
        %dma_wait3A_258 = arith.constant 0 : i32
        %dma_wait3A_259 = tpu.memref_slice %arg3[%add3A, %add3A_253, %dma_wait3A_258] : memref<32x80x128xi32, #tpu.memory_space<hbm>> -> memref<1x1x128xi32, #tpu.memory_space<hbm>>
        %dma_wait3A_260 = tpu.memref_squeeze %dma_wait3A_259 : memref<1x1x128xi32, #tpu.memory_space<hbm>> -> memref<128xi32, #tpu.memory_space<hbm>>
        %dma_wait3A_261 = arith.constant 0 : i32
        %dma_wait3A_262 = tpu.memref_slice %arg7[%dma_wait3A_254, %dma_wait3A_261] : memref<4x128xi32, #tpu.memory_space<vmem>> -> memref<1x128xi32, #tpu.memory_space<vmem>>
        %dma_wait3A_263 = tpu.memref_squeeze %dma_wait3A_262 : memref<1x128xi32, #tpu.memory_space<vmem>> -> memref<128xi32, #tpu.memory_space<vmem>>
        %dma_wait3A_264 = arith.constant 0 : i32
        %dma_wait3A_265 = tpu.memref_slice %arg3[%add3A, %add3A_253, %dma_wait3A_264] : memref<32x80x128xi32, #tpu.memory_space<hbm>> -> memref<1x1x128xi32, #tpu.memory_space<hbm>>
        %dma_wait3A_266 = tpu.memref_squeeze %dma_wait3A_265 : memref<1x1x128xi32, #tpu.memory_space<hbm>> -> memref<128xi32, #tpu.memory_space<hbm>>
        tpu.wait_dma2 semaphore(%arg16 : memref<!tpu.dma_semaphore, #tpu.memory_space<semaphore_mem>>) src(%dma_wait3A_266 : memref<128xi32, #tpu.memory_space<hbm>>) dst(%dma_wait3A_263 : memref<128xi32, #tpu.memory_space<vmem>>)
        %dma_wait3A_267 = arith.constant 3 : i32
        %dma_wait3A_268 = arith.constant 0 : i32
        %dma_wait3A_269 = tpu.memref_slice %arg8[%dma_wait3A_267, %dma_wait3A_268] : memref<4x128xi32, #tpu.memory_space<vmem>> -> memref<1x128xi32, #tpu.memory_space<vmem>>
        %dma_wait3A_270 = tpu.memref_squeeze %dma_wait3A_269 : memref<1x128xi32, #tpu.memory_space<vmem>> -> memref<128xi32, #tpu.memory_space<vmem>>
        %dma_wait3A_271 = arith.constant 0 : i32
        %dma_wait3A_272 = tpu.memref_slice %arg4[%add3A, %add3A_253, %dma_wait3A_271] : memref<32x80x128xi32, #tpu.memory_space<hbm>> -> memref<1x1x128xi32, #tpu.memory_space<hbm>>
        %dma_wait3A_273 = tpu.memref_squeeze %dma_wait3A_272 : memref<1x1x128xi32, #tpu.memory_space<hbm>> -> memref<128xi32, #tpu.memory_space<hbm>>
        %dma_wait3A_274 = arith.constant 0 : i32
        %dma_wait3A_275 = tpu.memref_slice %arg8[%dma_wait3A_267, %dma_wait3A_274] : memref<4x128xi32, #tpu.memory_space<vmem>> -> memref<1x128xi32, #tpu.memory_space<vmem>>
        %dma_wait3A_276 = tpu.memref_squeeze %dma_wait3A_275 : memref<1x128xi32, #tpu.memory_space<vmem>> -> memref<128xi32, #tpu.memory_space<vmem>>
        %dma_wait3A_277 = arith.constant 0 : i32
        %dma_wait3A_278 = tpu.memref_slice %arg4[%add3A, %add3A_253, %dma_wait3A_277] : memref<32x80x128xi32, #tpu.memory_space<hbm>> -> memref<1x1x128xi32, #tpu.memory_space<hbm>>
        %dma_wait3A_279 = tpu.memref_squeeze %dma_wait3A_278 : memref<1x1x128xi32, #tpu.memory_space<hbm>> -> memref<128xi32, #tpu.memory_space<hbm>>
        tpu.wait_dma2 semaphore(%arg16 : memref<!tpu.dma_semaphore, #tpu.memory_space<semaphore_mem>>) src(%dma_wait3A_279 : memref<128xi32, #tpu.memory_space<hbm>>) dst(%dma_wait3A_276 : memref<128xi32, #tpu.memory_space<vmem>>)
        %dma_start3A_280 = arith.constant 3 : i32
        %dma_start3A_281 = arith.constant 0 : i32
        %dma_start3A_282 = tpu.memref_slice %arg7[%dma_start3A_280, %dma_start3A_281] : memref<4x128xi32, #tpu.memory_space<vmem>> -> memref<1x128xi32, #tpu.memory_space<vmem>>
        %dma_start3A_283 = tpu.memref_squeeze %dma_start3A_282 : memref<1x128xi32, #tpu.memory_space<vmem>> -> memref<128xi32, #tpu.memory_space<vmem>>
        %dma_start3A_284 = arith.constant 0 : i32
        %dma_start3A_285 = arith.constant 0 : i32
        %dma_start3A_286 = tpu.memref_slice %arg2[%dma_start3A_284, %dma_start3A_285] : memref<10000x128xf32, #tpu.memory_space<hbm>> -> memref<10000x128xf32, #tpu.memory_space<hbm>>
        tpu.enqueue_indirect_dma source(%dma_start3A_286 : memref<10000x128xf32, #tpu.memory_space<hbm>>) target(%arg10 : memref<128x128xf32, #tpu.memory_space<vmem>>) offsets(%dma_start3A_283 : memref<128xi32, #tpu.memory_space<vmem>>) semaphore(%arg12 : memref<!tpu.dma_semaphore, #tpu.memory_space<semaphore_mem>>)
      } else {
      }
      %dma_wait3A_212 = arith.constant 2 : i32
      %dma_wait3A_213 = arith.constant 0 : i32
      %dma_wait3A_214 = tpu.memref_slice %arg7[%dma_wait3A_212, %dma_wait3A_213] : memref<4x128xi32, #tpu.memory_space<vmem>> -> memref<1x128xi32, #tpu.memory_space<vmem>>
      %dma_wait3A_215 = tpu.memref_squeeze %dma_wait3A_214 : memref<1x128xi32, #tpu.memory_space<vmem>> -> memref<128xi32, #tpu.memory_space<vmem>>
      %dma_wait3A_216 = arith.constant 0 : i32
      %dma_wait3A_217 = arith.constant 0 : i32
      %dma_wait3A_218 = tpu.memref_slice %arg2[%dma_wait3A_216, %dma_wait3A_217] : memref<10000x128xf32, #tpu.memory_space<hbm>> -> memref<10000x128xf32, #tpu.memory_space<hbm>>
      tpu.wait_indirect_dma semaphore(%arg11 : memref<!tpu.dma_semaphore, #tpu.memory_space<semaphore_mem>>) src(%dma_wait3A_218 : memref<10000x128xf32, #tpu.memory_space<hbm>>) dst(%arg9 : memref<128x128xf32, #tpu.memory_space<vmem>>)
      %run_scoped3A_219 = arith.constant 2 : i32
      "tpu.region"() ({
        %run_scoped3A_252 = tpu.sem_alloc : memref<!tpu.dma_semaphore, #tpu.memory_space<semaphore_mem>>
        %dma_start3A_253 = arith.constant 0 : i32
        %dma_start3A_254 = tpu.memref_slice %arg8[%run_scoped3A_219, %dma_start3A_253] : memref<4x128xi32, #tpu.memory_space<vmem>> -> memref<1x128xi32, #tpu.memory_space<vmem>>
        %dma_start3A_255 = tpu.memref_squeeze %dma_start3A_254 : memref<1x128xi32, #tpu.memory_space<vmem>> -> memref<128xi32, #tpu.memory_space<vmem>>
        %dma_start3A_256 = arith.constant 0 : i32
        %dma_start3A_257 = arith.constant 0 : i32
        %dma_start3A_258 = tpu.memref_slice %arg17[%dma_start3A_256, %dma_start3A_257] : memref<10112x128xf32, #tpu.memory_space<vmem_shared>> -> memref<10112x128xf32, #tpu.memory_space<vmem_shared>>
        tpu.enqueue_indirect_dma source(%arg9 : memref<128x128xf32, #tpu.memory_space<vmem>>) target(%dma_start3A_258 : memref<10112x128xf32, #tpu.memory_space<vmem_shared>>) offsets(%dma_start3A_255 : memref<128xi32, #tpu.memory_space<vmem>>) semaphore(%run_scoped3A_252 : memref<!tpu.dma_semaphore, #tpu.memory_space<semaphore_mem>>) {add = true}
        %dma_wait3A_259 = arith.constant 0 : i32
        %dma_wait3A_260 = tpu.memref_slice %arg8[%run_scoped3A_219, %dma_wait3A_259] : memref<4x128xi32, #tpu.memory_space<vmem>> -> memref<1x128xi32, #tpu.memory_space<vmem>>
        %dma_wait3A_261 = tpu.memref_squeeze %dma_wait3A_260 : memref<1x128xi32, #tpu.memory_space<vmem>> -> memref<128xi32, #tpu.memory_space<vmem>>
        %dma_wait3A_262 = arith.constant 0 : i32
        %dma_wait3A_263 = arith.constant 0 : i32
        %dma_wait3A_264 = tpu.memref_slice %arg17[%dma_wait3A_262, %dma_wait3A_263] : memref<10112x128xf32, #tpu.memory_space<vmem_shared>> -> memref<10112x128xf32, #tpu.memory_space<vmem_shared>>
        tpu.wait_indirect_dma semaphore(%run_scoped3A_252 : memref<!tpu.dma_semaphore, #tpu.memory_space<semaphore_mem>>) src(%arg9 : memref<128x128xf32, #tpu.memory_space<vmem>>) dst(%dma_wait3A_264 : memref<10112x128xf32, #tpu.memory_space<vmem_shared>>)
        tpu.yield
      }) : () -> ()
      %add3A_220 = arith.constant 4 : i32
      %add3A_221 = arith.addi %add3A_204, %add3A_220 : i32
      %lt3A_222 = arith.constant 80 : i32
      %lt3A_223 = arith.cmpi slt, %add3A_221, %lt3A_222 : i32
      %convert_element_type3A_224 = arith.extui %lt3A_223 : i1 to i32
      %cond3A_225 = arith.constant 0 : i32
      %cond3A_226 = arith.cmpi ne, %convert_element_type3A_224, %cond3A_225 : i32
      scf.if %cond3A_226 {
        %add3A_252 = arith.constant 4 : i32
        %add3A_253 = arith.addi %add3A_204, %add3A_252 : i32
        %dma_start3A_254 = arith.constant 2 : i32
        %dma_start3A_255 = arith.constant 0 : i32
        %dma_start3A_256 = tpu.memref_slice %arg7[%dma_start3A_254, %dma_start3A_255] : memref<4x128xi32, #tpu.memory_space<vmem>> -> memref<1x128xi32, #tpu.memory_space<vmem>>
        %dma_start3A_257 = tpu.memref_squeeze %dma_start3A_256 : memref<1x128xi32, #tpu.memory_space<vmem>> -> memref<128xi32, #tpu.memory_space<vmem>>
        %dma_start3A_258 = arith.constant 0 : i32
        %dma_start3A_259 = tpu.memref_slice %arg3[%add3A, %add3A_253, %dma_start3A_258] : memref<32x80x128xi32, #tpu.memory_space<hbm>> -> memref<1x1x128xi32, #tpu.memory_space<hbm>>
        %dma_start3A_260 = tpu.memref_squeeze %dma_start3A_259 : memref<1x1x128xi32, #tpu.memory_space<hbm>> -> memref<128xi32, #tpu.memory_space<hbm>>
        %dma_start3A_261 = arith.constant 0 : i32
        %dma_start3A_262 = tpu.memref_slice %arg7[%dma_start3A_254, %dma_start3A_261] : memref<4x128xi32, #tpu.memory_space<vmem>> -> memref<1x128xi32, #tpu.memory_space<vmem>>
        %dma_start3A_263 = tpu.memref_squeeze %dma_start3A_262 : memref<1x128xi32, #tpu.memory_space<vmem>> -> memref<128xi32, #tpu.memory_space<vmem>>
        %dma_start3A_264 = arith.constant 0 : i32
        %dma_start3A_265 = tpu.memref_slice %arg3[%add3A, %add3A_253, %dma_start3A_264] : memref<32x80x128xi32, #tpu.memory_space<hbm>> -> memref<1x1x128xi32, #tpu.memory_space<hbm>>
        %dma_start3A_266 = tpu.memref_squeeze %dma_start3A_265 : memref<1x1x128xi32, #tpu.memory_space<hbm>> -> memref<128xi32, #tpu.memory_space<hbm>>
        tpu.enqueue_dma source(%dma_start3A_266 : memref<128xi32, #tpu.memory_space<hbm>>) target(%dma_start3A_263 : memref<128xi32, #tpu.memory_space<vmem>>) target_semaphore(%arg15 : memref<!tpu.dma_semaphore, #tpu.memory_space<semaphore_mem>>)
        %dma_start3A_267 = arith.constant 2 : i32
        %dma_start3A_268 = arith.constant 0 : i32
        %dma_start3A_269 = tpu.memref_slice %arg8[%dma_start3A_267, %dma_start3A_268] : memref<4x128xi32, #tpu.memory_space<vmem>> -> memref<1x128xi32, #tpu.memory_space<vmem>>
        %dma_start3A_270 = tpu.memref_squeeze %dma_start3A_269 : memref<1x128xi32, #tpu.memory_space<vmem>> -> memref<128xi32, #tpu.memory_space<vmem>>
        %dma_start3A_271 = arith.constant 0 : i32
        %dma_start3A_272 = tpu.memref_slice %arg4[%add3A, %add3A_253, %dma_start3A_271] : memref<32x80x128xi32, #tpu.memory_space<hbm>> -> memref<1x1x128xi32, #tpu.memory_space<hbm>>
        %dma_start3A_273 = tpu.memref_squeeze %dma_start3A_272 : memref<1x1x128xi32, #tpu.memory_space<hbm>> -> memref<128xi32, #tpu.memory_space<hbm>>
        %dma_start3A_274 = arith.constant 0 : i32
        %dma_start3A_275 = tpu.memref_slice %arg8[%dma_start3A_267, %dma_start3A_274] : memref<4x128xi32, #tpu.memory_space<vmem>> -> memref<1x128xi32, #tpu.memory_space<vmem>>
        %dma_start3A_276 = tpu.memref_squeeze %dma_start3A_275 : memref<1x128xi32, #tpu.memory_space<vmem>> -> memref<128xi32, #tpu.memory_space<vmem>>
        %dma_start3A_277 = arith.constant 0 : i32
        %dma_start3A_278 = tpu.memref_slice %arg4[%add3A, %add3A_253, %dma_start3A_277] : memref<32x80x128xi32, #tpu.memory_space<hbm>> -> memref<1x1x128xi32, #tpu.memory_space<hbm>>
        %dma_start3A_279 = tpu.memref_squeeze %dma_start3A_278 : memref<1x1x128xi32, #tpu.memory_space<hbm>> -> memref<128xi32, #tpu.memory_space<hbm>>
        tpu.enqueue_dma source(%dma_start3A_279 : memref<128xi32, #tpu.memory_space<hbm>>) target(%dma_start3A_276 : memref<128xi32, #tpu.memory_space<vmem>>) target_semaphore(%arg15 : memref<!tpu.dma_semaphore, #tpu.memory_space<semaphore_mem>>)
      } else {
      }
      %add3A_227 = arith.constant 3 : i32
      %add3A_228 = arith.addi %mul3A_158, %add3A_227 : i32
      %add3A_229 = arith.constant 1 : i32
      %add3A_230 = arith.addi %add3A_228, %add3A_229 : i32
      %lt3A_231 = arith.constant 80 : i32
      %lt3A_232 = arith.cmpi slt, %add3A_230, %lt3A_231 : i32
      %convert_element_type3A_233 = arith.extui %lt3A_232 : i1 to i32
      %cond3A_234 = arith.constant 0 : i32
      %cond3A_235 = arith.cmpi ne, %convert_element_type3A_233, %cond3A_234 : i32
      scf.if %cond3A_235 {
        %add3A_252 = arith.constant 1 : i32
        %add3A_253 = arith.addi %add3A_228, %add3A_252 : i32
        %dma_wait3A_254 = arith.constant 0 : i32
        %dma_wait3A_255 = arith.constant 0 : i32
        %dma_wait3A_256 = tpu.memref_slice %arg7[%dma_wait3A_254, %dma_wait3A_255] : memref<4x128xi32, #tpu.memory_space<vmem>> -> memref<1x128xi32, #tpu.memory_space<vmem>>
        %dma_wait3A_257 = tpu.memref_squeeze %dma_wait3A_256 : memref<1x128xi32, #tpu.memory_space<vmem>> -> memref<128xi32, #tpu.memory_space<vmem>>
        %dma_wait3A_258 = arith.constant 0 : i32
        %dma_wait3A_259 = tpu.memref_slice %arg3[%add3A, %add3A_253, %dma_wait3A_258] : memref<32x80x128xi32, #tpu.memory_space<hbm>> -> memref<1x1x128xi32, #tpu.memory_space<hbm>>
        %dma_wait3A_260 = tpu.memref_squeeze %dma_wait3A_259 : memref<1x1x128xi32, #tpu.memory_space<hbm>> -> memref<128xi32, #tpu.memory_space<hbm>>
        %dma_wait3A_261 = arith.constant 0 : i32
        %dma_wait3A_262 = tpu.memref_slice %arg7[%dma_wait3A_254, %dma_wait3A_261] : memref<4x128xi32, #tpu.memory_space<vmem>> -> memref<1x128xi32, #tpu.memory_space<vmem>>
        %dma_wait3A_263 = tpu.memref_squeeze %dma_wait3A_262 : memref<1x128xi32, #tpu.memory_space<vmem>> -> memref<128xi32, #tpu.memory_space<vmem>>
        %dma_wait3A_264 = arith.constant 0 : i32
        %dma_wait3A_265 = tpu.memref_slice %arg3[%add3A, %add3A_253, %dma_wait3A_264] : memref<32x80x128xi32, #tpu.memory_space<hbm>> -> memref<1x1x128xi32, #tpu.memory_space<hbm>>
        %dma_wait3A_266 = tpu.memref_squeeze %dma_wait3A_265 : memref<1x1x128xi32, #tpu.memory_space<hbm>> -> memref<128xi32, #tpu.memory_space<hbm>>
        tpu.wait_dma2 semaphore(%arg13 : memref<!tpu.dma_semaphore, #tpu.memory_space<semaphore_mem>>) src(%dma_wait3A_266 : memref<128xi32, #tpu.memory_space<hbm>>) dst(%dma_wait3A_263 : memref<128xi32, #tpu.memory_space<vmem>>)
        %dma_wait3A_267 = arith.constant 0 : i32
        %dma_wait3A_268 = arith.constant 0 : i32
        %dma_wait3A_269 = tpu.memref_slice %arg8[%dma_wait3A_267, %dma_wait3A_268] : memref<4x128xi32, #tpu.memory_space<vmem>> -> memref<1x128xi32, #tpu.memory_space<vmem>>
        %dma_wait3A_270 = tpu.memref_squeeze %dma_wait3A_269 : memref<1x128xi32, #tpu.memory_space<vmem>> -> memref<128xi32, #tpu.memory_space<vmem>>
        %dma_wait3A_271 = arith.constant 0 : i32
        %dma_wait3A_272 = tpu.memref_slice %arg4[%add3A, %add3A_253, %dma_wait3A_271] : memref<32x80x128xi32, #tpu.memory_space<hbm>> -> memref<1x1x128xi32, #tpu.memory_space<hbm>>
        %dma_wait3A_273 = tpu.memref_squeeze %dma_wait3A_272 : memref<1x1x128xi32, #tpu.memory_space<hbm>> -> memref<128xi32, #tpu.memory_space<hbm>>
        %dma_wait3A_274 = arith.constant 0 : i32
        %dma_wait3A_275 = tpu.memref_slice %arg8[%dma_wait3A_267, %dma_wait3A_274] : memref<4x128xi32, #tpu.memory_space<vmem>> -> memref<1x128xi32, #tpu.memory_space<vmem>>
        %dma_wait3A_276 = tpu.memref_squeeze %dma_wait3A_275 : memref<1x128xi32, #tpu.memory_space<vmem>> -> memref<128xi32, #tpu.memory_space<vmem>>
        %dma_wait3A_277 = arith.constant 0 : i32
        %dma_wait3A_278 = tpu.memref_slice %arg4[%add3A, %add3A_253, %dma_wait3A_277] : memref<32x80x128xi32, #tpu.memory_space<hbm>> -> memref<1x1x128xi32, #tpu.memory_space<hbm>>
        %dma_wait3A_279 = tpu.memref_squeeze %dma_wait3A_278 : memref<1x1x128xi32, #tpu.memory_space<hbm>> -> memref<128xi32, #tpu.memory_space<hbm>>
        tpu.wait_dma2 semaphore(%arg13 : memref<!tpu.dma_semaphore, #tpu.memory_space<semaphore_mem>>) src(%dma_wait3A_279 : memref<128xi32, #tpu.memory_space<hbm>>) dst(%dma_wait3A_276 : memref<128xi32, #tpu.memory_space<vmem>>)
        %dma_start3A_280 = arith.constant 0 : i32
        %dma_start3A_281 = arith.constant 0 : i32
        %dma_start3A_282 = tpu.memref_slice %arg7[%dma_start3A_280, %dma_start3A_281] : memref<4x128xi32, #tpu.memory_space<vmem>> -> memref<1x128xi32, #tpu.memory_space<vmem>>
        %dma_start3A_283 = tpu.memref_squeeze %dma_start3A_282 : memref<1x128xi32, #tpu.memory_space<vmem>> -> memref<128xi32, #tpu.memory_space<vmem>>
        %dma_start3A_284 = arith.constant 0 : i32
        %dma_start3A_285 = arith.constant 0 : i32
        %dma_start3A_286 = tpu.memref_slice %arg2[%dma_start3A_284, %dma_start3A_285] : memref<10000x128xf32, #tpu.memory_space<hbm>> -> memref<10000x128xf32, #tpu.memory_space<hbm>>
        tpu.enqueue_indirect_dma source(%dma_start3A_286 : memref<10000x128xf32, #tpu.memory_space<hbm>>) target(%arg9 : memref<128x128xf32, #tpu.memory_space<vmem>>) offsets(%dma_start3A_283 : memref<128xi32, #tpu.memory_space<vmem>>) semaphore(%arg11 : memref<!tpu.dma_semaphore, #tpu.memory_space<semaphore_mem>>)
      } else {
      }
      %dma_wait3A_236 = arith.constant 3 : i32
      %dma_wait3A_237 = arith.constant 0 : i32
      %dma_wait3A_238 = tpu.memref_slice %arg7[%dma_wait3A_236, %dma_wait3A_237] : memref<4x128xi32, #tpu.memory_space<vmem>> -> memref<1x128xi32, #tpu.memory_space<vmem>>
      %dma_wait3A_239 = tpu.memref_squeeze %dma_wait3A_238 : memref<1x128xi32, #tpu.memory_space<vmem>> -> memref<128xi32, #tpu.memory_space<vmem>>
      %dma_wait3A_240 = arith.constant 0 : i32
      %dma_wait3A_241 = arith.constant 0 : i32
      %dma_wait3A_242 = tpu.memref_slice %arg2[%dma_wait3A_240, %dma_wait3A_241] : memref<10000x128xf32, #tpu.memory_space<hbm>> -> memref<10000x128xf32, #tpu.memory_space<hbm>>
      tpu.wait_indirect_dma semaphore(%arg12 : memref<!tpu.dma_semaphore, #tpu.memory_space<semaphore_mem>>) src(%dma_wait3A_242 : memref<10000x128xf32, #tpu.memory_space<hbm>>) dst(%arg10 : memref<128x128xf32, #tpu.memory_space<vmem>>)
      %run_scoped3A_243 = arith.constant 3 : i32
      "tpu.region"() ({
        %run_scoped3A_252 = tpu.sem_alloc : memref<!tpu.dma_semaphore, #tpu.memory_space<semaphore_mem>>
        %dma_start3A_253 = arith.constant 0 : i32
        %dma_start3A_254 = tpu.memref_slice %arg8[%run_scoped3A_243, %dma_start3A_253] : memref<4x128xi32, #tpu.memory_space<vmem>> -> memref<1x128xi32, #tpu.memory_space<vmem>>
        %dma_start3A_255 = tpu.memref_squeeze %dma_start3A_254 : memref<1x128xi32, #tpu.memory_space<vmem>> -> memref<128xi32, #tpu.memory_space<vmem>>
        %dma_start3A_256 = arith.constant 0 : i32
        %dma_start3A_257 = arith.constant 0 : i32
        %dma_start3A_258 = tpu.memref_slice %arg17[%dma_start3A_256, %dma_start3A_257] : memref<10112x128xf32, #tpu.memory_space<vmem_shared>> -> memref<10112x128xf32, #tpu.memory_space<vmem_shared>>
        tpu.enqueue_indirect_dma source(%arg10 : memref<128x128xf32, #tpu.memory_space<vmem>>) target(%dma_start3A_258 : memref<10112x128xf32, #tpu.memory_space<vmem_shared>>) offsets(%dma_start3A_255 : memref<128xi32, #tpu.memory_space<vmem>>) semaphore(%run_scoped3A_252 : memref<!tpu.dma_semaphore, #tpu.memory_space<semaphore_mem>>) {add = true}
        %dma_wait3A_259 = arith.constant 0 : i32
        %dma_wait3A_260 = tpu.memref_slice %arg8[%run_scoped3A_243, %dma_wait3A_259] : memref<4x128xi32, #tpu.memory_space<vmem>> -> memref<1x128xi32, #tpu.memory_space<vmem>>
        %dma_wait3A_261 = tpu.memref_squeeze %dma_wait3A_260 : memref<1x128xi32, #tpu.memory_space<vmem>> -> memref<128xi32, #tpu.memory_space<vmem>>
        %dma_wait3A_262 = arith.constant 0 : i32
        %dma_wait3A_263 = arith.constant 0 : i32
        %dma_wait3A_264 = tpu.memref_slice %arg17[%dma_wait3A_262, %dma_wait3A_263] : memref<10112x128xf32, #tpu.memory_space<vmem_shared>> -> memref<10112x128xf32, #tpu.memory_space<vmem_shared>>
        tpu.wait_indirect_dma semaphore(%run_scoped3A_252 : memref<!tpu.dma_semaphore, #tpu.memory_space<semaphore_mem>>) src(%arg10 : memref<128x128xf32, #tpu.memory_space<vmem>>) dst(%dma_wait3A_264 : memref<10112x128xf32, #tpu.memory_space<vmem_shared>>)
        tpu.yield
      }) : () -> ()
      %add3A_244 = arith.constant 4 : i32
      %add3A_245 = arith.addi %add3A_228, %add3A_244 : i32
      %lt3A_246 = arith.constant 80 : i32
      %lt3A_247 = arith.cmpi slt, %add3A_245, %lt3A_246 : i32
      %convert_element_type3A_248 = arith.extui %lt3A_247 : i1 to i32
      %cond3A_249 = arith.constant 0 : i32
      %cond3A_250 = arith.cmpi ne, %convert_element_type3A_248, %cond3A_249 : i32
      scf.if %cond3A_250 {
        %add3A_252 = arith.constant 4 : i32
        %add3A_253 = arith.addi %add3A_228, %add3A_252 : i32
        %dma_start3A_254 = arith.constant 3 : i32
        %dma_start3A_255 = arith.constant 0 : i32
        %dma_start3A_256 = tpu.memref_slice %arg7[%dma_start3A_254, %dma_start3A_255] : memref<4x128xi32, #tpu.memory_space<vmem>> -> memref<1x128xi32, #tpu.memory_space<vmem>>
        %dma_start3A_257 = tpu.memref_squeeze %dma_start3A_256 : memref<1x128xi32, #tpu.memory_space<vmem>> -> memref<128xi32, #tpu.memory_space<vmem>>
        %dma_start3A_258 = arith.constant 0 : i32
        %dma_start3A_259 = tpu.memref_slice %arg3[%add3A, %add3A_253, %dma_start3A_258] : memref<32x80x128xi32, #tpu.memory_space<hbm>> -> memref<1x1x128xi32, #tpu.memory_space<hbm>>
        %dma_start3A_260 = tpu.memref_squeeze %dma_start3A_259 : memref<1x1x128xi32, #tpu.memory_space<hbm>> -> memref<128xi32, #tpu.memory_space<hbm>>
        %dma_start3A_261 = arith.constant 0 : i32
        %dma_start3A_262 = tpu.memref_slice %arg7[%dma_start3A_254, %dma_start3A_261] : memref<4x128xi32, #tpu.memory_space<vmem>> -> memref<1x128xi32, #tpu.memory_space<vmem>>
        %dma_start3A_263 = tpu.memref_squeeze %dma_start3A_262 : memref<1x128xi32, #tpu.memory_space<vmem>> -> memref<128xi32, #tpu.memory_space<vmem>>
        %dma_start3A_264 = arith.constant 0 : i32
        %dma_start3A_265 = tpu.memref_slice %arg3[%add3A, %add3A_253, %dma_start3A_264] : memref<32x80x128xi32, #tpu.memory_space<hbm>> -> memref<1x1x128xi32, #tpu.memory_space<hbm>>
        %dma_start3A_266 = tpu.memref_squeeze %dma_start3A_265 : memref<1x1x128xi32, #tpu.memory_space<hbm>> -> memref<128xi32, #tpu.memory_space<hbm>>
        tpu.enqueue_dma source(%dma_start3A_266 : memref<128xi32, #tpu.memory_space<hbm>>) target(%dma_start3A_263 : memref<128xi32, #tpu.memory_space<vmem>>) target_semaphore(%arg16 : memref<!tpu.dma_semaphore, #tpu.memory_space<semaphore_mem>>)
        %dma_start3A_267 = arith.constant 3 : i32
        %dma_start3A_268 = arith.constant 0 : i32
        %dma_start3A_269 = tpu.memref_slice %arg8[%dma_start3A_267, %dma_start3A_268] : memref<4x128xi32, #tpu.memory_space<vmem>> -> memref<1x128xi32, #tpu.memory_space<vmem>>
        %dma_start3A_270 = tpu.memref_squeeze %dma_start3A_269 : memref<1x128xi32, #tpu.memory_space<vmem>> -> memref<128xi32, #tpu.memory_space<vmem>>
        %dma_start3A_271 = arith.constant 0 : i32
        %dma_start3A_272 = tpu.memref_slice %arg4[%add3A, %add3A_253, %dma_start3A_271] : memref<32x80x128xi32, #tpu.memory_space<hbm>> -> memref<1x1x128xi32, #tpu.memory_space<hbm>>
        %dma_start3A_273 = tpu.memref_squeeze %dma_start3A_272 : memref<1x1x128xi32, #tpu.memory_space<hbm>> -> memref<128xi32, #tpu.memory_space<hbm>>
        %dma_start3A_274 = arith.constant 0 : i32
        %dma_start3A_275 = tpu.memref_slice %arg8[%dma_start3A_267, %dma_start3A_274] : memref<4x128xi32, #tpu.memory_space<vmem>> -> memref<1x128xi32, #tpu.memory_space<vmem>>
        %dma_start3A_276 = tpu.memref_squeeze %dma_start3A_275 : memref<1x128xi32, #tpu.memory_space<vmem>> -> memref<128xi32, #tpu.memory_space<vmem>>
        %dma_start3A_277 = arith.constant 0 : i32
        %dma_start3A_278 = tpu.memref_slice %arg4[%add3A, %add3A_253, %dma_start3A_277] : memref<32x80x128xi32, #tpu.memory_space<hbm>> -> memref<1x1x128xi32, #tpu.memory_space<hbm>>
        %dma_start3A_279 = tpu.memref_squeeze %dma_start3A_278 : memref<1x1x128xi32, #tpu.memory_space<hbm>> -> memref<128xi32, #tpu.memory_space<hbm>>
        tpu.enqueue_dma source(%dma_start3A_279 : memref<128xi32, #tpu.memory_space<hbm>>) target(%dma_start3A_276 : memref<128xi32, #tpu.memory_space<vmem>>) target_semaphore(%arg16 : memref<!tpu.dma_semaphore, #tpu.memory_space<semaphore_mem>>)
      } else {
      }
      %scan3A_251 = arith.constant 0 : i32
      scf.yield %scan3A_251 : i32
    }
    %scan3A_153 = arith.constant 20 : i32
    %barrier3A_154 = arith.constant 0 : index
    tpu.barrier barrier_id(%barrier3A_154)
    "tpu.region"() ({
      %run_scoped3A = tpu.sem_alloc : memref<!tpu.dma_semaphore, #tpu.memory_space<semaphore_mem>>
      %dma_start3A_155 = arith.constant 0 : i32
      %dma_start3A_156 = tpu.memref_slice %arg6[%arg0, %mul3A_2, %dma_start3A_155] : memref<2x10112x128xf32, #tpu.memory_space<hbm>> -> memref<1x632x128xf32, #tpu.memory_space<hbm>>
      %dma_start3A_157 = tpu.memref_squeeze %dma_start3A_156 : memref<1x632x128xf32, #tpu.memory_space<hbm>> -> memref<632x128xf32, #tpu.memory_space<hbm>>
      %dma_start3A_158 = arith.constant 0 : i32
      %dma_start3A_159 = tpu.memref_slice %arg17[%mul3A_2, %dma_start3A_158] : memref<10112x128xf32, #tpu.memory_space<vmem_shared>> -> memref<632x128xf32, #tpu.memory_space<vmem_shared>>
      tpu.enqueue_dma source(%dma_start3A_159 : memref<632x128xf32, #tpu.memory_space<vmem_shared>>) target(%dma_start3A_157 : memref<632x128xf32, #tpu.memory_space<hbm>>) target_semaphore(%run_scoped3A : memref<!tpu.dma_semaphore, #tpu.memory_space<semaphore_mem>>)
      %dma_wait3A_160 = arith.constant 0 : i32
      %dma_wait3A_161 = tpu.memref_slice %arg6[%arg0, %mul3A_2, %dma_wait3A_160] : memref<2x10112x128xf32, #tpu.memory_space<hbm>> -> memref<1x632x128xf32, #tpu.memory_space<hbm>>
      %dma_wait3A_162 = tpu.memref_squeeze %dma_wait3A_161 : memref<1x632x128xf32, #tpu.memory_space<hbm>> -> memref<632x128xf32, #tpu.memory_space<hbm>>
      %dma_wait3A_163 = arith.constant 0 : i32
      %dma_wait3A_164 = tpu.memref_slice %arg17[%mul3A_2, %dma_wait3A_163] : memref<10112x128xf32, #tpu.memory_space<vmem_shared>> -> memref<632x128xf32, #tpu.memory_space<vmem_shared>>
      tpu.wait_dma2 semaphore(%run_scoped3A : memref<!tpu.dma_semaphore, #tpu.memory_space<semaphore_mem>>) src(%dma_wait3A_164 : memref<632x128xf32, #tpu.memory_space<vmem_shared>>) dst(%dma_wait3A_162 : memref<632x128xf32, #tpu.memory_space<hbm>>)
      tpu.yield
    }) : () -> ()
    return
  }
}

#map = affine_map<(d0, d1) -> (0, 0)>
#map1 = affine_map<(d0, d1) -> (0, 0, 0)>
module attributes {stable_mosaic.version = 14 : i64} {
  func.func @sc_sage_agg(%arg0: i32, %arg1: i32, %arg2: memref<10000x128xf32, #tpu.memory_space<hbm>>, %arg3: memref<32x80x128xi32, #tpu.memory_space<hbm>>, %arg4: memref<32x80x128xi32, #tpu.memory_space<hbm>>, %arg5: memref<10112x128xf32, #tpu.memory_space<hbm>>, %arg6: memref<2x10112x128xf32, #tpu.memory_space<hbm>>, %arg7: memref<4x128xi32, #tpu.memory_space<vmem>>, %arg8: memref<4x128xi32, #tpu.memory_space<vmem>>, %arg9: memref<128x128xf32, #tpu.memory_space<vmem>>, %arg10: memref<128x128xf32, #tpu.memory_space<vmem>>, %arg11: memref<!tpu.dma_semaphore, #tpu.memory_space<semaphore_mem>>, %arg12: memref<!tpu.dma_semaphore, #tpu.memory_space<semaphore_mem>>, %arg13: memref<!tpu.dma_semaphore, #tpu.memory_space<semaphore_mem>>, %arg14: memref<!tpu.dma_semaphore, #tpu.memory_space<semaphore_mem>>, %arg15: memref<!tpu.dma_semaphore, #tpu.memory_space<semaphore_mem>>, %arg16: memref<!tpu.dma_semaphore, #tpu.memory_space<semaphore_mem>>, %arg17: memref<10112x128xf32, #tpu.memory_space<vmem_shared>>) attributes {dimension_semantics = [#tpu.dimension_semantics<core_parallel>, #tpu.dimension_semantics<subcore_parallel>], iteration_bounds = array<i64: 2, 16>, scalar_prefetch = 0 : i64, scratch_operands = 11 : i64, tpu.core_type = #tpu.core_type<sc_vector_subcore>, window_params = [{transform_indices = #map}, {transform_indices = #map1}, {transform_indices = #map1}, {transform_indices = #map}, {transform_indices = #map1}]} {
    %mul3A = arith.constant 2 : i32
    %mul3A_0 = arith.muli %arg1, %mul3A : i32
    %add3A = arith.addi %mul3A_0, %arg0 : i32
    %mul3A_1 = arith.constant 632 : i32
    %mul3A_2 = arith.muli %arg1, %mul3A_1 : i32
    "tpu.region"() ({
      %run_scoped3A = tpu.sem_alloc : memref<!tpu.dma_semaphore, #tpu.memory_space<semaphore_mem>>
      %dma_start3A_155 = arith.constant 0 : i32
      %dma_start3A_156 = tpu.memref_slice %arg17[%mul3A_2, %dma_start3A_155] : memref<10112x128xf32, #tpu.memory_space<vmem_shared>> -> memref<632x128xf32, #tpu.memory_space<vmem_shared>>
      %dma_start3A_157 = arith.constant 0 : i32
      %dma_start3A_158 = tpu.memref_slice %arg5[%mul3A_2, %dma_start3A_157] : memref<10112x128xf32, #tpu.memory_space<hbm>> -> memref<632x128xf32, #tpu.memory_space<hbm>>
      tpu.enqueue_dma source(%dma_start3A_158 : memref<632x128xf32, #tpu.memory_space<hbm>>) target(%dma_start3A_156 : memref<632x128xf32, #tpu.memory_space<vmem_shared>>) target_semaphore(%run_scoped3A : memref<!tpu.dma_semaphore, #tpu.memory_space<semaphore_mem>>)
      %dma_wait3A_159 = arith.constant 0 : i32
      %dma_wait3A_160 = tpu.memref_slice %arg17[%mul3A_2, %dma_wait3A_159] : memref<10112x128xf32, #tpu.memory_space<vmem_shared>> -> memref<632x128xf32, #tpu.memory_space<vmem_shared>>
      %dma_wait3A_161 = arith.constant 0 : i32
      %dma_wait3A_162 = tpu.memref_slice %arg5[%mul3A_2, %dma_wait3A_161] : memref<10112x128xf32, #tpu.memory_space<hbm>> -> memref<632x128xf32, #tpu.memory_space<hbm>>
      tpu.wait_dma2 semaphore(%run_scoped3A : memref<!tpu.dma_semaphore, #tpu.memory_space<semaphore_mem>>) src(%dma_wait3A_162 : memref<632x128xf32, #tpu.memory_space<hbm>>) dst(%dma_wait3A_160 : memref<632x128xf32, #tpu.memory_space<vmem_shared>>)
      tpu.yield
    }) : () -> ()
    %barrier3A = arith.constant 0 : index
    tpu.barrier barrier_id(%barrier3A)
    %dma_start3A = arith.constant 0 : i32
    %dma_start3A_3 = arith.constant 0 : i32
    %dma_start3A_4 = arith.constant 0 : i32
    %dma_start3A_5 = tpu.memref_slice %arg7[%dma_start3A_3, %dma_start3A_4] : memref<4x128xi32, #tpu.memory_space<vmem>> -> memref<1x128xi32, #tpu.memory_space<vmem>>
    %dma_start3A_6 = tpu.memref_squeeze %dma_start3A_5 : memref<1x128xi32, #tpu.memory_space<vmem>> -> memref<128xi32, #tpu.memory_space<vmem>>
    %dma_start3A_7 = arith.constant 0 : i32
    %dma_start3A_8 = tpu.memref_slice %arg3[%add3A, %dma_start3A, %dma_start3A_7] : memref<32x80x128xi32, #tpu.memory_space<hbm>> -> memref<1x1x128xi32, #tpu.memory_space<hbm>>
    %dma_start3A_9 = tpu.memref_squeeze %dma_start3A_8 : memref<1x1x128xi32, #tpu.memory_space<hbm>> -> memref<128xi32, #tpu.memory_space<hbm>>
    %dma_start3A_10 = arith.constant 0 : i32
    %dma_start3A_11 = tpu.memref_slice %arg7[%dma_start3A_3, %dma_start3A_10] : memref<4x128xi32, #tpu.memory_space<vmem>> -> memref<1x128xi32, #tpu.memory_space<vmem>>
    %dma_start3A_12 = tpu.memref_squeeze %dma_start3A_11 : memref<1x128xi32, #tpu.memory_space<vmem>> -> memref<128xi32, #tpu.memory_space<vmem>>
    %dma_start3A_13 = arith.constant 0 : i32
    %dma_start3A_14 = tpu.memref_slice %arg3[%add3A, %dma_start3A, %dma_start3A_13] : memref<32x80x128xi32, #tpu.memory_space<hbm>> -> memref<1x1x128xi32, #tpu.memory_space<hbm>>
    %dma_start3A_15 = tpu.memref_squeeze %dma_start3A_14 : memref<1x1x128xi32, #tpu.memory_space<hbm>> -> memref<128xi32, #tpu.memory_space<hbm>>
    tpu.enqueue_dma source(%dma_start3A_15 : memref<128xi32, #tpu.memory_space<hbm>>) target(%dma_start3A_12 : memref<128xi32, #tpu.memory_space<vmem>>) target_semaphore(%arg13 : memref<!tpu.dma_semaphore, #tpu.memory_space<semaphore_mem>>)
    %dma_wait3A = arith.constant 0 : i32
    %dma_wait3A_16 = arith.constant 0 : i32
    %dma_wait3A_17 = arith.constant 0 : i32
    %dma_wait3A_18 = tpu.memref_slice %arg7[%dma_wait3A_16, %dma_wait3A_17] : memref<4x128xi32, #tpu.memory_space<vmem>> -> memref<1x128xi32, #tpu.memory_space<vmem>>
    %dma_wait3A_19 = tpu.memref_squeeze %dma_wait3A_18 : memref<1x128xi32, #tpu.memory_space<vmem>> -> memref<128xi32, #tpu.memory_space<vmem>>
    %dma_wait3A_20 = arith.constant 0 : i32
    %dma_wait3A_21 = tpu.memref_slice %arg3[%add3A, %dma_wait3A, %dma_wait3A_20] : memref<32x80x128xi32, #tpu.memory_space<hbm>> -> memref<1x1x128xi32, #tpu.memory_space<hbm>>
    %dma_wait3A_22 = tpu.memref_squeeze %dma_wait3A_21 : memref<1x1x128xi32, #tpu.memory_space<hbm>> -> memref<128xi32, #tpu.memory_space<hbm>>
    %dma_wait3A_23 = arith.constant 0 : i32
    %dma_wait3A_24 = tpu.memref_slice %arg7[%dma_wait3A_16, %dma_wait3A_23] : memref<4x128xi32, #tpu.memory_space<vmem>> -> memref<1x128xi32, #tpu.memory_space<vmem>>
    %dma_wait3A_25 = tpu.memref_squeeze %dma_wait3A_24 : memref<1x128xi32, #tpu.memory_space<vmem>> -> memref<128xi32, #tpu.memory_space<vmem>>
    %dma_wait3A_26 = arith.constant 0 : i32
    %dma_wait3A_27 = tpu.memref_slice %arg3[%add3A, %dma_wait3A, %dma_wait3A_26] : memref<32x80x128xi32, #tpu.memory_space<hbm>> -> memref<1x1x128xi32, #tpu.memory_space<hbm>>
    %dma_wait3A_28 = tpu.memref_squeeze %dma_wait3A_27 : memref<1x1x128xi32, #tpu.memory_space<hbm>> -> memref<128xi32, #tpu.memory_space<hbm>>
    tpu.wait_dma2 semaphore(%arg13 : memref<!tpu.dma_semaphore, #tpu.memory_space<semaphore_mem>>) src(%dma_wait3A_28 : memref<128xi32, #tpu.memory_space<hbm>>) dst(%dma_wait3A_25 : memref<128xi32, #tpu.memory_space<vmem>>)
    %dma_start3A_29 = arith.constant 0 : i32
    %dma_start3A_30 = arith.constant 0 : i32
    %dma_start3A_31 = arith.constant 0 : i32
    %dma_start3A_32 = tpu.memref_slice %arg8[%dma_start3A_30, %dma_start3A_31] : memref<4x128xi32, #tpu.memory_space<vmem>> -> memref<1x128xi32, #tpu.memory_space<vmem>>
    %dma_start3A_33 = tpu.memref_squeeze %dma_start3A_32 : memref<1x128xi32, #tpu.memory_space<vmem>> -> memref<128xi32, #tpu.memory_space<vmem>>
    %dma_start3A_34 = arith.constant 0 : i32
    %dma_start3A_35 = tpu.memref_slice %arg4[%add3A, %dma_start3A_29, %dma_start3A_34] : memref<32x80x128xi32, #tpu.memory_space<hbm>> -> memref<1x1x128xi32, #tpu.memory_space<hbm>>
    %dma_start3A_36 = tpu.memref_squeeze %dma_start3A_35 : memref<1x1x128xi32, #tpu.memory_space<hbm>> -> memref<128xi32, #tpu.memory_space<hbm>>
    %dma_start3A_37 = arith.constant 0 : i32
    %dma_start3A_38 = tpu.memref_slice %arg8[%dma_start3A_30, %dma_start3A_37] : memref<4x128xi32, #tpu.memory_space<vmem>> -> memref<1x128xi32, #tpu.memory_space<vmem>>
    %dma_start3A_39 = tpu.memref_squeeze %dma_start3A_38 : memref<1x128xi32, #tpu.memory_space<vmem>> -> memref<128xi32, #tpu.memory_space<vmem>>
    %dma_start3A_40 = arith.constant 0 : i32
    %dma_start3A_41 = tpu.memref_slice %arg4[%add3A, %dma_start3A_29, %dma_start3A_40] : memref<32x80x128xi32, #tpu.memory_space<hbm>> -> memref<1x1x128xi32, #tpu.memory_space<hbm>>
    %dma_start3A_42 = tpu.memref_squeeze %dma_start3A_41 : memref<1x1x128xi32, #tpu.memory_space<hbm>> -> memref<128xi32, #tpu.memory_space<hbm>>
    tpu.enqueue_dma source(%dma_start3A_42 : memref<128xi32, #tpu.memory_space<hbm>>) target(%dma_start3A_39 : memref<128xi32, #tpu.memory_space<vmem>>) target_semaphore(%arg13 : memref<!tpu.dma_semaphore, #tpu.memory_space<semaphore_mem>>)
    %dma_wait3A_43 = arith.constant 0 : i32
    %dma_wait3A_44 = arith.constant 0 : i32
    %dma_wait3A_45 = arith.constant 0 : i32
    %dma_wait3A_46 = tpu.memref_slice %arg8[%dma_wait3A_44, %dma_wait3A_45] : memref<4x128xi32, #tpu.memory_space<vmem>> -> memref<1x128xi32, #tpu.memory_space<vmem>>
    %dma_wait3A_47 = tpu.memref_squeeze %dma_wait3A_46 : memref<1x128xi32, #tpu.memory_space<vmem>> -> memref<128xi32, #tpu.memory_space<vmem>>
    %dma_wait3A_48 = arith.constant 0 : i32
    %dma_wait3A_49 = tpu.memref_slice %arg4[%add3A, %dma_wait3A_43, %dma_wait3A_48] : memref<32x80x128xi32, #tpu.memory_space<hbm>> -> memref<1x1x128xi32, #tpu.memory_space<hbm>>
    %dma_wait3A_50 = tpu.memref_squeeze %dma_wait3A_49 : memref<1x1x128xi32, #tpu.memory_space<hbm>> -> memref<128xi32, #tpu.memory_space<hbm>>
    %dma_wait3A_51 = arith.constant 0 : i32
    %dma_wait3A_52 = tpu.memref_slice %arg8[%dma_wait3A_44, %dma_wait3A_51] : memref<4x128xi32, #tpu.memory_space<vmem>> -> memref<1x128xi32, #tpu.memory_space<vmem>>
    %dma_wait3A_53 = tpu.memref_squeeze %dma_wait3A_52 : memref<1x128xi32, #tpu.memory_space<vmem>> -> memref<128xi32, #tpu.memory_space<vmem>>
    %dma_wait3A_54 = arith.constant 0 : i32
    %dma_wait3A_55 = tpu.memref_slice %arg4[%add3A, %dma_wait3A_43, %dma_wait3A_54] : memref<32x80x128xi32, #tpu.memory_space<hbm>> -> memref<1x1x128xi32, #tpu.memory_space<hbm>>
    %dma_wait3A_56 = tpu.memref_squeeze %dma_wait3A_55 : memref<1x1x128xi32, #tpu.memory_space<hbm>> -> memref<128xi32, #tpu.memory_space<hbm>>
    tpu.wait_dma2 semaphore(%arg13 : memref<!tpu.dma_semaphore, #tpu.memory_space<semaphore_mem>>) src(%dma_wait3A_56 : memref<128xi32, #tpu.memory_space<hbm>>) dst(%dma_wait3A_53 : memref<128xi32, #tpu.memory_space<vmem>>)
    %dma_start3A_57 = arith.constant 0 : i32
    %dma_start3A_58 = arith.constant 0 : i32
    %dma_start3A_59 = tpu.memref_slice %arg7[%dma_start3A_57, %dma_start3A_58] : memref<4x128xi32, #tpu.memory_space<vmem>> -> memref<1x128xi32, #tpu.memory_space<vmem>>
    %dma_start3A_60 = tpu.memref_squeeze %dma_start3A_59 : memref<1x128xi32, #tpu.memory_space<vmem>> -> memref<128xi32, #tpu.memory_space<vmem>>
    %dma_start3A_61 = arith.constant 0 : i32
    %dma_start3A_62 = arith.constant 0 : i32
    %dma_start3A_63 = tpu.memref_slice %arg2[%dma_start3A_61, %dma_start3A_62] : memref<10000x128xf32, #tpu.memory_space<hbm>> -> memref<10000x128xf32, #tpu.memory_space<hbm>>
    tpu.enqueue_indirect_dma source(%dma_start3A_63 : memref<10000x128xf32, #tpu.memory_space<hbm>>) target(%arg9 : memref<128x128xf32, #tpu.memory_space<vmem>>) offsets(%dma_start3A_60 : memref<128xi32, #tpu.memory_space<vmem>>) semaphore(%arg11 : memref<!tpu.dma_semaphore, #tpu.memory_space<semaphore_mem>>)
    %dma_start3A_64 = arith.constant 1 : i32
    %dma_start3A_65 = arith.constant 1 : i32
    %dma_start3A_66 = arith.constant 0 : i32
    %dma_start3A_67 = tpu.memref_slice %arg7[%dma_start3A_65, %dma_start3A_66] : memref<4x128xi32, #tpu.memory_space<vmem>> -> memref<1x128xi32, #tpu.memory_space<vmem>>
    %dma_start3A_68 = tpu.memref_squeeze %dma_start3A_67 : memref<1x128xi32, #tpu.memory_space<vmem>> -> memref<128xi32, #tpu.memory_space<vmem>>
    %dma_start3A_69 = arith.constant 0 : i32
    %dma_start3A_70 = tpu.memref_slice %arg3[%add3A, %dma_start3A_64, %dma_start3A_69] : memref<32x80x128xi32, #tpu.memory_space<hbm>> -> memref<1x1x128xi32, #tpu.memory_space<hbm>>
    %dma_start3A_71 = tpu.memref_squeeze %dma_start3A_70 : memref<1x1x128xi32, #tpu.memory_space<hbm>> -> memref<128xi32, #tpu.memory_space<hbm>>
    %dma_start3A_72 = arith.constant 0 : i32
    %dma_start3A_73 = tpu.memref_slice %arg7[%dma_start3A_65, %dma_start3A_72] : memref<4x128xi32, #tpu.memory_space<vmem>> -> memref<1x128xi32, #tpu.memory_space<vmem>>
    %dma_start3A_74 = tpu.memref_squeeze %dma_start3A_73 : memref<1x128xi32, #tpu.memory_space<vmem>> -> memref<128xi32, #tpu.memory_space<vmem>>
    %dma_start3A_75 = arith.constant 0 : i32
    %dma_start3A_76 = tpu.memref_slice %arg3[%add3A, %dma_start3A_64, %dma_start3A_75] : memref<32x80x128xi32, #tpu.memory_space<hbm>> -> memref<1x1x128xi32, #tpu.memory_space<hbm>>
    %dma_start3A_77 = tpu.memref_squeeze %dma_start3A_76 : memref<1x1x128xi32, #tpu.memory_space<hbm>> -> memref<128xi32, #tpu.memory_space<hbm>>
    tpu.enqueue_dma source(%dma_start3A_77 : memref<128xi32, #tpu.memory_space<hbm>>) target(%dma_start3A_74 : memref<128xi32, #tpu.memory_space<vmem>>) target_semaphore(%arg14 : memref<!tpu.dma_semaphore, #tpu.memory_space<semaphore_mem>>)
    %dma_start3A_78 = arith.constant 1 : i32
    %dma_start3A_79 = arith.constant 1 : i32
    %dma_start3A_80 = arith.constant 0 : i32
    %dma_start3A_81 = tpu.memref_slice %arg8[%dma_start3A_79, %dma_start3A_80] : memref<4x128xi32, #tpu.memory_space<vmem>> -> memref<1x128xi32, #tpu.memory_space<vmem>>
    %dma_start3A_82 = tpu.memref_squeeze %dma_start3A_81 : memref<1x128xi32, #tpu.memory_space<vmem>> -> memref<128xi32, #tpu.memory_space<vmem>>
    %dma_start3A_83 = arith.constant 0 : i32
    %dma_start3A_84 = tpu.memref_slice %arg4[%add3A, %dma_start3A_78, %dma_start3A_83] : memref<32x80x128xi32, #tpu.memory_space<hbm>> -> memref<1x1x128xi32, #tpu.memory_space<hbm>>
    %dma_start3A_85 = tpu.memref_squeeze %dma_start3A_84 : memref<1x1x128xi32, #tpu.memory_space<hbm>> -> memref<128xi32, #tpu.memory_space<hbm>>
    %dma_start3A_86 = arith.constant 0 : i32
    %dma_start3A_87 = tpu.memref_slice %arg8[%dma_start3A_79, %dma_start3A_86] : memref<4x128xi32, #tpu.memory_space<vmem>> -> memref<1x128xi32, #tpu.memory_space<vmem>>
    %dma_start3A_88 = tpu.memref_squeeze %dma_start3A_87 : memref<1x128xi32, #tpu.memory_space<vmem>> -> memref<128xi32, #tpu.memory_space<vmem>>
    %dma_start3A_89 = arith.constant 0 : i32
    %dma_start3A_90 = tpu.memref_slice %arg4[%add3A, %dma_start3A_78, %dma_start3A_89] : memref<32x80x128xi32, #tpu.memory_space<hbm>> -> memref<1x1x128xi32, #tpu.memory_space<hbm>>
    %dma_start3A_91 = tpu.memref_squeeze %dma_start3A_90 : memref<1x1x128xi32, #tpu.memory_space<hbm>> -> memref<128xi32, #tpu.memory_space<hbm>>
    tpu.enqueue_dma source(%dma_start3A_91 : memref<128xi32, #tpu.memory_space<hbm>>) target(%dma_start3A_88 : memref<128xi32, #tpu.memory_space<vmem>>) target_semaphore(%arg14 : memref<!tpu.dma_semaphore, #tpu.memory_space<semaphore_mem>>)
    %dma_start3A_92 = arith.constant 2 : i32
    %dma_start3A_93 = arith.constant 2 : i32
    %dma_start3A_94 = arith.constant 0 : i32
    %dma_start3A_95 = tpu.memref_slice %arg7[%dma_start3A_93, %dma_start3A_94] : memref<4x128xi32, #tpu.memory_space<vmem>> -> memref<1x128xi32, #tpu.memory_space<vmem>>
    %dma_start3A_96 = tpu.memref_squeeze %dma_start3A_95 : memref<1x128xi32, #tpu.memory_space<vmem>> -> memref<128xi32, #tpu.memory_space<vmem>>
    %dma_start3A_97 = arith.constant 0 : i32
    %dma_start3A_98 = tpu.memref_slice %arg3[%add3A, %dma_start3A_92, %dma_start3A_97] : memref<32x80x128xi32, #tpu.memory_space<hbm>> -> memref<1x1x128xi32, #tpu.memory_space<hbm>>
    %dma_start3A_99 = tpu.memref_squeeze %dma_start3A_98 : memref<1x1x128xi32, #tpu.memory_space<hbm>> -> memref<128xi32, #tpu.memory_space<hbm>>
    %dma_start3A_100 = arith.constant 0 : i32
    %dma_start3A_101 = tpu.memref_slice %arg7[%dma_start3A_93, %dma_start3A_100] : memref<4x128xi32, #tpu.memory_space<vmem>> -> memref<1x128xi32, #tpu.memory_space<vmem>>
    %dma_start3A_102 = tpu.memref_squeeze %dma_start3A_101 : memref<1x128xi32, #tpu.memory_space<vmem>> -> memref<128xi32, #tpu.memory_space<vmem>>
    %dma_start3A_103 = arith.constant 0 : i32
    %dma_start3A_104 = tpu.memref_slice %arg3[%add3A, %dma_start3A_92, %dma_start3A_103] : memref<32x80x128xi32, #tpu.memory_space<hbm>> -> memref<1x1x128xi32, #tpu.memory_space<hbm>>
    %dma_start3A_105 = tpu.memref_squeeze %dma_start3A_104 : memref<1x1x128xi32, #tpu.memory_space<hbm>> -> memref<128xi32, #tpu.memory_space<hbm>>
    tpu.enqueue_dma source(%dma_start3A_105 : memref<128xi32, #tpu.memory_space<hbm>>) target(%dma_start3A_102 : memref<128xi32, #tpu.memory_space<vmem>>) target_semaphore(%arg15 : memref<!tpu.dma_semaphore, #tpu.memory_space<semaphore_mem>>)
    %dma_start3A_106 = arith.constant 2 : i32
    %dma_start3A_107 = arith.constant 2 : i32
    %dma_start3A_108 = arith.constant 0 : i32
    %dma_start3A_109 = tpu.memref_slice %arg8[%dma_start3A_107, %dma_start3A_108] : memref<4x128xi32, #tpu.memory_space<vmem>> -> memref<1x128xi32, #tpu.memory_space<vmem>>
    %dma_start3A_110 = tpu.memref_squeeze %dma_start3A_109 : memref<1x128xi32, #tpu.memory_space<vmem>> -> memref<128xi32, #tpu.memory_space<vmem>>
    %dma_start3A_111 = arith.constant 0 : i32
    %dma_start3A_112 = tpu.memref_slice %arg4[%add3A, %dma_start3A_106, %dma_start3A_111] : memref<32x80x128xi32, #tpu.memory_space<hbm>> -> memref<1x1x128xi32, #tpu.memory_space<hbm>>
    %dma_start3A_113 = tpu.memref_squeeze %dma_start3A_112 : memref<1x1x128xi32, #tpu.memory_space<hbm>> -> memref<128xi32, #tpu.memory_space<hbm>>
    %dma_start3A_114 = arith.constant 0 : i32
    %dma_start3A_115 = tpu.memref_slice %arg8[%dma_start3A_107, %dma_start3A_114] : memref<4x128xi32, #tpu.memory_space<vmem>> -> memref<1x128xi32, #tpu.memory_space<vmem>>
    %dma_start3A_116 = tpu.memref_squeeze %dma_start3A_115 : memref<1x128xi32, #tpu.memory_space<vmem>> -> memref<128xi32, #tpu.memory_space<vmem>>
    %dma_start3A_117 = arith.constant 0 : i32
    %dma_start3A_118 = tpu.memref_slice %arg4[%add3A, %dma_start3A_106, %dma_start3A_117] : memref<32x80x128xi32, #tpu.memory_space<hbm>> -> memref<1x1x128xi32, #tpu.memory_space<hbm>>
    %dma_start3A_119 = tpu.memref_squeeze %dma_start3A_118 : memref<1x1x128xi32, #tpu.memory_space<hbm>> -> memref<128xi32, #tpu.memory_space<hbm>>
    tpu.enqueue_dma source(%dma_start3A_119 : memref<128xi32, #tpu.memory_space<hbm>>) target(%dma_start3A_116 : memref<128xi32, #tpu.memory_space<vmem>>) target_semaphore(%arg15 : memref<!tpu.dma_semaphore, #tpu.memory_space<semaphore_mem>>)
    %dma_start3A_120 = arith.constant 3 : i32
    %dma_start3A_121 = arith.constant 3 : i32
    %dma_start3A_122 = arith.constant 0 : i32
    %dma_start3A_123 = tpu.memref_slice %arg7[%dma_start3A_121, %dma_start3A_122] : memref<4x128xi32, #tpu.memory_space<vmem>> -> memref<1x128xi32, #tpu.memory_space<vmem>>
    %dma_start3A_124 = tpu.memref_squeeze %dma_start3A_123 : memref<1x128xi32, #tpu.memory_space<vmem>> -> memref<128xi32, #tpu.memory_space<vmem>>
    %dma_start3A_125 = arith.constant 0 : i32
    %dma_start3A_126 = tpu.memref_slice %arg3[%add3A, %dma_start3A_120, %dma_start3A_125] : memref<32x80x128xi32, #tpu.memory_space<hbm>> -> memref<1x1x128xi32, #tpu.memory_space<hbm>>
    %dma_start3A_127 = tpu.memref_squeeze %dma_start3A_126 : memref<1x1x128xi32, #tpu.memory_space<hbm>> -> memref<128xi32, #tpu.memory_space<hbm>>
    %dma_start3A_128 = arith.constant 0 : i32
    %dma_start3A_129 = tpu.memref_slice %arg7[%dma_start3A_121, %dma_start3A_128] : memref<4x128xi32, #tpu.memory_space<vmem>> -> memref<1x128xi32, #tpu.memory_space<vmem>>
    %dma_start3A_130 = tpu.memref_squeeze %dma_start3A_129 : memref<1x128xi32, #tpu.memory_space<vmem>> -> memref<128xi32, #tpu.memory_space<vmem>>
    %dma_start3A_131 = arith.constant 0 : i32
    %dma_start3A_132 = tpu.memref_slice %arg3[%add3A, %dma_start3A_120, %dma_start3A_131] : memref<32x80x128xi32, #tpu.memory_space<hbm>> -> memref<1x1x128xi32, #tpu.memory_space<hbm>>
    %dma_start3A_133 = tpu.memref_squeeze %dma_start3A_132 : memref<1x1x128xi32, #tpu.memory_space<hbm>> -> memref<128xi32, #tpu.memory_space<hbm>>
    tpu.enqueue_dma source(%dma_start3A_133 : memref<128xi32, #tpu.memory_space<hbm>>) target(%dma_start3A_130 : memref<128xi32, #tpu.memory_space<vmem>>) target_semaphore(%arg16 : memref<!tpu.dma_semaphore, #tpu.memory_space<semaphore_mem>>)
    %dma_start3A_134 = arith.constant 3 : i32
    %dma_start3A_135 = arith.constant 3 : i32
    %dma_start3A_136 = arith.constant 0 : i32
    %dma_start3A_137 = tpu.memref_slice %arg8[%dma_start3A_135, %dma_start3A_136] : memref<4x128xi32, #tpu.memory_space<vmem>> -> memref<1x128xi32, #tpu.memory_space<vmem>>
    %dma_start3A_138 = tpu.memref_squeeze %dma_start3A_137 : memref<1x128xi32, #tpu.memory_space<vmem>> -> memref<128xi32, #tpu.memory_space<vmem>>
    %dma_start3A_139 = arith.constant 0 : i32
    %dma_start3A_140 = tpu.memref_slice %arg4[%add3A, %dma_start3A_134, %dma_start3A_139] : memref<32x80x128xi32, #tpu.memory_space<hbm>> -> memref<1x1x128xi32, #tpu.memory_space<hbm>>
    %dma_start3A_141 = tpu.memref_squeeze %dma_start3A_140 : memref<1x1x128xi32, #tpu.memory_space<hbm>> -> memref<128xi32, #tpu.memory_space<hbm>>
    %dma_start3A_142 = arith.constant 0 : i32
    %dma_start3A_143 = tpu.memref_slice %arg8[%dma_start3A_135, %dma_start3A_142] : memref<4x128xi32, #tpu.memory_space<vmem>> -> memref<1x128xi32, #tpu.memory_space<vmem>>
    %dma_start3A_144 = tpu.memref_squeeze %dma_start3A_143 : memref<1x128xi32, #tpu.memory_space<vmem>> -> memref<128xi32, #tpu.memory_space<vmem>>
    %dma_start3A_145 = arith.constant 0 : i32
    %dma_start3A_146 = tpu.memref_slice %arg4[%add3A, %dma_start3A_134, %dma_start3A_145] : memref<32x80x128xi32, #tpu.memory_space<hbm>> -> memref<1x1x128xi32, #tpu.memory_space<hbm>>
    %dma_start3A_147 = tpu.memref_squeeze %dma_start3A_146 : memref<1x1x128xi32, #tpu.memory_space<hbm>> -> memref<128xi32, #tpu.memory_space<hbm>>
    tpu.enqueue_dma source(%dma_start3A_147 : memref<128xi32, #tpu.memory_space<hbm>>) target(%dma_start3A_144 : memref<128xi32, #tpu.memory_space<vmem>>) target_semaphore(%arg16 : memref<!tpu.dma_semaphore, #tpu.memory_space<semaphore_mem>>)
    %scan3A = arith.constant 0 : i32
    %scan3A_148 = arith.constant 0 : i32
    %scan3A_149 = arith.constant 20 : i32
    %scan3A_150 = arith.addi %scan3A_148, %scan3A_149 : i32
    %scan3A_151 = arith.constant 1 : i32
    %scan3A_152 = scf.for %scan3A_155 = %scan3A_148 to %scan3A_150 step %scan3A_151 iter_args(%scan3A_156 = %scan3A) -> (i32)  : i32 {
      %mul3A_157 = arith.constant 4 : i32
      %mul3A_158 = arith.muli %scan3A_155, %mul3A_157 : i32
      %add3A_159 = arith.constant 0 : i32
      %add3A_160 = arith.addi %mul3A_158, %add3A_159 : i32
      %add3A_161 = arith.constant 1 : i32
      %add3A_162 = arith.addi %add3A_160, %add3A_161 : i32
      %lt3A = arith.constant 80 : i32
      %lt3A_163 = arith.cmpi slt, %add3A_162, %lt3A : i32
      %convert_element_type3A = arith.extui %lt3A_163 : i1 to i32
      %cond3A = arith.constant 0 : i32
      %cond3A_164 = arith.cmpi ne, %convert_element_type3A, %cond3A : i32
      scf.if %cond3A_164 {
        %add3A_252 = arith.constant 1 : i32
        %add3A_253 = arith.addi %add3A_160, %add3A_252 : i32
        %dma_wait3A_254 = arith.constant 1 : i32
        %dma_wait3A_255 = arith.constant 0 : i32
        %dma_wait3A_256 = tpu.memref_slice %arg7[%dma_wait3A_254, %dma_wait3A_255] : memref<4x128xi32, #tpu.memory_space<vmem>> -> memref<1x128xi32, #tpu.memory_space<vmem>>
        %dma_wait3A_257 = tpu.memref_squeeze %dma_wait3A_256 : memref<1x128xi32, #tpu.memory_space<vmem>> -> memref<128xi32, #tpu.memory_space<vmem>>
        %dma_wait3A_258 = arith.constant 0 : i32
        %dma_wait3A_259 = tpu.memref_slice %arg3[%add3A, %add3A_253, %dma_wait3A_258] : memref<32x80x128xi32, #tpu.memory_space<hbm>> -> memref<1x1x128xi32, #tpu.memory_space<hbm>>
        %dma_wait3A_260 = tpu.memref_squeeze %dma_wait3A_259 : memref<1x1x128xi32, #tpu.memory_space<hbm>> -> memref<128xi32, #tpu.memory_space<hbm>>
        %dma_wait3A_261 = arith.constant 0 : i32
        %dma_wait3A_262 = tpu.memref_slice %arg7[%dma_wait3A_254, %dma_wait3A_261] : memref<4x128xi32, #tpu.memory_space<vmem>> -> memref<1x128xi32, #tpu.memory_space<vmem>>
        %dma_wait3A_263 = tpu.memref_squeeze %dma_wait3A_262 : memref<1x128xi32, #tpu.memory_space<vmem>> -> memref<128xi32, #tpu.memory_space<vmem>>
        %dma_wait3A_264 = arith.constant 0 : i32
        %dma_wait3A_265 = tpu.memref_slice %arg3[%add3A, %add3A_253, %dma_wait3A_264] : memref<32x80x128xi32, #tpu.memory_space<hbm>> -> memref<1x1x128xi32, #tpu.memory_space<hbm>>
        %dma_wait3A_266 = tpu.memref_squeeze %dma_wait3A_265 : memref<1x1x128xi32, #tpu.memory_space<hbm>> -> memref<128xi32, #tpu.memory_space<hbm>>
        tpu.wait_dma2 semaphore(%arg14 : memref<!tpu.dma_semaphore, #tpu.memory_space<semaphore_mem>>) src(%dma_wait3A_266 : memref<128xi32, #tpu.memory_space<hbm>>) dst(%dma_wait3A_263 : memref<128xi32, #tpu.memory_space<vmem>>)
        %dma_wait3A_267 = arith.constant 1 : i32
        %dma_wait3A_268 = arith.constant 0 : i32
        %dma_wait3A_269 = tpu.memref_slice %arg8[%dma_wait3A_267, %dma_wait3A_268] : memref<4x128xi32, #tpu.memory_space<vmem>> -> memref<1x128xi32, #tpu.memory_space<vmem>>
        %dma_wait3A_270 = tpu.memref_squeeze %dma_wait3A_269 : memref<1x128xi32, #tpu.memory_space<vmem>> -> memref<128xi32, #tpu.memory_space<vmem>>
        %dma_wait3A_271 = arith.constant 0 : i32
        %dma_wait3A_272 = tpu.memref_slice %arg4[%add3A, %add3A_253, %dma_wait3A_271] : memref<32x80x128xi32, #tpu.memory_space<hbm>> -> memref<1x1x128xi32, #tpu.memory_space<hbm>>
        %dma_wait3A_273 = tpu.memref_squeeze %dma_wait3A_272 : memref<1x1x128xi32, #tpu.memory_space<hbm>> -> memref<128xi32, #tpu.memory_space<hbm>>
        %dma_wait3A_274 = arith.constant 0 : i32
        %dma_wait3A_275 = tpu.memref_slice %arg8[%dma_wait3A_267, %dma_wait3A_274] : memref<4x128xi32, #tpu.memory_space<vmem>> -> memref<1x128xi32, #tpu.memory_space<vmem>>
        %dma_wait3A_276 = tpu.memref_squeeze %dma_wait3A_275 : memref<1x128xi32, #tpu.memory_space<vmem>> -> memref<128xi32, #tpu.memory_space<vmem>>
        %dma_wait3A_277 = arith.constant 0 : i32
        %dma_wait3A_278 = tpu.memref_slice %arg4[%add3A, %add3A_253, %dma_wait3A_277] : memref<32x80x128xi32, #tpu.memory_space<hbm>> -> memref<1x1x128xi32, #tpu.memory_space<hbm>>
        %dma_wait3A_279 = tpu.memref_squeeze %dma_wait3A_278 : memref<1x1x128xi32, #tpu.memory_space<hbm>> -> memref<128xi32, #tpu.memory_space<hbm>>
        tpu.wait_dma2 semaphore(%arg14 : memref<!tpu.dma_semaphore, #tpu.memory_space<semaphore_mem>>) src(%dma_wait3A_279 : memref<128xi32, #tpu.memory_space<hbm>>) dst(%dma_wait3A_276 : memref<128xi32, #tpu.memory_space<vmem>>)
        %dma_start3A_280 = arith.constant 1 : i32
        %dma_start3A_281 = arith.constant 0 : i32
        %dma_start3A_282 = tpu.memref_slice %arg7[%dma_start3A_280, %dma_start3A_281] : memref<4x128xi32, #tpu.memory_space<vmem>> -> memref<1x128xi32, #tpu.memory_space<vmem>>
        %dma_start3A_283 = tpu.memref_squeeze %dma_start3A_282 : memref<1x128xi32, #tpu.memory_space<vmem>> -> memref<128xi32, #tpu.memory_space<vmem>>
        %dma_start3A_284 = arith.constant 0 : i32
        %dma_start3A_285 = arith.constant 0 : i32
        %dma_start3A_286 = tpu.memref_slice %arg2[%dma_start3A_284, %dma_start3A_285] : memref<10000x128xf32, #tpu.memory_space<hbm>> -> memref<10000x128xf32, #tpu.memory_space<hbm>>
        tpu.enqueue_indirect_dma source(%dma_start3A_286 : memref<10000x128xf32, #tpu.memory_space<hbm>>) target(%arg10 : memref<128x128xf32, #tpu.memory_space<vmem>>) offsets(%dma_start3A_283 : memref<128xi32, #tpu.memory_space<vmem>>) semaphore(%arg12 : memref<!tpu.dma_semaphore, #tpu.memory_space<semaphore_mem>>)
      } else {
      }
      %dma_wait3A_165 = arith.constant 0 : i32
      %dma_wait3A_166 = arith.constant 0 : i32
      %dma_wait3A_167 = tpu.memref_slice %arg7[%dma_wait3A_165, %dma_wait3A_166] : memref<4x128xi32, #tpu.memory_space<vmem>> -> memref<1x128xi32, #tpu.memory_space<vmem>>
      %dma_wait3A_168 = tpu.memref_squeeze %dma_wait3A_167 : memref<1x128xi32, #tpu.memory_space<vmem>> -> memref<128xi32, #tpu.memory_space<vmem>>
      %dma_wait3A_169 = arith.constant 0 : i32
      %dma_wait3A_170 = arith.constant 0 : i32
      %dma_wait3A_171 = tpu.memref_slice %arg2[%dma_wait3A_169, %dma_wait3A_170] : memref<10000x128xf32, #tpu.memory_space<hbm>> -> memref<10000x128xf32, #tpu.memory_space<hbm>>
      tpu.wait_indirect_dma semaphore(%arg11 : memref<!tpu.dma_semaphore, #tpu.memory_space<semaphore_mem>>) src(%dma_wait3A_171 : memref<10000x128xf32, #tpu.memory_space<hbm>>) dst(%arg9 : memref<128x128xf32, #tpu.memory_space<vmem>>)
      %run_scoped3A = arith.constant 0 : i32
      "tpu.region"() ({
        %run_scoped3A_252 = tpu.sem_alloc : memref<!tpu.dma_semaphore, #tpu.memory_space<semaphore_mem>>
        %dma_start3A_253 = arith.constant 0 : i32
        %dma_start3A_254 = tpu.memref_slice %arg8[%run_scoped3A, %dma_start3A_253] : memref<4x128xi32, #tpu.memory_space<vmem>> -> memref<1x128xi32, #tpu.memory_space<vmem>>
        %dma_start3A_255 = tpu.memref_squeeze %dma_start3A_254 : memref<1x128xi32, #tpu.memory_space<vmem>> -> memref<128xi32, #tpu.memory_space<vmem>>
        %dma_start3A_256 = arith.constant 0 : i32
        %dma_start3A_257 = arith.constant 0 : i32
        %dma_start3A_258 = tpu.memref_slice %arg17[%dma_start3A_256, %dma_start3A_257] : memref<10112x128xf32, #tpu.memory_space<vmem_shared>> -> memref<10112x128xf32, #tpu.memory_space<vmem_shared>>
        tpu.enqueue_indirect_dma source(%arg9 : memref<128x128xf32, #tpu.memory_space<vmem>>) target(%dma_start3A_258 : memref<10112x128xf32, #tpu.memory_space<vmem_shared>>) offsets(%dma_start3A_255 : memref<128xi32, #tpu.memory_space<vmem>>) semaphore(%run_scoped3A_252 : memref<!tpu.dma_semaphore, #tpu.memory_space<semaphore_mem>>) {add = true}
        %dma_wait3A_259 = arith.constant 0 : i32
        %dma_wait3A_260 = tpu.memref_slice %arg8[%run_scoped3A, %dma_wait3A_259] : memref<4x128xi32, #tpu.memory_space<vmem>> -> memref<1x128xi32, #tpu.memory_space<vmem>>
        %dma_wait3A_261 = tpu.memref_squeeze %dma_wait3A_260 : memref<1x128xi32, #tpu.memory_space<vmem>> -> memref<128xi32, #tpu.memory_space<vmem>>
        %dma_wait3A_262 = arith.constant 0 : i32
        %dma_wait3A_263 = arith.constant 0 : i32
        %dma_wait3A_264 = tpu.memref_slice %arg17[%dma_wait3A_262, %dma_wait3A_263] : memref<10112x128xf32, #tpu.memory_space<vmem_shared>> -> memref<10112x128xf32, #tpu.memory_space<vmem_shared>>
        tpu.wait_indirect_dma semaphore(%run_scoped3A_252 : memref<!tpu.dma_semaphore, #tpu.memory_space<semaphore_mem>>) src(%arg9 : memref<128x128xf32, #tpu.memory_space<vmem>>) dst(%dma_wait3A_264 : memref<10112x128xf32, #tpu.memory_space<vmem_shared>>)
        tpu.yield
      }) : () -> ()
      %add3A_172 = arith.constant 4 : i32
      %add3A_173 = arith.addi %add3A_160, %add3A_172 : i32
      %lt3A_174 = arith.constant 80 : i32
      %lt3A_175 = arith.cmpi slt, %add3A_173, %lt3A_174 : i32
      %convert_element_type3A_176 = arith.extui %lt3A_175 : i1 to i32
      %cond3A_177 = arith.constant 0 : i32
      %cond3A_178 = arith.cmpi ne, %convert_element_type3A_176, %cond3A_177 : i32
      scf.if %cond3A_178 {
        %add3A_252 = arith.constant 4 : i32
        %add3A_253 = arith.addi %add3A_160, %add3A_252 : i32
        %dma_start3A_254 = arith.constant 0 : i32
        %dma_start3A_255 = arith.constant 0 : i32
        %dma_start3A_256 = tpu.memref_slice %arg7[%dma_start3A_254, %dma_start3A_255] : memref<4x128xi32, #tpu.memory_space<vmem>> -> memref<1x128xi32, #tpu.memory_space<vmem>>
        %dma_start3A_257 = tpu.memref_squeeze %dma_start3A_256 : memref<1x128xi32, #tpu.memory_space<vmem>> -> memref<128xi32, #tpu.memory_space<vmem>>
        %dma_start3A_258 = arith.constant 0 : i32
        %dma_start3A_259 = tpu.memref_slice %arg3[%add3A, %add3A_253, %dma_start3A_258] : memref<32x80x128xi32, #tpu.memory_space<hbm>> -> memref<1x1x128xi32, #tpu.memory_space<hbm>>
        %dma_start3A_260 = tpu.memref_squeeze %dma_start3A_259 : memref<1x1x128xi32, #tpu.memory_space<hbm>> -> memref<128xi32, #tpu.memory_space<hbm>>
        %dma_start3A_261 = arith.constant 0 : i32
        %dma_start3A_262 = tpu.memref_slice %arg7[%dma_start3A_254, %dma_start3A_261] : memref<4x128xi32, #tpu.memory_space<vmem>> -> memref<1x128xi32, #tpu.memory_space<vmem>>
        %dma_start3A_263 = tpu.memref_squeeze %dma_start3A_262 : memref<1x128xi32, #tpu.memory_space<vmem>> -> memref<128xi32, #tpu.memory_space<vmem>>
        %dma_start3A_264 = arith.constant 0 : i32
        %dma_start3A_265 = tpu.memref_slice %arg3[%add3A, %add3A_253, %dma_start3A_264] : memref<32x80x128xi32, #tpu.memory_space<hbm>> -> memref<1x1x128xi32, #tpu.memory_space<hbm>>
        %dma_start3A_266 = tpu.memref_squeeze %dma_start3A_265 : memref<1x1x128xi32, #tpu.memory_space<hbm>> -> memref<128xi32, #tpu.memory_space<hbm>>
        tpu.enqueue_dma source(%dma_start3A_266 : memref<128xi32, #tpu.memory_space<hbm>>) target(%dma_start3A_263 : memref<128xi32, #tpu.memory_space<vmem>>) target_semaphore(%arg13 : memref<!tpu.dma_semaphore, #tpu.memory_space<semaphore_mem>>)
        %dma_start3A_267 = arith.constant 0 : i32
        %dma_start3A_268 = arith.constant 0 : i32
        %dma_start3A_269 = tpu.memref_slice %arg8[%dma_start3A_267, %dma_start3A_268] : memref<4x128xi32, #tpu.memory_space<vmem>> -> memref<1x128xi32, #tpu.memory_space<vmem>>
        %dma_start3A_270 = tpu.memref_squeeze %dma_start3A_269 : memref<1x128xi32, #tpu.memory_space<vmem>> -> memref<128xi32, #tpu.memory_space<vmem>>
        %dma_start3A_271 = arith.constant 0 : i32
        %dma_start3A_272 = tpu.memref_slice %arg4[%add3A, %add3A_253, %dma_start3A_271] : memref<32x80x128xi32, #tpu.memory_space<hbm>> -> memref<1x1x128xi32, #tpu.memory_space<hbm>>
        %dma_start3A_273 = tpu.memref_squeeze %dma_start3A_272 : memref<1x1x128xi32, #tpu.memory_space<hbm>> -> memref<128xi32, #tpu.memory_space<hbm>>
        %dma_start3A_274 = arith.constant 0 : i32
        %dma_start3A_275 = tpu.memref_slice %arg8[%dma_start3A_267, %dma_start3A_274] : memref<4x128xi32, #tpu.memory_space<vmem>> -> memref<1x128xi32, #tpu.memory_space<vmem>>
        %dma_start3A_276 = tpu.memref_squeeze %dma_start3A_275 : memref<1x128xi32, #tpu.memory_space<vmem>> -> memref<128xi32, #tpu.memory_space<vmem>>
        %dma_start3A_277 = arith.constant 0 : i32
        %dma_start3A_278 = tpu.memref_slice %arg4[%add3A, %add3A_253, %dma_start3A_277] : memref<32x80x128xi32, #tpu.memory_space<hbm>> -> memref<1x1x128xi32, #tpu.memory_space<hbm>>
        %dma_start3A_279 = tpu.memref_squeeze %dma_start3A_278 : memref<1x1x128xi32, #tpu.memory_space<hbm>> -> memref<128xi32, #tpu.memory_space<hbm>>
        tpu.enqueue_dma source(%dma_start3A_279 : memref<128xi32, #tpu.memory_space<hbm>>) target(%dma_start3A_276 : memref<128xi32, #tpu.memory_space<vmem>>) target_semaphore(%arg13 : memref<!tpu.dma_semaphore, #tpu.memory_space<semaphore_mem>>)
      } else {
      }
      %add3A_179 = arith.constant 1 : i32
      %add3A_180 = arith.addi %mul3A_158, %add3A_179 : i32
      %add3A_181 = arith.constant 1 : i32
      %add3A_182 = arith.addi %add3A_180, %add3A_181 : i32
      %lt3A_183 = arith.constant 80 : i32
      %lt3A_184 = arith.cmpi slt, %add3A_182, %lt3A_183 : i32
      %convert_element_type3A_185 = arith.extui %lt3A_184 : i1 to i32
      %cond3A_186 = arith.constant 0 : i32
      %cond3A_187 = arith.cmpi ne, %convert_element_type3A_185, %cond3A_186 : i32
      scf.if %cond3A_187 {
        %add3A_252 = arith.constant 1 : i32
        %add3A_253 = arith.addi %add3A_180, %add3A_252 : i32
        %dma_wait3A_254 = arith.constant 2 : i32
        %dma_wait3A_255 = arith.constant 0 : i32
        %dma_wait3A_256 = tpu.memref_slice %arg7[%dma_wait3A_254, %dma_wait3A_255] : memref<4x128xi32, #tpu.memory_space<vmem>> -> memref<1x128xi32, #tpu.memory_space<vmem>>
        %dma_wait3A_257 = tpu.memref_squeeze %dma_wait3A_256 : memref<1x128xi32, #tpu.memory_space<vmem>> -> memref<128xi32, #tpu.memory_space<vmem>>
        %dma_wait3A_258 = arith.constant 0 : i32
        %dma_wait3A_259 = tpu.memref_slice %arg3[%add3A, %add3A_253, %dma_wait3A_258] : memref<32x80x128xi32, #tpu.memory_space<hbm>> -> memref<1x1x128xi32, #tpu.memory_space<hbm>>
        %dma_wait3A_260 = tpu.memref_squeeze %dma_wait3A_259 : memref<1x1x128xi32, #tpu.memory_space<hbm>> -> memref<128xi32, #tpu.memory_space<hbm>>
        %dma_wait3A_261 = arith.constant 0 : i32
        %dma_wait3A_262 = tpu.memref_slice %arg7[%dma_wait3A_254, %dma_wait3A_261] : memref<4x128xi32, #tpu.memory_space<vmem>> -> memref<1x128xi32, #tpu.memory_space<vmem>>
        %dma_wait3A_263 = tpu.memref_squeeze %dma_wait3A_262 : memref<1x128xi32, #tpu.memory_space<vmem>> -> memref<128xi32, #tpu.memory_space<vmem>>
        %dma_wait3A_264 = arith.constant 0 : i32
        %dma_wait3A_265 = tpu.memref_slice %arg3[%add3A, %add3A_253, %dma_wait3A_264] : memref<32x80x128xi32, #tpu.memory_space<hbm>> -> memref<1x1x128xi32, #tpu.memory_space<hbm>>
        %dma_wait3A_266 = tpu.memref_squeeze %dma_wait3A_265 : memref<1x1x128xi32, #tpu.memory_space<hbm>> -> memref<128xi32, #tpu.memory_space<hbm>>
        tpu.wait_dma2 semaphore(%arg15 : memref<!tpu.dma_semaphore, #tpu.memory_space<semaphore_mem>>) src(%dma_wait3A_266 : memref<128xi32, #tpu.memory_space<hbm>>) dst(%dma_wait3A_263 : memref<128xi32, #tpu.memory_space<vmem>>)
        %dma_wait3A_267 = arith.constant 2 : i32
        %dma_wait3A_268 = arith.constant 0 : i32
        %dma_wait3A_269 = tpu.memref_slice %arg8[%dma_wait3A_267, %dma_wait3A_268] : memref<4x128xi32, #tpu.memory_space<vmem>> -> memref<1x128xi32, #tpu.memory_space<vmem>>
        %dma_wait3A_270 = tpu.memref_squeeze %dma_wait3A_269 : memref<1x128xi32, #tpu.memory_space<vmem>> -> memref<128xi32, #tpu.memory_space<vmem>>
        %dma_wait3A_271 = arith.constant 0 : i32
        %dma_wait3A_272 = tpu.memref_slice %arg4[%add3A, %add3A_253, %dma_wait3A_271] : memref<32x80x128xi32, #tpu.memory_space<hbm>> -> memref<1x1x128xi32, #tpu.memory_space<hbm>>
        %dma_wait3A_273 = tpu.memref_squeeze %dma_wait3A_272 : memref<1x1x128xi32, #tpu.memory_space<hbm>> -> memref<128xi32, #tpu.memory_space<hbm>>
        %dma_wait3A_274 = arith.constant 0 : i32
        %dma_wait3A_275 = tpu.memref_slice %arg8[%dma_wait3A_267, %dma_wait3A_274] : memref<4x128xi32, #tpu.memory_space<vmem>> -> memref<1x128xi32, #tpu.memory_space<vmem>>
        %dma_wait3A_276 = tpu.memref_squeeze %dma_wait3A_275 : memref<1x128xi32, #tpu.memory_space<vmem>> -> memref<128xi32, #tpu.memory_space<vmem>>
        %dma_wait3A_277 = arith.constant 0 : i32
        %dma_wait3A_278 = tpu.memref_slice %arg4[%add3A, %add3A_253, %dma_wait3A_277] : memref<32x80x128xi32, #tpu.memory_space<hbm>> -> memref<1x1x128xi32, #tpu.memory_space<hbm>>
        %dma_wait3A_279 = tpu.memref_squeeze %dma_wait3A_278 : memref<1x1x128xi32, #tpu.memory_space<hbm>> -> memref<128xi32, #tpu.memory_space<hbm>>
        tpu.wait_dma2 semaphore(%arg15 : memref<!tpu.dma_semaphore, #tpu.memory_space<semaphore_mem>>) src(%dma_wait3A_279 : memref<128xi32, #tpu.memory_space<hbm>>) dst(%dma_wait3A_276 : memref<128xi32, #tpu.memory_space<vmem>>)
        %dma_start3A_280 = arith.constant 2 : i32
        %dma_start3A_281 = arith.constant 0 : i32
        %dma_start3A_282 = tpu.memref_slice %arg7[%dma_start3A_280, %dma_start3A_281] : memref<4x128xi32, #tpu.memory_space<vmem>> -> memref<1x128xi32, #tpu.memory_space<vmem>>
        %dma_start3A_283 = tpu.memref_squeeze %dma_start3A_282 : memref<1x128xi32, #tpu.memory_space<vmem>> -> memref<128xi32, #tpu.memory_space<vmem>>
        %dma_start3A_284 = arith.constant 0 : i32
        %dma_start3A_285 = arith.constant 0 : i32
        %dma_start3A_286 = tpu.memref_slice %arg2[%dma_start3A_284, %dma_start3A_285] : memref<10000x128xf32, #tpu.memory_space<hbm>> -> memref<10000x128xf32, #tpu.memory_space<hbm>>
        tpu.enqueue_indirect_dma source(%dma_start3A_286 : memref<10000x128xf32, #tpu.memory_space<hbm>>) target(%arg9 : memref<128x128xf32, #tpu.memory_space<vmem>>) offsets(%dma_start3A_283 : memref<128xi32, #tpu.memory_space<vmem>>) semaphore(%arg11 : memref<!tpu.dma_semaphore, #tpu.memory_space<semaphore_mem>>)
      } else {
      }
      %dma_wait3A_188 = arith.constant 1 : i32
      %dma_wait3A_189 = arith.constant 0 : i32
      %dma_wait3A_190 = tpu.memref_slice %arg7[%dma_wait3A_188, %dma_wait3A_189] : memref<4x128xi32, #tpu.memory_space<vmem>> -> memref<1x128xi32, #tpu.memory_space<vmem>>
      %dma_wait3A_191 = tpu.memref_squeeze %dma_wait3A_190 : memref<1x128xi32, #tpu.memory_space<vmem>> -> memref<128xi32, #tpu.memory_space<vmem>>
      %dma_wait3A_192 = arith.constant 0 : i32
      %dma_wait3A_193 = arith.constant 0 : i32
      %dma_wait3A_194 = tpu.memref_slice %arg2[%dma_wait3A_192, %dma_wait3A_193] : memref<10000x128xf32, #tpu.memory_space<hbm>> -> memref<10000x128xf32, #tpu.memory_space<hbm>>
      tpu.wait_indirect_dma semaphore(%arg12 : memref<!tpu.dma_semaphore, #tpu.memory_space<semaphore_mem>>) src(%dma_wait3A_194 : memref<10000x128xf32, #tpu.memory_space<hbm>>) dst(%arg10 : memref<128x128xf32, #tpu.memory_space<vmem>>)
      %run_scoped3A_195 = arith.constant 1 : i32
      "tpu.region"() ({
        %run_scoped3A_252 = tpu.sem_alloc : memref<!tpu.dma_semaphore, #tpu.memory_space<semaphore_mem>>
        %dma_start3A_253 = arith.constant 0 : i32
        %dma_start3A_254 = tpu.memref_slice %arg8[%run_scoped3A_195, %dma_start3A_253] : memref<4x128xi32, #tpu.memory_space<vmem>> -> memref<1x128xi32, #tpu.memory_space<vmem>>
        %dma_start3A_255 = tpu.memref_squeeze %dma_start3A_254 : memref<1x128xi32, #tpu.memory_space<vmem>> -> memref<128xi32, #tpu.memory_space<vmem>>
        %dma_start3A_256 = arith.constant 0 : i32
        %dma_start3A_257 = arith.constant 0 : i32
        %dma_start3A_258 = tpu.memref_slice %arg17[%dma_start3A_256, %dma_start3A_257] : memref<10112x128xf32, #tpu.memory_space<vmem_shared>> -> memref<10112x128xf32, #tpu.memory_space<vmem_shared>>
        tpu.enqueue_indirect_dma source(%arg10 : memref<128x128xf32, #tpu.memory_space<vmem>>) target(%dma_start3A_258 : memref<10112x128xf32, #tpu.memory_space<vmem_shared>>) offsets(%dma_start3A_255 : memref<128xi32, #tpu.memory_space<vmem>>) semaphore(%run_scoped3A_252 : memref<!tpu.dma_semaphore, #tpu.memory_space<semaphore_mem>>) {add = true}
        %dma_wait3A_259 = arith.constant 0 : i32
        %dma_wait3A_260 = tpu.memref_slice %arg8[%run_scoped3A_195, %dma_wait3A_259] : memref<4x128xi32, #tpu.memory_space<vmem>> -> memref<1x128xi32, #tpu.memory_space<vmem>>
        %dma_wait3A_261 = tpu.memref_squeeze %dma_wait3A_260 : memref<1x128xi32, #tpu.memory_space<vmem>> -> memref<128xi32, #tpu.memory_space<vmem>>
        %dma_wait3A_262 = arith.constant 0 : i32
        %dma_wait3A_263 = arith.constant 0 : i32
        %dma_wait3A_264 = tpu.memref_slice %arg17[%dma_wait3A_262, %dma_wait3A_263] : memref<10112x128xf32, #tpu.memory_space<vmem_shared>> -> memref<10112x128xf32, #tpu.memory_space<vmem_shared>>
        tpu.wait_indirect_dma semaphore(%run_scoped3A_252 : memref<!tpu.dma_semaphore, #tpu.memory_space<semaphore_mem>>) src(%arg10 : memref<128x128xf32, #tpu.memory_space<vmem>>) dst(%dma_wait3A_264 : memref<10112x128xf32, #tpu.memory_space<vmem_shared>>)
        tpu.yield
      }) : () -> ()
      %add3A_196 = arith.constant 4 : i32
      %add3A_197 = arith.addi %add3A_180, %add3A_196 : i32
      %lt3A_198 = arith.constant 80 : i32
      %lt3A_199 = arith.cmpi slt, %add3A_197, %lt3A_198 : i32
      %convert_element_type3A_200 = arith.extui %lt3A_199 : i1 to i32
      %cond3A_201 = arith.constant 0 : i32
      %cond3A_202 = arith.cmpi ne, %convert_element_type3A_200, %cond3A_201 : i32
      scf.if %cond3A_202 {
        %add3A_252 = arith.constant 4 : i32
        %add3A_253 = arith.addi %add3A_180, %add3A_252 : i32
        %dma_start3A_254 = arith.constant 1 : i32
        %dma_start3A_255 = arith.constant 0 : i32
        %dma_start3A_256 = tpu.memref_slice %arg7[%dma_start3A_254, %dma_start3A_255] : memref<4x128xi32, #tpu.memory_space<vmem>> -> memref<1x128xi32, #tpu.memory_space<vmem>>
        %dma_start3A_257 = tpu.memref_squeeze %dma_start3A_256 : memref<1x128xi32, #tpu.memory_space<vmem>> -> memref<128xi32, #tpu.memory_space<vmem>>
        %dma_start3A_258 = arith.constant 0 : i32
        %dma_start3A_259 = tpu.memref_slice %arg3[%add3A, %add3A_253, %dma_start3A_258] : memref<32x80x128xi32, #tpu.memory_space<hbm>> -> memref<1x1x128xi32, #tpu.memory_space<hbm>>
        %dma_start3A_260 = tpu.memref_squeeze %dma_start3A_259 : memref<1x1x128xi32, #tpu.memory_space<hbm>> -> memref<128xi32, #tpu.memory_space<hbm>>
        %dma_start3A_261 = arith.constant 0 : i32
        %dma_start3A_262 = tpu.memref_slice %arg7[%dma_start3A_254, %dma_start3A_261] : memref<4x128xi32, #tpu.memory_space<vmem>> -> memref<1x128xi32, #tpu.memory_space<vmem>>
        %dma_start3A_263 = tpu.memref_squeeze %dma_start3A_262 : memref<1x128xi32, #tpu.memory_space<vmem>> -> memref<128xi32, #tpu.memory_space<vmem>>
        %dma_start3A_264 = arith.constant 0 : i32
        %dma_start3A_265 = tpu.memref_slice %arg3[%add3A, %add3A_253, %dma_start3A_264] : memref<32x80x128xi32, #tpu.memory_space<hbm>> -> memref<1x1x128xi32, #tpu.memory_space<hbm>>
        %dma_start3A_266 = tpu.memref_squeeze %dma_start3A_265 : memref<1x1x128xi32, #tpu.memory_space<hbm>> -> memref<128xi32, #tpu.memory_space<hbm>>
        tpu.enqueue_dma source(%dma_start3A_266 : memref<128xi32, #tpu.memory_space<hbm>>) target(%dma_start3A_263 : memref<128xi32, #tpu.memory_space<vmem>>) target_semaphore(%arg14 : memref<!tpu.dma_semaphore, #tpu.memory_space<semaphore_mem>>)
        %dma_start3A_267 = arith.constant 1 : i32
        %dma_start3A_268 = arith.constant 0 : i32
        %dma_start3A_269 = tpu.memref_slice %arg8[%dma_start3A_267, %dma_start3A_268] : memref<4x128xi32, #tpu.memory_space<vmem>> -> memref<1x128xi32, #tpu.memory_space<vmem>>
        %dma_start3A_270 = tpu.memref_squeeze %dma_start3A_269 : memref<1x128xi32, #tpu.memory_space<vmem>> -> memref<128xi32, #tpu.memory_space<vmem>>
        %dma_start3A_271 = arith.constant 0 : i32
        %dma_start3A_272 = tpu.memref_slice %arg4[%add3A, %add3A_253, %dma_start3A_271] : memref<32x80x128xi32, #tpu.memory_space<hbm>> -> memref<1x1x128xi32, #tpu.memory_space<hbm>>
        %dma_start3A_273 = tpu.memref_squeeze %dma_start3A_272 : memref<1x1x128xi32, #tpu.memory_space<hbm>> -> memref<128xi32, #tpu.memory_space<hbm>>
        %dma_start3A_274 = arith.constant 0 : i32
        %dma_start3A_275 = tpu.memref_slice %arg8[%dma_start3A_267, %dma_start3A_274] : memref<4x128xi32, #tpu.memory_space<vmem>> -> memref<1x128xi32, #tpu.memory_space<vmem>>
        %dma_start3A_276 = tpu.memref_squeeze %dma_start3A_275 : memref<1x128xi32, #tpu.memory_space<vmem>> -> memref<128xi32, #tpu.memory_space<vmem>>
        %dma_start3A_277 = arith.constant 0 : i32
        %dma_start3A_278 = tpu.memref_slice %arg4[%add3A, %add3A_253, %dma_start3A_277] : memref<32x80x128xi32, #tpu.memory_space<hbm>> -> memref<1x1x128xi32, #tpu.memory_space<hbm>>
        %dma_start3A_279 = tpu.memref_squeeze %dma_start3A_278 : memref<1x1x128xi32, #tpu.memory_space<hbm>> -> memref<128xi32, #tpu.memory_space<hbm>>
        tpu.enqueue_dma source(%dma_start3A_279 : memref<128xi32, #tpu.memory_space<hbm>>) target(%dma_start3A_276 : memref<128xi32, #tpu.memory_space<vmem>>) target_semaphore(%arg14 : memref<!tpu.dma_semaphore, #tpu.memory_space<semaphore_mem>>)
      } else {
      }
      %add3A_203 = arith.constant 2 : i32
      %add3A_204 = arith.addi %mul3A_158, %add3A_203 : i32
      %add3A_205 = arith.constant 1 : i32
      %add3A_206 = arith.addi %add3A_204, %add3A_205 : i32
      %lt3A_207 = arith.constant 80 : i32
      %lt3A_208 = arith.cmpi slt, %add3A_206, %lt3A_207 : i32
      %convert_element_type3A_209 = arith.extui %lt3A_208 : i1 to i32
      %cond3A_210 = arith.constant 0 : i32
      %cond3A_211 = arith.cmpi ne, %convert_element_type3A_209, %cond3A_210 : i32
      scf.if %cond3A_211 {
        %add3A_252 = arith.constant 1 : i32
        %add3A_253 = arith.addi %add3A_204, %add3A_252 : i32
        %dma_wait3A_254 = arith.constant 3 : i32
        %dma_wait3A_255 = arith.constant 0 : i32
        %dma_wait3A_256 = tpu.memref_slice %arg7[%dma_wait3A_254, %dma_wait3A_255] : memref<4x128xi32, #tpu.memory_space<vmem>> -> memref<1x128xi32, #tpu.memory_space<vmem>>
        %dma_wait3A_257 = tpu.memref_squeeze %dma_wait3A_256 : memref<1x128xi32, #tpu.memory_space<vmem>> -> memref<128xi32, #tpu.memory_space<vmem>>
        %dma_wait3A_258 = arith.constant 0 : i32
        %dma_wait3A_259 = tpu.memref_slice %arg3[%add3A, %add3A_253, %dma_wait3A_258] : memref<32x80x128xi32, #tpu.memory_space<hbm>> -> memref<1x1x128xi32, #tpu.memory_space<hbm>>
        %dma_wait3A_260 = tpu.memref_squeeze %dma_wait3A_259 : memref<1x1x128xi32, #tpu.memory_space<hbm>> -> memref<128xi32, #tpu.memory_space<hbm>>
        %dma_wait3A_261 = arith.constant 0 : i32
        %dma_wait3A_262 = tpu.memref_slice %arg7[%dma_wait3A_254, %dma_wait3A_261] : memref<4x128xi32, #tpu.memory_space<vmem>> -> memref<1x128xi32, #tpu.memory_space<vmem>>
        %dma_wait3A_263 = tpu.memref_squeeze %dma_wait3A_262 : memref<1x128xi32, #tpu.memory_space<vmem>> -> memref<128xi32, #tpu.memory_space<vmem>>
        %dma_wait3A_264 = arith.constant 0 : i32
        %dma_wait3A_265 = tpu.memref_slice %arg3[%add3A, %add3A_253, %dma_wait3A_264] : memref<32x80x128xi32, #tpu.memory_space<hbm>> -> memref<1x1x128xi32, #tpu.memory_space<hbm>>
        %dma_wait3A_266 = tpu.memref_squeeze %dma_wait3A_265 : memref<1x1x128xi32, #tpu.memory_space<hbm>> -> memref<128xi32, #tpu.memory_space<hbm>>
        tpu.wait_dma2 semaphore(%arg16 : memref<!tpu.dma_semaphore, #tpu.memory_space<semaphore_mem>>) src(%dma_wait3A_266 : memref<128xi32, #tpu.memory_space<hbm>>) dst(%dma_wait3A_263 : memref<128xi32, #tpu.memory_space<vmem>>)
        %dma_wait3A_267 = arith.constant 3 : i32
        %dma_wait3A_268 = arith.constant 0 : i32
        %dma_wait3A_269 = tpu.memref_slice %arg8[%dma_wait3A_267, %dma_wait3A_268] : memref<4x128xi32, #tpu.memory_space<vmem>> -> memref<1x128xi32, #tpu.memory_space<vmem>>
        %dma_wait3A_270 = tpu.memref_squeeze %dma_wait3A_269 : memref<1x128xi32, #tpu.memory_space<vmem>> -> memref<128xi32, #tpu.memory_space<vmem>>
        %dma_wait3A_271 = arith.constant 0 : i32
        %dma_wait3A_272 = tpu.memref_slice %arg4[%add3A, %add3A_253, %dma_wait3A_271] : memref<32x80x128xi32, #tpu.memory_space<hbm>> -> memref<1x1x128xi32, #tpu.memory_space<hbm>>
        %dma_wait3A_273 = tpu.memref_squeeze %dma_wait3A_272 : memref<1x1x128xi32, #tpu.memory_space<hbm>> -> memref<128xi32, #tpu.memory_space<hbm>>
        %dma_wait3A_274 = arith.constant 0 : i32
        %dma_wait3A_275 = tpu.memref_slice %arg8[%dma_wait3A_267, %dma_wait3A_274] : memref<4x128xi32, #tpu.memory_space<vmem>> -> memref<1x128xi32, #tpu.memory_space<vmem>>
        %dma_wait3A_276 = tpu.memref_squeeze %dma_wait3A_275 : memref<1x128xi32, #tpu.memory_space<vmem>> -> memref<128xi32, #tpu.memory_space<vmem>>
        %dma_wait3A_277 = arith.constant 0 : i32
        %dma_wait3A_278 = tpu.memref_slice %arg4[%add3A, %add3A_253, %dma_wait3A_277] : memref<32x80x128xi32, #tpu.memory_space<hbm>> -> memref<1x1x128xi32, #tpu.memory_space<hbm>>
        %dma_wait3A_279 = tpu.memref_squeeze %dma_wait3A_278 : memref<1x1x128xi32, #tpu.memory_space<hbm>> -> memref<128xi32, #tpu.memory_space<hbm>>
        tpu.wait_dma2 semaphore(%arg16 : memref<!tpu.dma_semaphore, #tpu.memory_space<semaphore_mem>>) src(%dma_wait3A_279 : memref<128xi32, #tpu.memory_space<hbm>>) dst(%dma_wait3A_276 : memref<128xi32, #tpu.memory_space<vmem>>)
        %dma_start3A_280 = arith.constant 3 : i32
        %dma_start3A_281 = arith.constant 0 : i32
        %dma_start3A_282 = tpu.memref_slice %arg7[%dma_start3A_280, %dma_start3A_281] : memref<4x128xi32, #tpu.memory_space<vmem>> -> memref<1x128xi32, #tpu.memory_space<vmem>>
        %dma_start3A_283 = tpu.memref_squeeze %dma_start3A_282 : memref<1x128xi32, #tpu.memory_space<vmem>> -> memref<128xi32, #tpu.memory_space<vmem>>
        %dma_start3A_284 = arith.constant 0 : i32
        %dma_start3A_285 = arith.constant 0 : i32
        %dma_start3A_286 = tpu.memref_slice %arg2[%dma_start3A_284, %dma_start3A_285] : memref<10000x128xf32, #tpu.memory_space<hbm>> -> memref<10000x128xf32, #tpu.memory_space<hbm>>
        tpu.enqueue_indirect_dma source(%dma_start3A_286 : memref<10000x128xf32, #tpu.memory_space<hbm>>) target(%arg10 : memref<128x128xf32, #tpu.memory_space<vmem>>) offsets(%dma_start3A_283 : memref<128xi32, #tpu.memory_space<vmem>>) semaphore(%arg12 : memref<!tpu.dma_semaphore, #tpu.memory_space<semaphore_mem>>)
      } else {
      }
      %dma_wait3A_212 = arith.constant 2 : i32
      %dma_wait3A_213 = arith.constant 0 : i32
      %dma_wait3A_214 = tpu.memref_slice %arg7[%dma_wait3A_212, %dma_wait3A_213] : memref<4x128xi32, #tpu.memory_space<vmem>> -> memref<1x128xi32, #tpu.memory_space<vmem>>
      %dma_wait3A_215 = tpu.memref_squeeze %dma_wait3A_214 : memref<1x128xi32, #tpu.memory_space<vmem>> -> memref<128xi32, #tpu.memory_space<vmem>>
      %dma_wait3A_216 = arith.constant 0 : i32
      %dma_wait3A_217 = arith.constant 0 : i32
      %dma_wait3A_218 = tpu.memref_slice %arg2[%dma_wait3A_216, %dma_wait3A_217] : memref<10000x128xf32, #tpu.memory_space<hbm>> -> memref<10000x128xf32, #tpu.memory_space<hbm>>
      tpu.wait_indirect_dma semaphore(%arg11 : memref<!tpu.dma_semaphore, #tpu.memory_space<semaphore_mem>>) src(%dma_wait3A_218 : memref<10000x128xf32, #tpu.memory_space<hbm>>) dst(%arg9 : memref<128x128xf32, #tpu.memory_space<vmem>>)
      %run_scoped3A_219 = arith.constant 2 : i32
      "tpu.region"() ({
        %run_scoped3A_252 = tpu.sem_alloc : memref<!tpu.dma_semaphore, #tpu.memory_space<semaphore_mem>>
        %dma_start3A_253 = arith.constant 0 : i32
        %dma_start3A_254 = tpu.memref_slice %arg8[%run_scoped3A_219, %dma_start3A_253] : memref<4x128xi32, #tpu.memory_space<vmem>> -> memref<1x128xi32, #tpu.memory_space<vmem>>
        %dma_start3A_255 = tpu.memref_squeeze %dma_start3A_254 : memref<1x128xi32, #tpu.memory_space<vmem>> -> memref<128xi32, #tpu.memory_space<vmem>>
        %dma_start3A_256 = arith.constant 0 : i32
        %dma_start3A_257 = arith.constant 0 : i32
        %dma_start3A_258 = tpu.memref_slice %arg17[%dma_start3A_256, %dma_start3A_257] : memref<10112x128xf32, #tpu.memory_space<vmem_shared>> -> memref<10112x128xf32, #tpu.memory_space<vmem_shared>>
        tpu.enqueue_indirect_dma source(%arg9 : memref<128x128xf32, #tpu.memory_space<vmem>>) target(%dma_start3A_258 : memref<10112x128xf32, #tpu.memory_space<vmem_shared>>) offsets(%dma_start3A_255 : memref<128xi32, #tpu.memory_space<vmem>>) semaphore(%run_scoped3A_252 : memref<!tpu.dma_semaphore, #tpu.memory_space<semaphore_mem>>) {add = true}
        %dma_wait3A_259 = arith.constant 0 : i32
        %dma_wait3A_260 = tpu.memref_slice %arg8[%run_scoped3A_219, %dma_wait3A_259] : memref<4x128xi32, #tpu.memory_space<vmem>> -> memref<1x128xi32, #tpu.memory_space<vmem>>
        %dma_wait3A_261 = tpu.memref_squeeze %dma_wait3A_260 : memref<1x128xi32, #tpu.memory_space<vmem>> -> memref<128xi32, #tpu.memory_space<vmem>>
        %dma_wait3A_262 = arith.constant 0 : i32
        %dma_wait3A_263 = arith.constant 0 : i32
        %dma_wait3A_264 = tpu.memref_slice %arg17[%dma_wait3A_262, %dma_wait3A_263] : memref<10112x128xf32, #tpu.memory_space<vmem_shared>> -> memref<10112x128xf32, #tpu.memory_space<vmem_shared>>
        tpu.wait_indirect_dma semaphore(%run_scoped3A_252 : memref<!tpu.dma_semaphore, #tpu.memory_space<semaphore_mem>>) src(%arg9 : memref<128x128xf32, #tpu.memory_space<vmem>>) dst(%dma_wait3A_264 : memref<10112x128xf32, #tpu.memory_space<vmem_shared>>)
        tpu.yield
      }) : () -> ()
      %add3A_220 = arith.constant 4 : i32
      %add3A_221 = arith.addi %add3A_204, %add3A_220 : i32
      %lt3A_222 = arith.constant 80 : i32
      %lt3A_223 = arith.cmpi slt, %add3A_221, %lt3A_222 : i32
      %convert_element_type3A_224 = arith.extui %lt3A_223 : i1 to i32
      %cond3A_225 = arith.constant 0 : i32
      %cond3A_226 = arith.cmpi ne, %convert_element_type3A_224, %cond3A_225 : i32
      scf.if %cond3A_226 {
        %add3A_252 = arith.constant 4 : i32
        %add3A_253 = arith.addi %add3A_204, %add3A_252 : i32
        %dma_start3A_254 = arith.constant 2 : i32
        %dma_start3A_255 = arith.constant 0 : i32
        %dma_start3A_256 = tpu.memref_slice %arg7[%dma_start3A_254, %dma_start3A_255] : memref<4x128xi32, #tpu.memory_space<vmem>> -> memref<1x128xi32, #tpu.memory_space<vmem>>
        %dma_start3A_257 = tpu.memref_squeeze %dma_start3A_256 : memref<1x128xi32, #tpu.memory_space<vmem>> -> memref<128xi32, #tpu.memory_space<vmem>>
        %dma_start3A_258 = arith.constant 0 : i32
        %dma_start3A_259 = tpu.memref_slice %arg3[%add3A, %add3A_253, %dma_start3A_258] : memref<32x80x128xi32, #tpu.memory_space<hbm>> -> memref<1x1x128xi32, #tpu.memory_space<hbm>>
        %dma_start3A_260 = tpu.memref_squeeze %dma_start3A_259 : memref<1x1x128xi32, #tpu.memory_space<hbm>> -> memref<128xi32, #tpu.memory_space<hbm>>
        %dma_start3A_261 = arith.constant 0 : i32
        %dma_start3A_262 = tpu.memref_slice %arg7[%dma_start3A_254, %dma_start3A_261] : memref<4x128xi32, #tpu.memory_space<vmem>> -> memref<1x128xi32, #tpu.memory_space<vmem>>
        %dma_start3A_263 = tpu.memref_squeeze %dma_start3A_262 : memref<1x128xi32, #tpu.memory_space<vmem>> -> memref<128xi32, #tpu.memory_space<vmem>>
        %dma_start3A_264 = arith.constant 0 : i32
        %dma_start3A_265 = tpu.memref_slice %arg3[%add3A, %add3A_253, %dma_start3A_264] : memref<32x80x128xi32, #tpu.memory_space<hbm>> -> memref<1x1x128xi32, #tpu.memory_space<hbm>>
        %dma_start3A_266 = tpu.memref_squeeze %dma_start3A_265 : memref<1x1x128xi32, #tpu.memory_space<hbm>> -> memref<128xi32, #tpu.memory_space<hbm>>
        tpu.enqueue_dma source(%dma_start3A_266 : memref<128xi32, #tpu.memory_space<hbm>>) target(%dma_start3A_263 : memref<128xi32, #tpu.memory_space<vmem>>) target_semaphore(%arg15 : memref<!tpu.dma_semaphore, #tpu.memory_space<semaphore_mem>>)
        %dma_start3A_267 = arith.constant 2 : i32
        %dma_start3A_268 = arith.constant 0 : i32
        %dma_start3A_269 = tpu.memref_slice %arg8[%dma_start3A_267, %dma_start3A_268] : memref<4x128xi32, #tpu.memory_space<vmem>> -> memref<1x128xi32, #tpu.memory_space<vmem>>
        %dma_start3A_270 = tpu.memref_squeeze %dma_start3A_269 : memref<1x128xi32, #tpu.memory_space<vmem>> -> memref<128xi32, #tpu.memory_space<vmem>>
        %dma_start3A_271 = arith.constant 0 : i32
        %dma_start3A_272 = tpu.memref_slice %arg4[%add3A, %add3A_253, %dma_start3A_271] : memref<32x80x128xi32, #tpu.memory_space<hbm>> -> memref<1x1x128xi32, #tpu.memory_space<hbm>>
        %dma_start3A_273 = tpu.memref_squeeze %dma_start3A_272 : memref<1x1x128xi32, #tpu.memory_space<hbm>> -> memref<128xi32, #tpu.memory_space<hbm>>
        %dma_start3A_274 = arith.constant 0 : i32
        %dma_start3A_275 = tpu.memref_slice %arg8[%dma_start3A_267, %dma_start3A_274] : memref<4x128xi32, #tpu.memory_space<vmem>> -> memref<1x128xi32, #tpu.memory_space<vmem>>
        %dma_start3A_276 = tpu.memref_squeeze %dma_start3A_275 : memref<1x128xi32, #tpu.memory_space<vmem>> -> memref<128xi32, #tpu.memory_space<vmem>>
        %dma_start3A_277 = arith.constant 0 : i32
        %dma_start3A_278 = tpu.memref_slice %arg4[%add3A, %add3A_253, %dma_start3A_277] : memref<32x80x128xi32, #tpu.memory_space<hbm>> -> memref<1x1x128xi32, #tpu.memory_space<hbm>>
        %dma_start3A_279 = tpu.memref_squeeze %dma_start3A_278 : memref<1x1x128xi32, #tpu.memory_space<hbm>> -> memref<128xi32, #tpu.memory_space<hbm>>
        tpu.enqueue_dma source(%dma_start3A_279 : memref<128xi32, #tpu.memory_space<hbm>>) target(%dma_start3A_276 : memref<128xi32, #tpu.memory_space<vmem>>) target_semaphore(%arg15 : memref<!tpu.dma_semaphore, #tpu.memory_space<semaphore_mem>>)
      } else {
      }
      %add3A_227 = arith.constant 3 : i32
      %add3A_228 = arith.addi %mul3A_158, %add3A_227 : i32
      %add3A_229 = arith.constant 1 : i32
      %add3A_230 = arith.addi %add3A_228, %add3A_229 : i32
      %lt3A_231 = arith.constant 80 : i32
      %lt3A_232 = arith.cmpi slt, %add3A_230, %lt3A_231 : i32
      %convert_element_type3A_233 = arith.extui %lt3A_232 : i1 to i32
      %cond3A_234 = arith.constant 0 : i32
      %cond3A_235 = arith.cmpi ne, %convert_element_type3A_233, %cond3A_234 : i32
      scf.if %cond3A_235 {
        %add3A_252 = arith.constant 1 : i32
        %add3A_253 = arith.addi %add3A_228, %add3A_252 : i32
        %dma_wait3A_254 = arith.constant 0 : i32
        %dma_wait3A_255 = arith.constant 0 : i32
        %dma_wait3A_256 = tpu.memref_slice %arg7[%dma_wait3A_254, %dma_wait3A_255] : memref<4x128xi32, #tpu.memory_space<vmem>> -> memref<1x128xi32, #tpu.memory_space<vmem>>
        %dma_wait3A_257 = tpu.memref_squeeze %dma_wait3A_256 : memref<1x128xi32, #tpu.memory_space<vmem>> -> memref<128xi32, #tpu.memory_space<vmem>>
        %dma_wait3A_258 = arith.constant 0 : i32
        %dma_wait3A_259 = tpu.memref_slice %arg3[%add3A, %add3A_253, %dma_wait3A_258] : memref<32x80x128xi32, #tpu.memory_space<hbm>> -> memref<1x1x128xi32, #tpu.memory_space<hbm>>
        %dma_wait3A_260 = tpu.memref_squeeze %dma_wait3A_259 : memref<1x1x128xi32, #tpu.memory_space<hbm>> -> memref<128xi32, #tpu.memory_space<hbm>>
        %dma_wait3A_261 = arith.constant 0 : i32
        %dma_wait3A_262 = tpu.memref_slice %arg7[%dma_wait3A_254, %dma_wait3A_261] : memref<4x128xi32, #tpu.memory_space<vmem>> -> memref<1x128xi32, #tpu.memory_space<vmem>>
        %dma_wait3A_263 = tpu.memref_squeeze %dma_wait3A_262 : memref<1x128xi32, #tpu.memory_space<vmem>> -> memref<128xi32, #tpu.memory_space<vmem>>
        %dma_wait3A_264 = arith.constant 0 : i32
        %dma_wait3A_265 = tpu.memref_slice %arg3[%add3A, %add3A_253, %dma_wait3A_264] : memref<32x80x128xi32, #tpu.memory_space<hbm>> -> memref<1x1x128xi32, #tpu.memory_space<hbm>>
        %dma_wait3A_266 = tpu.memref_squeeze %dma_wait3A_265 : memref<1x1x128xi32, #tpu.memory_space<hbm>> -> memref<128xi32, #tpu.memory_space<hbm>>
        tpu.wait_dma2 semaphore(%arg13 : memref<!tpu.dma_semaphore, #tpu.memory_space<semaphore_mem>>) src(%dma_wait3A_266 : memref<128xi32, #tpu.memory_space<hbm>>) dst(%dma_wait3A_263 : memref<128xi32, #tpu.memory_space<vmem>>)
        %dma_wait3A_267 = arith.constant 0 : i32
        %dma_wait3A_268 = arith.constant 0 : i32
        %dma_wait3A_269 = tpu.memref_slice %arg8[%dma_wait3A_267, %dma_wait3A_268] : memref<4x128xi32, #tpu.memory_space<vmem>> -> memref<1x128xi32, #tpu.memory_space<vmem>>
        %dma_wait3A_270 = tpu.memref_squeeze %dma_wait3A_269 : memref<1x128xi32, #tpu.memory_space<vmem>> -> memref<128xi32, #tpu.memory_space<vmem>>
        %dma_wait3A_271 = arith.constant 0 : i32
        %dma_wait3A_272 = tpu.memref_slice %arg4[%add3A, %add3A_253, %dma_wait3A_271] : memref<32x80x128xi32, #tpu.memory_space<hbm>> -> memref<1x1x128xi32, #tpu.memory_space<hbm>>
        %dma_wait3A_273 = tpu.memref_squeeze %dma_wait3A_272 : memref<1x1x128xi32, #tpu.memory_space<hbm>> -> memref<128xi32, #tpu.memory_space<hbm>>
        %dma_wait3A_274 = arith.constant 0 : i32
        %dma_wait3A_275 = tpu.memref_slice %arg8[%dma_wait3A_267, %dma_wait3A_274] : memref<4x128xi32, #tpu.memory_space<vmem>> -> memref<1x128xi32, #tpu.memory_space<vmem>>
        %dma_wait3A_276 = tpu.memref_squeeze %dma_wait3A_275 : memref<1x128xi32, #tpu.memory_space<vmem>> -> memref<128xi32, #tpu.memory_space<vmem>>
        %dma_wait3A_277 = arith.constant 0 : i32
        %dma_wait3A_278 = tpu.memref_slice %arg4[%add3A, %add3A_253, %dma_wait3A_277] : memref<32x80x128xi32, #tpu.memory_space<hbm>> -> memref<1x1x128xi32, #tpu.memory_space<hbm>>
        %dma_wait3A_279 = tpu.memref_squeeze %dma_wait3A_278 : memref<1x1x128xi32, #tpu.memory_space<hbm>> -> memref<128xi32, #tpu.memory_space<hbm>>
        tpu.wait_dma2 semaphore(%arg13 : memref<!tpu.dma_semaphore, #tpu.memory_space<semaphore_mem>>) src(%dma_wait3A_279 : memref<128xi32, #tpu.memory_space<hbm>>) dst(%dma_wait3A_276 : memref<128xi32, #tpu.memory_space<vmem>>)
        %dma_start3A_280 = arith.constant 0 : i32
        %dma_start3A_281 = arith.constant 0 : i32
        %dma_start3A_282 = tpu.memref_slice %arg7[%dma_start3A_280, %dma_start3A_281] : memref<4x128xi32, #tpu.memory_space<vmem>> -> memref<1x128xi32, #tpu.memory_space<vmem>>
        %dma_start3A_283 = tpu.memref_squeeze %dma_start3A_282 : memref<1x128xi32, #tpu.memory_space<vmem>> -> memref<128xi32, #tpu.memory_space<vmem>>
        %dma_start3A_284 = arith.constant 0 : i32
        %dma_start3A_285 = arith.constant 0 : i32
        %dma_start3A_286 = tpu.memref_slice %arg2[%dma_start3A_284, %dma_start3A_285] : memref<10000x128xf32, #tpu.memory_space<hbm>> -> memref<10000x128xf32, #tpu.memory_space<hbm>>
        tpu.enqueue_indirect_dma source(%dma_start3A_286 : memref<10000x128xf32, #tpu.memory_space<hbm>>) target(%arg9 : memref<128x128xf32, #tpu.memory_space<vmem>>) offsets(%dma_start3A_283 : memref<128xi32, #tpu.memory_space<vmem>>) semaphore(%arg11 : memref<!tpu.dma_semaphore, #tpu.memory_space<semaphore_mem>>)
      } else {
      }
      %dma_wait3A_236 = arith.constant 3 : i32
      %dma_wait3A_237 = arith.constant 0 : i32
      %dma_wait3A_238 = tpu.memref_slice %arg7[%dma_wait3A_236, %dma_wait3A_237] : memref<4x128xi32, #tpu.memory_space<vmem>> -> memref<1x128xi32, #tpu.memory_space<vmem>>
      %dma_wait3A_239 = tpu.memref_squeeze %dma_wait3A_238 : memref<1x128xi32, #tpu.memory_space<vmem>> -> memref<128xi32, #tpu.memory_space<vmem>>
      %dma_wait3A_240 = arith.constant 0 : i32
      %dma_wait3A_241 = arith.constant 0 : i32
      %dma_wait3A_242 = tpu.memref_slice %arg2[%dma_wait3A_240, %dma_wait3A_241] : memref<10000x128xf32, #tpu.memory_space<hbm>> -> memref<10000x128xf32, #tpu.memory_space<hbm>>
      tpu.wait_indirect_dma semaphore(%arg12 : memref<!tpu.dma_semaphore, #tpu.memory_space<semaphore_mem>>) src(%dma_wait3A_242 : memref<10000x128xf32, #tpu.memory_space<hbm>>) dst(%arg10 : memref<128x128xf32, #tpu.memory_space<vmem>>)
      %run_scoped3A_243 = arith.constant 3 : i32
      "tpu.region"() ({
        %run_scoped3A_252 = tpu.sem_alloc : memref<!tpu.dma_semaphore, #tpu.memory_space<semaphore_mem>>
        %dma_start3A_253 = arith.constant 0 : i32
        %dma_start3A_254 = tpu.memref_slice %arg8[%run_scoped3A_243, %dma_start3A_253] : memref<4x128xi32, #tpu.memory_space<vmem>> -> memref<1x128xi32, #tpu.memory_space<vmem>>
        %dma_start3A_255 = tpu.memref_squeeze %dma_start3A_254 : memref<1x128xi32, #tpu.memory_space<vmem>> -> memref<128xi32, #tpu.memory_space<vmem>>
        %dma_start3A_256 = arith.constant 0 : i32
        %dma_start3A_257 = arith.constant 0 : i32
        %dma_start3A_258 = tpu.memref_slice %arg17[%dma_start3A_256, %dma_start3A_257] : memref<10112x128xf32, #tpu.memory_space<vmem_shared>> -> memref<10112x128xf32, #tpu.memory_space<vmem_shared>>
        tpu.enqueue_indirect_dma source(%arg10 : memref<128x128xf32, #tpu.memory_space<vmem>>) target(%dma_start3A_258 : memref<10112x128xf32, #tpu.memory_space<vmem_shared>>) offsets(%dma_start3A_255 : memref<128xi32, #tpu.memory_space<vmem>>) semaphore(%run_scoped3A_252 : memref<!tpu.dma_semaphore, #tpu.memory_space<semaphore_mem>>) {add = true}
        %dma_wait3A_259 = arith.constant 0 : i32
        %dma_wait3A_260 = tpu.memref_slice %arg8[%run_scoped3A_243, %dma_wait3A_259] : memref<4x128xi32, #tpu.memory_space<vmem>> -> memref<1x128xi32, #tpu.memory_space<vmem>>
        %dma_wait3A_261 = tpu.memref_squeeze %dma_wait3A_260 : memref<1x128xi32, #tpu.memory_space<vmem>> -> memref<128xi32, #tpu.memory_space<vmem>>
        %dma_wait3A_262 = arith.constant 0 : i32
        %dma_wait3A_263 = arith.constant 0 : i32
        %dma_wait3A_264 = tpu.memref_slice %arg17[%dma_wait3A_262, %dma_wait3A_263] : memref<10112x128xf32, #tpu.memory_space<vmem_shared>> -> memref<10112x128xf32, #tpu.memory_space<vmem_shared>>
        tpu.wait_indirect_dma semaphore(%run_scoped3A_252 : memref<!tpu.dma_semaphore, #tpu.memory_space<semaphore_mem>>) src(%arg10 : memref<128x128xf32, #tpu.memory_space<vmem>>) dst(%dma_wait3A_264 : memref<10112x128xf32, #tpu.memory_space<vmem_shared>>)
        tpu.yield
      }) : () -> ()
      %add3A_244 = arith.constant 4 : i32
      %add3A_245 = arith.addi %add3A_228, %add3A_244 : i32
      %lt3A_246 = arith.constant 80 : i32
      %lt3A_247 = arith.cmpi slt, %add3A_245, %lt3A_246 : i32
      %convert_element_type3A_248 = arith.extui %lt3A_247 : i1 to i32
      %cond3A_249 = arith.constant 0 : i32
      %cond3A_250 = arith.cmpi ne, %convert_element_type3A_248, %cond3A_249 : i32
      scf.if %cond3A_250 {
        %add3A_252 = arith.constant 4 : i32
        %add3A_253 = arith.addi %add3A_228, %add3A_252 : i32
        %dma_start3A_254 = arith.constant 3 : i32
        %dma_start3A_255 = arith.constant 0 : i32
        %dma_start3A_256 = tpu.memref_slice %arg7[%dma_start3A_254, %dma_start3A_255] : memref<4x128xi32, #tpu.memory_space<vmem>> -> memref<1x128xi32, #tpu.memory_space<vmem>>
        %dma_start3A_257 = tpu.memref_squeeze %dma_start3A_256 : memref<1x128xi32, #tpu.memory_space<vmem>> -> memref<128xi32, #tpu.memory_space<vmem>>
        %dma_start3A_258 = arith.constant 0 : i32
        %dma_start3A_259 = tpu.memref_slice %arg3[%add3A, %add3A_253, %dma_start3A_258] : memref<32x80x128xi32, #tpu.memory_space<hbm>> -> memref<1x1x128xi32, #tpu.memory_space<hbm>>
        %dma_start3A_260 = tpu.memref_squeeze %dma_start3A_259 : memref<1x1x128xi32, #tpu.memory_space<hbm>> -> memref<128xi32, #tpu.memory_space<hbm>>
        %dma_start3A_261 = arith.constant 0 : i32
        %dma_start3A_262 = tpu.memref_slice %arg7[%dma_start3A_254, %dma_start3A_261] : memref<4x128xi32, #tpu.memory_space<vmem>> -> memref<1x128xi32, #tpu.memory_space<vmem>>
        %dma_start3A_263 = tpu.memref_squeeze %dma_start3A_262 : memref<1x128xi32, #tpu.memory_space<vmem>> -> memref<128xi32, #tpu.memory_space<vmem>>
        %dma_start3A_264 = arith.constant 0 : i32
        %dma_start3A_265 = tpu.memref_slice %arg3[%add3A, %add3A_253, %dma_start3A_264] : memref<32x80x128xi32, #tpu.memory_space<hbm>> -> memref<1x1x128xi32, #tpu.memory_space<hbm>>
        %dma_start3A_266 = tpu.memref_squeeze %dma_start3A_265 : memref<1x1x128xi32, #tpu.memory_space<hbm>> -> memref<128xi32, #tpu.memory_space<hbm>>
        tpu.enqueue_dma source(%dma_start3A_266 : memref<128xi32, #tpu.memory_space<hbm>>) target(%dma_start3A_263 : memref<128xi32, #tpu.memory_space<vmem>>) target_semaphore(%arg16 : memref<!tpu.dma_semaphore, #tpu.memory_space<semaphore_mem>>)
        %dma_start3A_267 = arith.constant 3 : i32
        %dma_start3A_268 = arith.constant 0 : i32
        %dma_start3A_269 = tpu.memref_slice %arg8[%dma_start3A_267, %dma_start3A_268] : memref<4x128xi32, #tpu.memory_space<vmem>> -> memref<1x128xi32, #tpu.memory_space<vmem>>
        %dma_start3A_270 = tpu.memref_squeeze %dma_start3A_269 : memref<1x128xi32, #tpu.memory_space<vmem>> -> memref<128xi32, #tpu.memory_space<vmem>>
        %dma_start3A_271 = arith.constant 0 : i32
        %dma_start3A_272 = tpu.memref_slice %arg4[%add3A, %add3A_253, %dma_start3A_271] : memref<32x80x128xi32, #tpu.memory_space<hbm>> -> memref<1x1x128xi32, #tpu.memory_space<hbm>>
        %dma_start3A_273 = tpu.memref_squeeze %dma_start3A_272 : memref<1x1x128xi32, #tpu.memory_space<hbm>> -> memref<128xi32, #tpu.memory_space<hbm>>
        %dma_start3A_274 = arith.constant 0 : i32
        %dma_start3A_275 = tpu.memref_slice %arg8[%dma_start3A_267, %dma_start3A_274] : memref<4x128xi32, #tpu.memory_space<vmem>> -> memref<1x128xi32, #tpu.memory_space<vmem>>
        %dma_start3A_276 = tpu.memref_squeeze %dma_start3A_275 : memref<1x128xi32, #tpu.memory_space<vmem>> -> memref<128xi32, #tpu.memory_space<vmem>>
        %dma_start3A_277 = arith.constant 0 : i32
        %dma_start3A_278 = tpu.memref_slice %arg4[%add3A, %add3A_253, %dma_start3A_277] : memref<32x80x128xi32, #tpu.memory_space<hbm>> -> memref<1x1x128xi32, #tpu.memory_space<hbm>>
        %dma_start3A_279 = tpu.memref_squeeze %dma_start3A_278 : memref<1x1x128xi32, #tpu.memory_space<hbm>> -> memref<128xi32, #tpu.memory_space<hbm>>
        tpu.enqueue_dma source(%dma_start3A_279 : memref<128xi32, #tpu.memory_space<hbm>>) target(%dma_start3A_276 : memref<128xi32, #tpu.memory_space<vmem>>) target_semaphore(%arg16 : memref<!tpu.dma_semaphore, #tpu.memory_space<semaphore_mem>>)
      } else {
      }
      %scan3A_251 = arith.constant 0 : i32
      scf.yield %scan3A_251 : i32
    }
    %scan3A_153 = arith.constant 20 : i32
    %barrier3A_154 = arith.constant 0 : index
    tpu.barrier barrier_id(%barrier3A_154)
    "tpu.region"() ({
      %run_scoped3A = tpu.sem_alloc : memref<!tpu.dma_semaphore, #tpu.memory_space<semaphore_mem>>
      %dma_start3A_155 = arith.constant 0 : i32
      %dma_start3A_156 = tpu.memref_slice %arg6[%arg0, %mul3A_2, %dma_start3A_155] : memref<2x10112x128xf32, #tpu.memory_space<hbm>> -> memref<1x632x128xf32, #tpu.memory_space<hbm>>
      %dma_start3A_157 = tpu.memref_squeeze %dma_start3A_156 : memref<1x632x128xf32, #tpu.memory_space<hbm>> -> memref<632x128xf32, #tpu.memory_space<hbm>>
      %dma_start3A_158 = arith.constant 0 : i32
      %dma_start3A_159 = tpu.memref_slice %arg17[%mul3A_2, %dma_start3A_158] : memref<10112x128xf32, #tpu.memory_space<vmem_shared>> -> memref<632x128xf32, #tpu.memory_space<vmem_shared>>
      tpu.enqueue_dma source(%dma_start3A_159 : memref<632x128xf32, #tpu.memory_space<vmem_shared>>) target(%dma_start3A_157 : memref<632x128xf32, #tpu.memory_space<hbm>>) target_semaphore(%run_scoped3A : memref<!tpu.dma_semaphore, #tpu.memory_space<semaphore_mem>>)
      %dma_wait3A_160 = arith.constant 0 : i32
      %dma_wait3A_161 = tpu.memref_slice %arg6[%arg0, %mul3A_2, %dma_wait3A_160] : memref<2x10112x128xf32, #tpu.memory_space<hbm>> -> memref<1x632x128xf32, #tpu.memory_space<hbm>>
      %dma_wait3A_162 = tpu.memref_squeeze %dma_wait3A_161 : memref<1x632x128xf32, #tpu.memory_space<hbm>> -> memref<632x128xf32, #tpu.memory_space<hbm>>
      %dma_wait3A_163 = arith.constant 0 : i32
      %dma_wait3A_164 = tpu.memref_slice %arg17[%mul3A_2, %dma_wait3A_163] : memref<10112x128xf32, #tpu.memory_space<vmem_shared>> -> memref<632x128xf32, #tpu.memory_space<vmem_shared>>
      tpu.wait_dma2 semaphore(%run_scoped3A : memref<!tpu.dma_semaphore, #tpu.memory_space<semaphore_mem>>) src(%dma_wait3A_164 : memref<632x128xf32, #tpu.memory_space<vmem_shared>>) dst(%dma_wait3A_162 : memref<632x128xf32, #tpu.memory_space<hbm>>)
      tpu.yield
    }) : () -> ()
    return
  }
}

#map = affine_map<(d0, d1) -> (0, 0)>
#map1 = affine_map<(d0, d1) -> (0, 0, 0)>
module attributes {stable_mosaic.version = 14 : i64} {
  func.func @sc_sage_agg(%arg0: i32, %arg1: i32, %arg2: memref<10000x128xf32, #tpu.memory_space<hbm>>, %arg3: memref<32x80x128xi32, #tpu.memory_space<hbm>>, %arg4: memref<32x80x128xi32, #tpu.memory_space<hbm>>, %arg5: memref<10112x128xf32, #tpu.memory_space<hbm>>, %arg6: memref<2x10112x128xf32, #tpu.memory_space<hbm>>, %arg7: memref<4x128xi32, #tpu.memory_space<vmem>>, %arg8: memref<4x128xi32, #tpu.memory_space<vmem>>, %arg9: memref<128x128xf32, #tpu.memory_space<vmem>>, %arg10: memref<128x128xf32, #tpu.memory_space<vmem>>, %arg11: memref<!tpu.dma_semaphore, #tpu.memory_space<semaphore_mem>>, %arg12: memref<!tpu.dma_semaphore, #tpu.memory_space<semaphore_mem>>, %arg13: memref<!tpu.dma_semaphore, #tpu.memory_space<semaphore_mem>>, %arg14: memref<!tpu.dma_semaphore, #tpu.memory_space<semaphore_mem>>, %arg15: memref<!tpu.dma_semaphore, #tpu.memory_space<semaphore_mem>>, %arg16: memref<!tpu.dma_semaphore, #tpu.memory_space<semaphore_mem>>, %arg17: memref<10112x128xf32, #tpu.memory_space<vmem_shared>>) attributes {dimension_semantics = [#tpu.dimension_semantics<core_parallel>, #tpu.dimension_semantics<subcore_parallel>], iteration_bounds = array<i64: 2, 16>, scalar_prefetch = 0 : i64, scratch_operands = 11 : i64, tpu.core_type = #tpu.core_type<sc_vector_subcore>, window_params = [{transform_indices = #map}, {transform_indices = #map1}, {transform_indices = #map1}, {transform_indices = #map}, {transform_indices = #map1}]} {
    %mul3A = arith.constant 2 : i32
    %mul3A_0 = arith.muli %arg1, %mul3A : i32
    %add3A = arith.addi %mul3A_0, %arg0 : i32
    %mul3A_1 = arith.constant 632 : i32
    %mul3A_2 = arith.muli %arg1, %mul3A_1 : i32
    "tpu.region"() ({
      %run_scoped3A = tpu.sem_alloc : memref<!tpu.dma_semaphore, #tpu.memory_space<semaphore_mem>>
      %dma_start3A_155 = arith.constant 0 : i32
      %dma_start3A_156 = tpu.memref_slice %arg17[%mul3A_2, %dma_start3A_155] : memref<10112x128xf32, #tpu.memory_space<vmem_shared>> -> memref<632x128xf32, #tpu.memory_space<vmem_shared>>
      %dma_start3A_157 = arith.constant 0 : i32
      %dma_start3A_158 = tpu.memref_slice %arg5[%mul3A_2, %dma_start3A_157] : memref<10112x128xf32, #tpu.memory_space<hbm>> -> memref<632x128xf32, #tpu.memory_space<hbm>>
      tpu.enqueue_dma source(%dma_start3A_158 : memref<632x128xf32, #tpu.memory_space<hbm>>) target(%dma_start3A_156 : memref<632x128xf32, #tpu.memory_space<vmem_shared>>) target_semaphore(%run_scoped3A : memref<!tpu.dma_semaphore, #tpu.memory_space<semaphore_mem>>)
      %dma_wait3A_159 = arith.constant 0 : i32
      %dma_wait3A_160 = tpu.memref_slice %arg17[%mul3A_2, %dma_wait3A_159] : memref<10112x128xf32, #tpu.memory_space<vmem_shared>> -> memref<632x128xf32, #tpu.memory_space<vmem_shared>>
      %dma_wait3A_161 = arith.constant 0 : i32
      %dma_wait3A_162 = tpu.memref_slice %arg5[%mul3A_2, %dma_wait3A_161] : memref<10112x128xf32, #tpu.memory_space<hbm>> -> memref<632x128xf32, #tpu.memory_space<hbm>>
      tpu.wait_dma2 semaphore(%run_scoped3A : memref<!tpu.dma_semaphore, #tpu.memory_space<semaphore_mem>>) src(%dma_wait3A_162 : memref<632x128xf32, #tpu.memory_space<hbm>>) dst(%dma_wait3A_160 : memref<632x128xf32, #tpu.memory_space<vmem_shared>>)
      tpu.yield
    }) : () -> ()
    %barrier3A = arith.constant 0 : index
    tpu.barrier barrier_id(%barrier3A)
    %dma_start3A = arith.constant 0 : i32
    %dma_start3A_3 = arith.constant 0 : i32
    %dma_start3A_4 = arith.constant 0 : i32
    %dma_start3A_5 = tpu.memref_slice %arg7[%dma_start3A_3, %dma_start3A_4] : memref<4x128xi32, #tpu.memory_space<vmem>> -> memref<1x128xi32, #tpu.memory_space<vmem>>
    %dma_start3A_6 = tpu.memref_squeeze %dma_start3A_5 : memref<1x128xi32, #tpu.memory_space<vmem>> -> memref<128xi32, #tpu.memory_space<vmem>>
    %dma_start3A_7 = arith.constant 0 : i32
    %dma_start3A_8 = tpu.memref_slice %arg3[%add3A, %dma_start3A, %dma_start3A_7] : memref<32x80x128xi32, #tpu.memory_space<hbm>> -> memref<1x1x128xi32, #tpu.memory_space<hbm>>
    %dma_start3A_9 = tpu.memref_squeeze %dma_start3A_8 : memref<1x1x128xi32, #tpu.memory_space<hbm>> -> memref<128xi32, #tpu.memory_space<hbm>>
    %dma_start3A_10 = arith.constant 0 : i32
    %dma_start3A_11 = tpu.memref_slice %arg7[%dma_start3A_3, %dma_start3A_10] : memref<4x128xi32, #tpu.memory_space<vmem>> -> memref<1x128xi32, #tpu.memory_space<vmem>>
    %dma_start3A_12 = tpu.memref_squeeze %dma_start3A_11 : memref<1x128xi32, #tpu.memory_space<vmem>> -> memref<128xi32, #tpu.memory_space<vmem>>
    %dma_start3A_13 = arith.constant 0 : i32
    %dma_start3A_14 = tpu.memref_slice %arg3[%add3A, %dma_start3A, %dma_start3A_13] : memref<32x80x128xi32, #tpu.memory_space<hbm>> -> memref<1x1x128xi32, #tpu.memory_space<hbm>>
    %dma_start3A_15 = tpu.memref_squeeze %dma_start3A_14 : memref<1x1x128xi32, #tpu.memory_space<hbm>> -> memref<128xi32, #tpu.memory_space<hbm>>
    tpu.enqueue_dma source(%dma_start3A_15 : memref<128xi32, #tpu.memory_space<hbm>>) target(%dma_start3A_12 : memref<128xi32, #tpu.memory_space<vmem>>) target_semaphore(%arg13 : memref<!tpu.dma_semaphore, #tpu.memory_space<semaphore_mem>>)
    %dma_wait3A = arith.constant 0 : i32
    %dma_wait3A_16 = arith.constant 0 : i32
    %dma_wait3A_17 = arith.constant 0 : i32
    %dma_wait3A_18 = tpu.memref_slice %arg7[%dma_wait3A_16, %dma_wait3A_17] : memref<4x128xi32, #tpu.memory_space<vmem>> -> memref<1x128xi32, #tpu.memory_space<vmem>>
    %dma_wait3A_19 = tpu.memref_squeeze %dma_wait3A_18 : memref<1x128xi32, #tpu.memory_space<vmem>> -> memref<128xi32, #tpu.memory_space<vmem>>
    %dma_wait3A_20 = arith.constant 0 : i32
    %dma_wait3A_21 = tpu.memref_slice %arg3[%add3A, %dma_wait3A, %dma_wait3A_20] : memref<32x80x128xi32, #tpu.memory_space<hbm>> -> memref<1x1x128xi32, #tpu.memory_space<hbm>>
    %dma_wait3A_22 = tpu.memref_squeeze %dma_wait3A_21 : memref<1x1x128xi32, #tpu.memory_space<hbm>> -> memref<128xi32, #tpu.memory_space<hbm>>
    %dma_wait3A_23 = arith.constant 0 : i32
    %dma_wait3A_24 = tpu.memref_slice %arg7[%dma_wait3A_16, %dma_wait3A_23] : memref<4x128xi32, #tpu.memory_space<vmem>> -> memref<1x128xi32, #tpu.memory_space<vmem>>
    %dma_wait3A_25 = tpu.memref_squeeze %dma_wait3A_24 : memref<1x128xi32, #tpu.memory_space<vmem>> -> memref<128xi32, #tpu.memory_space<vmem>>
    %dma_wait3A_26 = arith.constant 0 : i32
    %dma_wait3A_27 = tpu.memref_slice %arg3[%add3A, %dma_wait3A, %dma_wait3A_26] : memref<32x80x128xi32, #tpu.memory_space<hbm>> -> memref<1x1x128xi32, #tpu.memory_space<hbm>>
    %dma_wait3A_28 = tpu.memref_squeeze %dma_wait3A_27 : memref<1x1x128xi32, #tpu.memory_space<hbm>> -> memref<128xi32, #tpu.memory_space<hbm>>
    tpu.wait_dma2 semaphore(%arg13 : memref<!tpu.dma_semaphore, #tpu.memory_space<semaphore_mem>>) src(%dma_wait3A_28 : memref<128xi32, #tpu.memory_space<hbm>>) dst(%dma_wait3A_25 : memref<128xi32, #tpu.memory_space<vmem>>)
    %dma_start3A_29 = arith.constant 0 : i32
    %dma_start3A_30 = arith.constant 0 : i32
    %dma_start3A_31 = arith.constant 0 : i32
    %dma_start3A_32 = tpu.memref_slice %arg8[%dma_start3A_30, %dma_start3A_31] : memref<4x128xi32, #tpu.memory_space<vmem>> -> memref<1x128xi32, #tpu.memory_space<vmem>>
    %dma_start3A_33 = tpu.memref_squeeze %dma_start3A_32 : memref<1x128xi32, #tpu.memory_space<vmem>> -> memref<128xi32, #tpu.memory_space<vmem>>
    %dma_start3A_34 = arith.constant 0 : i32
    %dma_start3A_35 = tpu.memref_slice %arg4[%add3A, %dma_start3A_29, %dma_start3A_34] : memref<32x80x128xi32, #tpu.memory_space<hbm>> -> memref<1x1x128xi32, #tpu.memory_space<hbm>>
    %dma_start3A_36 = tpu.memref_squeeze %dma_start3A_35 : memref<1x1x128xi32, #tpu.memory_space<hbm>> -> memref<128xi32, #tpu.memory_space<hbm>>
    %dma_start3A_37 = arith.constant 0 : i32
    %dma_start3A_38 = tpu.memref_slice %arg8[%dma_start3A_30, %dma_start3A_37] : memref<4x128xi32, #tpu.memory_space<vmem>> -> memref<1x128xi32, #tpu.memory_space<vmem>>
    %dma_start3A_39 = tpu.memref_squeeze %dma_start3A_38 : memref<1x128xi32, #tpu.memory_space<vmem>> -> memref<128xi32, #tpu.memory_space<vmem>>
    %dma_start3A_40 = arith.constant 0 : i32
    %dma_start3A_41 = tpu.memref_slice %arg4[%add3A, %dma_start3A_29, %dma_start3A_40] : memref<32x80x128xi32, #tpu.memory_space<hbm>> -> memref<1x1x128xi32, #tpu.memory_space<hbm>>
    %dma_start3A_42 = tpu.memref_squeeze %dma_start3A_41 : memref<1x1x128xi32, #tpu.memory_space<hbm>> -> memref<128xi32, #tpu.memory_space<hbm>>
    tpu.enqueue_dma source(%dma_start3A_42 : memref<128xi32, #tpu.memory_space<hbm>>) target(%dma_start3A_39 : memref<128xi32, #tpu.memory_space<vmem>>) target_semaphore(%arg13 : memref<!tpu.dma_semaphore, #tpu.memory_space<semaphore_mem>>)
    %dma_wait3A_43 = arith.constant 0 : i32
    %dma_wait3A_44 = arith.constant 0 : i32
    %dma_wait3A_45 = arith.constant 0 : i32
    %dma_wait3A_46 = tpu.memref_slice %arg8[%dma_wait3A_44, %dma_wait3A_45] : memref<4x128xi32, #tpu.memory_space<vmem>> -> memref<1x128xi32, #tpu.memory_space<vmem>>
    %dma_wait3A_47 = tpu.memref_squeeze %dma_wait3A_46 : memref<1x128xi32, #tpu.memory_space<vmem>> -> memref<128xi32, #tpu.memory_space<vmem>>
    %dma_wait3A_48 = arith.constant 0 : i32
    %dma_wait3A_49 = tpu.memref_slice %arg4[%add3A, %dma_wait3A_43, %dma_wait3A_48] : memref<32x80x128xi32, #tpu.memory_space<hbm>> -> memref<1x1x128xi32, #tpu.memory_space<hbm>>
    %dma_wait3A_50 = tpu.memref_squeeze %dma_wait3A_49 : memref<1x1x128xi32, #tpu.memory_space<hbm>> -> memref<128xi32, #tpu.memory_space<hbm>>
    %dma_wait3A_51 = arith.constant 0 : i32
    %dma_wait3A_52 = tpu.memref_slice %arg8[%dma_wait3A_44, %dma_wait3A_51] : memref<4x128xi32, #tpu.memory_space<vmem>> -> memref<1x128xi32, #tpu.memory_space<vmem>>
    %dma_wait3A_53 = tpu.memref_squeeze %dma_wait3A_52 : memref<1x128xi32, #tpu.memory_space<vmem>> -> memref<128xi32, #tpu.memory_space<vmem>>
    %dma_wait3A_54 = arith.constant 0 : i32
    %dma_wait3A_55 = tpu.memref_slice %arg4[%add3A, %dma_wait3A_43, %dma_wait3A_54] : memref<32x80x128xi32, #tpu.memory_space<hbm>> -> memref<1x1x128xi32, #tpu.memory_space<hbm>>
    %dma_wait3A_56 = tpu.memref_squeeze %dma_wait3A_55 : memref<1x1x128xi32, #tpu.memory_space<hbm>> -> memref<128xi32, #tpu.memory_space<hbm>>
    tpu.wait_dma2 semaphore(%arg13 : memref<!tpu.dma_semaphore, #tpu.memory_space<semaphore_mem>>) src(%dma_wait3A_56 : memref<128xi32, #tpu.memory_space<hbm>>) dst(%dma_wait3A_53 : memref<128xi32, #tpu.memory_space<vmem>>)
    %dma_start3A_57 = arith.constant 0 : i32
    %dma_start3A_58 = arith.constant 0 : i32
    %dma_start3A_59 = tpu.memref_slice %arg7[%dma_start3A_57, %dma_start3A_58] : memref<4x128xi32, #tpu.memory_space<vmem>> -> memref<1x128xi32, #tpu.memory_space<vmem>>
    %dma_start3A_60 = tpu.memref_squeeze %dma_start3A_59 : memref<1x128xi32, #tpu.memory_space<vmem>> -> memref<128xi32, #tpu.memory_space<vmem>>
    %dma_start3A_61 = arith.constant 0 : i32
    %dma_start3A_62 = arith.constant 0 : i32
    %dma_start3A_63 = tpu.memref_slice %arg2[%dma_start3A_61, %dma_start3A_62] : memref<10000x128xf32, #tpu.memory_space<hbm>> -> memref<10000x128xf32, #tpu.memory_space<hbm>>
    tpu.enqueue_indirect_dma source(%dma_start3A_63 : memref<10000x128xf32, #tpu.memory_space<hbm>>) target(%arg9 : memref<128x128xf32, #tpu.memory_space<vmem>>) offsets(%dma_start3A_60 : memref<128xi32, #tpu.memory_space<vmem>>) semaphore(%arg11 : memref<!tpu.dma_semaphore, #tpu.memory_space<semaphore_mem>>)
    %dma_start3A_64 = arith.constant 1 : i32
    %dma_start3A_65 = arith.constant 1 : i32
    %dma_start3A_66 = arith.constant 0 : i32
    %dma_start3A_67 = tpu.memref_slice %arg7[%dma_start3A_65, %dma_start3A_66] : memref<4x128xi32, #tpu.memory_space<vmem>> -> memref<1x128xi32, #tpu.memory_space<vmem>>
    %dma_start3A_68 = tpu.memref_squeeze %dma_start3A_67 : memref<1x128xi32, #tpu.memory_space<vmem>> -> memref<128xi32, #tpu.memory_space<vmem>>
    %dma_start3A_69 = arith.constant 0 : i32
    %dma_start3A_70 = tpu.memref_slice %arg3[%add3A, %dma_start3A_64, %dma_start3A_69] : memref<32x80x128xi32, #tpu.memory_space<hbm>> -> memref<1x1x128xi32, #tpu.memory_space<hbm>>
    %dma_start3A_71 = tpu.memref_squeeze %dma_start3A_70 : memref<1x1x128xi32, #tpu.memory_space<hbm>> -> memref<128xi32, #tpu.memory_space<hbm>>
    %dma_start3A_72 = arith.constant 0 : i32
    %dma_start3A_73 = tpu.memref_slice %arg7[%dma_start3A_65, %dma_start3A_72] : memref<4x128xi32, #tpu.memory_space<vmem>> -> memref<1x128xi32, #tpu.memory_space<vmem>>
    %dma_start3A_74 = tpu.memref_squeeze %dma_start3A_73 : memref<1x128xi32, #tpu.memory_space<vmem>> -> memref<128xi32, #tpu.memory_space<vmem>>
    %dma_start3A_75 = arith.constant 0 : i32
    %dma_start3A_76 = tpu.memref_slice %arg3[%add3A, %dma_start3A_64, %dma_start3A_75] : memref<32x80x128xi32, #tpu.memory_space<hbm>> -> memref<1x1x128xi32, #tpu.memory_space<hbm>>
    %dma_start3A_77 = tpu.memref_squeeze %dma_start3A_76 : memref<1x1x128xi32, #tpu.memory_space<hbm>> -> memref<128xi32, #tpu.memory_space<hbm>>
    tpu.enqueue_dma source(%dma_start3A_77 : memref<128xi32, #tpu.memory_space<hbm>>) target(%dma_start3A_74 : memref<128xi32, #tpu.memory_space<vmem>>) target_semaphore(%arg14 : memref<!tpu.dma_semaphore, #tpu.memory_space<semaphore_mem>>)
    %dma_start3A_78 = arith.constant 1 : i32
    %dma_start3A_79 = arith.constant 1 : i32
    %dma_start3A_80 = arith.constant 0 : i32
    %dma_start3A_81 = tpu.memref_slice %arg8[%dma_start3A_79, %dma_start3A_80] : memref<4x128xi32, #tpu.memory_space<vmem>> -> memref<1x128xi32, #tpu.memory_space<vmem>>
    %dma_start3A_82 = tpu.memref_squeeze %dma_start3A_81 : memref<1x128xi32, #tpu.memory_space<vmem>> -> memref<128xi32, #tpu.memory_space<vmem>>
    %dma_start3A_83 = arith.constant 0 : i32
    %dma_start3A_84 = tpu.memref_slice %arg4[%add3A, %dma_start3A_78, %dma_start3A_83] : memref<32x80x128xi32, #tpu.memory_space<hbm>> -> memref<1x1x128xi32, #tpu.memory_space<hbm>>
    %dma_start3A_85 = tpu.memref_squeeze %dma_start3A_84 : memref<1x1x128xi32, #tpu.memory_space<hbm>> -> memref<128xi32, #tpu.memory_space<hbm>>
    %dma_start3A_86 = arith.constant 0 : i32
    %dma_start3A_87 = tpu.memref_slice %arg8[%dma_start3A_79, %dma_start3A_86] : memref<4x128xi32, #tpu.memory_space<vmem>> -> memref<1x128xi32, #tpu.memory_space<vmem>>
    %dma_start3A_88 = tpu.memref_squeeze %dma_start3A_87 : memref<1x128xi32, #tpu.memory_space<vmem>> -> memref<128xi32, #tpu.memory_space<vmem>>
    %dma_start3A_89 = arith.constant 0 : i32
    %dma_start3A_90 = tpu.memref_slice %arg4[%add3A, %dma_start3A_78, %dma_start3A_89] : memref<32x80x128xi32, #tpu.memory_space<hbm>> -> memref<1x1x128xi32, #tpu.memory_space<hbm>>
    %dma_start3A_91 = tpu.memref_squeeze %dma_start3A_90 : memref<1x1x128xi32, #tpu.memory_space<hbm>> -> memref<128xi32, #tpu.memory_space<hbm>>
    tpu.enqueue_dma source(%dma_start3A_91 : memref<128xi32, #tpu.memory_space<hbm>>) target(%dma_start3A_88 : memref<128xi32, #tpu.memory_space<vmem>>) target_semaphore(%arg14 : memref<!tpu.dma_semaphore, #tpu.memory_space<semaphore_mem>>)
    %dma_start3A_92 = arith.constant 2 : i32
    %dma_start3A_93 = arith.constant 2 : i32
    %dma_start3A_94 = arith.constant 0 : i32
    %dma_start3A_95 = tpu.memref_slice %arg7[%dma_start3A_93, %dma_start3A_94] : memref<4x128xi32, #tpu.memory_space<vmem>> -> memref<1x128xi32, #tpu.memory_space<vmem>>
    %dma_start3A_96 = tpu.memref_squeeze %dma_start3A_95 : memref<1x128xi32, #tpu.memory_space<vmem>> -> memref<128xi32, #tpu.memory_space<vmem>>
    %dma_start3A_97 = arith.constant 0 : i32
    %dma_start3A_98 = tpu.memref_slice %arg3[%add3A, %dma_start3A_92, %dma_start3A_97] : memref<32x80x128xi32, #tpu.memory_space<hbm>> -> memref<1x1x128xi32, #tpu.memory_space<hbm>>
    %dma_start3A_99 = tpu.memref_squeeze %dma_start3A_98 : memref<1x1x128xi32, #tpu.memory_space<hbm>> -> memref<128xi32, #tpu.memory_space<hbm>>
    %dma_start3A_100 = arith.constant 0 : i32
    %dma_start3A_101 = tpu.memref_slice %arg7[%dma_start3A_93, %dma_start3A_100] : memref<4x128xi32, #tpu.memory_space<vmem>> -> memref<1x128xi32, #tpu.memory_space<vmem>>
    %dma_start3A_102 = tpu.memref_squeeze %dma_start3A_101 : memref<1x128xi32, #tpu.memory_space<vmem>> -> memref<128xi32, #tpu.memory_space<vmem>>
    %dma_start3A_103 = arith.constant 0 : i32
    %dma_start3A_104 = tpu.memref_slice %arg3[%add3A, %dma_start3A_92, %dma_start3A_103] : memref<32x80x128xi32, #tpu.memory_space<hbm>> -> memref<1x1x128xi32, #tpu.memory_space<hbm>>
    %dma_start3A_105 = tpu.memref_squeeze %dma_start3A_104 : memref<1x1x128xi32, #tpu.memory_space<hbm>> -> memref<128xi32, #tpu.memory_space<hbm>>
    tpu.enqueue_dma source(%dma_start3A_105 : memref<128xi32, #tpu.memory_space<hbm>>) target(%dma_start3A_102 : memref<128xi32, #tpu.memory_space<vmem>>) target_semaphore(%arg15 : memref<!tpu.dma_semaphore, #tpu.memory_space<semaphore_mem>>)
    %dma_start3A_106 = arith.constant 2 : i32
    %dma_start3A_107 = arith.constant 2 : i32
    %dma_start3A_108 = arith.constant 0 : i32
    %dma_start3A_109 = tpu.memref_slice %arg8[%dma_start3A_107, %dma_start3A_108] : memref<4x128xi32, #tpu.memory_space<vmem>> -> memref<1x128xi32, #tpu.memory_space<vmem>>
    %dma_start3A_110 = tpu.memref_squeeze %dma_start3A_109 : memref<1x128xi32, #tpu.memory_space<vmem>> -> memref<128xi32, #tpu.memory_space<vmem>>
    %dma_start3A_111 = arith.constant 0 : i32
    %dma_start3A_112 = tpu.memref_slice %arg4[%add3A, %dma_start3A_106, %dma_start3A_111] : memref<32x80x128xi32, #tpu.memory_space<hbm>> -> memref<1x1x128xi32, #tpu.memory_space<hbm>>
    %dma_start3A_113 = tpu.memref_squeeze %dma_start3A_112 : memref<1x1x128xi32, #tpu.memory_space<hbm>> -> memref<128xi32, #tpu.memory_space<hbm>>
    %dma_start3A_114 = arith.constant 0 : i32
    %dma_start3A_115 = tpu.memref_slice %arg8[%dma_start3A_107, %dma_start3A_114] : memref<4x128xi32, #tpu.memory_space<vmem>> -> memref<1x128xi32, #tpu.memory_space<vmem>>
    %dma_start3A_116 = tpu.memref_squeeze %dma_start3A_115 : memref<1x128xi32, #tpu.memory_space<vmem>> -> memref<128xi32, #tpu.memory_space<vmem>>
    %dma_start3A_117 = arith.constant 0 : i32
    %dma_start3A_118 = tpu.memref_slice %arg4[%add3A, %dma_start3A_106, %dma_start3A_117] : memref<32x80x128xi32, #tpu.memory_space<hbm>> -> memref<1x1x128xi32, #tpu.memory_space<hbm>>
    %dma_start3A_119 = tpu.memref_squeeze %dma_start3A_118 : memref<1x1x128xi32, #tpu.memory_space<hbm>> -> memref<128xi32, #tpu.memory_space<hbm>>
    tpu.enqueue_dma source(%dma_start3A_119 : memref<128xi32, #tpu.memory_space<hbm>>) target(%dma_start3A_116 : memref<128xi32, #tpu.memory_space<vmem>>) target_semaphore(%arg15 : memref<!tpu.dma_semaphore, #tpu.memory_space<semaphore_mem>>)
    %dma_start3A_120 = arith.constant 3 : i32
    %dma_start3A_121 = arith.constant 3 : i32
    %dma_start3A_122 = arith.constant 0 : i32
    %dma_start3A_123 = tpu.memref_slice %arg7[%dma_start3A_121, %dma_start3A_122] : memref<4x128xi32, #tpu.memory_space<vmem>> -> memref<1x128xi32, #tpu.memory_space<vmem>>
    %dma_start3A_124 = tpu.memref_squeeze %dma_start3A_123 : memref<1x128xi32, #tpu.memory_space<vmem>> -> memref<128xi32, #tpu.memory_space<vmem>>
    %dma_start3A_125 = arith.constant 0 : i32
    %dma_start3A_126 = tpu.memref_slice %arg3[%add3A, %dma_start3A_120, %dma_start3A_125] : memref<32x80x128xi32, #tpu.memory_space<hbm>> -> memref<1x1x128xi32, #tpu.memory_space<hbm>>
    %dma_start3A_127 = tpu.memref_squeeze %dma_start3A_126 : memref<1x1x128xi32, #tpu.memory_space<hbm>> -> memref<128xi32, #tpu.memory_space<hbm>>
    %dma_start3A_128 = arith.constant 0 : i32
    %dma_start3A_129 = tpu.memref_slice %arg7[%dma_start3A_121, %dma_start3A_128] : memref<4x128xi32, #tpu.memory_space<vmem>> -> memref<1x128xi32, #tpu.memory_space<vmem>>
    %dma_start3A_130 = tpu.memref_squeeze %dma_start3A_129 : memref<1x128xi32, #tpu.memory_space<vmem>> -> memref<128xi32, #tpu.memory_space<vmem>>
    %dma_start3A_131 = arith.constant 0 : i32
    %dma_start3A_132 = tpu.memref_slice %arg3[%add3A, %dma_start3A_120, %dma_start3A_131] : memref<32x80x128xi32, #tpu.memory_space<hbm>> -> memref<1x1x128xi32, #tpu.memory_space<hbm>>
    %dma_start3A_133 = tpu.memref_squeeze %dma_start3A_132 : memref<1x1x128xi32, #tpu.memory_space<hbm>> -> memref<128xi32, #tpu.memory_space<hbm>>
    tpu.enqueue_dma source(%dma_start3A_133 : memref<128xi32, #tpu.memory_space<hbm>>) target(%dma_start3A_130 : memref<128xi32, #tpu.memory_space<vmem>>) target_semaphore(%arg16 : memref<!tpu.dma_semaphore, #tpu.memory_space<semaphore_mem>>)
    %dma_start3A_134 = arith.constant 3 : i32
    %dma_start3A_135 = arith.constant 3 : i32
    %dma_start3A_136 = arith.constant 0 : i32
    %dma_start3A_137 = tpu.memref_slice %arg8[%dma_start3A_135, %dma_start3A_136] : memref<4x128xi32, #tpu.memory_space<vmem>> -> memref<1x128xi32, #tpu.memory_space<vmem>>
    %dma_start3A_138 = tpu.memref_squeeze %dma_start3A_137 : memref<1x128xi32, #tpu.memory_space<vmem>> -> memref<128xi32, #tpu.memory_space<vmem>>
    %dma_start3A_139 = arith.constant 0 : i32
    %dma_start3A_140 = tpu.memref_slice %arg4[%add3A, %dma_start3A_134, %dma_start3A_139] : memref<32x80x128xi32, #tpu.memory_space<hbm>> -> memref<1x1x128xi32, #tpu.memory_space<hbm>>
    %dma_start3A_141 = tpu.memref_squeeze %dma_start3A_140 : memref<1x1x128xi32, #tpu.memory_space<hbm>> -> memref<128xi32, #tpu.memory_space<hbm>>
    %dma_start3A_142 = arith.constant 0 : i32
    %dma_start3A_143 = tpu.memref_slice %arg8[%dma_start3A_135, %dma_start3A_142] : memref<4x128xi32, #tpu.memory_space<vmem>> -> memref<1x128xi32, #tpu.memory_space<vmem>>
    %dma_start3A_144 = tpu.memref_squeeze %dma_start3A_143 : memref<1x128xi32, #tpu.memory_space<vmem>> -> memref<128xi32, #tpu.memory_space<vmem>>
    %dma_start3A_145 = arith.constant 0 : i32
    %dma_start3A_146 = tpu.memref_slice %arg4[%add3A, %dma_start3A_134, %dma_start3A_145] : memref<32x80x128xi32, #tpu.memory_space<hbm>> -> memref<1x1x128xi32, #tpu.memory_space<hbm>>
    %dma_start3A_147 = tpu.memref_squeeze %dma_start3A_146 : memref<1x1x128xi32, #tpu.memory_space<hbm>> -> memref<128xi32, #tpu.memory_space<hbm>>
    tpu.enqueue_dma source(%dma_start3A_147 : memref<128xi32, #tpu.memory_space<hbm>>) target(%dma_start3A_144 : memref<128xi32, #tpu.memory_space<vmem>>) target_semaphore(%arg16 : memref<!tpu.dma_semaphore, #tpu.memory_space<semaphore_mem>>)
    %scan3A = arith.constant 0 : i32
    %scan3A_148 = arith.constant 0 : i32
    %scan3A_149 = arith.constant 20 : i32
    %scan3A_150 = arith.addi %scan3A_148, %scan3A_149 : i32
    %scan3A_151 = arith.constant 1 : i32
    %scan3A_152 = scf.for %scan3A_155 = %scan3A_148 to %scan3A_150 step %scan3A_151 iter_args(%scan3A_156 = %scan3A) -> (i32)  : i32 {
      %mul3A_157 = arith.constant 4 : i32
      %mul3A_158 = arith.muli %scan3A_155, %mul3A_157 : i32
      %add3A_159 = arith.constant 0 : i32
      %add3A_160 = arith.addi %mul3A_158, %add3A_159 : i32
      %add3A_161 = arith.constant 1 : i32
      %add3A_162 = arith.addi %add3A_160, %add3A_161 : i32
      %lt3A = arith.constant 80 : i32
      %lt3A_163 = arith.cmpi slt, %add3A_162, %lt3A : i32
      %convert_element_type3A = arith.extui %lt3A_163 : i1 to i32
      %cond3A = arith.constant 0 : i32
      %cond3A_164 = arith.cmpi ne, %convert_element_type3A, %cond3A : i32
      scf.if %cond3A_164 {
        %add3A_252 = arith.constant 1 : i32
        %add3A_253 = arith.addi %add3A_160, %add3A_252 : i32
        %dma_wait3A_254 = arith.constant 1 : i32
        %dma_wait3A_255 = arith.constant 0 : i32
        %dma_wait3A_256 = tpu.memref_slice %arg7[%dma_wait3A_254, %dma_wait3A_255] : memref<4x128xi32, #tpu.memory_space<vmem>> -> memref<1x128xi32, #tpu.memory_space<vmem>>
        %dma_wait3A_257 = tpu.memref_squeeze %dma_wait3A_256 : memref<1x128xi32, #tpu.memory_space<vmem>> -> memref<128xi32, #tpu.memory_space<vmem>>
        %dma_wait3A_258 = arith.constant 0 : i32
        %dma_wait3A_259 = tpu.memref_slice %arg3[%add3A, %add3A_253, %dma_wait3A_258] : memref<32x80x128xi32, #tpu.memory_space<hbm>> -> memref<1x1x128xi32, #tpu.memory_space<hbm>>
        %dma_wait3A_260 = tpu.memref_squeeze %dma_wait3A_259 : memref<1x1x128xi32, #tpu.memory_space<hbm>> -> memref<128xi32, #tpu.memory_space<hbm>>
        %dma_wait3A_261 = arith.constant 0 : i32
        %dma_wait3A_262 = tpu.memref_slice %arg7[%dma_wait3A_254, %dma_wait3A_261] : memref<4x128xi32, #tpu.memory_space<vmem>> -> memref<1x128xi32, #tpu.memory_space<vmem>>
        %dma_wait3A_263 = tpu.memref_squeeze %dma_wait3A_262 : memref<1x128xi32, #tpu.memory_space<vmem>> -> memref<128xi32, #tpu.memory_space<vmem>>
        %dma_wait3A_264 = arith.constant 0 : i32
        %dma_wait3A_265 = tpu.memref_slice %arg3[%add3A, %add3A_253, %dma_wait3A_264] : memref<32x80x128xi32, #tpu.memory_space<hbm>> -> memref<1x1x128xi32, #tpu.memory_space<hbm>>
        %dma_wait3A_266 = tpu.memref_squeeze %dma_wait3A_265 : memref<1x1x128xi32, #tpu.memory_space<hbm>> -> memref<128xi32, #tpu.memory_space<hbm>>
        tpu.wait_dma2 semaphore(%arg14 : memref<!tpu.dma_semaphore, #tpu.memory_space<semaphore_mem>>) src(%dma_wait3A_266 : memref<128xi32, #tpu.memory_space<hbm>>) dst(%dma_wait3A_263 : memref<128xi32, #tpu.memory_space<vmem>>)
        %dma_wait3A_267 = arith.constant 1 : i32
        %dma_wait3A_268 = arith.constant 0 : i32
        %dma_wait3A_269 = tpu.memref_slice %arg8[%dma_wait3A_267, %dma_wait3A_268] : memref<4x128xi32, #tpu.memory_space<vmem>> -> memref<1x128xi32, #tpu.memory_space<vmem>>
        %dma_wait3A_270 = tpu.memref_squeeze %dma_wait3A_269 : memref<1x128xi32, #tpu.memory_space<vmem>> -> memref<128xi32, #tpu.memory_space<vmem>>
        %dma_wait3A_271 = arith.constant 0 : i32
        %dma_wait3A_272 = tpu.memref_slice %arg4[%add3A, %add3A_253, %dma_wait3A_271] : memref<32x80x128xi32, #tpu.memory_space<hbm>> -> memref<1x1x128xi32, #tpu.memory_space<hbm>>
        %dma_wait3A_273 = tpu.memref_squeeze %dma_wait3A_272 : memref<1x1x128xi32, #tpu.memory_space<hbm>> -> memref<128xi32, #tpu.memory_space<hbm>>
        %dma_wait3A_274 = arith.constant 0 : i32
        %dma_wait3A_275 = tpu.memref_slice %arg8[%dma_wait3A_267, %dma_wait3A_274] : memref<4x128xi32, #tpu.memory_space<vmem>> -> memref<1x128xi32, #tpu.memory_space<vmem>>
        %dma_wait3A_276 = tpu.memref_squeeze %dma_wait3A_275 : memref<1x128xi32, #tpu.memory_space<vmem>> -> memref<128xi32, #tpu.memory_space<vmem>>
        %dma_wait3A_277 = arith.constant 0 : i32
        %dma_wait3A_278 = tpu.memref_slice %arg4[%add3A, %add3A_253, %dma_wait3A_277] : memref<32x80x128xi32, #tpu.memory_space<hbm>> -> memref<1x1x128xi32, #tpu.memory_space<hbm>>
        %dma_wait3A_279 = tpu.memref_squeeze %dma_wait3A_278 : memref<1x1x128xi32, #tpu.memory_space<hbm>> -> memref<128xi32, #tpu.memory_space<hbm>>
        tpu.wait_dma2 semaphore(%arg14 : memref<!tpu.dma_semaphore, #tpu.memory_space<semaphore_mem>>) src(%dma_wait3A_279 : memref<128xi32, #tpu.memory_space<hbm>>) dst(%dma_wait3A_276 : memref<128xi32, #tpu.memory_space<vmem>>)
        %dma_start3A_280 = arith.constant 1 : i32
        %dma_start3A_281 = arith.constant 0 : i32
        %dma_start3A_282 = tpu.memref_slice %arg7[%dma_start3A_280, %dma_start3A_281] : memref<4x128xi32, #tpu.memory_space<vmem>> -> memref<1x128xi32, #tpu.memory_space<vmem>>
        %dma_start3A_283 = tpu.memref_squeeze %dma_start3A_282 : memref<1x128xi32, #tpu.memory_space<vmem>> -> memref<128xi32, #tpu.memory_space<vmem>>
        %dma_start3A_284 = arith.constant 0 : i32
        %dma_start3A_285 = arith.constant 0 : i32
        %dma_start3A_286 = tpu.memref_slice %arg2[%dma_start3A_284, %dma_start3A_285] : memref<10000x128xf32, #tpu.memory_space<hbm>> -> memref<10000x128xf32, #tpu.memory_space<hbm>>
        tpu.enqueue_indirect_dma source(%dma_start3A_286 : memref<10000x128xf32, #tpu.memory_space<hbm>>) target(%arg10 : memref<128x128xf32, #tpu.memory_space<vmem>>) offsets(%dma_start3A_283 : memref<128xi32, #tpu.memory_space<vmem>>) semaphore(%arg12 : memref<!tpu.dma_semaphore, #tpu.memory_space<semaphore_mem>>)
      } else {
      }
      %dma_wait3A_165 = arith.constant 0 : i32
      %dma_wait3A_166 = arith.constant 0 : i32
      %dma_wait3A_167 = tpu.memref_slice %arg7[%dma_wait3A_165, %dma_wait3A_166] : memref<4x128xi32, #tpu.memory_space<vmem>> -> memref<1x128xi32, #tpu.memory_space<vmem>>
      %dma_wait3A_168 = tpu.memref_squeeze %dma_wait3A_167 : memref<1x128xi32, #tpu.memory_space<vmem>> -> memref<128xi32, #tpu.memory_space<vmem>>
      %dma_wait3A_169 = arith.constant 0 : i32
      %dma_wait3A_170 = arith.constant 0 : i32
      %dma_wait3A_171 = tpu.memref_slice %arg2[%dma_wait3A_169, %dma_wait3A_170] : memref<10000x128xf32, #tpu.memory_space<hbm>> -> memref<10000x128xf32, #tpu.memory_space<hbm>>
      tpu.wait_indirect_dma semaphore(%arg11 : memref<!tpu.dma_semaphore, #tpu.memory_space<semaphore_mem>>) src(%dma_wait3A_171 : memref<10000x128xf32, #tpu.memory_space<hbm>>) dst(%arg9 : memref<128x128xf32, #tpu.memory_space<vmem>>)
      %run_scoped3A = arith.constant 0 : i32
      "tpu.region"() ({
        %run_scoped3A_252 = tpu.sem_alloc : memref<!tpu.dma_semaphore, #tpu.memory_space<semaphore_mem>>
        %dma_start3A_253 = arith.constant 0 : i32
        %dma_start3A_254 = tpu.memref_slice %arg8[%run_scoped3A, %dma_start3A_253] : memref<4x128xi32, #tpu.memory_space<vmem>> -> memref<1x128xi32, #tpu.memory_space<vmem>>
        %dma_start3A_255 = tpu.memref_squeeze %dma_start3A_254 : memref<1x128xi32, #tpu.memory_space<vmem>> -> memref<128xi32, #tpu.memory_space<vmem>>
        %dma_start3A_256 = arith.constant 0 : i32
        %dma_start3A_257 = arith.constant 0 : i32
        %dma_start3A_258 = tpu.memref_slice %arg17[%dma_start3A_256, %dma_start3A_257] : memref<10112x128xf32, #tpu.memory_space<vmem_shared>> -> memref<10112x128xf32, #tpu.memory_space<vmem_shared>>
        tpu.enqueue_indirect_dma source(%arg9 : memref<128x128xf32, #tpu.memory_space<vmem>>) target(%dma_start3A_258 : memref<10112x128xf32, #tpu.memory_space<vmem_shared>>) offsets(%dma_start3A_255 : memref<128xi32, #tpu.memory_space<vmem>>) semaphore(%run_scoped3A_252 : memref<!tpu.dma_semaphore, #tpu.memory_space<semaphore_mem>>) {add = true}
        %dma_wait3A_259 = arith.constant 0 : i32
        %dma_wait3A_260 = tpu.memref_slice %arg8[%run_scoped3A, %dma_wait3A_259] : memref<4x128xi32, #tpu.memory_space<vmem>> -> memref<1x128xi32, #tpu.memory_space<vmem>>
        %dma_wait3A_261 = tpu.memref_squeeze %dma_wait3A_260 : memref<1x128xi32, #tpu.memory_space<vmem>> -> memref<128xi32, #tpu.memory_space<vmem>>
        %dma_wait3A_262 = arith.constant 0 : i32
        %dma_wait3A_263 = arith.constant 0 : i32
        %dma_wait3A_264 = tpu.memref_slice %arg17[%dma_wait3A_262, %dma_wait3A_263] : memref<10112x128xf32, #tpu.memory_space<vmem_shared>> -> memref<10112x128xf32, #tpu.memory_space<vmem_shared>>
        tpu.wait_indirect_dma semaphore(%run_scoped3A_252 : memref<!tpu.dma_semaphore, #tpu.memory_space<semaphore_mem>>) src(%arg9 : memref<128x128xf32, #tpu.memory_space<vmem>>) dst(%dma_wait3A_264 : memref<10112x128xf32, #tpu.memory_space<vmem_shared>>)
        tpu.yield
      }) : () -> ()
      %add3A_172 = arith.constant 4 : i32
      %add3A_173 = arith.addi %add3A_160, %add3A_172 : i32
      %lt3A_174 = arith.constant 80 : i32
      %lt3A_175 = arith.cmpi slt, %add3A_173, %lt3A_174 : i32
      %convert_element_type3A_176 = arith.extui %lt3A_175 : i1 to i32
      %cond3A_177 = arith.constant 0 : i32
      %cond3A_178 = arith.cmpi ne, %convert_element_type3A_176, %cond3A_177 : i32
      scf.if %cond3A_178 {
        %add3A_252 = arith.constant 4 : i32
        %add3A_253 = arith.addi %add3A_160, %add3A_252 : i32
        %dma_start3A_254 = arith.constant 0 : i32
        %dma_start3A_255 = arith.constant 0 : i32
        %dma_start3A_256 = tpu.memref_slice %arg7[%dma_start3A_254, %dma_start3A_255] : memref<4x128xi32, #tpu.memory_space<vmem>> -> memref<1x128xi32, #tpu.memory_space<vmem>>
        %dma_start3A_257 = tpu.memref_squeeze %dma_start3A_256 : memref<1x128xi32, #tpu.memory_space<vmem>> -> memref<128xi32, #tpu.memory_space<vmem>>
        %dma_start3A_258 = arith.constant 0 : i32
        %dma_start3A_259 = tpu.memref_slice %arg3[%add3A, %add3A_253, %dma_start3A_258] : memref<32x80x128xi32, #tpu.memory_space<hbm>> -> memref<1x1x128xi32, #tpu.memory_space<hbm>>
        %dma_start3A_260 = tpu.memref_squeeze %dma_start3A_259 : memref<1x1x128xi32, #tpu.memory_space<hbm>> -> memref<128xi32, #tpu.memory_space<hbm>>
        %dma_start3A_261 = arith.constant 0 : i32
        %dma_start3A_262 = tpu.memref_slice %arg7[%dma_start3A_254, %dma_start3A_261] : memref<4x128xi32, #tpu.memory_space<vmem>> -> memref<1x128xi32, #tpu.memory_space<vmem>>
        %dma_start3A_263 = tpu.memref_squeeze %dma_start3A_262 : memref<1x128xi32, #tpu.memory_space<vmem>> -> memref<128xi32, #tpu.memory_space<vmem>>
        %dma_start3A_264 = arith.constant 0 : i32
        %dma_start3A_265 = tpu.memref_slice %arg3[%add3A, %add3A_253, %dma_start3A_264] : memref<32x80x128xi32, #tpu.memory_space<hbm>> -> memref<1x1x128xi32, #tpu.memory_space<hbm>>
        %dma_start3A_266 = tpu.memref_squeeze %dma_start3A_265 : memref<1x1x128xi32, #tpu.memory_space<hbm>> -> memref<128xi32, #tpu.memory_space<hbm>>
        tpu.enqueue_dma source(%dma_start3A_266 : memref<128xi32, #tpu.memory_space<hbm>>) target(%dma_start3A_263 : memref<128xi32, #tpu.memory_space<vmem>>) target_semaphore(%arg13 : memref<!tpu.dma_semaphore, #tpu.memory_space<semaphore_mem>>)
        %dma_start3A_267 = arith.constant 0 : i32
        %dma_start3A_268 = arith.constant 0 : i32
        %dma_start3A_269 = tpu.memref_slice %arg8[%dma_start3A_267, %dma_start3A_268] : memref<4x128xi32, #tpu.memory_space<vmem>> -> memref<1x128xi32, #tpu.memory_space<vmem>>
        %dma_start3A_270 = tpu.memref_squeeze %dma_start3A_269 : memref<1x128xi32, #tpu.memory_space<vmem>> -> memref<128xi32, #tpu.memory_space<vmem>>
        %dma_start3A_271 = arith.constant 0 : i32
        %dma_start3A_272 = tpu.memref_slice %arg4[%add3A, %add3A_253, %dma_start3A_271] : memref<32x80x128xi32, #tpu.memory_space<hbm>> -> memref<1x1x128xi32, #tpu.memory_space<hbm>>
        %dma_start3A_273 = tpu.memref_squeeze %dma_start3A_272 : memref<1x1x128xi32, #tpu.memory_space<hbm>> -> memref<128xi32, #tpu.memory_space<hbm>>
        %dma_start3A_274 = arith.constant 0 : i32
        %dma_start3A_275 = tpu.memref_slice %arg8[%dma_start3A_267, %dma_start3A_274] : memref<4x128xi32, #tpu.memory_space<vmem>> -> memref<1x128xi32, #tpu.memory_space<vmem>>
        %dma_start3A_276 = tpu.memref_squeeze %dma_start3A_275 : memref<1x128xi32, #tpu.memory_space<vmem>> -> memref<128xi32, #tpu.memory_space<vmem>>
        %dma_start3A_277 = arith.constant 0 : i32
        %dma_start3A_278 = tpu.memref_slice %arg4[%add3A, %add3A_253, %dma_start3A_277] : memref<32x80x128xi32, #tpu.memory_space<hbm>> -> memref<1x1x128xi32, #tpu.memory_space<hbm>>
        %dma_start3A_279 = tpu.memref_squeeze %dma_start3A_278 : memref<1x1x128xi32, #tpu.memory_space<hbm>> -> memref<128xi32, #tpu.memory_space<hbm>>
        tpu.enqueue_dma source(%dma_start3A_279 : memref<128xi32, #tpu.memory_space<hbm>>) target(%dma_start3A_276 : memref<128xi32, #tpu.memory_space<vmem>>) target_semaphore(%arg13 : memref<!tpu.dma_semaphore, #tpu.memory_space<semaphore_mem>>)
      } else {
      }
      %add3A_179 = arith.constant 1 : i32
      %add3A_180 = arith.addi %mul3A_158, %add3A_179 : i32
      %add3A_181 = arith.constant 1 : i32
      %add3A_182 = arith.addi %add3A_180, %add3A_181 : i32
      %lt3A_183 = arith.constant 80 : i32
      %lt3A_184 = arith.cmpi slt, %add3A_182, %lt3A_183 : i32
      %convert_element_type3A_185 = arith.extui %lt3A_184 : i1 to i32
      %cond3A_186 = arith.constant 0 : i32
      %cond3A_187 = arith.cmpi ne, %convert_element_type3A_185, %cond3A_186 : i32
      scf.if %cond3A_187 {
        %add3A_252 = arith.constant 1 : i32
        %add3A_253 = arith.addi %add3A_180, %add3A_252 : i32
        %dma_wait3A_254 = arith.constant 2 : i32
        %dma_wait3A_255 = arith.constant 0 : i32
        %dma_wait3A_256 = tpu.memref_slice %arg7[%dma_wait3A_254, %dma_wait3A_255] : memref<4x128xi32, #tpu.memory_space<vmem>> -> memref<1x128xi32, #tpu.memory_space<vmem>>
        %dma_wait3A_257 = tpu.memref_squeeze %dma_wait3A_256 : memref<1x128xi32, #tpu.memory_space<vmem>> -> memref<128xi32, #tpu.memory_space<vmem>>
        %dma_wait3A_258 = arith.constant 0 : i32
        %dma_wait3A_259 = tpu.memref_slice %arg3[%add3A, %add3A_253, %dma_wait3A_258] : memref<32x80x128xi32, #tpu.memory_space<hbm>> -> memref<1x1x128xi32, #tpu.memory_space<hbm>>
        %dma_wait3A_260 = tpu.memref_squeeze %dma_wait3A_259 : memref<1x1x128xi32, #tpu.memory_space<hbm>> -> memref<128xi32, #tpu.memory_space<hbm>>
        %dma_wait3A_261 = arith.constant 0 : i32
        %dma_wait3A_262 = tpu.memref_slice %arg7[%dma_wait3A_254, %dma_wait3A_261] : memref<4x128xi32, #tpu.memory_space<vmem>> -> memref<1x128xi32, #tpu.memory_space<vmem>>
        %dma_wait3A_263 = tpu.memref_squeeze %dma_wait3A_262 : memref<1x128xi32, #tpu.memory_space<vmem>> -> memref<128xi32, #tpu.memory_space<vmem>>
        %dma_wait3A_264 = arith.constant 0 : i32
        %dma_wait3A_265 = tpu.memref_slice %arg3[%add3A, %add3A_253, %dma_wait3A_264] : memref<32x80x128xi32, #tpu.memory_space<hbm>> -> memref<1x1x128xi32, #tpu.memory_space<hbm>>
        %dma_wait3A_266 = tpu.memref_squeeze %dma_wait3A_265 : memref<1x1x128xi32, #tpu.memory_space<hbm>> -> memref<128xi32, #tpu.memory_space<hbm>>
        tpu.wait_dma2 semaphore(%arg15 : memref<!tpu.dma_semaphore, #tpu.memory_space<semaphore_mem>>) src(%dma_wait3A_266 : memref<128xi32, #tpu.memory_space<hbm>>) dst(%dma_wait3A_263 : memref<128xi32, #tpu.memory_space<vmem>>)
        %dma_wait3A_267 = arith.constant 2 : i32
        %dma_wait3A_268 = arith.constant 0 : i32
        %dma_wait3A_269 = tpu.memref_slice %arg8[%dma_wait3A_267, %dma_wait3A_268] : memref<4x128xi32, #tpu.memory_space<vmem>> -> memref<1x128xi32, #tpu.memory_space<vmem>>
        %dma_wait3A_270 = tpu.memref_squeeze %dma_wait3A_269 : memref<1x128xi32, #tpu.memory_space<vmem>> -> memref<128xi32, #tpu.memory_space<vmem>>
        %dma_wait3A_271 = arith.constant 0 : i32
        %dma_wait3A_272 = tpu.memref_slice %arg4[%add3A, %add3A_253, %dma_wait3A_271] : memref<32x80x128xi32, #tpu.memory_space<hbm>> -> memref<1x1x128xi32, #tpu.memory_space<hbm>>
        %dma_wait3A_273 = tpu.memref_squeeze %dma_wait3A_272 : memref<1x1x128xi32, #tpu.memory_space<hbm>> -> memref<128xi32, #tpu.memory_space<hbm>>
        %dma_wait3A_274 = arith.constant 0 : i32
        %dma_wait3A_275 = tpu.memref_slice %arg8[%dma_wait3A_267, %dma_wait3A_274] : memref<4x128xi32, #tpu.memory_space<vmem>> -> memref<1x128xi32, #tpu.memory_space<vmem>>
        %dma_wait3A_276 = tpu.memref_squeeze %dma_wait3A_275 : memref<1x128xi32, #tpu.memory_space<vmem>> -> memref<128xi32, #tpu.memory_space<vmem>>
        %dma_wait3A_277 = arith.constant 0 : i32
        %dma_wait3A_278 = tpu.memref_slice %arg4[%add3A, %add3A_253, %dma_wait3A_277] : memref<32x80x128xi32, #tpu.memory_space<hbm>> -> memref<1x1x128xi32, #tpu.memory_space<hbm>>
        %dma_wait3A_279 = tpu.memref_squeeze %dma_wait3A_278 : memref<1x1x128xi32, #tpu.memory_space<hbm>> -> memref<128xi32, #tpu.memory_space<hbm>>
        tpu.wait_dma2 semaphore(%arg15 : memref<!tpu.dma_semaphore, #tpu.memory_space<semaphore_mem>>) src(%dma_wait3A_279 : memref<128xi32, #tpu.memory_space<hbm>>) dst(%dma_wait3A_276 : memref<128xi32, #tpu.memory_space<vmem>>)
        %dma_start3A_280 = arith.constant 2 : i32
        %dma_start3A_281 = arith.constant 0 : i32
        %dma_start3A_282 = tpu.memref_slice %arg7[%dma_start3A_280, %dma_start3A_281] : memref<4x128xi32, #tpu.memory_space<vmem>> -> memref<1x128xi32, #tpu.memory_space<vmem>>
        %dma_start3A_283 = tpu.memref_squeeze %dma_start3A_282 : memref<1x128xi32, #tpu.memory_space<vmem>> -> memref<128xi32, #tpu.memory_space<vmem>>
        %dma_start3A_284 = arith.constant 0 : i32
        %dma_start3A_285 = arith.constant 0 : i32
        %dma_start3A_286 = tpu.memref_slice %arg2[%dma_start3A_284, %dma_start3A_285] : memref<10000x128xf32, #tpu.memory_space<hbm>> -> memref<10000x128xf32, #tpu.memory_space<hbm>>
        tpu.enqueue_indirect_dma source(%dma_start3A_286 : memref<10000x128xf32, #tpu.memory_space<hbm>>) target(%arg9 : memref<128x128xf32, #tpu.memory_space<vmem>>) offsets(%dma_start3A_283 : memref<128xi32, #tpu.memory_space<vmem>>) semaphore(%arg11 : memref<!tpu.dma_semaphore, #tpu.memory_space<semaphore_mem>>)
      } else {
      }
      %dma_wait3A_188 = arith.constant 1 : i32
      %dma_wait3A_189 = arith.constant 0 : i32
      %dma_wait3A_190 = tpu.memref_slice %arg7[%dma_wait3A_188, %dma_wait3A_189] : memref<4x128xi32, #tpu.memory_space<vmem>> -> memref<1x128xi32, #tpu.memory_space<vmem>>
      %dma_wait3A_191 = tpu.memref_squeeze %dma_wait3A_190 : memref<1x128xi32, #tpu.memory_space<vmem>> -> memref<128xi32, #tpu.memory_space<vmem>>
      %dma_wait3A_192 = arith.constant 0 : i32
      %dma_wait3A_193 = arith.constant 0 : i32
      %dma_wait3A_194 = tpu.memref_slice %arg2[%dma_wait3A_192, %dma_wait3A_193] : memref<10000x128xf32, #tpu.memory_space<hbm>> -> memref<10000x128xf32, #tpu.memory_space<hbm>>
      tpu.wait_indirect_dma semaphore(%arg12 : memref<!tpu.dma_semaphore, #tpu.memory_space<semaphore_mem>>) src(%dma_wait3A_194 : memref<10000x128xf32, #tpu.memory_space<hbm>>) dst(%arg10 : memref<128x128xf32, #tpu.memory_space<vmem>>)
      %run_scoped3A_195 = arith.constant 1 : i32
      "tpu.region"() ({
        %run_scoped3A_252 = tpu.sem_alloc : memref<!tpu.dma_semaphore, #tpu.memory_space<semaphore_mem>>
        %dma_start3A_253 = arith.constant 0 : i32
        %dma_start3A_254 = tpu.memref_slice %arg8[%run_scoped3A_195, %dma_start3A_253] : memref<4x128xi32, #tpu.memory_space<vmem>> -> memref<1x128xi32, #tpu.memory_space<vmem>>
        %dma_start3A_255 = tpu.memref_squeeze %dma_start3A_254 : memref<1x128xi32, #tpu.memory_space<vmem>> -> memref<128xi32, #tpu.memory_space<vmem>>
        %dma_start3A_256 = arith.constant 0 : i32
        %dma_start3A_257 = arith.constant 0 : i32
        %dma_start3A_258 = tpu.memref_slice %arg17[%dma_start3A_256, %dma_start3A_257] : memref<10112x128xf32, #tpu.memory_space<vmem_shared>> -> memref<10112x128xf32, #tpu.memory_space<vmem_shared>>
        tpu.enqueue_indirect_dma source(%arg10 : memref<128x128xf32, #tpu.memory_space<vmem>>) target(%dma_start3A_258 : memref<10112x128xf32, #tpu.memory_space<vmem_shared>>) offsets(%dma_start3A_255 : memref<128xi32, #tpu.memory_space<vmem>>) semaphore(%run_scoped3A_252 : memref<!tpu.dma_semaphore, #tpu.memory_space<semaphore_mem>>) {add = true}
        %dma_wait3A_259 = arith.constant 0 : i32
        %dma_wait3A_260 = tpu.memref_slice %arg8[%run_scoped3A_195, %dma_wait3A_259] : memref<4x128xi32, #tpu.memory_space<vmem>> -> memref<1x128xi32, #tpu.memory_space<vmem>>
        %dma_wait3A_261 = tpu.memref_squeeze %dma_wait3A_260 : memref<1x128xi32, #tpu.memory_space<vmem>> -> memref<128xi32, #tpu.memory_space<vmem>>
        %dma_wait3A_262 = arith.constant 0 : i32
        %dma_wait3A_263 = arith.constant 0 : i32
        %dma_wait3A_264 = tpu.memref_slice %arg17[%dma_wait3A_262, %dma_wait3A_263] : memref<10112x128xf32, #tpu.memory_space<vmem_shared>> -> memref<10112x128xf32, #tpu.memory_space<vmem_shared>>
        tpu.wait_indirect_dma semaphore(%run_scoped3A_252 : memref<!tpu.dma_semaphore, #tpu.memory_space<semaphore_mem>>) src(%arg10 : memref<128x128xf32, #tpu.memory_space<vmem>>) dst(%dma_wait3A_264 : memref<10112x128xf32, #tpu.memory_space<vmem_shared>>)
        tpu.yield
      }) : () -> ()
      %add3A_196 = arith.constant 4 : i32
      %add3A_197 = arith.addi %add3A_180, %add3A_196 : i32
      %lt3A_198 = arith.constant 80 : i32
      %lt3A_199 = arith.cmpi slt, %add3A_197, %lt3A_198 : i32
      %convert_element_type3A_200 = arith.extui %lt3A_199 : i1 to i32
      %cond3A_201 = arith.constant 0 : i32
      %cond3A_202 = arith.cmpi ne, %convert_element_type3A_200, %cond3A_201 : i32
      scf.if %cond3A_202 {
        %add3A_252 = arith.constant 4 : i32
        %add3A_253 = arith.addi %add3A_180, %add3A_252 : i32
        %dma_start3A_254 = arith.constant 1 : i32
        %dma_start3A_255 = arith.constant 0 : i32
        %dma_start3A_256 = tpu.memref_slice %arg7[%dma_start3A_254, %dma_start3A_255] : memref<4x128xi32, #tpu.memory_space<vmem>> -> memref<1x128xi32, #tpu.memory_space<vmem>>
        %dma_start3A_257 = tpu.memref_squeeze %dma_start3A_256 : memref<1x128xi32, #tpu.memory_space<vmem>> -> memref<128xi32, #tpu.memory_space<vmem>>
        %dma_start3A_258 = arith.constant 0 : i32
        %dma_start3A_259 = tpu.memref_slice %arg3[%add3A, %add3A_253, %dma_start3A_258] : memref<32x80x128xi32, #tpu.memory_space<hbm>> -> memref<1x1x128xi32, #tpu.memory_space<hbm>>
        %dma_start3A_260 = tpu.memref_squeeze %dma_start3A_259 : memref<1x1x128xi32, #tpu.memory_space<hbm>> -> memref<128xi32, #tpu.memory_space<hbm>>
        %dma_start3A_261 = arith.constant 0 : i32
        %dma_start3A_262 = tpu.memref_slice %arg7[%dma_start3A_254, %dma_start3A_261] : memref<4x128xi32, #tpu.memory_space<vmem>> -> memref<1x128xi32, #tpu.memory_space<vmem>>
        %dma_start3A_263 = tpu.memref_squeeze %dma_start3A_262 : memref<1x128xi32, #tpu.memory_space<vmem>> -> memref<128xi32, #tpu.memory_space<vmem>>
        %dma_start3A_264 = arith.constant 0 : i32
        %dma_start3A_265 = tpu.memref_slice %arg3[%add3A, %add3A_253, %dma_start3A_264] : memref<32x80x128xi32, #tpu.memory_space<hbm>> -> memref<1x1x128xi32, #tpu.memory_space<hbm>>
        %dma_start3A_266 = tpu.memref_squeeze %dma_start3A_265 : memref<1x1x128xi32, #tpu.memory_space<hbm>> -> memref<128xi32, #tpu.memory_space<hbm>>
        tpu.enqueue_dma source(%dma_start3A_266 : memref<128xi32, #tpu.memory_space<hbm>>) target(%dma_start3A_263 : memref<128xi32, #tpu.memory_space<vmem>>) target_semaphore(%arg14 : memref<!tpu.dma_semaphore, #tpu.memory_space<semaphore_mem>>)
        %dma_start3A_267 = arith.constant 1 : i32
        %dma_start3A_268 = arith.constant 0 : i32
        %dma_start3A_269 = tpu.memref_slice %arg8[%dma_start3A_267, %dma_start3A_268] : memref<4x128xi32, #tpu.memory_space<vmem>> -> memref<1x128xi32, #tpu.memory_space<vmem>>
        %dma_start3A_270 = tpu.memref_squeeze %dma_start3A_269 : memref<1x128xi32, #tpu.memory_space<vmem>> -> memref<128xi32, #tpu.memory_space<vmem>>
        %dma_start3A_271 = arith.constant 0 : i32
        %dma_start3A_272 = tpu.memref_slice %arg4[%add3A, %add3A_253, %dma_start3A_271] : memref<32x80x128xi32, #tpu.memory_space<hbm>> -> memref<1x1x128xi32, #tpu.memory_space<hbm>>
        %dma_start3A_273 = tpu.memref_squeeze %dma_start3A_272 : memref<1x1x128xi32, #tpu.memory_space<hbm>> -> memref<128xi32, #tpu.memory_space<hbm>>
        %dma_start3A_274 = arith.constant 0 : i32
        %dma_start3A_275 = tpu.memref_slice %arg8[%dma_start3A_267, %dma_start3A_274] : memref<4x128xi32, #tpu.memory_space<vmem>> -> memref<1x128xi32, #tpu.memory_space<vmem>>
        %dma_start3A_276 = tpu.memref_squeeze %dma_start3A_275 : memref<1x128xi32, #tpu.memory_space<vmem>> -> memref<128xi32, #tpu.memory_space<vmem>>
        %dma_start3A_277 = arith.constant 0 : i32
        %dma_start3A_278 = tpu.memref_slice %arg4[%add3A, %add3A_253, %dma_start3A_277] : memref<32x80x128xi32, #tpu.memory_space<hbm>> -> memref<1x1x128xi32, #tpu.memory_space<hbm>>
        %dma_start3A_279 = tpu.memref_squeeze %dma_start3A_278 : memref<1x1x128xi32, #tpu.memory_space<hbm>> -> memref<128xi32, #tpu.memory_space<hbm>>
        tpu.enqueue_dma source(%dma_start3A_279 : memref<128xi32, #tpu.memory_space<hbm>>) target(%dma_start3A_276 : memref<128xi32, #tpu.memory_space<vmem>>) target_semaphore(%arg14 : memref<!tpu.dma_semaphore, #tpu.memory_space<semaphore_mem>>)
      } else {
      }
      %add3A_203 = arith.constant 2 : i32
      %add3A_204 = arith.addi %mul3A_158, %add3A_203 : i32
      %add3A_205 = arith.constant 1 : i32
      %add3A_206 = arith.addi %add3A_204, %add3A_205 : i32
      %lt3A_207 = arith.constant 80 : i32
      %lt3A_208 = arith.cmpi slt, %add3A_206, %lt3A_207 : i32
      %convert_element_type3A_209 = arith.extui %lt3A_208 : i1 to i32
      %cond3A_210 = arith.constant 0 : i32
      %cond3A_211 = arith.cmpi ne, %convert_element_type3A_209, %cond3A_210 : i32
      scf.if %cond3A_211 {
        %add3A_252 = arith.constant 1 : i32
        %add3A_253 = arith.addi %add3A_204, %add3A_252 : i32
        %dma_wait3A_254 = arith.constant 3 : i32
        %dma_wait3A_255 = arith.constant 0 : i32
        %dma_wait3A_256 = tpu.memref_slice %arg7[%dma_wait3A_254, %dma_wait3A_255] : memref<4x128xi32, #tpu.memory_space<vmem>> -> memref<1x128xi32, #tpu.memory_space<vmem>>
        %dma_wait3A_257 = tpu.memref_squeeze %dma_wait3A_256 : memref<1x128xi32, #tpu.memory_space<vmem>> -> memref<128xi32, #tpu.memory_space<vmem>>
        %dma_wait3A_258 = arith.constant 0 : i32
        %dma_wait3A_259 = tpu.memref_slice %arg3[%add3A, %add3A_253, %dma_wait3A_258] : memref<32x80x128xi32, #tpu.memory_space<hbm>> -> memref<1x1x128xi32, #tpu.memory_space<hbm>>
        %dma_wait3A_260 = tpu.memref_squeeze %dma_wait3A_259 : memref<1x1x128xi32, #tpu.memory_space<hbm>> -> memref<128xi32, #tpu.memory_space<hbm>>
        %dma_wait3A_261 = arith.constant 0 : i32
        %dma_wait3A_262 = tpu.memref_slice %arg7[%dma_wait3A_254, %dma_wait3A_261] : memref<4x128xi32, #tpu.memory_space<vmem>> -> memref<1x128xi32, #tpu.memory_space<vmem>>
        %dma_wait3A_263 = tpu.memref_squeeze %dma_wait3A_262 : memref<1x128xi32, #tpu.memory_space<vmem>> -> memref<128xi32, #tpu.memory_space<vmem>>
        %dma_wait3A_264 = arith.constant 0 : i32
        %dma_wait3A_265 = tpu.memref_slice %arg3[%add3A, %add3A_253, %dma_wait3A_264] : memref<32x80x128xi32, #tpu.memory_space<hbm>> -> memref<1x1x128xi32, #tpu.memory_space<hbm>>
        %dma_wait3A_266 = tpu.memref_squeeze %dma_wait3A_265 : memref<1x1x128xi32, #tpu.memory_space<hbm>> -> memref<128xi32, #tpu.memory_space<hbm>>
        tpu.wait_dma2 semaphore(%arg16 : memref<!tpu.dma_semaphore, #tpu.memory_space<semaphore_mem>>) src(%dma_wait3A_266 : memref<128xi32, #tpu.memory_space<hbm>>) dst(%dma_wait3A_263 : memref<128xi32, #tpu.memory_space<vmem>>)
        %dma_wait3A_267 = arith.constant 3 : i32
        %dma_wait3A_268 = arith.constant 0 : i32
        %dma_wait3A_269 = tpu.memref_slice %arg8[%dma_wait3A_267, %dma_wait3A_268] : memref<4x128xi32, #tpu.memory_space<vmem>> -> memref<1x128xi32, #tpu.memory_space<vmem>>
        %dma_wait3A_270 = tpu.memref_squeeze %dma_wait3A_269 : memref<1x128xi32, #tpu.memory_space<vmem>> -> memref<128xi32, #tpu.memory_space<vmem>>
        %dma_wait3A_271 = arith.constant 0 : i32
        %dma_wait3A_272 = tpu.memref_slice %arg4[%add3A, %add3A_253, %dma_wait3A_271] : memref<32x80x128xi32, #tpu.memory_space<hbm>> -> memref<1x1x128xi32, #tpu.memory_space<hbm>>
        %dma_wait3A_273 = tpu.memref_squeeze %dma_wait3A_272 : memref<1x1x128xi32, #tpu.memory_space<hbm>> -> memref<128xi32, #tpu.memory_space<hbm>>
        %dma_wait3A_274 = arith.constant 0 : i32
        %dma_wait3A_275 = tpu.memref_slice %arg8[%dma_wait3A_267, %dma_wait3A_274] : memref<4x128xi32, #tpu.memory_space<vmem>> -> memref<1x128xi32, #tpu.memory_space<vmem>>
        %dma_wait3A_276 = tpu.memref_squeeze %dma_wait3A_275 : memref<1x128xi32, #tpu.memory_space<vmem>> -> memref<128xi32, #tpu.memory_space<vmem>>
        %dma_wait3A_277 = arith.constant 0 : i32
        %dma_wait3A_278 = tpu.memref_slice %arg4[%add3A, %add3A_253, %dma_wait3A_277] : memref<32x80x128xi32, #tpu.memory_space<hbm>> -> memref<1x1x128xi32, #tpu.memory_space<hbm>>
        %dma_wait3A_279 = tpu.memref_squeeze %dma_wait3A_278 : memref<1x1x128xi32, #tpu.memory_space<hbm>> -> memref<128xi32, #tpu.memory_space<hbm>>
        tpu.wait_dma2 semaphore(%arg16 : memref<!tpu.dma_semaphore, #tpu.memory_space<semaphore_mem>>) src(%dma_wait3A_279 : memref<128xi32, #tpu.memory_space<hbm>>) dst(%dma_wait3A_276 : memref<128xi32, #tpu.memory_space<vmem>>)
        %dma_start3A_280 = arith.constant 3 : i32
        %dma_start3A_281 = arith.constant 0 : i32
        %dma_start3A_282 = tpu.memref_slice %arg7[%dma_start3A_280, %dma_start3A_281] : memref<4x128xi32, #tpu.memory_space<vmem>> -> memref<1x128xi32, #tpu.memory_space<vmem>>
        %dma_start3A_283 = tpu.memref_squeeze %dma_start3A_282 : memref<1x128xi32, #tpu.memory_space<vmem>> -> memref<128xi32, #tpu.memory_space<vmem>>
        %dma_start3A_284 = arith.constant 0 : i32
        %dma_start3A_285 = arith.constant 0 : i32
        %dma_start3A_286 = tpu.memref_slice %arg2[%dma_start3A_284, %dma_start3A_285] : memref<10000x128xf32, #tpu.memory_space<hbm>> -> memref<10000x128xf32, #tpu.memory_space<hbm>>
        tpu.enqueue_indirect_dma source(%dma_start3A_286 : memref<10000x128xf32, #tpu.memory_space<hbm>>) target(%arg10 : memref<128x128xf32, #tpu.memory_space<vmem>>) offsets(%dma_start3A_283 : memref<128xi32, #tpu.memory_space<vmem>>) semaphore(%arg12 : memref<!tpu.dma_semaphore, #tpu.memory_space<semaphore_mem>>)
      } else {
      }
      %dma_wait3A_212 = arith.constant 2 : i32
      %dma_wait3A_213 = arith.constant 0 : i32
      %dma_wait3A_214 = tpu.memref_slice %arg7[%dma_wait3A_212, %dma_wait3A_213] : memref<4x128xi32, #tpu.memory_space<vmem>> -> memref<1x128xi32, #tpu.memory_space<vmem>>
      %dma_wait3A_215 = tpu.memref_squeeze %dma_wait3A_214 : memref<1x128xi32, #tpu.memory_space<vmem>> -> memref<128xi32, #tpu.memory_space<vmem>>
      %dma_wait3A_216 = arith.constant 0 : i32
      %dma_wait3A_217 = arith.constant 0 : i32
      %dma_wait3A_218 = tpu.memref_slice %arg2[%dma_wait3A_216, %dma_wait3A_217] : memref<10000x128xf32, #tpu.memory_space<hbm>> -> memref<10000x128xf32, #tpu.memory_space<hbm>>
      tpu.wait_indirect_dma semaphore(%arg11 : memref<!tpu.dma_semaphore, #tpu.memory_space<semaphore_mem>>) src(%dma_wait3A_218 : memref<10000x128xf32, #tpu.memory_space<hbm>>) dst(%arg9 : memref<128x128xf32, #tpu.memory_space<vmem>>)
      %run_scoped3A_219 = arith.constant 2 : i32
      "tpu.region"() ({
        %run_scoped3A_252 = tpu.sem_alloc : memref<!tpu.dma_semaphore, #tpu.memory_space<semaphore_mem>>
        %dma_start3A_253 = arith.constant 0 : i32
        %dma_start3A_254 = tpu.memref_slice %arg8[%run_scoped3A_219, %dma_start3A_253] : memref<4x128xi32, #tpu.memory_space<vmem>> -> memref<1x128xi32, #tpu.memory_space<vmem>>
        %dma_start3A_255 = tpu.memref_squeeze %dma_start3A_254 : memref<1x128xi32, #tpu.memory_space<vmem>> -> memref<128xi32, #tpu.memory_space<vmem>>
        %dma_start3A_256 = arith.constant 0 : i32
        %dma_start3A_257 = arith.constant 0 : i32
        %dma_start3A_258 = tpu.memref_slice %arg17[%dma_start3A_256, %dma_start3A_257] : memref<10112x128xf32, #tpu.memory_space<vmem_shared>> -> memref<10112x128xf32, #tpu.memory_space<vmem_shared>>
        tpu.enqueue_indirect_dma source(%arg9 : memref<128x128xf32, #tpu.memory_space<vmem>>) target(%dma_start3A_258 : memref<10112x128xf32, #tpu.memory_space<vmem_shared>>) offsets(%dma_start3A_255 : memref<128xi32, #tpu.memory_space<vmem>>) semaphore(%run_scoped3A_252 : memref<!tpu.dma_semaphore, #tpu.memory_space<semaphore_mem>>) {add = true}
        %dma_wait3A_259 = arith.constant 0 : i32
        %dma_wait3A_260 = tpu.memref_slice %arg8[%run_scoped3A_219, %dma_wait3A_259] : memref<4x128xi32, #tpu.memory_space<vmem>> -> memref<1x128xi32, #tpu.memory_space<vmem>>
        %dma_wait3A_261 = tpu.memref_squeeze %dma_wait3A_260 : memref<1x128xi32, #tpu.memory_space<vmem>> -> memref<128xi32, #tpu.memory_space<vmem>>
        %dma_wait3A_262 = arith.constant 0 : i32
        %dma_wait3A_263 = arith.constant 0 : i32
        %dma_wait3A_264 = tpu.memref_slice %arg17[%dma_wait3A_262, %dma_wait3A_263] : memref<10112x128xf32, #tpu.memory_space<vmem_shared>> -> memref<10112x128xf32, #tpu.memory_space<vmem_shared>>
        tpu.wait_indirect_dma semaphore(%run_scoped3A_252 : memref<!tpu.dma_semaphore, #tpu.memory_space<semaphore_mem>>) src(%arg9 : memref<128x128xf32, #tpu.memory_space<vmem>>) dst(%dma_wait3A_264 : memref<10112x128xf32, #tpu.memory_space<vmem_shared>>)
        tpu.yield
      }) : () -> ()
      %add3A_220 = arith.constant 4 : i32
      %add3A_221 = arith.addi %add3A_204, %add3A_220 : i32
      %lt3A_222 = arith.constant 80 : i32
      %lt3A_223 = arith.cmpi slt, %add3A_221, %lt3A_222 : i32
      %convert_element_type3A_224 = arith.extui %lt3A_223 : i1 to i32
      %cond3A_225 = arith.constant 0 : i32
      %cond3A_226 = arith.cmpi ne, %convert_element_type3A_224, %cond3A_225 : i32
      scf.if %cond3A_226 {
        %add3A_252 = arith.constant 4 : i32
        %add3A_253 = arith.addi %add3A_204, %add3A_252 : i32
        %dma_start3A_254 = arith.constant 2 : i32
        %dma_start3A_255 = arith.constant 0 : i32
        %dma_start3A_256 = tpu.memref_slice %arg7[%dma_start3A_254, %dma_start3A_255] : memref<4x128xi32, #tpu.memory_space<vmem>> -> memref<1x128xi32, #tpu.memory_space<vmem>>
        %dma_start3A_257 = tpu.memref_squeeze %dma_start3A_256 : memref<1x128xi32, #tpu.memory_space<vmem>> -> memref<128xi32, #tpu.memory_space<vmem>>
        %dma_start3A_258 = arith.constant 0 : i32
        %dma_start3A_259 = tpu.memref_slice %arg3[%add3A, %add3A_253, %dma_start3A_258] : memref<32x80x128xi32, #tpu.memory_space<hbm>> -> memref<1x1x128xi32, #tpu.memory_space<hbm>>
        %dma_start3A_260 = tpu.memref_squeeze %dma_start3A_259 : memref<1x1x128xi32, #tpu.memory_space<hbm>> -> memref<128xi32, #tpu.memory_space<hbm>>
        %dma_start3A_261 = arith.constant 0 : i32
        %dma_start3A_262 = tpu.memref_slice %arg7[%dma_start3A_254, %dma_start3A_261] : memref<4x128xi32, #tpu.memory_space<vmem>> -> memref<1x128xi32, #tpu.memory_space<vmem>>
        %dma_start3A_263 = tpu.memref_squeeze %dma_start3A_262 : memref<1x128xi32, #tpu.memory_space<vmem>> -> memref<128xi32, #tpu.memory_space<vmem>>
        %dma_start3A_264 = arith.constant 0 : i32
        %dma_start3A_265 = tpu.memref_slice %arg3[%add3A, %add3A_253, %dma_start3A_264] : memref<32x80x128xi32, #tpu.memory_space<hbm>> -> memref<1x1x128xi32, #tpu.memory_space<hbm>>
        %dma_start3A_266 = tpu.memref_squeeze %dma_start3A_265 : memref<1x1x128xi32, #tpu.memory_space<hbm>> -> memref<128xi32, #tpu.memory_space<hbm>>
        tpu.enqueue_dma source(%dma_start3A_266 : memref<128xi32, #tpu.memory_space<hbm>>) target(%dma_start3A_263 : memref<128xi32, #tpu.memory_space<vmem>>) target_semaphore(%arg15 : memref<!tpu.dma_semaphore, #tpu.memory_space<semaphore_mem>>)
        %dma_start3A_267 = arith.constant 2 : i32
        %dma_start3A_268 = arith.constant 0 : i32
        %dma_start3A_269 = tpu.memref_slice %arg8[%dma_start3A_267, %dma_start3A_268] : memref<4x128xi32, #tpu.memory_space<vmem>> -> memref<1x128xi32, #tpu.memory_space<vmem>>
        %dma_start3A_270 = tpu.memref_squeeze %dma_start3A_269 : memref<1x128xi32, #tpu.memory_space<vmem>> -> memref<128xi32, #tpu.memory_space<vmem>>
        %dma_start3A_271 = arith.constant 0 : i32
        %dma_start3A_272 = tpu.memref_slice %arg4[%add3A, %add3A_253, %dma_start3A_271] : memref<32x80x128xi32, #tpu.memory_space<hbm>> -> memref<1x1x128xi32, #tpu.memory_space<hbm>>
        %dma_start3A_273 = tpu.memref_squeeze %dma_start3A_272 : memref<1x1x128xi32, #tpu.memory_space<hbm>> -> memref<128xi32, #tpu.memory_space<hbm>>
        %dma_start3A_274 = arith.constant 0 : i32
        %dma_start3A_275 = tpu.memref_slice %arg8[%dma_start3A_267, %dma_start3A_274] : memref<4x128xi32, #tpu.memory_space<vmem>> -> memref<1x128xi32, #tpu.memory_space<vmem>>
        %dma_start3A_276 = tpu.memref_squeeze %dma_start3A_275 : memref<1x128xi32, #tpu.memory_space<vmem>> -> memref<128xi32, #tpu.memory_space<vmem>>
        %dma_start3A_277 = arith.constant 0 : i32
        %dma_start3A_278 = tpu.memref_slice %arg4[%add3A, %add3A_253, %dma_start3A_277] : memref<32x80x128xi32, #tpu.memory_space<hbm>> -> memref<1x1x128xi32, #tpu.memory_space<hbm>>
        %dma_start3A_279 = tpu.memref_squeeze %dma_start3A_278 : memref<1x1x128xi32, #tpu.memory_space<hbm>> -> memref<128xi32, #tpu.memory_space<hbm>>
        tpu.enqueue_dma source(%dma_start3A_279 : memref<128xi32, #tpu.memory_space<hbm>>) target(%dma_start3A_276 : memref<128xi32, #tpu.memory_space<vmem>>) target_semaphore(%arg15 : memref<!tpu.dma_semaphore, #tpu.memory_space<semaphore_mem>>)
      } else {
      }
      %add3A_227 = arith.constant 3 : i32
      %add3A_228 = arith.addi %mul3A_158, %add3A_227 : i32
      %add3A_229 = arith.constant 1 : i32
      %add3A_230 = arith.addi %add3A_228, %add3A_229 : i32
      %lt3A_231 = arith.constant 80 : i32
      %lt3A_232 = arith.cmpi slt, %add3A_230, %lt3A_231 : i32
      %convert_element_type3A_233 = arith.extui %lt3A_232 : i1 to i32
      %cond3A_234 = arith.constant 0 : i32
      %cond3A_235 = arith.cmpi ne, %convert_element_type3A_233, %cond3A_234 : i32
      scf.if %cond3A_235 {
        %add3A_252 = arith.constant 1 : i32
        %add3A_253 = arith.addi %add3A_228, %add3A_252 : i32
        %dma_wait3A_254 = arith.constant 0 : i32
        %dma_wait3A_255 = arith.constant 0 : i32
        %dma_wait3A_256 = tpu.memref_slice %arg7[%dma_wait3A_254, %dma_wait3A_255] : memref<4x128xi32, #tpu.memory_space<vmem>> -> memref<1x128xi32, #tpu.memory_space<vmem>>
        %dma_wait3A_257 = tpu.memref_squeeze %dma_wait3A_256 : memref<1x128xi32, #tpu.memory_space<vmem>> -> memref<128xi32, #tpu.memory_space<vmem>>
        %dma_wait3A_258 = arith.constant 0 : i32
        %dma_wait3A_259 = tpu.memref_slice %arg3[%add3A, %add3A_253, %dma_wait3A_258] : memref<32x80x128xi32, #tpu.memory_space<hbm>> -> memref<1x1x128xi32, #tpu.memory_space<hbm>>
        %dma_wait3A_260 = tpu.memref_squeeze %dma_wait3A_259 : memref<1x1x128xi32, #tpu.memory_space<hbm>> -> memref<128xi32, #tpu.memory_space<hbm>>
        %dma_wait3A_261 = arith.constant 0 : i32
        %dma_wait3A_262 = tpu.memref_slice %arg7[%dma_wait3A_254, %dma_wait3A_261] : memref<4x128xi32, #tpu.memory_space<vmem>> -> memref<1x128xi32, #tpu.memory_space<vmem>>
        %dma_wait3A_263 = tpu.memref_squeeze %dma_wait3A_262 : memref<1x128xi32, #tpu.memory_space<vmem>> -> memref<128xi32, #tpu.memory_space<vmem>>
        %dma_wait3A_264 = arith.constant 0 : i32
        %dma_wait3A_265 = tpu.memref_slice %arg3[%add3A, %add3A_253, %dma_wait3A_264] : memref<32x80x128xi32, #tpu.memory_space<hbm>> -> memref<1x1x128xi32, #tpu.memory_space<hbm>>
        %dma_wait3A_266 = tpu.memref_squeeze %dma_wait3A_265 : memref<1x1x128xi32, #tpu.memory_space<hbm>> -> memref<128xi32, #tpu.memory_space<hbm>>
        tpu.wait_dma2 semaphore(%arg13 : memref<!tpu.dma_semaphore, #tpu.memory_space<semaphore_mem>>) src(%dma_wait3A_266 : memref<128xi32, #tpu.memory_space<hbm>>) dst(%dma_wait3A_263 : memref<128xi32, #tpu.memory_space<vmem>>)
        %dma_wait3A_267 = arith.constant 0 : i32
        %dma_wait3A_268 = arith.constant 0 : i32
        %dma_wait3A_269 = tpu.memref_slice %arg8[%dma_wait3A_267, %dma_wait3A_268] : memref<4x128xi32, #tpu.memory_space<vmem>> -> memref<1x128xi32, #tpu.memory_space<vmem>>
        %dma_wait3A_270 = tpu.memref_squeeze %dma_wait3A_269 : memref<1x128xi32, #tpu.memory_space<vmem>> -> memref<128xi32, #tpu.memory_space<vmem>>
        %dma_wait3A_271 = arith.constant 0 : i32
        %dma_wait3A_272 = tpu.memref_slice %arg4[%add3A, %add3A_253, %dma_wait3A_271] : memref<32x80x128xi32, #tpu.memory_space<hbm>> -> memref<1x1x128xi32, #tpu.memory_space<hbm>>
        %dma_wait3A_273 = tpu.memref_squeeze %dma_wait3A_272 : memref<1x1x128xi32, #tpu.memory_space<hbm>> -> memref<128xi32, #tpu.memory_space<hbm>>
        %dma_wait3A_274 = arith.constant 0 : i32
        %dma_wait3A_275 = tpu.memref_slice %arg8[%dma_wait3A_267, %dma_wait3A_274] : memref<4x128xi32, #tpu.memory_space<vmem>> -> memref<1x128xi32, #tpu.memory_space<vmem>>
        %dma_wait3A_276 = tpu.memref_squeeze %dma_wait3A_275 : memref<1x128xi32, #tpu.memory_space<vmem>> -> memref<128xi32, #tpu.memory_space<vmem>>
        %dma_wait3A_277 = arith.constant 0 : i32
        %dma_wait3A_278 = tpu.memref_slice %arg4[%add3A, %add3A_253, %dma_wait3A_277] : memref<32x80x128xi32, #tpu.memory_space<hbm>> -> memref<1x1x128xi32, #tpu.memory_space<hbm>>
        %dma_wait3A_279 = tpu.memref_squeeze %dma_wait3A_278 : memref<1x1x128xi32, #tpu.memory_space<hbm>> -> memref<128xi32, #tpu.memory_space<hbm>>
        tpu.wait_dma2 semaphore(%arg13 : memref<!tpu.dma_semaphore, #tpu.memory_space<semaphore_mem>>) src(%dma_wait3A_279 : memref<128xi32, #tpu.memory_space<hbm>>) dst(%dma_wait3A_276 : memref<128xi32, #tpu.memory_space<vmem>>)
        %dma_start3A_280 = arith.constant 0 : i32
        %dma_start3A_281 = arith.constant 0 : i32
        %dma_start3A_282 = tpu.memref_slice %arg7[%dma_start3A_280, %dma_start3A_281] : memref<4x128xi32, #tpu.memory_space<vmem>> -> memref<1x128xi32, #tpu.memory_space<vmem>>
        %dma_start3A_283 = tpu.memref_squeeze %dma_start3A_282 : memref<1x128xi32, #tpu.memory_space<vmem>> -> memref<128xi32, #tpu.memory_space<vmem>>
        %dma_start3A_284 = arith.constant 0 : i32
        %dma_start3A_285 = arith.constant 0 : i32
        %dma_start3A_286 = tpu.memref_slice %arg2[%dma_start3A_284, %dma_start3A_285] : memref<10000x128xf32, #tpu.memory_space<hbm>> -> memref<10000x128xf32, #tpu.memory_space<hbm>>
        tpu.enqueue_indirect_dma source(%dma_start3A_286 : memref<10000x128xf32, #tpu.memory_space<hbm>>) target(%arg9 : memref<128x128xf32, #tpu.memory_space<vmem>>) offsets(%dma_start3A_283 : memref<128xi32, #tpu.memory_space<vmem>>) semaphore(%arg11 : memref<!tpu.dma_semaphore, #tpu.memory_space<semaphore_mem>>)
      } else {
      }
      %dma_wait3A_236 = arith.constant 3 : i32
      %dma_wait3A_237 = arith.constant 0 : i32
      %dma_wait3A_238 = tpu.memref_slice %arg7[%dma_wait3A_236, %dma_wait3A_237] : memref<4x128xi32, #tpu.memory_space<vmem>> -> memref<1x128xi32, #tpu.memory_space<vmem>>
      %dma_wait3A_239 = tpu.memref_squeeze %dma_wait3A_238 : memref<1x128xi32, #tpu.memory_space<vmem>> -> memref<128xi32, #tpu.memory_space<vmem>>
      %dma_wait3A_240 = arith.constant 0 : i32
      %dma_wait3A_241 = arith.constant 0 : i32
      %dma_wait3A_242 = tpu.memref_slice %arg2[%dma_wait3A_240, %dma_wait3A_241] : memref<10000x128xf32, #tpu.memory_space<hbm>> -> memref<10000x128xf32, #tpu.memory_space<hbm>>
      tpu.wait_indirect_dma semaphore(%arg12 : memref<!tpu.dma_semaphore, #tpu.memory_space<semaphore_mem>>) src(%dma_wait3A_242 : memref<10000x128xf32, #tpu.memory_space<hbm>>) dst(%arg10 : memref<128x128xf32, #tpu.memory_space<vmem>>)
      %run_scoped3A_243 = arith.constant 3 : i32
      "tpu.region"() ({
        %run_scoped3A_252 = tpu.sem_alloc : memref<!tpu.dma_semaphore, #tpu.memory_space<semaphore_mem>>
        %dma_start3A_253 = arith.constant 0 : i32
        %dma_start3A_254 = tpu.memref_slice %arg8[%run_scoped3A_243, %dma_start3A_253] : memref<4x128xi32, #tpu.memory_space<vmem>> -> memref<1x128xi32, #tpu.memory_space<vmem>>
        %dma_start3A_255 = tpu.memref_squeeze %dma_start3A_254 : memref<1x128xi32, #tpu.memory_space<vmem>> -> memref<128xi32, #tpu.memory_space<vmem>>
        %dma_start3A_256 = arith.constant 0 : i32
        %dma_start3A_257 = arith.constant 0 : i32
        %dma_start3A_258 = tpu.memref_slice %arg17[%dma_start3A_256, %dma_start3A_257] : memref<10112x128xf32, #tpu.memory_space<vmem_shared>> -> memref<10112x128xf32, #tpu.memory_space<vmem_shared>>
        tpu.enqueue_indirect_dma source(%arg10 : memref<128x128xf32, #tpu.memory_space<vmem>>) target(%dma_start3A_258 : memref<10112x128xf32, #tpu.memory_space<vmem_shared>>) offsets(%dma_start3A_255 : memref<128xi32, #tpu.memory_space<vmem>>) semaphore(%run_scoped3A_252 : memref<!tpu.dma_semaphore, #tpu.memory_space<semaphore_mem>>) {add = true}
        %dma_wait3A_259 = arith.constant 0 : i32
        %dma_wait3A_260 = tpu.memref_slice %arg8[%run_scoped3A_243, %dma_wait3A_259] : memref<4x128xi32, #tpu.memory_space<vmem>> -> memref<1x128xi32, #tpu.memory_space<vmem>>
        %dma_wait3A_261 = tpu.memref_squeeze %dma_wait3A_260 : memref<1x128xi32, #tpu.memory_space<vmem>> -> memref<128xi32, #tpu.memory_space<vmem>>
        %dma_wait3A_262 = arith.constant 0 : i32
        %dma_wait3A_263 = arith.constant 0 : i32
        %dma_wait3A_264 = tpu.memref_slice %arg17[%dma_wait3A_262, %dma_wait3A_263] : memref<10112x128xf32, #tpu.memory_space<vmem_shared>> -> memref<10112x128xf32, #tpu.memory_space<vmem_shared>>
        tpu.wait_indirect_dma semaphore(%run_scoped3A_252 : memref<!tpu.dma_semaphore, #tpu.memory_space<semaphore_mem>>) src(%arg10 : memref<128x128xf32, #tpu.memory_space<vmem>>) dst(%dma_wait3A_264 : memref<10112x128xf32, #tpu.memory_space<vmem_shared>>)
        tpu.yield
      }) : () -> ()
      %add3A_244 = arith.constant 4 : i32
      %add3A_245 = arith.addi %add3A_228, %add3A_244 : i32
      %lt3A_246 = arith.constant 80 : i32
      %lt3A_247 = arith.cmpi slt, %add3A_245, %lt3A_246 : i32
      %convert_element_type3A_248 = arith.extui %lt3A_247 : i1 to i32
      %cond3A_249 = arith.constant 0 : i32
      %cond3A_250 = arith.cmpi ne, %convert_element_type3A_248, %cond3A_249 : i32
      scf.if %cond3A_250 {
        %add3A_252 = arith.constant 4 : i32
        %add3A_253 = arith.addi %add3A_228, %add3A_252 : i32
        %dma_start3A_254 = arith.constant 3 : i32
        %dma_start3A_255 = arith.constant 0 : i32
        %dma_start3A_256 = tpu.memref_slice %arg7[%dma_start3A_254, %dma_start3A_255] : memref<4x128xi32, #tpu.memory_space<vmem>> -> memref<1x128xi32, #tpu.memory_space<vmem>>
        %dma_start3A_257 = tpu.memref_squeeze %dma_start3A_256 : memref<1x128xi32, #tpu.memory_space<vmem>> -> memref<128xi32, #tpu.memory_space<vmem>>
        %dma_start3A_258 = arith.constant 0 : i32
        %dma_start3A_259 = tpu.memref_slice %arg3[%add3A, %add3A_253, %dma_start3A_258] : memref<32x80x128xi32, #tpu.memory_space<hbm>> -> memref<1x1x128xi32, #tpu.memory_space<hbm>>
        %dma_start3A_260 = tpu.memref_squeeze %dma_start3A_259 : memref<1x1x128xi32, #tpu.memory_space<hbm>> -> memref<128xi32, #tpu.memory_space<hbm>>
        %dma_start3A_261 = arith.constant 0 : i32
        %dma_start3A_262 = tpu.memref_slice %arg7[%dma_start3A_254, %dma_start3A_261] : memref<4x128xi32, #tpu.memory_space<vmem>> -> memref<1x128xi32, #tpu.memory_space<vmem>>
        %dma_start3A_263 = tpu.memref_squeeze %dma_start3A_262 : memref<1x128xi32, #tpu.memory_space<vmem>> -> memref<128xi32, #tpu.memory_space<vmem>>
        %dma_start3A_264 = arith.constant 0 : i32
        %dma_start3A_265 = tpu.memref_slice %arg3[%add3A, %add3A_253, %dma_start3A_264] : memref<32x80x128xi32, #tpu.memory_space<hbm>> -> memref<1x1x128xi32, #tpu.memory_space<hbm>>
        %dma_start3A_266 = tpu.memref_squeeze %dma_start3A_265 : memref<1x1x128xi32, #tpu.memory_space<hbm>> -> memref<128xi32, #tpu.memory_space<hbm>>
        tpu.enqueue_dma source(%dma_start3A_266 : memref<128xi32, #tpu.memory_space<hbm>>) target(%dma_start3A_263 : memref<128xi32, #tpu.memory_space<vmem>>) target_semaphore(%arg16 : memref<!tpu.dma_semaphore, #tpu.memory_space<semaphore_mem>>)
        %dma_start3A_267 = arith.constant 3 : i32
        %dma_start3A_268 = arith.constant 0 : i32
        %dma_start3A_269 = tpu.memref_slice %arg8[%dma_start3A_267, %dma_start3A_268] : memref<4x128xi32, #tpu.memory_space<vmem>> -> memref<1x128xi32, #tpu.memory_space<vmem>>
        %dma_start3A_270 = tpu.memref_squeeze %dma_start3A_269 : memref<1x128xi32, #tpu.memory_space<vmem>> -> memref<128xi32, #tpu.memory_space<vmem>>
        %dma_start3A_271 = arith.constant 0 : i32
        %dma_start3A_272 = tpu.memref_slice %arg4[%add3A, %add3A_253, %dma_start3A_271] : memref<32x80x128xi32, #tpu.memory_space<hbm>> -> memref<1x1x128xi32, #tpu.memory_space<hbm>>
        %dma_start3A_273 = tpu.memref_squeeze %dma_start3A_272 : memref<1x1x128xi32, #tpu.memory_space<hbm>> -> memref<128xi32, #tpu.memory_space<hbm>>
        %dma_start3A_274 = arith.constant 0 : i32
        %dma_start3A_275 = tpu.memref_slice %arg8[%dma_start3A_267, %dma_start3A_274] : memref<4x128xi32, #tpu.memory_space<vmem>> -> memref<1x128xi32, #tpu.memory_space<vmem>>
        %dma_start3A_276 = tpu.memref_squeeze %dma_start3A_275 : memref<1x128xi32, #tpu.memory_space<vmem>> -> memref<128xi32, #tpu.memory_space<vmem>>
        %dma_start3A_277 = arith.constant 0 : i32
        %dma_start3A_278 = tpu.memref_slice %arg4[%add3A, %add3A_253, %dma_start3A_277] : memref<32x80x128xi32, #tpu.memory_space<hbm>> -> memref<1x1x128xi32, #tpu.memory_space<hbm>>
        %dma_start3A_279 = tpu.memref_squeeze %dma_start3A_278 : memref<1x1x128xi32, #tpu.memory_space<hbm>> -> memref<128xi32, #tpu.memory_space<hbm>>
        tpu.enqueue_dma source(%dma_start3A_279 : memref<128xi32, #tpu.memory_space<hbm>>) target(%dma_start3A_276 : memref<128xi32, #tpu.memory_space<vmem>>) target_semaphore(%arg16 : memref<!tpu.dma_semaphore, #tpu.memory_space<semaphore_mem>>)
      } else {
      }
      %scan3A_251 = arith.constant 0 : i32
      scf.yield %scan3A_251 : i32
    }
    %scan3A_153 = arith.constant 20 : i32
    %barrier3A_154 = arith.constant 0 : index
    tpu.barrier barrier_id(%barrier3A_154)
    "tpu.region"() ({
      %run_scoped3A = tpu.sem_alloc : memref<!tpu.dma_semaphore, #tpu.memory_space<semaphore_mem>>
      %dma_start3A_155 = arith.constant 0 : i32
      %dma_start3A_156 = tpu.memref_slice %arg6[%arg0, %mul3A_2, %dma_start3A_155] : memref<2x10112x128xf32, #tpu.memory_space<hbm>> -> memref<1x632x128xf32, #tpu.memory_space<hbm>>
      %dma_start3A_157 = tpu.memref_squeeze %dma_start3A_156 : memref<1x632x128xf32, #tpu.memory_space<hbm>> -> memref<632x128xf32, #tpu.memory_space<hbm>>
      %dma_start3A_158 = arith.constant 0 : i32
      %dma_start3A_159 = tpu.memref_slice %arg17[%mul3A_2, %dma_start3A_158] : memref<10112x128xf32, #tpu.memory_space<vmem_shared>> -> memref<632x128xf32, #tpu.memory_space<vmem_shared>>
      tpu.enqueue_dma source(%dma_start3A_159 : memref<632x128xf32, #tpu.memory_space<vmem_shared>>) target(%dma_start3A_157 : memref<632x128xf32, #tpu.memory_space<hbm>>) target_semaphore(%run_scoped3A : memref<!tpu.dma_semaphore, #tpu.memory_space<semaphore_mem>>)
      %dma_wait3A_160 = arith.constant 0 : i32
      %dma_wait3A_161 = tpu.memref_slice %arg6[%arg0, %mul3A_2, %dma_wait3A_160] : memref<2x10112x128xf32, #tpu.memory_space<hbm>> -> memref<1x632x128xf32, #tpu.memory_space<hbm>>
      %dma_wait3A_162 = tpu.memref_squeeze %dma_wait3A_161 : memref<1x632x128xf32, #tpu.memory_space<hbm>> -> memref<632x128xf32, #tpu.memory_space<hbm>>
      %dma_wait3A_163 = arith.constant 0 : i32
      %dma_wait3A_164 = tpu.memref_slice %arg17[%mul3A_2, %dma_wait3A_163] : memref<10112x128xf32, #tpu.memory_space<vmem_shared>> -> memref<632x128xf32, #tpu.memory_space<vmem_shared>>
      tpu.wait_dma2 semaphore(%run_scoped3A : memref<!tpu.dma_semaphore, #tpu.memory_space<semaphore_mem>>) src(%dma_wait3A_164 : memref<632x128xf32, #tpu.memory_space<vmem_shared>>) dst(%dma_wait3A_162 : memref<632x128xf32, #tpu.memory_space<hbm>>)
      tpu.yield
    }) : () -> ()
    return
  }
}

module attributes {stable_mosaic.version = 14 : i64} {
  func.func @_tc_inv_body(%arg0: i32, %arg1: memref<2x400x128xf32, #tpu.memory_space<vmem>>, %arg2: memref<400x8xf32, #tpu.memory_space<vmem>>) attributes {dimension_semantics = [#tpu.dimension_semantics<arbitrary>], iteration_bounds = array<i64: 25>, scalar_prefetch = 0 : i64, scratch_operands = 0 : i64, tpu.core_type = #tpu.core_type<tc>, window_params = [{transform_indices = @transform_0, window_bounds = array<i64: 2, 400, 128>}, {transform_indices = @transform_1, window_bounds = array<i64: 400, 8>}]} {
    %get3A = arith.constant 0 : index
    %get3A_0 = arith.constant 0 : index
    %get3A_1 = arith.constant 0 : index
    %get3A_2 = vector.load %arg1[%get3A, %get3A_0, %get3A_1] : memref<2x400x128xf32, #tpu.memory_space<vmem>>, vector<1x400x1xf32>
    %get3A_3 = vector.shape_cast %get3A_2 : vector<1x400x1xf32> to vector<400x1xf32>
    %get3A_4 = arith.constant 1 : index
    %get3A_5 = arith.constant 0 : index
    %get3A_6 = arith.constant 0 : index
    %get3A_7 = vector.load %arg1[%get3A_4, %get3A_5, %get3A_6] : memref<2x400x128xf32, #tpu.memory_space<vmem>>, vector<1x400x1xf32>
    %get3A_8 = vector.shape_cast %get3A_7 : vector<1x400x1xf32> to vector<400x1xf32>
    %add3A = arith.addf %get3A_3, %get3A_8 : vector<400x1xf32>
    %max3A = arith.constant 1.000000e+00 : f32
    %max3A_9 = vector.broadcast %max3A : f32 to vector<400x1xf32>
    %max3A_10 = arith.maximumf %add3A, %max3A_9 : vector<400x1xf32>
    %div3A = arith.constant 1.000000e+00 : f32
    %div3A_11 = vector.broadcast %div3A : f32 to vector<400x1xf32>
    %div3A_12 = arith.divf %div3A_11, %max3A_10 : vector<400x1xf32>
    %broadcast_in_dim3A = vector.shape_cast %div3A_12 : vector<400x1xf32> to vector<400x1xf32>
    %broadcast_in_dim3A_13 = vector.broadcast %broadcast_in_dim3A : vector<400x1xf32> to vector<400x8xf32>
    %swap3A = arith.constant 0 : index
    %swap3A_14 = arith.constant 0 : index
    %swap3A_15 = vector.load %arg2[%swap3A, %swap3A_14] : memref<400x8xf32, #tpu.memory_space<vmem>>, vector<400x8xf32>
    tpu.vector_store %arg2[%swap3A, %swap3A_14], %broadcast_in_dim3A_13 {strides = array<i32>} : memref<400x8xf32, #tpu.memory_space<vmem>>, vector<400x8xf32>,
    return
  }
  func.func @transform_0(%arg0: i32) -> (i32, i32, i32) {
    %c0_i32 = arith.constant 0 : i32
    %c0_i32_0 = arith.constant 0 : i32
    %c0_i32_1 = arith.constant 0 : i32
    return %c0_i32, %arg0, %c0_i32_0 : i32, i32, i32
  }
  func.func @transform_1(%arg0: i32) -> (i32, i32) {
    %c0_i32 = arith.constant 0 : i32
    %c0_i32_0 = arith.constant 0 : i32
    return %arg0, %c0_i32 : i32, i32
  }
}

module attributes {stable_mosaic.version = 14 : i64} {
  func.func @_tc_linear_body(%arg0: i32, %arg1: memref<2x400x128xf32, #tpu.memory_space<vmem>>, %arg2: memref<400x8xf32, #tpu.memory_space<vmem>>, %arg3: memref<400x128xf32, #tpu.memory_space<vmem>>, %arg4: memref<128x128xf32, #tpu.memory_space<vmem>>, %arg5: memref<128x128xf32, #tpu.memory_space<vmem>>, %arg6: memref<1x128xf32, #tpu.memory_space<vmem>>, %arg7: memref<400x128xf32, #tpu.memory_space<vmem>>, %arg8: memref<8x128xf32, #tpu.memory_space<vmem>>, %arg9: memref<8x128xf32, #tpu.memory_space<vmem>>) attributes {dimension_semantics = [#tpu.dimension_semantics<arbitrary>], iteration_bounds = array<i64: 25>, scalar_prefetch = 0 : i64, scratch_operands = 1 : i64, tpu.core_type = #tpu.core_type<tc>, window_params = [{transform_indices = @transform_0, window_bounds = array<i64: 2, 400, 128>}, {transform_indices = @transform_1, window_bounds = array<i64: 400, 8>}, {transform_indices = @transform_2, window_bounds = array<i64: 400, 128>}, {pipeline_mode = #tpu.pipeline_mode<synchronous>, transform_indices = @transform_3, window_bounds = array<i64: 128, 128>}, {pipeline_mode = #tpu.pipeline_mode<synchronous>, transform_indices = @transform_4, window_bounds = array<i64: 128, 128>}, {pipeline_mode = #tpu.pipeline_mode<synchronous>, transform_indices = @transform_5, window_bounds = array<i64: 1, 128>}, {transform_indices = @transform_6, window_bounds = array<i64: 400, 128>}, {pipeline_mode = #tpu.pipeline_mode<synchronous>, transform_indices = @transform_7, window_bounds = array<i64: 8, 128>}]} {
    %get3A = arith.constant 0 : index
    %get3A_0 = arith.constant 0 : index
    %get3A_1 = arith.constant 0 : index
    %get3A_2 = vector.load %arg1[%get3A, %get3A_0, %get3A_1] : memref<2x400x128xf32, #tpu.memory_space<vmem>>, vector<1x400x128xf32>
    %get3A_3 = vector.shape_cast %get3A_2 : vector<1x400x128xf32> to vector<400x128xf32>
    %get3A_4 = arith.constant 1 : index
    %get3A_5 = arith.constant 0 : index
    %get3A_6 = arith.constant 0 : index
    %get3A_7 = vector.load %arg1[%get3A_4, %get3A_5, %get3A_6] : memref<2x400x128xf32, #tpu.memory_space<vmem>>, vector<1x400x128xf32>
    %get3A_8 = vector.shape_cast %get3A_7 : vector<1x400x128xf32> to vector<400x128xf32>
    %add3A = arith.addf %get3A_3, %get3A_8 : vector<400x128xf32>
    %get3A_9 = arith.constant 0 : index
    %get3A_10 = arith.constant 0 : index
    %get3A_11 = vector.load %arg2[%get3A_9, %get3A_10] : memref<400x8xf32, #tpu.memory_space<vmem>>, vector<400x1xf32>
    %mul3A = vector.broadcast %get3A_11 : vector<400x1xf32> to vector<400x128xf32>
    %mul3A_12 = arith.mulf %add3A, %mul3A : vector<400x128xf32>
    %get3A_13 = arith.constant 0 : index
    %get3A_14 = arith.constant 0 : index
    %get3A_15 = vector.load %arg4[%get3A_13, %get3A_14] : memref<128x128xf32, #tpu.memory_space<vmem>>, vector<128x128xf32>
    %dot_general3A = arith.constant dense<0.000000e+00> : vector<400x128xf32>
    %dot_general3A_16 = tpu.matmul %mul3A_12, %get3A_15, %dot_general3A {dimension_numbers = #tpu.dot_dimension_numbers<[1], [0], [0], [1], [0, 0, 1, 1], [], []>, transpose_lhs_hint = false} : vector<400x128xf32>, vector<128x128xf32>, vector<400x128xf32> -> vector<400x128xf32>
    %get3A_17 = arith.constant 0 : index
    %get3A_18 = arith.constant 0 : index
    %get3A_19 = vector.load %arg3[%get3A_17, %get3A_18] : memref<400x128xf32, #tpu.memory_space<vmem>>, vector<400x128xf32>
    %get3A_20 = arith.constant 0 : index
    %get3A_21 = arith.constant 0 : index
    %get3A_22 = vector.load %arg5[%get3A_20, %get3A_21] : memref<128x128xf32, #tpu.memory_space<vmem>>, vector<128x128xf32>
    %dot_general3A_23 = arith.constant dense<0.000000e+00> : vector<400x128xf32>
    %dot_general3A_24 = tpu.matmul %get3A_19, %get3A_22, %dot_general3A_23 {dimension_numbers = #tpu.dot_dimension_numbers<[1], [0], [0], [1], [0, 0, 1, 1], [], []>, transpose_lhs_hint = false} : vector<400x128xf32>, vector<128x128xf32>, vector<400x128xf32> -> vector<400x128xf32>
    %add3A_25 = arith.addf %dot_general3A_16, %dot_general3A_24 : vector<400x128xf32>
    %get3A_26 = arith.constant 0 : index
    %get3A_27 = arith.constant 0 : index
    %get3A_28 = vector.load %arg6[%get3A_26, %get3A_27] : memref<1x128xf32, #tpu.memory_space<vmem>>, vector<1x128xf32>
    %add3A_29 = vector.broadcast %get3A_28 : vector<1x128xf32> to vector<400x128xf32>
    %add3A_30 = arith.addf %add3A_25, %add3A_29 : vector<400x128xf32>
    %swap3A = arith.constant 0 : index
    %swap3A_31 = arith.constant 0 : index
    %swap3A_32 = vector.load %arg7[%swap3A, %swap3A_31] : memref<400x128xf32, #tpu.memory_space<vmem>>, vector<400x128xf32>
    tpu.vector_store %arg7[%swap3A, %swap3A_31], %add3A_30 {strides = array<i32>} : memref<400x128xf32, #tpu.memory_space<vmem>>, vector<400x128xf32>,
    %eq3A = arith.constant 0 : i32
    %eq3A_33 = arith.cmpi eq, %arg0, %eq3A : i32
    %convert_element_type3A = arith.extui %eq3A_33 : i1 to i32
    %cond3A = arith.constant 0 : i32
    %cond3A_34 = arith.cmpi ne, %convert_element_type3A, %cond3A : i32
    scf.if %cond3A_34 {
      %broadcast_in_dim3A_59 = arith.constant 0.000000e+00 : f32
      %broadcast_in_dim3A_60 = vector.broadcast %broadcast_in_dim3A_59 : f32 to vector<8x128xf32>
      %swap3A_61 = arith.constant 0 : index
      %swap3A_62 = arith.constant 0 : index
      %swap3A_63 = vector.load %arg9[%swap3A_61, %swap3A_62] : memref<8x128xf32, #tpu.memory_space<vmem>>, vector<8x128xf32>
      tpu.vector_store %arg9[%swap3A_61, %swap3A_62], %broadcast_in_dim3A_60 {strides = array<i32>} : memref<8x128xf32, #tpu.memory_space<vmem>>, vector<8x128xf32>,
    } else {
    }
    %get3A_35 = arith.constant 0 : index
    %get3A_36 = arith.constant 0 : index
    %get3A_37 = vector.load %arg9[%get3A_35, %get3A_36] : memref<8x128xf32, #tpu.memory_space<vmem>>, vector<1x128xf32>
    %reduce_sum3A = arith.constant dense<0.000000e+00> : vector<128xf32>
    %reduce_sum3A_38 = vector.multi_reduction <add>, %add3A_30, %reduce_sum3A [0] : vector<400x128xf32> to vector<128xf32>
    %broadcast_in_dim3A = vector.shape_cast %reduce_sum3A_38 : vector<128xf32> to vector<1x128xf32>
    %add3A_39 = arith.addf %get3A_37, %broadcast_in_dim3A : vector<1x128xf32>
    %swap3A_40 = arith.constant 0 : index
    %swap3A_41 = arith.constant 0 : index
    %swap3A_42 = vector.load %arg9[%swap3A_40, %swap3A_41] : memref<8x128xf32, #tpu.memory_space<vmem>>, vector<1x128xf32>
    tpu.vector_store %arg9[%swap3A_40, %swap3A_41], %add3A_39 {strides = array<i32>} : memref<8x128xf32, #tpu.memory_space<vmem>>, vector<1x128xf32>,
    %get3A_43 = arith.constant 1 : index
    %get3A_44 = arith.constant 0 : index
    %get3A_45 = vector.load %arg9[%get3A_43, %get3A_44] : memref<8x128xf32, #tpu.memory_space<vmem>>, vector<1x128xf32>
    %mul3A_46 = arith.mulf %add3A_30, %add3A_30 : vector<400x128xf32>
    %reduce_sum3A_47 = arith.constant dense<0.000000e+00> : vector<128xf32>
    %reduce_sum3A_48 = vector.multi_reduction <add>, %mul3A_46, %reduce_sum3A_47 [0] : vector<400x128xf32> to vector<128xf32>
    %broadcast_in_dim3A_49 = vector.shape_cast %reduce_sum3A_48 : vector<128xf32> to vector<1x128xf32>
    %add3A_50 = arith.addf %get3A_45, %broadcast_in_dim3A_49 : vector<1x128xf32>
    %swap3A_51 = arith.constant 1 : index
    %swap3A_52 = arith.constant 0 : index
    %swap3A_53 = vector.load %arg9[%swap3A_51, %swap3A_52] : memref<8x128xf32, #tpu.memory_space<vmem>>, vector<1x128xf32>
    tpu.vector_store %arg9[%swap3A_51, %swap3A_52], %add3A_50 {strides = array<i32>} : memref<8x128xf32, #tpu.memory_space<vmem>>, vector<1x128xf32>,
    %eq3A_54 = arith.constant 24 : i32
    %eq3A_55 = arith.cmpi eq, %arg0, %eq3A_54 : i32
    %convert_element_type3A_56 = arith.extui %eq3A_55 : i1 to i32
    %cond3A_57 = arith.constant 0 : i32
    %cond3A_58 = arith.cmpi ne, %convert_element_type3A_56, %cond3A_57 : i32
    scf.if %cond3A_58 {
      %get3A_59 = arith.constant 0 : index
      %get3A_60 = arith.constant 0 : index
      %get3A_61 = vector.load %arg9[%get3A_59, %get3A_60] : memref<8x128xf32, #tpu.memory_space<vmem>>, vector<8x128xf32>
      %swap3A_62 = arith.constant 0 : index
      %swap3A_63 = arith.constant 0 : index
      %swap3A_64 = vector.load %arg8[%swap3A_62, %swap3A_63] : memref<8x128xf32, #tpu.memory_space<vmem>>, vector<8x128xf32>
      tpu.vector_store %arg8[%swap3A_62, %swap3A_63], %get3A_61 {strides = array<i32>} : memref<8x128xf32, #tpu.memory_space<vmem>>, vector<8x128xf32>,
    } else {
    }
    return
  }
  func.func @transform_0(%arg0: i32) -> (i32, i32, i32) {
    %c0_i32 = arith.constant 0 : i32
    %c0_i32_0 = arith.constant 0 : i32
    %c0_i32_1 = arith.constant 0 : i32
    return %c0_i32, %arg0, %c0_i32_0 : i32, i32, i32
  }
  func.func @transform_1(%arg0: i32) -> (i32, i32) {
    %c0_i32 = arith.constant 0 : i32
    %c0_i32_0 = arith.constant 0 : i32
    return %arg0, %c0_i32 : i32, i32
  }
  func.func @transform_2(%arg0: i32) -> (i32, i32) {
    %c0_i32 = arith.constant 0 : i32
    %c0_i32_0 = arith.constant 0 : i32
    return %arg0, %c0_i32 : i32, i32
  }
  func.func @transform_3(%arg0: i32) -> (i32, i32) {
    %c0_i32 = arith.constant 0 : i32
    %c0_i32_0 = arith.constant 0 : i32
    %c0_i32_1 = arith.constant 0 : i32
    return %c0_i32, %c0_i32_0 : i32, i32
  }
  func.func @transform_4(%arg0: i32) -> (i32, i32) {
    %c0_i32 = arith.constant 0 : i32
    %c0_i32_0 = arith.constant 0 : i32
    %c0_i32_1 = arith.constant 0 : i32
    return %c0_i32, %c0_i32_0 : i32, i32
  }
  func.func @transform_5(%arg0: i32) -> (i32, i32) {
    %c0_i32 = arith.constant 0 : i32
    %c0_i32_0 = arith.constant 0 : i32
    %c0_i32_1 = arith.constant 0 : i32
    return %c0_i32, %c0_i32_0 : i32, i32
  }
  func.func @transform_6(%arg0: i32) -> (i32, i32) {
    %c0_i32 = arith.constant 0 : i32
    %c0_i32_0 = arith.constant 0 : i32
    return %arg0, %c0_i32 : i32, i32
  }
  func.func @transform_7(%arg0: i32) -> (i32, i32) {
    %c0_i32 = arith.constant 0 : i32
    %c0_i32_0 = arith.constant 0 : i32
    %c0_i32_1 = arith.constant 0 : i32
    return %c0_i32, %c0_i32_0 : i32, i32
  }
}

module attributes {stable_mosaic.version = 14 : i64} {
  func.func @_tc_bn_relu_body(%arg0: i32, %arg1: memref<400x128xf32, #tpu.memory_space<vmem>>, %arg2: memref<8x128xf32, #tpu.memory_space<vmem>>, %arg3: memref<1x128xf32, #tpu.memory_space<vmem>>, %arg4: memref<1x128xf32, #tpu.memory_space<vmem>>, %arg5: memref<400x128xf32, #tpu.memory_space<vmem>>) attributes {dimension_semantics = [#tpu.dimension_semantics<arbitrary>], iteration_bounds = array<i64: 25>, scalar_prefetch = 0 : i64, scratch_operands = 0 : i64, tpu.core_type = #tpu.core_type<tc>, window_params = [{transform_indices = @transform_0, window_bounds = array<i64: 400, 128>}, {pipeline_mode = #tpu.pipeline_mode<synchronous>, transform_indices = @transform_1, window_bounds = array<i64: 8, 128>}, {pipeline_mode = #tpu.pipeline_mode<synchronous>, transform_indices = @transform_2, window_bounds = array<i64: 1, 128>}, {pipeline_mode = #tpu.pipeline_mode<synchronous>, transform_indices = @transform_3, window_bounds = array<i64: 1, 128>}, {transform_indices = @transform_4, window_bounds = array<i64: 400, 128>}]} {
    %get3A = arith.constant 0 : index
    %get3A_0 = arith.constant 0 : index
    %get3A_1 = vector.load %arg2[%get3A, %get3A_0] : memref<8x128xf32, #tpu.memory_space<vmem>>, vector<1x128xf32>
    %mul3A = arith.constant 9.99999974E-5 : f32
    %mul3A_2 = vector.broadcast %mul3A : f32 to vector<1x128xf32>
    %mul3A_3 = arith.mulf %get3A_1, %mul3A_2 : vector<1x128xf32>
    %get3A_4 = arith.constant 1 : index
    %get3A_5 = arith.constant 0 : index
    %get3A_6 = vector.load %arg2[%get3A_4, %get3A_5] : memref<8x128xf32, #tpu.memory_space<vmem>>, vector<1x128xf32>
    %mul3A_7 = arith.constant 9.99999974E-5 : f32
    %mul3A_8 = vector.broadcast %mul3A_7 : f32 to vector<1x128xf32>
    %mul3A_9 = arith.mulf %get3A_6, %mul3A_8 : vector<1x128xf32>
    %mul3A_10 = arith.mulf %mul3A_3, %mul3A_3 : vector<1x128xf32>
    %sub3A = arith.subf %mul3A_9, %mul3A_10 : vector<1x128xf32>
    %get3A_11 = arith.constant 0 : index
    %get3A_12 = arith.constant 0 : index
    %get3A_13 = vector.load %arg3[%get3A_11, %get3A_12] : memref<1x128xf32, #tpu.memory_space<vmem>>, vector<1x128xf32>
    %add3A = arith.constant 9.99999974E-6 : f32
    %add3A_14 = vector.broadcast %add3A : f32 to vector<1x128xf32>
    %add3A_15 = arith.addf %sub3A, %add3A_14 : vector<1x128xf32>
    %rsqrt3A = math.rsqrt %add3A_15 : vector<1x128xf32>
    %mul3A_16 = arith.mulf %get3A_13, %rsqrt3A : vector<1x128xf32>
    %get3A_17 = arith.constant 0 : index
    %get3A_18 = arith.constant 0 : index
    %get3A_19 = vector.load %arg1[%get3A_17, %get3A_18] : memref<400x128xf32, #tpu.memory_space<vmem>>, vector<400x128xf32>
    %sub3A_20 = vector.broadcast %mul3A_3 : vector<1x128xf32> to vector<400x128xf32>
    %sub3A_21 = arith.subf %get3A_19, %sub3A_20 : vector<400x128xf32>
    %mul3A_22 = vector.broadcast %mul3A_16 : vector<1x128xf32> to vector<400x128xf32>
    %mul3A_23 = arith.mulf %sub3A_21, %mul3A_22 : vector<400x128xf32>
    %get3A_24 = arith.constant 0 : index
    %get3A_25 = arith.constant 0 : index
    %get3A_26 = vector.load %arg4[%get3A_24, %get3A_25] : memref<1x128xf32, #tpu.memory_space<vmem>>, vector<1x128xf32>
    %add3A_27 = vector.broadcast %get3A_26 : vector<1x128xf32> to vector<400x128xf32>
    %add3A_28 = arith.addf %mul3A_23, %add3A_27 : vector<400x128xf32>
    %max3A = arith.constant 0.000000e+00 : f32
    %max3A_29 = vector.broadcast %max3A : f32 to vector<400x128xf32>
    %max3A_30 = arith.maximumf %add3A_28, %max3A_29 : vector<400x128xf32>
    %swap3A = arith.constant 0 : index
    %swap3A_31 = arith.constant 0 : index
    %swap3A_32 = vector.load %arg5[%swap3A, %swap3A_31] : memref<400x128xf32, #tpu.memory_space<vmem>>, vector<400x128xf32>
    tpu.vector_store %arg5[%swap3A, %swap3A_31], %max3A_30 {strides = array<i32>} : memref<400x128xf32, #tpu.memory_space<vmem>>, vector<400x128xf32>,
    return
  }
  func.func @transform_0(%arg0: i32) -> (i32, i32) {
    %c0_i32 = arith.constant 0 : i32
    %c0_i32_0 = arith.constant 0 : i32
    return %arg0, %c0_i32 : i32, i32
  }
  func.func @transform_1(%arg0: i32) -> (i32, i32) {
    %c0_i32 = arith.constant 0 : i32
    %c0_i32_0 = arith.constant 0 : i32
    %c0_i32_1 = arith.constant 0 : i32
    return %c0_i32, %c0_i32_0 : i32, i32
  }
  func.func @transform_2(%arg0: i32) -> (i32, i32) {
    %c0_i32 = arith.constant 0 : i32
    %c0_i32_0 = arith.constant 0 : i32
    %c0_i32_1 = arith.constant 0 : i32
    return %c0_i32, %c0_i32_0 : i32, i32
  }
  func.func @transform_3(%arg0: i32) -> (i32, i32) {
    %c0_i32 = arith.constant 0 : i32
    %c0_i32_0 = arith.constant 0 : i32
    %c0_i32_1 = arith.constant 0 : i32
    return %c0_i32, %c0_i32_0 : i32, i32
  }
  func.func @transform_4(%arg0: i32) -> (i32, i32) {
    %c0_i32 = arith.constant 0 : i32
    %c0_i32_0 = arith.constant 0 : i32
    return %arg0, %c0_i32 : i32, i32
  }
}

module attributes {stable_mosaic.version = 14 : i64} {
  func.func @_tc_bn_relu_body(%arg0: i32, %arg1: memref<400x128xf32, #tpu.memory_space<vmem>>, %arg2: memref<8x128xf32, #tpu.memory_space<vmem>>, %arg3: memref<1x128xf32, #tpu.memory_space<vmem>>, %arg4: memref<1x128xf32, #tpu.memory_space<vmem>>, %arg5: memref<400x128xf32, #tpu.memory_space<vmem>>) attributes {dimension_semantics = [#tpu.dimension_semantics<arbitrary>], iteration_bounds = array<i64: 25>, scalar_prefetch = 0 : i64, scratch_operands = 0 : i64, tpu.core_type = #tpu.core_type<tc>, window_params = [{transform_indices = @transform_0, window_bounds = array<i64: 400, 128>}, {pipeline_mode = #tpu.pipeline_mode<synchronous>, transform_indices = @transform_1, window_bounds = array<i64: 8, 128>}, {pipeline_mode = #tpu.pipeline_mode<synchronous>, transform_indices = @transform_2, window_bounds = array<i64: 1, 128>}, {pipeline_mode = #tpu.pipeline_mode<synchronous>, transform_indices = @transform_3, window_bounds = array<i64: 1, 128>}, {transform_indices = @transform_4, window_bounds = array<i64: 400, 128>}]} {
    %get3A = arith.constant 0 : index
    %get3A_0 = arith.constant 0 : index
    %get3A_1 = vector.load %arg2[%get3A, %get3A_0] : memref<8x128xf32, #tpu.memory_space<vmem>>, vector<1x128xf32>
    %mul3A = arith.constant 9.99999974E-5 : f32
    %mul3A_2 = vector.broadcast %mul3A : f32 to vector<1x128xf32>
    %mul3A_3 = arith.mulf %get3A_1, %mul3A_2 : vector<1x128xf32>
    %get3A_4 = arith.constant 1 : index
    %get3A_5 = arith.constant 0 : index
    %get3A_6 = vector.load %arg2[%get3A_4, %get3A_5] : memref<8x128xf32, #tpu.memory_space<vmem>>, vector<1x128xf32>
    %mul3A_7 = arith.constant 9.99999974E-5 : f32
    %mul3A_8 = vector.broadcast %mul3A_7 : f32 to vector<1x128xf32>
    %mul3A_9 = arith.mulf %get3A_6, %mul3A_8 : vector<1x128xf32>
    %mul3A_10 = arith.mulf %mul3A_3, %mul3A_3 : vector<1x128xf32>
    %sub3A = arith.subf %mul3A_9, %mul3A_10 : vector<1x128xf32>
    %get3A_11 = arith.constant 0 : index
    %get3A_12 = arith.constant 0 : index
    %get3A_13 = vector.load %arg3[%get3A_11, %get3A_12] : memref<1x128xf32, #tpu.memory_space<vmem>>, vector<1x128xf32>
    %add3A = arith.constant 9.99999974E-6 : f32
    %add3A_14 = vector.broadcast %add3A : f32 to vector<1x128xf32>
    %add3A_15 = arith.addf %sub3A, %add3A_14 : vector<1x128xf32>
    %rsqrt3A = math.rsqrt %add3A_15 : vector<1x128xf32>
    %mul3A_16 = arith.mulf %get3A_13, %rsqrt3A : vector<1x128xf32>
    %get3A_17 = arith.constant 0 : index
    %get3A_18 = arith.constant 0 : index
    %get3A_19 = vector.load %arg1[%get3A_17, %get3A_18] : memref<400x128xf32, #tpu.memory_space<vmem>>, vector<400x128xf32>
    %sub3A_20 = vector.broadcast %mul3A_3 : vector<1x128xf32> to vector<400x128xf32>
    %sub3A_21 = arith.subf %get3A_19, %sub3A_20 : vector<400x128xf32>
    %mul3A_22 = vector.broadcast %mul3A_16 : vector<1x128xf32> to vector<400x128xf32>
    %mul3A_23 = arith.mulf %sub3A_21, %mul3A_22 : vector<400x128xf32>
    %get3A_24 = arith.constant 0 : index
    %get3A_25 = arith.constant 0 : index
    %get3A_26 = vector.load %arg4[%get3A_24, %get3A_25] : memref<1x128xf32, #tpu.memory_space<vmem>>, vector<1x128xf32>
    %add3A_27 = vector.broadcast %get3A_26 : vector<1x128xf32> to vector<400x128xf32>
    %add3A_28 = arith.addf %mul3A_23, %add3A_27 : vector<400x128xf32>
    %max3A = arith.constant 0.000000e+00 : f32
    %max3A_29 = vector.broadcast %max3A : f32 to vector<400x128xf32>
    %max3A_30 = arith.maximumf %add3A_28, %max3A_29 : vector<400x128xf32>
    %swap3A = arith.constant 0 : index
    %swap3A_31 = arith.constant 0 : index
    %swap3A_32 = vector.load %arg5[%swap3A, %swap3A_31] : memref<400x128xf32, #tpu.memory_space<vmem>>, vector<400x128xf32>
    tpu.vector_store %arg5[%swap3A, %swap3A_31], %max3A_30 {strides = array<i32>} : memref<400x128xf32, #tpu.memory_space<vmem>>, vector<400x128xf32>,
    return
  }
  func.func @transform_0(%arg0: i32) -> (i32, i32) {
    %c0_i32 = arith.constant 0 : i32
    %c0_i32_0 = arith.constant 0 : i32
    return %arg0, %c0_i32 : i32, i32
  }
  func.func @transform_1(%arg0: i32) -> (i32, i32) {
    %c0_i32 = arith.constant 0 : i32
    %c0_i32_0 = arith.constant 0 : i32
    %c0_i32_1 = arith.constant 0 : i32
    return %c0_i32, %c0_i32_0 : i32, i32
  }
  func.func @transform_2(%arg0: i32) -> (i32, i32) {
    %c0_i32 = arith.constant 0 : i32
    %c0_i32_0 = arith.constant 0 : i32
    %c0_i32_1 = arith.constant 0 : i32
    return %c0_i32, %c0_i32_0 : i32, i32
  }
  func.func @transform_3(%arg0: i32) -> (i32, i32) {
    %c0_i32 = arith.constant 0 : i32
    %c0_i32_0 = arith.constant 0 : i32
    %c0_i32_1 = arith.constant 0 : i32
    return %c0_i32, %c0_i32_0 : i32, i32
  }
  func.func @transform_4(%arg0: i32) -> (i32, i32) {
    %c0_i32 = arith.constant 0 : i32
    %c0_i32_0 = arith.constant 0 : i32
    return %arg0, %c0_i32 : i32, i32
  }
}

</mosaic_0001>

<sc_bundles>
// kernel: sc_sage_agg.11.cloned.1.call-start
scs
__scs_entry_jumppad:
0x0: {  	(pc) =	sbr.rel $0x88, $3  }
0x1: {  	(tag) =	ssettag $0x0;
	lr =	simm.s32 $0x1  }
0x2: {  	[smem:$0x3F90] =	sst lr;
	_ =	strace $0xD0000000  }
0x3: {  	_ = 	snop  }
0x4: {  	_ = 	snop  }
0x5: {  	_ = 	snop  }
0x6: {  	_ = 	snop  }
0x7: {  	_ = 	snop  }
__scs_overlays_trampoline_lowered:
0x8: {  	[smem:$0x3F9F] =	sst s0  }
0x9: {  	[smem:$0x3FA0] =	sst s1  }
0xa: {  	[smem:$0x3FA1] =	sst s2  }
0xb: {  	[smem:$0x3FA2] =	sst s3  }
0xc: {  	[smem:$0x3FA3] =	sst s4  }
0xd: {  	[smem:$0x3FA4] =	sst s5  }
0xe: {  	[smem:$0x3FA5] =	sst s6  }
0xf: {  	[smem:$0x3FA6] =	sst s7  }
0x10: {  	[smem:$0x3FA7] =	sst s8  }
0x11: {  	[smem:$0x3FA8] =	sst s9;
	s0 =	simm.s32 @!p0 $0x0  }
0x12: {  	s1 =	sld [smem:$0x3F8E];
	s0 =	simm.s32 @p0 $0x1  }
0x13: {  	[smem:$0x3FA9] =	sst s0;
	s0 =	simm.s32 @!p1 $0x0  }
0x14: {  	s2 =	sld [smem:$0x3F8D];
	s0 =	simm.s32 @p1 $0x1  }
0x15: {  	[smem:$0x3FAA] =	sst s0;
	s0 =	simm.s32 @!p2 $0x0  }
0x16: {  	s3 =	sld [smem:$0x3FDB];
	s0 =	simm.s32 @p2 $0x1  }
0x17: {  	s4 =	simm.s32 $0x1BF5;
	[smem:$0x3FAC] =	sst s0  }
0x18: {  	s0 =	sld [smem:$0x3F8F];
	_ =	swait.ge [sflag:s4], $0x0  }
0x19: {  	s7 =	sld [smem:$0x3F90]  }
0x1a: {  	s8 =	sadd.s32 $0xFFFFE003, lr  }
0x1b: {  	s9 =	sadd.s32 $0xFFFFFEF7, lr;
	s5 =	simm.s32 $0xFFFFFFFF;
	p2 =	slt.u32 s8, $0xFFFFF086  }
0x1c: {  	p1 =	slt.u32 s9, $0xF7A;
	s5 =	simm.s32 @!p2 $0x0  }
0x1d: {  	s5 =	simm.s32 @p1 $0x1;
	p0 =	seq.s32 s7, s2  }
0x1e: {  	s7 =	smul.u32 @!p0 $0xF7A, s2;
	p2 =	seq.s32 @!p0 s5, $0x0  }
0x1f: {  	s9 =	smul.u32 $0xF7A, s1;
	s8 =	simm.s32 @!p0 $0x1BF5;
	p2 =	por !p2, p0  }
0x20: {  	[sflag:s8] =	ssyncset.s32 @!p0 $0xFFFFF086;
	s6 =	sadd.s32 @!p0 s3, s7;
	s7 =	simm.s32 @!p0 $0x108  }
0x21: {  	s3 =	sadd.s32 s3, s9;
	s6 =	sadd.s32 @!p0 $0x88, s6;
	s7 =	simm.s32 @p2 $0x1082  }
0x22: {  	[simem:s7], [sflag:s8] =	dma.local @!p0 [hbm:s6], $0xF7A  }
0x23: {  	s9 =	sor.u32 $0xD0000000, s2;
	s6 =	simm.s32 $0x108;
	_ =	swait.ge @!p0 [sflag:s8], $0x0  }
0x24: {  	s3 =	sadd.s32 $0x88, s3;
	s6 =	simm.s32 @!p1 $0x1082;
	[sflag:s4] =	ssyncset.s32 $0xFFFFF086  }
0x25: {  	[simem:s6], [sflag:s4] =	dma.local [hbm:s3], $0xF7A  }
0x26: {  	[smem:$0x3F90] =	sst s1;
	(tag) =	ssettag s2;
	_ =	strace s9  }
0x27: {  	s1 =	sld [smem:$0x3FA0]  }
0x28: {  	s2 =	sld [smem:$0x3FA1]  }
0x29: {  	s4 =	sld [smem:$0x3FA3]  }
0x2a: {  	p0 =	seq.s32 s5, $0x0;
	s5 =	sld [smem:$0x3FA4]  }
0x2b: {  	s6 =	sld [smem:$0x3FA5]  }
0x2c: {  	s7 =	sld [smem:$0x3FA6]  }
0x2d: {  	s3 =	simm.s32 $0x108;
	s8 =	sld [smem:$0x3FA7]  }
0x2e: {  	s3 =	simm.s32 @!p0 $0x1082;
	s9 =	sld [smem:$0x3FA8]  }
0x2f: {  	lr =	sadd.s32 s0, s3;
	s0 =	sld [smem:$0x3F9F]  }
0x30: {  	s3 =	sld [smem:$0x3FA2]  }
0x31: {  	[smem:$0x3FAB] =	sst s10  }
0x32: {  	s10 =	sld [smem:$0x3FA9];
	_ =	sdelay $0x3  }
0x33: {  	p0 =	seq.s32 s10, $0x1;
	s10 =	sld [smem:$0x3FAB];
	_ =	sdelay $0x3  }
0x34: {  	[smem:$0x3FAB] =	sst s10  }
0x35: {  	s10 =	sld [smem:$0x3FAA];
	_ =	sdelay $0x3  }
0x36: {  	p1 =	seq.s32 s10, $0x1;
	s10 =	sld [smem:$0x3FAB];
	_ =	sdelay $0x3  }
0x37: {  	[smem:$0x3FAB] =	sst s10  }
0x38: {  	s10 =	sld [smem:$0x3FAC]  }
0x39: {  	_ = 	snop;
	(pc) =	sbr.ind lr, $3  }
0x3a: {  	_ = 	snop  }
0x3b: {  	_ = 	snop  }
0x3c: {  	p2 =	seq.s32 s10, $0x1;
	s10 =	sld [smem:$0x3FAB]  }
0x3d: {  	_ =	shalt  }
0x3e: {  	_ =	shalt  }
0x3f: {  	_ =	shalt  }
0x40: {  	_ =	shalt  }
0x41: {  	_ =	shalt  }
0x42: {  	_ =	shalt  }
0x43: {  	_ =	shalt  }
0x44: {  	_ =	shalt  }
0x45: {  	_ =	shalt  }
0x46: {  	_ =	shalt  }
0x47: {  	_ =	shalt  }
0x48: {  	_ =	shalt  }
0x49: {  	_ =	shalt  }
0x4a: {  	_ =	shalt  }
0x4b: {  	_ =	shalt  }
0x4c: {  	_ =	shalt  }
0x4d: {  	_ =	shalt  }
0x4e: {  	_ =	shalt  }
0x4f: {  	_ =	shalt  }
0x50: {  	_ =	shalt  }
0x51: {  	_ =	shalt  }
0x52: {  	_ =	shalt  }
0x53: {  	_ =	shalt  }
0x54: {  	_ =	shalt  }
0x55: {  	_ =	shalt  }
0x56: {  	_ =	shalt  }
0x57: {  	_ =	shalt  }
0x58: {  	_ =	shalt  }
0x59: {  	_ =	shalt  }
0x5a: {  	_ =	shalt  }
0x5b: {  	_ =	shalt  }
0x5c: {  	_ =	shalt  }
0x5d: {  	_ =	shalt  }
0x5e: {  	_ =	shalt  }
0x5f: {  	_ =	shalt  }
0x60: {  	_ =	shalt  }
0x61: {  	_ =	shalt  }
0x62: {  	_ =	shalt  }
0x63: {  	_ =	shalt  }
0x64: {  	_ =	shalt  }
0x65: {  	_ =	shalt  }
0x66: {  	_ =	shalt  }
0x67: {  	_ =	shalt  }
0x68: {  	_ =	shalt  }
0x69: {  	_ =	shalt  }
0x6a: {  	_ =	shalt  }
0x6b: {  	_ =	shalt  }
0x6c: {  	_ =	shalt  }
0x6d: {  	_ =	shalt  }
0x6e: {  	_ =	shalt  }
0x6f: {  	_ =	shalt  }
0x70: {  	_ =	shalt  }
0x71: {  	_ =	shalt  }
0x72: {  	_ =	shalt  }
0x73: {  	_ =	shalt  }
0x74: {  	_ =	shalt  }
0x75: {  	_ =	shalt  }
0x76: {  	_ =	shalt  }
0x77: {  	_ =	shalt  }
0x78: {  	_ =	shalt  }
0x79: {  	_ =	shalt  }
0x7a: {  	_ =	shalt  }
0x7b: {  	_ =	shalt  }
0x7c: {  	_ =	shalt  }
0x7d: {  	_ =	shalt  }
0x7e: {  	_ =	shalt  }
0x7f: {  	_ =	shalt  }
0x80: {  	_ =	shalt  }
0x81: {  	_ =	shalt  }
0x82: {  	_ =	shalt  }
0x83: {  	_ =	shalt  }
0x84: {  	_ =	shalt  }
0x85: {  	_ =	shalt  }
0x86: {  	_ =	shalt  }
0x87: {  	_ =	shalt  }
.Lfunc_end0:
.L_simem_size_0:
called_computation.3_lowered:
.L_overlay_start_0:
0x88: {  	s2 =	sld [smem:$0x3FD9]  }
0x89: {  	s3 =	sld [smem:$0x3FFE];
	_ =	sdelay $0x1  }
0x8a: {  	s1 =	srdreg.scid  }
0x8b: {  	s0 =	sand.u32 $0x1, s1  }
0x8c: {  	s17 =	sshll.u32 s0, $0xA;
	s2 =	sadd.s32 s3, s2  }
0x8d: {  	s2 =	sadd.s32 s2, s17  }
0x8e: {  	[smem:$0x3FB7] =	sst s2  }
0x8f: {  	_ = 	snop  }
0x90: {  	s2 =	sld [smem:$0x3FD0];
	(tm) =	ssettm $0x1  }
0x91: {  	s18 =	sld [smem:$0x3FFB];
	_ =	sdelay $0x3  }
0x92: {  	_ =	strace s18  }
0x93: {  	s3 =	sld [smem:$0x3FFC];
	_ =	sdelay $0x3  }
0x94: {  	_ =	strace s3  }
0x95: {  	s3 =	sld [smem:$0x3FFD];
	_ =	sdelay $0x3  }
0x96: {  	_ =	strace s3  }
0x97: {  	_ =	strace $0x8FFFFFFF  }
0x98: {  	s19 =	sld [smem:$0x3FDB];
	_ =	sdelay $0x1  }
0x99: {  	s4 =	simm.s32 $_scs_section_size  }
0x9a: {  	s5 =	simm.s32 $_size__tile_overlayer_lowered;
	s6 =	simm.s32 $_tile_overlayer_lowered  }
0x9b: {  	s22 =	simm.s32 $0x1BFF;
	s21 =	sshll.u32 s6, $0x1;
	s3 =	sadd.s32 s4, s19  }
0x9c: {  	s7 =	simm.s32 $0x0;
	s20 =	sshll.u32 s5, $0x1;
	s5 =	sadd.s32 s21, s3  }
0x9d: {  	[timem:s7], [sflag:s22] =	dma.local [hbm:s5], s20  }
0x9e: {  	_ =	swait.ge [sflag:s22], s20  }
0x9f: {  	s4 =	ssub.s32 $0x0, s20;
	[sflag:s22] =	ssyncset.done $0x0  }
0xa0: {  	[sflag:s22] =	ssyncadd.s32 s4;
	_ =	sdelay $0x1  }
0xa1: {  	s23 =	simm.s32 $0x1B8B  }
0xa2: {  	_ =	swait.ge [sflag:s23], $0x1  }
0xa3: {  	[sflag:s23] =	ssyncset.done $0x0  }
0xa4: {  	s25 =	simm.s32 $0x1B8E;
	s24 =	sld [smem:$0x3FFE];
	[sflag:s23] =	ssyncadd.s32 $0xFFFFFFFF  }
0xa5: {  	s26 =	simm.s32 $execute0_lowered;
	[smem:$0x3FD2] =	sst s25  }
0xa6: {  	s5 =	sshll.u32 s26, $0x1;
	_ =	strace $0x8000004F;
	[dreg:$0x1] =	wrdreg $0xFFFFFFFF  }
0xa7: {  	s28 =	simm.s32 $_size_execute0_lowered;
	s3 =	sadd.s32 s3, s5;
	[dreg:$0x0] =	wrdreg $0x0  }
0xa8: {  	s5 =	sshll.u32 s28, $0x1;
	[dreg:$0x2] =	wrdreg s3  }
0xa9: {  	[dreg:$0x3] =	wrdreg s5  }
0xaa: {  	[dreg:$0x4] =	wrdreg $0xC0  }
0xab: {  	_ =	task [dreg:s7], $0x5FFFF  }
0xac: {  	[dreg:$0x1] =	wrdreg $0xFFFFFFFF  }
0xad: {  	[dreg:$0x0] =	wrdreg $0x60  }
0xae: {  	[dreg:$0x2] =	wrdreg s2  }
0xaf: {  	[dreg:$0x3] =	wrdreg s24  }
0xb0: {  	[dreg:$0x4] =	wrdreg $0x84000  }
0xb1: {  	[dreg:$0x5] =	wrdreg $0x9  }
0xb2: {  	_ =	task.clear_ibuf [dreg:s7], $0x6FFFF;
	_ =	strace $0x9000004F  }
0xb3: {  	s29 =	simm.s32 $0x9;
	_ =	strace $0x80000051  }
0xb4: {  	_ =	swait.ge [sflag:s29], $0x1  }
0xb5: {  	[sflag:s29] =	ssyncadd.s32 $0xFFFFFFFF  }
0xb6: {  	_ =	strace $0x90000051  }
0xb7: {  	_ =	sfence  }
0xb8: {  	s30 =	sld [smem:$0x0];
	_ =	sdelay $0x2  }
0xb9: {  	s31 =	sshll.u32 s1, $0xD;
	s1 =	sshrl.u32 s1, $0x2  }
0xba: {  	s3 =	sand.u32 $0x4000, s31;
	s1 =	sadd.s32 s1, s30  }
0xbb: {  	s0 =	sor.u32 s3, s0;
	s1 =	sshll.u32 s1, $0x11  }
0xbc: {  	s0 =	sor.u32 s1, s0  }
0xbd: {  	s0 =	sadd.s32 $0x8F2B, s0  }
0xbe: {  	[sflag:s0] =	ssyncadd.remote.s32 $0x1  }
0xbf: {  	_ =	sfence.sel $0xFFFF  }
0xc0: {  	[dreg:$0x0] =	wrdreg $0xFFFFFFFF;
	(pc) =	sbr.abs _section_cstart, $3  }
0xc1: {  	[dreg:$0x1] =	wrdreg $0xFFFFFFFF  }
0xc2: {  	_ =	task.clear_ibuf [dreg:s7], $0x2FFFF;
	_ =	strace $0x9FFFFFFF  }
0xc3: {  	(tm) =	ssettm $0x7FFFFFFF  }
tec
execute0_lowered:
.L_overlay_start_1:
0x0: {  	(tag) =	ssettag $0x1  }
0x1: {  	s1 =	rddreg [dreg:$0x0]  }
0x2: {  	s0 =	rddreg [dreg:$0x1]  }
0x3: {  	s3 =	rddreg [dreg:$0x2];
	s4 =	simm.s32 $0x0  }
0x4: {  	s13 =	stileid.u32;
	s2 =	srdreg.scid;
	s28 =	simm.s32 $0x100  }
0x5: {  	s29 =	simm.s32 $0x300;
	s30 =	simm.s32 $0x180;
	s31 =	simm.s32 $0x4  }
0x6: {  	[smem:$0x7FF] =	sst s4;
	s7 =	smul.u32 $0x13C00, s13;
	s2 =	sand.u32 $0x1, s2  }
0x7: {  	s5 =	sadd.s32 $0x4000, s0;
	s6 =	sadd.s32 $0xE000, s0;
	s12 =	sshll.u32 s13, $0x1  }
0x8: {  	s11 =	smul.u32 $0x4F000, s13;
	s17 =	sshll.u32 s13, $0x6;
	s13 =	simm.s32 $0x0  }
0x9: {  	_ =	strace $0x80000050;
	s8 =	smul.u32 $0x13C000, s2;
	s10 =	ssub.s32 $0x2, s2  }
0xa: {  	s2 =	sor.u32 s2, s12;
	s9 =	sshrl.u32 s7, $0x3;
	s12 =	sshrl.u32 s10, $0x1  }
0xb: {  	s16 =	sshrl.u32 s11, $0x2;
	s9 =	sadd.s32 s9, s0;
	s7 =	sadd.s32 s7, s8  }
0xc: {  	s15 =	ssub.s32 s10, s12;
	s8 =	sadd.s32 s16, s3;
	s12 =	simm.s32 $0x380  }
0xd: {  	s14 =	sshrl.u32 s7, $0x3;
	s7 =	smul.u32 $0x2800, s2;
	s9 =	sadd.s32 $0x18000, s9  }
0xe: {  	s2 =	simm.s32 $0x1;
	s0 =	sadd.s32 s14, s0;
	[dreg:$0x4] =	wrdreg s9  }
0xf: {  	s9 =	sor.u32 $0x1C07, s17;
	s18 =	sshrl.u32 s7, $0x3;
	s0 =	sadd.s32 $0x3F800, s0  }
0x10: {  	s19 =	sor.u32 $0x10, s18;
	s20 =	sadd.s32 s5, s18;
	[dreg:$0xd] =	wrdreg s0  }
0x11: {  	s21 =	sadd.s32 s6, s18;
	s23 =	sor.u32 $0x20, s18;
	[dreg:$0x5] =	wrdreg s20  }
0x12: {  	s11 =	sor.u32 $0x30, s18;
	s0 =	simm.s32 $0x4400;
	[dreg:$0x6] =	wrdreg s21  }
0x13: {  	s22 =	sadd.s32 s5, s19;
	s10 =	sadd.s32 s6, s19;
	s24 =	sadd.s32 s5, s23  }
0x14: {  	s25 =	sadd.s32 s5, s11;
	s26 =	sadd.s32 s6, s11;
	[dreg:$0x7] =	wrdreg s22  }
0x15: {  	s19 =	smax.u32 s15, $0x1;
	s20 =	sshrl.u32 s8, $0x3;
	[dreg:$0x8] =	wrdreg s10  }
.Ltmp0:
0x16: {  	s21 =	simm.s32 $0x7;
	[dreg:$0x9] =	wrdreg s24;
	(pc) =	sbr.rel .LBB2_1-.Ltmp0, $4  }
0x17: {  	s8 =	simm.s32 $0x5;
	s11 =	simm.s32 $0x6;
	[dreg:$0xb] =	wrdreg s25  }
0x18: {  	s10 =	sadd.s32 s6, s23;
	[dreg:$0xc] =	wrdreg s26;
	s22 =	simm.s32 $0x3  }
0x19: {  	s23 =	simm.s32 $0x200;
	s24 =	simm.s32 $0x80;
	s25 =	simm.s32 $0x400  }
0x1a: {  	s26 =	simm.s32 $0x280;
	[dreg:$0xa] =	wrdreg s10;
	s10 =	simm.s32 $0x2  }
.LBB2_4:
0x1b: {  	_ =	swait.ge [sflag:s10], $0x4000  }
0x1c: {  	[sflag:s10] =	ssyncset.done $0x0  }
0x1d: {  	[sflag:s10] =	ssyncadd.s32 $0xFFFFC000  }
0x1e: {  	[spmem:s3] =	stream.indirect.scatter.add.f32 [tilespmem:s0], [sflag:$0x7], $0x80, s12, s24, $0xb8;
	[tilespmem:$0x1C000] =	vst v63  }
0x1f: {  	_ =	swait.ge [sflag:s21], $0x4000  }
0x20: {  	[sflag:s21] =	ssyncset.done $0x0  }
0x21: {  	s13 =	sadd.s32 $0x1, s13;
	[sflag:s21] =	ssyncadd.s32 $0xFFFFC000  }
0x22: {  	p0 =	sne.s32 s13, s19;
	[bflag:$0x0] =	sbarrier.arrive $0xFFFF  }
.Ltmp1:
0x23: {  	s14 =	rddreg [dreg:$0xd];
	(pc) =	sbr.rel @!p0 .LBB2_5-.Ltmp1, $4  }
0x24: {  	[hbm:s14], [sflag:s9] =	dma.local [spmem:s20], $0x2780  }
0x25: {  	_ =	swait.ge [sflag:s21], $0x2780  }
0x26: {  	[sflag:s21] =	ssyncset.done $0x0  }
0x27: {  	[sflag:s21] =	ssyncadd.s32 $0xFFFFD880  }
.LBB2_1:
0x28: {  	s14 =	rddreg [dreg:$0x4]  }
0x29: {  	[spmem:s20], [sflag:s9] =	dma.local [hbm:s14], $0x2780  }
0x2a: {  	_ =	swait.ge [sflag:s21], $0x2780  }
0x2b: {  	[sflag:s21] =	ssyncset.done $0x0  }
0x2c: {  	[sflag:s21] =	ssyncadd.s32 $0xFFFFD880  }
0x2d: {  	[bflag:$0x0] =	sbarrier.arrive $0xFFFF  }
0x2e: {  	s15 =	rddreg [dreg:$0x5]  }
0x2f: {  	[tilespmem:s4], [sflag:$0x3] =	stream.linear.gather [hbm4b:s15+s4], $0x80, $0x38;
	[tilespmem:$0x1C000] =	vst v63  }
0x30: {  	_ =	swait.ge [sflag:s22], $0x80  }
0x31: {  	[sflag:s22] =	ssyncset.done $0x0  }
0x32: {  	s16 =	rddreg [dreg:$0x6];
	[sflag:s22] =	ssyncadd.s32 $0xFFFFFF80  }
0x33: {  	[tilespmem:s23], [sflag:$0x3] =	stream.linear.gather [hbm4b:s16+s4], $0x80, $0x38;
	[tilespmem:$0x1C000] =	vst v63  }
0x34: {  	_ =	swait.ge [sflag:s22], $0x80  }
0x35: {  	[sflag:s22] =	ssyncset.done $0x0  }
0x36: {  	[sflag:s22] =	ssyncadd.s32 $0xFFFFFF80  }
0x37: {  	[tilespmem:s25], [sflag:$0x1] =	stream.indirect.gather [hbm4b:s1+s24], $0x80, s4, s24, $0xb8;
	[tilespmem:$0x1C000] =	vst v63  }
0x38: {  	s17 =	rddreg [dreg:$0x7]  }
0x39: {  	[tilespmem:s24], [sflag:$0x4] =	stream.linear.gather [hbm4b:s17+s4], $0x80, $0x38;
	[tilespmem:$0x1C000] =	vst v63  }
0x3a: {  	s18 =	rddreg [dreg:$0x8]  }
0x3b: {  	[tilespmem:s26], [sflag:$0x4] =	stream.linear.gather [hbm4b:s18+s4], $0x80, $0x38;
	[tilespmem:$0x1C000] =	vst v63  }
0x3c: {  	s15 =	rddreg [dreg:$0x9]  }
0x3d: {  	[tilespmem:s28], [sflag:$0x5] =	stream.linear.gather [hbm4b:s15+s4], $0x80, $0x38;
	[tilespmem:$0x1C000] =	vst v63  }
0x3e: {  	s16 =	rddreg [dreg:$0xa]  }
0x3f: {  	[tilespmem:s29], [sflag:$0x5] =	stream.linear.gather [hbm4b:s16+s4], $0x80, $0x38;
	[tilespmem:$0x1C000] =	vst v63  }
0x40: {  	s17 =	rddreg [dreg:$0xb]  }
0x41: {  	[tilespmem:s30], [sflag:$0x6] =	stream.linear.gather [hbm4b:s17+s4], $0x80, $0x38;
	[tilespmem:$0x1C000] =	vst v63  }
0x42: {  	s14 =	simm.s32 $0x380;
	s18 =	rddreg [dreg:$0xc]  }
0x43: {  	[tilespmem:s12], [sflag:$0x6] =	stream.linear.gather [hbm4b:s18+s4], $0x80, $0x38;
	[tilespmem:$0x1C000] =	vst v63  }
.LBB2_2:
0x44: {  	_ =	swait.ge [sflag:s31], $0x80  }
0x45: {  	[sflag:s31] =	ssyncset.done $0x0  }
0x46: {  	[sflag:s31] =	ssyncadd.s32 $0xFFFFFF80  }
0x47: {  	_ =	swait.ge [sflag:s31], $0x80  }
0x48: {  	[sflag:s31] =	ssyncset.done $0x0  }
0x49: {  	p0 =	seq.s32 s14, $0x2980;
	[sflag:s31] =	ssyncadd.s32 $0xFFFFFF80  }
0x4a: {  	[tilespmem:s0], [sflag:$0x2] =	stream.indirect.gather [hbm4b:s1+s24], $0x80, s24, s24, $0xb8;
	[tilespmem:$0x1C000] =	vst v63  }
0x4b: {  	s15 =	sadd.s32 @!p0 $0xFFFFFE80, s14;
	_ =	swait.ge [sflag:s2], $0x4000  }
0x4c: {  	s16 =	sand.u32 @!p0 $0x7C00, s15;
	[sflag:s2] =	ssyncset.done $0x0  }
0x4d: {  	s15 =	sand.u32 @!p0 $0x200, s15;
	s16 =	sadd.s32 @!p0 s7, s16;
	[sflag:s2] =	ssyncadd.s32 $0xFFFFC000  }
0x4e: {  	[spmem:s3] =	stream.indirect.scatter.add.f32 [tilespmem:s25], [sflag:$0x7], $0x80, s23, s24, $0xb8;
	[tilespmem:$0x1C000] =	vst v63  }
0x4f: {  	s15 =	sor.u32 @!p0 s15, s16;
	_ =	swait.ge [sflag:s21], $0x4000  }
0x50: {  	s15 =	sshrl.u32 @!p0 s15, $0x3;
	[sflag:s21] =	ssyncset.done $0x0  }
0x51: {  	s17 =	simm.s32 @!p0 $0x0;
	s16 =	sadd.s32 @!p0 s5, s15;
	[sflag:s21] =	ssyncadd.s32 $0xFFFFC000  }
0x52: {  	[tilespmem:s17], [sflag:$0x3] =	stream.linear.gather @!p0 [hbm4b:s16+s17], $0x80, $0x38;
	[tilespmem:$0x1C000] =	vst v63  }
0x53: {  	s15 =	sadd.s32 @!p0 s6, s15;
	s16 =	simm.s32 @!p0 $0x200  }
0x54: {  	[tilespmem:s16], [sflag:$0x3] =	stream.linear.gather @!p0 [hbm4b:s15+s17], $0x80, $0x38;
	[tilespmem:$0x1C000] =	vst v63  }
0x55: {  	_ =	swait.ge [sflag:s8], $0x80  }
0x56: {  	[sflag:s8] =	ssyncset.done $0x0  }
0x57: {  	[sflag:s8] =	ssyncadd.s32 $0xFFFFFF80  }
0x58: {  	_ =	swait.ge [sflag:s8], $0x80  }
0x59: {  	[sflag:s8] =	ssyncset.done $0x0  }
0x5a: {  	[sflag:s8] =	ssyncadd.s32 $0xFFFFFF80  }
0x5b: {  	[tilespmem:s25], [sflag:$0x1] =	stream.indirect.gather [hbm4b:s1+s24], $0x80, s28, s24, $0xb8;
	[tilespmem:$0x1C000] =	vst v63  }
0x5c: {  	s15 =	sadd.s32 @!p0 $0xFFFFFF00, s14;
	_ =	swait.ge [sflag:s10], $0x4000  }
0x5d: {  	s16 =	sand.u32 @!p0 $0x7C00, s15;
	[sflag:s10] =	ssyncset.done $0x0  }
0x5e: {  	s15 =	sand.u32 @!p0 $0x280, s15;
	s16 =	sadd.s32 @!p0 s7, s16;
	[sflag:s10] =	ssyncadd.s32 $0xFFFFC000  }
0x5f: {  	[spmem:s3] =	stream.indirect.scatter.add.f32 [tilespmem:s0], [sflag:$0x7], $0x80, s26, s24, $0xb8;
	[tilespmem:$0x1C000] =	vst v63  }
0x60: {  	s15 =	sor.u32 @!p0 s15, s16;
	_ =	swait.ge [sflag:s21], $0x4000  }
0x61: {  	s15 =	sshrl.u32 @!p0 s15, $0x3;
	[sflag:s21] =	ssyncset.done $0x0  }
0x62: {  	s18 =	simm.s32 @!p0 $0x80;
	s16 =	sadd.s32 @!p0 s5, s15;
	[sflag:s21] =	ssyncadd.s32 $0xFFFFC000  }
0x63: {  	[tilespmem:s18], [sflag:$0x4] =	stream.linear.gather @!p0 [hbm4b:s16+s17], $0x80, $0x38;
	[tilespmem:$0x1C000] =	vst v63  }
0x64: {  	s15 =	sadd.s32 @!p0 s6, s15;
	s16 =	simm.s32 @!p0 $0x280  }
0x65: {  	[tilespmem:s16], [sflag:$0x4] =	stream.linear.gather @!p0 [hbm4b:s15+s17], $0x80, $0x38;
	[tilespmem:$0x1C000] =	vst v63  }
0x66: {  	_ =	swait.ge [sflag:s11], $0x80  }
0x67: {  	[sflag:s11] =	ssyncset.done $0x0  }
0x68: {  	[sflag:s11] =	ssyncadd.s32 $0xFFFFFF80  }
0x69: {  	_ =	swait.ge [sflag:s11], $0x80  }
0x6a: {  	[sflag:s11] =	ssyncset.done $0x0  }
0x6b: {  	[sflag:s11] =	ssyncadd.s32 $0xFFFFFF80  }
0x6c: {  	[tilespmem:s0], [sflag:$0x2] =	stream.indirect.gather [hbm4b:s1+s24], $0x80, s30, s24, $0xb8;
	[tilespmem:$0x1C000] =	vst v63  }
0x6d: {  	_ =	swait.ge [sflag:s2], $0x4000  }
0x6e: {  	[sflag:s2] =	ssyncset.done $0x0  }
.Ltmp2:
0x6f: {  	[sflag:s2] =	ssyncadd.s32 $0xFFFFC000;
	(pc) =	sbr.rel @p0 .LBB2_4-.Ltmp2, $4  }
0x70: {  	[spmem:s3] =	stream.indirect.scatter.add.f32 [tilespmem:s25], [sflag:$0x7], $0x80, s29, s24, $0xb8;
	[tilespmem:$0x1C000] =	vst v63  }
0x71: {  	_ =	swait.ge [sflag:s21], $0x4000  }
0x72: {  	[sflag:s21] =	ssyncset.done $0x0  }
0x73: {  	[sflag:s21] =	ssyncadd.s32 $0xFFFFC000  }
0x74: {  	s15 =	sadd.s32 $0xFFFFFF80, s14  }
0x75: {  	s16 =	sand.u32 $0x7C00, s15  }
0x76: {  	s15 =	sand.u32 $0x300, s15;
	s16 =	sadd.s32 s7, s16  }
0x77: {  	s15 =	sor.u32 s15, s16  }
0x78: {  	s15 =	sshrl.u32 s15, $0x3  }
0x79: {  	s18 =	sadd.s32 s5, s15  }
0x7a: {  	[tilespmem:s28], [sflag:$0x5] =	stream.linear.gather [hbm4b:s18+s4], $0x80, $0x38;
	[tilespmem:$0x1C000] =	vst v63  }
0x7b: {  	s15 =	sadd.s32 s6, s15  }
0x7c: {  	[tilespmem:s29], [sflag:$0x5] =	stream.linear.gather [hbm4b:s15+s4], $0x80, $0x38;
	[tilespmem:$0x1C000] =	vst v63  }
0x7d: {  	_ =	swait.ge [sflag:s22], $0x80  }
0x7e: {  	[sflag:s22] =	ssyncset.done $0x0  }
0x7f: {  	[sflag:s22] =	ssyncadd.s32 $0xFFFFFF80  }
0x80: {  	_ =	swait.ge [sflag:s22], $0x80  }
0x81: {  	[sflag:s22] =	ssyncset.done $0x0  }
0x82: {  	[sflag:s22] =	ssyncadd.s32 $0xFFFFFF80  }
0x83: {  	[tilespmem:s25], [sflag:$0x1] =	stream.indirect.gather [hbm4b:s1+s24], $0x80, s4, s24, $0xb8;
	[tilespmem:$0x1C000] =	vst v63  }
0x84: {  	_ =	swait.ge [sflag:s10], $0x4000  }
0x85: {  	s16 =	sand.u32 $0x7C00, s14;
	[sflag:s10] =	ssyncset.done $0x0  }
0x86: {  	s17 =	sand.u32 $0x380, s14;
	s15 =	sadd.s32 s7, s16;
	[sflag:s10] =	ssyncadd.s32 $0xFFFFC000  }
0x87: {  	[spmem:s3] =	stream.indirect.scatter.add.f32 [tilespmem:s0], [sflag:$0x7], $0x80, s12, s24, $0xb8;
	[tilespmem:$0x1C000] =	vst v63  }
0x88: {  	s15 =	sor.u32 s17, s15;
	_ =	swait.ge [sflag:s21], $0x4000  }
.Ltmp3:
0x89: {  	s15 =	sshrl.u32 s15, $0x3;
	[sflag:s21] =	ssyncset.done $0x0;
	(pc) =	sbr.rel .LBB2_2-.Ltmp3, $4  }
0x8a: {  	s18 =	sadd.s32 s5, s15;
	[sflag:s21] =	ssyncadd.s32 $0xFFFFC000  }
0x8b: {  	[tilespmem:s30], [sflag:$0x6] =	stream.linear.gather [hbm4b:s18+s4], $0x80, $0x38;
	[tilespmem:$0x1C000] =	vst v63  }
0x8c: {  	s14 =	sadd.s32 $0x200, s14;
	s15 =	sadd.s32 s6, s15  }
0x8d: {  	[tilespmem:s12], [sflag:$0x6] =	stream.linear.gather [hbm4b:s15+s4], $0x80, $0x38;
	[tilespmem:$0x1C000] =	vst v63  }
.LBB2_5:
0x8e: {  	_ =	sfence.sel $0x180000  }
0x8f: {  	[bflag:$0x0] =	sbarrier.arrive $0xFFFF  }
0x90: {  	_ =	strace $0x90000050  }
0x91: {  	s0 =	stileid.u32;
	[bflag:$0x2] =	sbarrier.arrive $0xFFFF  }
0x92: {  	p0 =	sne.s32 s0, $0x0;
	s0 =	rddreg [dreg:$0x3]  }
0x93: {  	s0 =	sadd.s32 @!p0 $0x100000, s0  }
0x94: {  	[sflag:s0] =	ssyncadd.tile.s32 @!p0 $0x1;
	_ =	shalt  }
.Lfunc_end2:
_tile_overlayer_lowered:
.L_overlay_start_2:
0x95: {  	(tag) =	ssettag $0x2  }
0x96: {  	s0 =	rddreg [dreg:$0x0];
	s2 =	stileid.u32  }
0x97: {  	s1 =	rddreg [dreg:$0x1];
	p0 =	sne.s32 s2, $0x0  }
0x98: {  	s3 =	rddreg [dreg:$0x2];
	[bflag:$0x3] =	sbarrier.arrive $0xFFFF;
	s2 =	simm.s32 @!p0 $0x1C07  }
0x99: {  	[timem:s3], [sflag:s2] =	dma.local @!p0 [hbm:s0], s1  }
0x9a: {  	s0 =	simm.s32 @!p0 $0x7  }
0x9b: {  	_ =	swait.ge @!p0 [sflag:s0], s1  }
0x9c: {  	s1 =	ssub.s32 @!p0 $0x0, s1;
	[sflag:s0] =	ssyncset.done @!p0 $0x0  }
0x9d: {  	[sflag:s0] =	ssyncadd.s32 @!p0 s1  }
0x9e: {  	[bflag:$0x3] =	sbarrier.arrive $0xFFFF  }
0x9f: {  	_ =	shalt  }

// kernel: sc_sage_agg.5.cloned.1.call-start
scs
__scs_entry_jumppad:
0x0: {  	(pc) =	sbr.rel $0x88, $3  }
0x1: {  	(tag) =	ssettag $0x0;
	lr =	simm.s32 $0x1  }
0x2: {  	[smem:$0x3F90] =	sst lr;
	_ =	strace $0xD0000000  }
0x3: {  	_ = 	snop  }
0x4: {  	_ = 	snop  }
0x5: {  	_ = 	snop  }
0x6: {  	_ = 	snop  }
0x7: {  	_ = 	snop  }
__scs_overlays_trampoline_lowered:
0x8: {  	[smem:$0x3F9F] =	sst s0  }
0x9: {  	[smem:$0x3FA0] =	sst s1  }
0xa: {  	[smem:$0x3FA1] =	sst s2  }
0xb: {  	[smem:$0x3FA2] =	sst s3  }
0xc: {  	[smem:$0x3FA3] =	sst s4  }
0xd: {  	[smem:$0x3FA4] =	sst s5  }
0xe: {  	[smem:$0x3FA5] =	sst s6  }
0xf: {  	[smem:$0x3FA6] =	sst s7  }
0x10: {  	[smem:$0x3FA7] =	sst s8  }
0x11: {  	[smem:$0x3FA8] =	sst s9;
	s0 =	simm.s32 @!p0 $0x0  }
0x12: {  	s1 =	sld [smem:$0x3F8E];
	s0 =	simm.s32 @p0 $0x1  }
0x13: {  	[smem:$0x3FA9] =	sst s0;
	s0 =	simm.s32 @!p1 $0x0  }
0x14: {  	s2 =	sld [smem:$0x3F8D];
	s0 =	simm.s32 @p1 $0x1  }
0x15: {  	[smem:$0x3FAA] =	sst s0;
	s0 =	simm.s32 @!p2 $0x0  }
0x16: {  	s3 =	sld [smem:$0x3FDB];
	s0 =	simm.s32 @p2 $0x1  }
0x17: {  	s4 =	simm.s32 $0x1BF5;
	[smem:$0x3FAC] =	sst s0  }
0x18: {  	s0 =	sld [smem:$0x3F8F];
	_ =	swait.ge [sflag:s4], $0x0  }
0x19: {  	s7 =	sld [smem:$0x3F90]  }
0x1a: {  	s8 =	sadd.s32 $0xFFFFE003, lr  }
0x1b: {  	s9 =	sadd.s32 $0xFFFFFEF7, lr;
	s5 =	simm.s32 $0xFFFFFFFF;
	p2 =	slt.u32 s8, $0xFFFFF086  }
0x1c: {  	p1 =	slt.u32 s9, $0xF7A;
	s5 =	simm.s32 @!p2 $0x0  }
0x1d: {  	s5 =	simm.s32 @p1 $0x1;
	p0 =	seq.s32 s7, s2  }
0x1e: {  	s7 =	smul.u32 @!p0 $0xF7A, s2;
	p2 =	seq.s32 @!p0 s5, $0x0  }
0x1f: {  	s9 =	smul.u32 $0xF7A, s1;
	s8 =	simm.s32 @!p0 $0x1BF5;
	p2 =	por !p2, p0  }
0x20: {  	[sflag:s8] =	ssyncset.s32 @!p0 $0xFFFFF086;
	s6 =	sadd.s32 @!p0 s3, s7;
	s7 =	simm.s32 @!p0 $0x108  }
0x21: {  	s3 =	sadd.s32 s3, s9;
	s6 =	sadd.s32 @!p0 $0x88, s6;
	s7 =	simm.s32 @p2 $0x1082  }
0x22: {  	[simem:s7], [sflag:s8] =	dma.local @!p0 [hbm:s6], $0xF7A  }
0x23: {  	s9 =	sor.u32 $0xD0000000, s2;
	s6 =	simm.s32 $0x108;
	_ =	swait.ge @!p0 [sflag:s8], $0x0  }
0x24: {  	s3 =	sadd.s32 $0x88, s3;
	s6 =	simm.s32 @!p1 $0x1082;
	[sflag:s4] =	ssyncset.s32 $0xFFFFF086  }
0x25: {  	[simem:s6], [sflag:s4] =	dma.local [hbm:s3], $0xF7A  }
0x26: {  	[smem:$0x3F90] =	sst s1;
	(tag) =	ssettag s2;
	_ =	strace s9  }
0x27: {  	s1 =	sld [smem:$0x3FA0]  }
0x28: {  	s2 =	sld [smem:$0x3FA1]  }
0x29: {  	s4 =	sld [smem:$0x3FA3]  }
0x2a: {  	p0 =	seq.s32 s5, $0x0;
	s5 =	sld [smem:$0x3FA4]  }
0x2b: {  	s6 =	sld [smem:$0x3FA5]  }
0x2c: {  	s7 =	sld [smem:$0x3FA6]  }
0x2d: {  	s3 =	simm.s32 $0x108;
	s8 =	sld [smem:$0x3FA7]  }
0x2e: {  	s3 =	simm.s32 @!p0 $0x1082;
	s9 =	sld [smem:$0x3FA8]  }
0x2f: {  	lr =	sadd.s32 s0, s3;
	s0 =	sld [smem:$0x3F9F]  }
0x30: {  	s3 =	sld [smem:$0x3FA2]  }
0x31: {  	[smem:$0x3FAB] =	sst s10  }
0x32: {  	s10 =	sld [smem:$0x3FA9];
	_ =	sdelay $0x3  }
0x33: {  	p0 =	seq.s32 s10, $0x1;
	s10 =	sld [smem:$0x3FAB];
	_ =	sdelay $0x3  }
0x34: {  	[smem:$0x3FAB] =	sst s10  }
0x35: {  	s10 =	sld [smem:$0x3FAA];
	_ =	sdelay $0x3  }
0x36: {  	p1 =	seq.s32 s10, $0x1;
	s10 =	sld [smem:$0x3FAB];
	_ =	sdelay $0x3  }
0x37: {  	[smem:$0x3FAB] =	sst s10  }
0x38: {  	s10 =	sld [smem:$0x3FAC]  }
0x39: {  	_ = 	snop;
	(pc) =	sbr.ind lr, $3  }
0x3a: {  	_ = 	snop  }
0x3b: {  	_ = 	snop  }
0x3c: {  	p2 =	seq.s32 s10, $0x1;
	s10 =	sld [smem:$0x3FAB]  }
0x3d: {  	_ =	shalt  }
0x3e: {  	_ =	shalt  }
0x3f: {  	_ =	shalt  }
0x40: {  	_ =	shalt  }
0x41: {  	_ =	shalt  }
0x42: {  	_ =	shalt  }
0x43: {  	_ =	shalt  }
0x44: {  	_ =	shalt  }
0x45: {  	_ =	shalt  }
0x46: {  	_ =	shalt  }
0x47: {  	_ =	shalt  }
0x48: {  	_ =	shalt  }
0x49: {  	_ =	shalt  }
0x4a: {  	_ =	shalt  }
0x4b: {  	_ =	shalt  }
0x4c: {  	_ =	shalt  }
0x4d: {  	_ =	shalt  }
0x4e: {  	_ =	shalt  }
0x4f: {  	_ =	shalt  }
0x50: {  	_ =	shalt  }
0x51: {  	_ =	shalt  }
0x52: {  	_ =	shalt  }
0x53: {  	_ =	shalt  }
0x54: {  	_ =	shalt  }
0x55: {  	_ =	shalt  }
0x56: {  	_ =	shalt  }
0x57: {  	_ =	shalt  }
0x58: {  	_ =	shalt  }
0x59: {  	_ =	shalt  }
0x5a: {  	_ =	shalt  }
0x5b: {  	_ =	shalt  }
0x5c: {  	_ =	shalt  }
0x5d: {  	_ =	shalt  }
0x5e: {  	_ =	shalt  }
0x5f: {  	_ =	shalt  }
0x60: {  	_ =	shalt  }
0x61: {  	_ =	shalt  }
0x62: {  	_ =	shalt  }
0x63: {  	_ =	shalt  }
0x64: {  	_ =	shalt  }
0x65: {  	_ =	shalt  }
0x66: {  	_ =	shalt  }
0x67: {  	_ =	shalt  }
0x68: {  	_ =	shalt  }
0x69: {  	_ =	shalt  }
0x6a: {  	_ =	shalt  }
0x6b: {  	_ =	shalt  }
0x6c: {  	_ =	shalt  }
0x6d: {  	_ =	shalt  }
0x6e: {  	_ =	shalt  }
0x6f: {  	_ =	shalt  }
0x70: {  	_ =	shalt  }
0x71: {  	_ =	shalt  }
0x72: {  	_ =	shalt  }
0x73: {  	_ =	shalt  }
0x74: {  	_ =	shalt  }
0x75: {  	_ =	shalt  }
0x76: {  	_ =	shalt  }
0x77: {  	_ =	shalt  }
0x78: {  	_ =	shalt  }
0x79: {  	_ =	shalt  }
0x7a: {  	_ =	shalt  }
0x7b: {  	_ =	shalt  }
0x7c: {  	_ =	shalt  }
0x7d: {  	_ =	shalt  }
0x7e: {  	_ =	shalt  }
0x7f: {  	_ =	shalt  }
0x80: {  	_ =	shalt  }
0x81: {  	_ =	shalt  }
0x82: {  	_ =	shalt  }
0x83: {  	_ =	shalt  }
0x84: {  	_ =	shalt  }
0x85: {  	_ =	shalt  }
0x86: {  	_ =	shalt  }
0x87: {  	_ =	shalt  }
.Lfunc_end0:
.L_simem_size_0:
called_computation.1_lowered:
.L_overlay_start_0:
0x88: {  	s2 =	sld [smem:$0x3FD9]  }
0x89: {  	s3 =	sld [smem:$0x3FFE];
	_ =	sdelay $0x1  }
0x8a: {  	s1 =	srdreg.scid  }
0x8b: {  	s0 =	sand.u32 $0x1, s1  }
0x8c: {  	s17 =	sshll.u32 s0, $0xA;
	s2 =	sadd.s32 s3, s2  }
0x8d: {  	s2 =	sadd.s32 s2, s17  }
0x8e: {  	[smem:$0x3FB7] =	sst s2  }
0x8f: {  	_ = 	snop  }
0x90: {  	s18 =	sld [smem:$0x3FC9];
	(tm) =	ssettm $0x1  }
0x91: {  	s19 =	sld [smem:$0x3FFB];
	_ =	sdelay $0x3  }
0x92: {  	_ =	strace s19  }
0x93: {  	s2 =	sld [smem:$0x3FFC];
	_ =	sdelay $0x3  }
0x94: {  	_ =	strace s2  }
0x95: {  	s2 =	sld [smem:$0x3FFD];
	_ =	sdelay $0x3  }
0x96: {  	_ =	strace s2  }
0x97: {  	_ =	strace $0x8FFFFFFF  }
0x98: {  	s20 =	sld [smem:$0x3FDB];
	_ =	sdelay $0x1  }
0x99: {  	s4 =	simm.s32 $_scs_section_size  }
0x9a: {  	s5 =	simm.s32 $_size__tile_overlayer_lowered;
	s6 =	simm.s32 $_tile_overlayer_lowered  }
0x9b: {  	s7 =	simm.s32 $0x1BFF;
	s21 =	sshll.u32 s6, $0x1;
	s4 =	sadd.s32 s4, s20  }
0x9c: {  	s22 =	simm.s32 $0x0;
	s5 =	sshll.u32 s5, $0x1;
	s6 =	sadd.s32 s21, s4  }
0x9d: {  	[timem:s22], [sflag:s7] =	dma.local [hbm:s6], s5  }
0x9e: {  	_ =	swait.ge [sflag:s7], s5  }
0x9f: {  	s5 =	ssub.s32 $0x0, s5;
	[sflag:s7] =	ssyncset.done $0x0  }
0xa0: {  	[sflag:s7] =	ssyncadd.s32 s5;
	_ =	sdelay $0x1  }
0xa1: {  	s23 =	simm.s32 $0x1B8B  }
0xa2: {  	_ =	swait.ge [sflag:s23], $0x1  }
0xa3: {  	[sflag:s23] =	ssyncset.done $0x0  }
0xa4: {  	[sflag:s23] =	ssyncadd.s32 $0xFFFFFFFF  }
0xa5: {  	s5 =	sld [smem:$0x0]  }
0xa6: {  	s6 =	sand.u32 $0xFFFFFFFE, s1  }
0xa7: {  	p0 =	sne.s32 s1, s6  }
0xa8: {  	s6 =	sshll.u32 @p0 s6, $0xE  }
0xa9: {  	s6 =	sadd.s32 @p0 $0x11B8D, s6;
	s7 =	sshll.u32 @p0 s5, $0x11  }
0xaa: {  	s6 =	sor.u32 @p0 s7, s6  }
0xab: {  	[sflag:s6] =	ssyncadd.remote.s32 @p0 $0x1;
	_ =	sdelay $0x1  }
0xac: {  	s6 =	simm.s32 @p0 $0x1B8D  }
0xad: {  	_ =	swait.eq @p0 [sflag:s6], $0x1  }
0xae: {  	[sflag:s6] =	ssyncadd.s32 @p0 $0xFFFFFFFF  }
0xaf: {  	s7 =	sshll.u32 @!p0 s1, $0xE  }
0xb0: {  	s7 =	sor.u32 @!p0 $0x4000, s7;
	s6 =	simm.s32 @!p0 $0x1B8D  }
0xb1: {  	s5 =	sshll.u32 @!p0 s5, $0x11;
	s7 =	sadd.s32 @!p0 $0x11B8D, s7;
	_ =	swait.eq @!p0 [sflag:s6], $0x1  }
0xb2: {  	s5 =	sor.u32 @!p0 s5, s7;
	[sflag:s6] =	ssyncadd.s32 @!p0 $0xFFFFFFFF  }
0xb3: {  	s25 =	simm.s32 $0x1B8E;
	s24 =	sld [smem:$0x3FFE];
	[sflag:s5] =	ssyncadd.remote.s32 @!p0 $0x1  }
0xb4: {  	s26 =	simm.s32 $execute0_lowered;
	[smem:$0x3FD2] =	sst s25  }
0xb5: {  	s6 =	sshll.u32 s26, $0x1;
	_ =	strace $0x80000049;
	[dreg:$0x1] =	wrdreg $0xFFFFFFFF  }
0xb6: {  	s28 =	simm.s32 $_size_execute0_lowered;
	s4 =	sadd.s32 s4, s6;
	[dreg:$0x0] =	wrdreg $0x0  }
0xb7: {  	s6 =	sshll.u32 s28, $0x1;
	[dreg:$0x2] =	wrdreg s4  }
0xb8: {  	[dreg:$0x3] =	wrdreg s6  }
0xb9: {  	[dreg:$0x4] =	wrdreg $0xC0  }
0xba: {  	_ =	task [dreg:s22], $0x5FFFF  }
0xbb: {  	[dreg:$0x1] =	wrdreg $0xFFFFFFFF  }
0xbc: {  	[dreg:$0x0] =	wrdreg $0x60  }
0xbd: {  	[dreg:$0x2] =	wrdreg s18  }
0xbe: {  	[dreg:$0x3] =	wrdreg s24  }
0xbf: {  	[dreg:$0x4] =	wrdreg $0x84000  }
0xc0: {  	[dreg:$0x5] =	wrdreg $0xA  }
0xc1: {  	_ =	task.clear_ibuf [dreg:s22], $0x6FFFF;
	_ =	strace $0x90000049  }
0xc2: {  	s29 =	simm.s32 $0xA;
	_ =	strace $0x8000004B  }
0xc3: {  	_ =	swait.ge [sflag:s29], $0x1  }
0xc4: {  	[sflag:s29] =	ssyncadd.s32 $0xFFFFFFFF  }
0xc5: {  	_ =	strace $0x9000004B  }
0xc6: {  	_ =	sfence  }
0xc7: {  	s30 =	sld [smem:$0x0];
	_ =	sdelay $0x2  }
0xc8: {  	s31 =	sshll.u32 s1, $0xD;
	s1 =	sshrl.u32 s1, $0x2  }
0xc9: {  	s4 =	sand.u32 $0x4000, s31;
	s1 =	sadd.s32 s1, s30  }
0xca: {  	s0 =	sor.u32 s4, s0;
	s1 =	sshll.u32 s1, $0x11  }
0xcb: {  	s0 =	sor.u32 s1, s0  }
0xcc: {  	s0 =	sadd.s32 $0x8F2B, s0  }
0xcd: {  	[sflag:s0] =	ssyncadd.remote.s32 $0x1  }
0xce: {  	_ =	sfence.sel $0xFFFF  }
0xcf: {  	[dreg:$0x0] =	wrdreg $0xFFFFFFFF;
	(pc) =	sbr.abs _section_cstart, $3  }
0xd0: {  	[dreg:$0x1] =	wrdreg $0xFFFFFFFF  }
0xd1: {  	_ =	task.clear_ibuf [dreg:s22], $0x2FFFF;
	_ =	strace $0x9FFFFFFF  }
0xd2: {  	(tm) =	ssettm $0x7FFFFFFF  }
0xd3: {  	_ =	shalt  }
tec
execute0_lowered:
.L_overlay_start_1:
0x0: {  	(tag) =	ssettag $0x1  }
0x1: {  	s1 =	rddreg [dreg:$0x0]  }
0x2: {  	s0 =	rddreg [dreg:$0x1]  }
0x3: {  	s3 =	rddreg [dreg:$0x2];
	s4 =	simm.s32 $0x0  }
0x4: {  	s13 =	stileid.u32;
	s2 =	srdreg.scid;
	s28 =	simm.s32 $0x100  }
0x5: {  	s29 =	simm.s32 $0x300;
	s30 =	simm.s32 $0x180;
	s31 =	simm.s32 $0x4  }
0x6: {  	[smem:$0x7FF] =	sst s4;
	s7 =	smul.u32 $0x13C00, s13;
	s2 =	sand.u32 $0x1, s2  }
0x7: {  	s5 =	sadd.s32 $0x4000, s0;
	s6 =	sadd.s32 $0xE000, s0;
	s12 =	sshll.u32 s13, $0x1  }
0x8: {  	s11 =	smul.u32 $0x4F000, s13;
	s17 =	sshll.u32 s13, $0x6;
	s13 =	simm.s32 $0x0  }
0x9: {  	_ =	strace $0x8000004A;
	s8 =	smul.u32 $0x13C000, s2;
	s10 =	ssub.s32 $0x2, s2  }
0xa: {  	s2 =	sor.u32 s2, s12;
	s9 =	sshrl.u32 s7, $0x3;
	s12 =	sshrl.u32 s10, $0x1  }
0xb: {  	s16 =	sshrl.u32 s11, $0x2;
	s9 =	sadd.s32 s9, s0;
	s7 =	sadd.s32 s7, s8  }
0xc: {  	s15 =	ssub.s32 s10, s12;
	s8 =	sadd.s32 s16, s3;
	s12 =	simm.s32 $0x380  }
0xd: {  	s14 =	sshrl.u32 s7, $0x3;
	s7 =	smul.u32 $0x2800, s2;
	s9 =	sadd.s32 $0x18000, s9  }
0xe: {  	s2 =	simm.s32 $0x1;
	s0 =	sadd.s32 s14, s0;
	[dreg:$0x4] =	wrdreg s9  }
0xf: {  	s9 =	sor.u32 $0x1C07, s17;
	s18 =	sshrl.u32 s7, $0x3;
	s0 =	sadd.s32 $0x8E800, s0  }
0x10: {  	s19 =	sor.u32 $0x10, s18;
	s20 =	sadd.s32 s5, s18;
	[dreg:$0xd] =	wrdreg s0  }
0x11: {  	s21 =	sadd.s32 s6, s18;
	s23 =	sor.u32 $0x20, s18;
	[dreg:$0x5] =	wrdreg s20  }
0x12: {  	s11 =	sor.u32 $0x30, s18;
	s0 =	simm.s32 $0x4400;
	[dreg:$0x6] =	wrdreg s21  }
0x13: {  	s22 =	sadd.s32 s5, s19;
	s10 =	sadd.s32 s6, s19;
	s24 =	sadd.s32 s5, s23  }
0x14: {  	s25 =	sadd.s32 s5, s11;
	s26 =	sadd.s32 s6, s11;
	[dreg:$0x7] =	wrdreg s22  }
0x15: {  	s19 =	smax.u32 s15, $0x1;
	s20 =	sshrl.u32 s8, $0x3;
	[dreg:$0x8] =	wrdreg s10  }
.Ltmp0:
0x16: {  	s21 =	simm.s32 $0x7;
	[dreg:$0x9] =	wrdreg s24;
	(pc) =	sbr.rel .LBB2_1-.Ltmp0, $4  }
0x17: {  	s8 =	simm.s32 $0x5;
	s11 =	simm.s32 $0x6;
	[dreg:$0xb] =	wrdreg s25  }
0x18: {  	s10 =	sadd.s32 s6, s23;
	[dreg:$0xc] =	wrdreg s26;
	s22 =	simm.s32 $0x3  }
0x19: {  	s23 =	simm.s32 $0x200;
	s24 =	simm.s32 $0x80;
	s25 =	simm.s32 $0x400  }
0x1a: {  	s26 =	simm.s32 $0x280;
	[dreg:$0xa] =	wrdreg s10;
	s10 =	simm.s32 $0x2  }
.LBB2_4:
0x1b: {  	_ =	swait.ge [sflag:s10], $0x4000  }
0x1c: {  	[sflag:s10] =	ssyncset.done $0x0  }
0x1d: {  	[sflag:s10] =	ssyncadd.s32 $0xFFFFC000  }
0x1e: {  	[spmem:s3] =	stream.indirect.scatter.add.f32 [tilespmem:s0], [sflag:$0x7], $0x80, s12, s24, $0xb8;
	[tilespmem:$0x1C000] =	vst v63  }
0x1f: {  	_ =	swait.ge [sflag:s21], $0x4000  }
0x20: {  	[sflag:s21] =	ssyncset.done $0x0  }
0x21: {  	s13 =	sadd.s32 $0x1, s13;
	[sflag:s21] =	ssyncadd.s32 $0xFFFFC000  }
0x22: {  	p0 =	sne.s32 s13, s19;
	[bflag:$0x0] =	sbarrier.arrive $0xFFFF  }
.Ltmp1:
0x23: {  	s14 =	rddreg [dreg:$0xd];
	(pc) =	sbr.rel @!p0 .LBB2_5-.Ltmp1, $4  }
0x24: {  	[hbm:s14], [sflag:s9] =	dma.local [spmem:s20], $0x2780  }
0x25: {  	_ =	swait.ge [sflag:s21], $0x2780  }
0x26: {  	[sflag:s21] =	ssyncset.done $0x0  }
0x27: {  	[sflag:s21] =	ssyncadd.s32 $0xFFFFD880  }
.LBB2_1:
0x28: {  	s14 =	rddreg [dreg:$0x4]  }
0x29: {  	[spmem:s20], [sflag:s9] =	dma.local [hbm:s14], $0x2780  }
0x2a: {  	_ =	swait.ge [sflag:s21], $0x2780  }
0x2b: {  	[sflag:s21] =	ssyncset.done $0x0  }
0x2c: {  	[sflag:s21] =	ssyncadd.s32 $0xFFFFD880  }
0x2d: {  	[bflag:$0x0] =	sbarrier.arrive $0xFFFF  }
0x2e: {  	s15 =	rddreg [dreg:$0x5]  }
0x2f: {  	[tilespmem:s4], [sflag:$0x3] =	stream.linear.gather [hbm4b:s15+s4], $0x80, $0x38;
	[tilespmem:$0x1C000] =	vst v63  }
0x30: {  	_ =	swait.ge [sflag:s22], $0x80  }
0x31: {  	[sflag:s22] =	ssyncset.done $0x0  }
0x32: {  	s16 =	rddreg [dreg:$0x6];
	[sflag:s22] =	ssyncadd.s32 $0xFFFFFF80  }
0x33: {  	[tilespmem:s23], [sflag:$0x3] =	stream.linear.gather [hbm4b:s16+s4], $0x80, $0x38;
	[tilespmem:$0x1C000] =	vst v63  }
0x34: {  	_ =	swait.ge [sflag:s22], $0x80  }
0x35: {  	[sflag:s22] =	ssyncset.done $0x0  }
0x36: {  	[sflag:s22] =	ssyncadd.s32 $0xFFFFFF80  }
0x37: {  	[tilespmem:s25], [sflag:$0x1] =	stream.indirect.gather [hbm4b:s1+s24], $0x80, s4, s24, $0xb8;
	[tilespmem:$0x1C000] =	vst v63  }
0x38: {  	s17 =	rddreg [dreg:$0x7]  }
0x39: {  	[tilespmem:s24], [sflag:$0x4] =	stream.linear.gather [hbm4b:s17+s4], $0x80, $0x38;
	[tilespmem:$0x1C000] =	vst v63  }
0x3a: {  	s18 =	rddreg [dreg:$0x8]  }
0x3b: {  	[tilespmem:s26], [sflag:$0x4] =	stream.linear.gather [hbm4b:s18+s4], $0x80, $0x38;
	[tilespmem:$0x1C000] =	vst v63  }
0x3c: {  	s15 =	rddreg [dreg:$0x9]  }
0x3d: {  	[tilespmem:s28], [sflag:$0x5] =	stream.linear.gather [hbm4b:s15+s4], $0x80, $0x38;
	[tilespmem:$0x1C000] =	vst v63  }
0x3e: {  	s16 =	rddreg [dreg:$0xa]  }
0x3f: {  	[tilespmem:s29], [sflag:$0x5] =	stream.linear.gather [hbm4b:s16+s4], $0x80, $0x38;
	[tilespmem:$0x1C000] =	vst v63  }
0x40: {  	s17 =	rddreg [dreg:$0xb]  }
0x41: {  	[tilespmem:s30], [sflag:$0x6] =	stream.linear.gather [hbm4b:s17+s4], $0x80, $0x38;
	[tilespmem:$0x1C000] =	vst v63  }
0x42: {  	s14 =	simm.s32 $0x380;
	s18 =	rddreg [dreg:$0xc]  }
0x43: {  	[tilespmem:s12], [sflag:$0x6] =	stream.linear.gather [hbm4b:s18+s4], $0x80, $0x38;
	[tilespmem:$0x1C000] =	vst v63  }
.LBB2_2:
0x44: {  	_ =	swait.ge [sflag:s31], $0x80  }
0x45: {  	[sflag:s31] =	ssyncset.done $0x0  }
0x46: {  	[sflag:s31] =	ssyncadd.s32 $0xFFFFFF80  }
0x47: {  	_ =	swait.ge [sflag:s31], $0x80  }
0x48: {  	[sflag:s31] =	ssyncset.done $0x0  }
0x49: {  	p0 =	seq.s32 s14, $0x2980;
	[sflag:s31] =	ssyncadd.s32 $0xFFFFFF80  }
0x4a: {  	[tilespmem:s0], [sflag:$0x2] =	stream.indirect.gather [hbm4b:s1+s24], $0x80, s24, s24, $0xb8;
	[tilespmem:$0x1C000] =	vst v63  }
0x4b: {  	s15 =	sadd.s32 @!p0 $0xFFFFFE80, s14;
	_ =	swait.ge [sflag:s2], $0x4000  }
0x4c: {  	s16 =	sand.u32 @!p0 $0x7C00, s15;
	[sflag:s2] =	ssyncset.done $0x0  }
0x4d: {  	s15 =	sand.u32 @!p0 $0x200, s15;
	s16 =	sadd.s32 @!p0 s7, s16;
	[sflag:s2] =	ssyncadd.s32 $0xFFFFC000  }
0x4e: {  	[spmem:s3] =	stream.indirect.scatter.add.f32 [tilespmem:s25], [sflag:$0x7], $0x80, s23, s24, $0xb8;
	[tilespmem:$0x1C000] =	vst v63  }
0x4f: {  	s15 =	sor.u32 @!p0 s15, s16;
	_ =	swait.ge [sflag:s21], $0x4000  }
0x50: {  	s15 =	sshrl.u32 @!p0 s15, $0x3;
	[sflag:s21] =	ssyncset.done $0x0  }
0x51: {  	s17 =	simm.s32 @!p0 $0x0;
	s16 =	sadd.s32 @!p0 s5, s15;
	[sflag:s21] =	ssyncadd.s32 $0xFFFFC000  }
0x52: {  	[tilespmem:s17], [sflag:$0x3] =	stream.linear.gather @!p0 [hbm4b:s16+s17], $0x80, $0x38;
	[tilespmem:$0x1C000] =	vst v63  }
0x53: {  	s15 =	sadd.s32 @!p0 s6, s15;
	s16 =	simm.s32 @!p0 $0x200  }
0x54: {  	[tilespmem:s16], [sflag:$0x3] =	stream.linear.gather @!p0 [hbm4b:s15+s17], $0x80, $0x38;
	[tilespmem:$0x1C000] =	vst v63  }
0x55: {  	_ =	swait.ge [sflag:s8], $0x80  }
0x56: {  	[sflag:s8] =	ssyncset.done $0x0  }
0x57: {  	[sflag:s8] =	ssyncadd.s32 $0xFFFFFF80  }
0x58: {  	_ =	swait.ge [sflag:s8], $0x80  }
0x59: {  	[sflag:s8] =	ssyncset.done $0x0  }
0x5a: {  	[sflag:s8] =	ssyncadd.s32 $0xFFFFFF80  }
0x5b: {  	[tilespmem:s25], [sflag:$0x1] =	stream.indirect.gather [hbm4b:s1+s24], $0x80, s28, s24, $0xb8;
	[tilespmem:$0x1C000] =	vst v63  }
0x5c: {  	s15 =	sadd.s32 @!p0 $0xFFFFFF00, s14;
	_ =	swait.ge [sflag:s10], $0x4000  }
0x5d: {  	s16 =	sand.u32 @!p0 $0x7C00, s15;
	[sflag:s10] =	ssyncset.done $0x0  }
0x5e: {  	s15 =	sand.u32 @!p0 $0x280, s15;
	s16 =	sadd.s32 @!p0 s7, s16;
	[sflag:s10] =	ssyncadd.s32 $0xFFFFC000  }
0x5f: {  	[spmem:s3] =	stream.indirect.scatter.add.f32 [tilespmem:s0], [sflag:$0x7], $0x80, s26, s24, $0xb8;
	[tilespmem:$0x1C000] =	vst v63  }
0x60: {  	s15 =	sor.u32 @!p0 s15, s16;
	_ =	swait.ge [sflag:s21], $0x4000  }
0x61: {  	s15 =	sshrl.u32 @!p0 s15, $0x3;
	[sflag:s21] =	ssyncset.done $0x0  }
0x62: {  	s18 =	simm.s32 @!p0 $0x80;
	s16 =	sadd.s32 @!p0 s5, s15;
	[sflag:s21] =	ssyncadd.s32 $0xFFFFC000  }
0x63: {  	[tilespmem:s18], [sflag:$0x4] =	stream.linear.gather @!p0 [hbm4b:s16+s17], $0x80, $0x38;
	[tilespmem:$0x1C000] =	vst v63  }
0x64: {  	s15 =	sadd.s32 @!p0 s6, s15;
	s16 =	simm.s32 @!p0 $0x280  }
0x65: {  	[tilespmem:s16], [sflag:$0x4] =	stream.linear.gather @!p0 [hbm4b:s15+s17], $0x80, $0x38;
	[tilespmem:$0x1C000] =	vst v63  }
0x66: {  	_ =	swait.ge [sflag:s11], $0x80  }
0x67: {  	[sflag:s11] =	ssyncset.done $0x0  }
0x68: {  	[sflag:s11] =	ssyncadd.s32 $0xFFFFFF80  }
0x69: {  	_ =	swait.ge [sflag:s11], $0x80  }
0x6a: {  	[sflag:s11] =	ssyncset.done $0x0  }
0x6b: {  	[sflag:s11] =	ssyncadd.s32 $0xFFFFFF80  }
0x6c: {  	[tilespmem:s0], [sflag:$0x2] =	stream.indirect.gather [hbm4b:s1+s24], $0x80, s30, s24, $0xb8;
	[tilespmem:$0x1C000] =	vst v63  }
0x6d: {  	_ =	swait.ge [sflag:s2], $0x4000  }
0x6e: {  	[sflag:s2] =	ssyncset.done $0x0  }
.Ltmp2:
0x6f: {  	[sflag:s2] =	ssyncadd.s32 $0xFFFFC000;
	(pc) =	sbr.rel @p0 .LBB2_4-.Ltmp2, $4  }
0x70: {  	[spmem:s3] =	stream.indirect.scatter.add.f32 [tilespmem:s25], [sflag:$0x7], $0x80, s29, s24, $0xb8;
	[tilespmem:$0x1C000] =	vst v63  }
0x71: {  	_ =	swait.ge [sflag:s21], $0x4000  }
0x72: {  	[sflag:s21] =	ssyncset.done $0x0  }
0x73: {  	[sflag:s21] =	ssyncadd.s32 $0xFFFFC000  }
0x74: {  	s15 =	sadd.s32 $0xFFFFFF80, s14  }
0x75: {  	s16 =	sand.u32 $0x7C00, s15  }
0x76: {  	s15 =	sand.u32 $0x300, s15;
	s16 =	sadd.s32 s7, s16  }
0x77: {  	s15 =	sor.u32 s15, s16  }
0x78: {  	s15 =	sshrl.u32 s15, $0x3  }
0x79: {  	s18 =	sadd.s32 s5, s15  }
0x7a: {  	[tilespmem:s28], [sflag:$0x5] =	stream.linear.gather [hbm4b:s18+s4], $0x80, $0x38;
	[tilespmem:$0x1C000] =	vst v63  }
0x7b: {  	s15 =	sadd.s32 s6, s15  }
0x7c: {  	[tilespmem:s29], [sflag:$0x5] =	stream.linear.gather [hbm4b:s15+s4], $0x80, $0x38;
	[tilespmem:$0x1C000] =	vst v63  }
0x7d: {  	_ =	swait.ge [sflag:s22], $0x80  }
0x7e: {  	[sflag:s22] =	ssyncset.done $0x0  }
0x7f: {  	[sflag:s22] =	ssyncadd.s32 $0xFFFFFF80  }
0x80: {  	_ =	swait.ge [sflag:s22], $0x80  }
0x81: {  	[sflag:s22] =	ssyncset.done $0x0  }
0x82: {  	[sflag:s22] =	ssyncadd.s32 $0xFFFFFF80  }
0x83: {  	[tilespmem:s25], [sflag:$0x1] =	stream.indirect.gather [hbm4b:s1+s24], $0x80, s4, s24, $0xb8;
	[tilespmem:$0x1C000] =	vst v63  }
0x84: {  	_ =	swait.ge [sflag:s10], $0x4000  }
0x85: {  	s16 =	sand.u32 $0x7C00, s14;
	[sflag:s10] =	ssyncset.done $0x0  }
0x86: {  	s17 =	sand.u32 $0x380, s14;
	s15 =	sadd.s32 s7, s16;
	[sflag:s10] =	ssyncadd.s32 $0xFFFFC000  }
0x87: {  	[spmem:s3] =	stream.indirect.scatter.add.f32 [tilespmem:s0], [sflag:$0x7], $0x80, s12, s24, $0xb8;
	[tilespmem:$0x1C000] =	vst v63  }
0x88: {  	s15 =	sor.u32 s17, s15;
	_ =	swait.ge [sflag:s21], $0x4000  }
.Ltmp3:
0x89: {  	s15 =	sshrl.u32 s15, $0x3;
	[sflag:s21] =	ssyncset.done $0x0;
	(pc) =	sbr.rel .LBB2_2-.Ltmp3, $4  }
0x8a: {  	s18 =	sadd.s32 s5, s15;
	[sflag:s21] =	ssyncadd.s32 $0xFFFFC000  }
0x8b: {  	[tilespmem:s30], [sflag:$0x6] =	stream.linear.gather [hbm4b:s18+s4], $0x80, $0x38;
	[tilespmem:$0x1C000] =	vst v63  }
0x8c: {  	s14 =	sadd.s32 $0x200, s14;
	s15 =	sadd.s32 s6, s15  }
0x8d: {  	[tilespmem:s12], [sflag:$0x6] =	stream.linear.gather [hbm4b:s15+s4], $0x80, $0x38;
	[tilespmem:$0x1C000] =	vst v63  }
.LBB2_5:
0x8e: {  	_ =	sfence.sel $0x180000  }
0x8f: {  	[bflag:$0x0] =	sbarrier.arrive $0xFFFF  }
0x90: {  	_ =	strace $0x9000004A  }
0x91: {  	s0 =	stileid.u32;
	[bflag:$0x2] =	sbarrier.arrive $0xFFFF  }
0x92: {  	p0 =	sne.s32 s0, $0x0;
	s0 =	rddreg [dreg:$0x3]  }
0x93: {  	s0 =	sadd.s32 @!p0 $0x100000, s0  }
0x94: {  	[sflag:s0] =	ssyncadd.tile.s32 @!p0 $0x1;
	_ =	shalt  }
.Lfunc_end2:
_tile_overlayer_lowered:
.L_overlay_start_2:
0x95: {  	(tag) =	ssettag $0x2  }
0x96: {  	s0 =	rddreg [dreg:$0x0];
	s2 =	stileid.u32  }
0x97: {  	s1 =	rddreg [dreg:$0x1];
	p0 =	sne.s32 s2, $0x0  }
0x98: {  	s3 =	rddreg [dreg:$0x2];
	[bflag:$0x3] =	sbarrier.arrive $0xFFFF;
	s2 =	simm.s32 @!p0 $0x1C07  }
0x99: {  	[timem:s3], [sflag:s2] =	dma.local @!p0 [hbm:s0], s1  }
0x9a: {  	s0 =	simm.s32 @!p0 $0x7  }
0x9b: {  	_ =	swait.ge @!p0 [sflag:s0], s1  }
0x9c: {  	s1 =	ssub.s32 @!p0 $0x0, s1;
	[sflag:s0] =	ssyncset.done @!p0 $0x0  }
0x9d: {  	[sflag:s0] =	ssyncadd.s32 @!p0 s1  }
0x9e: {  	[bflag:$0x3] =	sbarrier.arrive $0xFFFF  }
0x9f: {  	_ =	shalt  }

// kernel: sc_sage_agg.8.cloned.1.call-start
scs
__scs_entry_jumppad:
0x0: {  	(pc) =	sbr.rel $0x88, $3  }
0x1: {  	(tag) =	ssettag $0x0;
	lr =	simm.s32 $0x1  }
0x2: {  	[smem:$0x3F90] =	sst lr;
	_ =	strace $0xD0000000  }
0x3: {  	_ = 	snop  }
0x4: {  	_ = 	snop  }
0x5: {  	_ = 	snop  }
0x6: {  	_ = 	snop  }
0x7: {  	_ = 	snop  }
__scs_overlays_trampoline_lowered:
0x8: {  	[smem:$0x3F9F] =	sst s0  }
0x9: {  	[smem:$0x3FA0] =	sst s1  }
0xa: {  	[smem:$0x3FA1] =	sst s2  }
0xb: {  	[smem:$0x3FA2] =	sst s3  }
0xc: {  	[smem:$0x3FA3] =	sst s4  }
0xd: {  	[smem:$0x3FA4] =	sst s5  }
0xe: {  	[smem:$0x3FA5] =	sst s6  }
0xf: {  	[smem:$0x3FA6] =	sst s7  }
0x10: {  	[smem:$0x3FA7] =	sst s8  }
0x11: {  	[smem:$0x3FA8] =	sst s9;
	s0 =	simm.s32 @!p0 $0x0  }
0x12: {  	s1 =	sld [smem:$0x3F8E];
	s0 =	simm.s32 @p0 $0x1  }
0x13: {  	[smem:$0x3FA9] =	sst s0;
	s0 =	simm.s32 @!p1 $0x0  }
0x14: {  	s2 =	sld [smem:$0x3F8D];
	s0 =	simm.s32 @p1 $0x1  }
0x15: {  	[smem:$0x3FAA] =	sst s0;
	s0 =	simm.s32 @!p2 $0x0  }
0x16: {  	s3 =	sld [smem:$0x3FDB];
	s0 =	simm.s32 @p2 $0x1  }
0x17: {  	s4 =	simm.s32 $0x1BF5;
	[smem:$0x3FAC] =	sst s0  }
0x18: {  	s0 =	sld [smem:$0x3F8F];
	_ =	swait.ge [sflag:s4], $0x0  }
0x19: {  	s7 =	sld [smem:$0x3F90]  }
0x1a: {  	s8 =	sadd.s32 $0xFFFFE003, lr  }
0x1b: {  	s9 =	sadd.s32 $0xFFFFFEF7, lr;
	s5 =	simm.s32 $0xFFFFFFFF;
	p2 =	slt.u32 s8, $0xFFFFF086  }
0x1c: {  	p1 =	slt.u32 s9, $0xF7A;
	s5 =	simm.s32 @!p2 $0x0  }
0x1d: {  	s5 =	simm.s32 @p1 $0x1;
	p0 =	seq.s32 s7, s2  }
0x1e: {  	s7 =	smul.u32 @!p0 $0xF7A, s2;
	p2 =	seq.s32 @!p0 s5, $0x0  }
0x1f: {  	s9 =	smul.u32 $0xF7A, s1;
	s8 =	simm.s32 @!p0 $0x1BF5;
	p2 =	por !p2, p0  }
0x20: {  	[sflag:s8] =	ssyncset.s32 @!p0 $0xFFFFF086;
	s6 =	sadd.s32 @!p0 s3, s7;
	s7 =	simm.s32 @!p0 $0x108  }
0x21: {  	s3 =	sadd.s32 s3, s9;
	s6 =	sadd.s32 @!p0 $0x88, s6;
	s7 =	simm.s32 @p2 $0x1082  }
0x22: {  	[simem:s7], [sflag:s8] =	dma.local @!p0 [hbm:s6], $0xF7A  }
0x23: {  	s9 =	sor.u32 $0xD0000000, s2;
	s6 =	simm.s32 $0x108;
	_ =	swait.ge @!p0 [sflag:s8], $0x0  }
0x24: {  	s3 =	sadd.s32 $0x88, s3;
	s6 =	simm.s32 @!p1 $0x1082;
	[sflag:s4] =	ssyncset.s32 $0xFFFFF086  }
0x25: {  	[simem:s6], [sflag:s4] =	dma.local [hbm:s3], $0xF7A  }
0x26: {  	[smem:$0x3F90] =	sst s1;
	(tag) =	ssettag s2;
	_ =	strace s9  }
0x27: {  	s1 =	sld [smem:$0x3FA0]  }
0x28: {  	s2 =	sld [smem:$0x3FA1]  }
0x29: {  	s4 =	sld [smem:$0x3FA3]  }
0x2a: {  	p0 =	seq.s32 s5, $0x0;
	s5 =	sld [smem:$0x3FA4]  }
0x2b: {  	s6 =	sld [smem:$0x3FA5]  }
0x2c: {  	s7 =	sld [smem:$0x3FA6]  }
0x2d: {  	s3 =	simm.s32 $0x108;
	s8 =	sld [smem:$0x3FA7]  }
0x2e: {  	s3 =	simm.s32 @!p0 $0x1082;
	s9 =	sld [smem:$0x3FA8]  }
0x2f: {  	lr =	sadd.s32 s0, s3;
	s0 =	sld [smem:$0x3F9F]  }
0x30: {  	s3 =	sld [smem:$0x3FA2]  }
0x31: {  	[smem:$0x3FAB] =	sst s10  }
0x32: {  	s10 =	sld [smem:$0x3FA9];
	_ =	sdelay $0x3  }
0x33: {  	p0 =	seq.s32 s10, $0x1;
	s10 =	sld [smem:$0x3FAB];
	_ =	sdelay $0x3  }
0x34: {  	[smem:$0x3FAB] =	sst s10  }
0x35: {  	s10 =	sld [smem:$0x3FAA];
	_ =	sdelay $0x3  }
0x36: {  	p1 =	seq.s32 s10, $0x1;
	s10 =	sld [smem:$0x3FAB];
	_ =	sdelay $0x3  }
0x37: {  	[smem:$0x3FAB] =	sst s10  }
0x38: {  	s10 =	sld [smem:$0x3FAC]  }
0x39: {  	_ = 	snop;
	(pc) =	sbr.ind lr, $3  }
0x3a: {  	_ = 	snop  }
0x3b: {  	_ = 	snop  }
0x3c: {  	p2 =	seq.s32 s10, $0x1;
	s10 =	sld [smem:$0x3FAB]  }
0x3d: {  	_ =	shalt  }
0x3e: {  	_ =	shalt  }
0x3f: {  	_ =	shalt  }
0x40: {  	_ =	shalt  }
0x41: {  	_ =	shalt  }
0x42: {  	_ =	shalt  }
0x43: {  	_ =	shalt  }
0x44: {  	_ =	shalt  }
0x45: {  	_ =	shalt  }
0x46: {  	_ =	shalt  }
0x47: {  	_ =	shalt  }
0x48: {  	_ =	shalt  }
0x49: {  	_ =	shalt  }
0x4a: {  	_ =	shalt  }
0x4b: {  	_ =	shalt  }
0x4c: {  	_ =	shalt  }
0x4d: {  	_ =	shalt  }
0x4e: {  	_ =	shalt  }
0x4f: {  	_ =	shalt  }
0x50: {  	_ =	shalt  }
0x51: {  	_ =	shalt  }
0x52: {  	_ =	shalt  }
0x53: {  	_ =	shalt  }
0x54: {  	_ =	shalt  }
0x55: {  	_ =	shalt  }
0x56: {  	_ =	shalt  }
0x57: {  	_ =	shalt  }
0x58: {  	_ =	shalt  }
0x59: {  	_ =	shalt  }
0x5a: {  	_ =	shalt  }
0x5b: {  	_ =	shalt  }
0x5c: {  	_ =	shalt  }
0x5d: {  	_ =	shalt  }
0x5e: {  	_ =	shalt  }
0x5f: {  	_ =	shalt  }
0x60: {  	_ =	shalt  }
0x61: {  	_ =	shalt  }
0x62: {  	_ =	shalt  }
0x63: {  	_ =	shalt  }
0x64: {  	_ =	shalt  }
0x65: {  	_ =	shalt  }
0x66: {  	_ =	shalt  }
0x67: {  	_ =	shalt  }
0x68: {  	_ =	shalt  }
0x69: {  	_ =	shalt  }
0x6a: {  	_ =	shalt  }
0x6b: {  	_ =	shalt  }
0x6c: {  	_ =	shalt  }
0x6d: {  	_ =	shalt  }
0x6e: {  	_ =	shalt  }
0x6f: {  	_ =	shalt  }
0x70: {  	_ =	shalt  }
0x71: {  	_ =	shalt  }
0x72: {  	_ =	shalt  }
0x73: {  	_ =	shalt  }
0x74: {  	_ =	shalt  }
0x75: {  	_ =	shalt  }
0x76: {  	_ =	shalt  }
0x77: {  	_ =	shalt  }
0x78: {  	_ =	shalt  }
0x79: {  	_ =	shalt  }
0x7a: {  	_ =	shalt  }
0x7b: {  	_ =	shalt  }
0x7c: {  	_ =	shalt  }
0x7d: {  	_ =	shalt  }
0x7e: {  	_ =	shalt  }
0x7f: {  	_ =	shalt  }
0x80: {  	_ =	shalt  }
0x81: {  	_ =	shalt  }
0x82: {  	_ =	shalt  }
0x83: {  	_ =	shalt  }
0x84: {  	_ =	shalt  }
0x85: {  	_ =	shalt  }
0x86: {  	_ =	shalt  }
0x87: {  	_ =	shalt  }
.Lfunc_end0:
.L_simem_size_0:
called_computation.2_lowered:
.L_overlay_start_0:
0x88: {  	s2 =	sld [smem:$0x3FD9]  }
0x89: {  	s3 =	sld [smem:$0x3FFE];
	_ =	sdelay $0x1  }
0x8a: {  	s1 =	srdreg.scid  }
0x8b: {  	s0 =	sand.u32 $0x1, s1  }
0x8c: {  	s17 =	sshll.u32 s0, $0xA;
	s2 =	sadd.s32 s3, s2  }
0x8d: {  	s2 =	sadd.s32 s2, s17  }
0x8e: {  	[smem:$0x3FB7] =	sst s2  }
0x8f: {  	_ = 	snop  }
0x90: {  	s2 =	sld [smem:$0x3FD0];
	(tm) =	ssettm $0x1  }
0x91: {  	s18 =	sld [smem:$0x3FFB];
	_ =	sdelay $0x3  }
0x92: {  	_ =	strace s18  }
0x93: {  	s3 =	sld [smem:$0x3FFC];
	_ =	sdelay $0x3  }
0x94: {  	_ =	strace s3  }
0x95: {  	s3 =	sld [smem:$0x3FFD];
	_ =	sdelay $0x3  }
0x96: {  	_ =	strace s3  }
0x97: {  	_ =	strace $0x8FFFFFFF  }
0x98: {  	s19 =	sld [smem:$0x3FDB];
	_ =	sdelay $0x1  }
0x99: {  	s4 =	simm.s32 $_scs_section_size  }
0x9a: {  	s5 =	simm.s32 $_size__tile_overlayer_lowered;
	s6 =	simm.s32 $_tile_overlayer_lowered  }
0x9b: {  	s22 =	simm.s32 $0x1BFF;
	s21 =	sshll.u32 s6, $0x1;
	s3 =	sadd.s32 s4, s19  }
0x9c: {  	s7 =	simm.s32 $0x0;
	s20 =	sshll.u32 s5, $0x1;
	s5 =	sadd.s32 s21, s3  }
0x9d: {  	[timem:s7], [sflag:s22] =	dma.local [hbm:s5], s20  }
0x9e: {  	_ =	swait.ge [sflag:s22], s20  }
0x9f: {  	s4 =	ssub.s32 $0x0, s20;
	[sflag:s22] =	ssyncset.done $0x0  }
0xa0: {  	[sflag:s22] =	ssyncadd.s32 s4;
	_ =	sdelay $0x1  }
0xa1: {  	s23 =	simm.s32 $0x1B8B  }
0xa2: {  	_ =	swait.ge [sflag:s23], $0x1  }
0xa3: {  	[sflag:s23] =	ssyncset.done $0x0  }
0xa4: {  	s25 =	simm.s32 $0x1B8E;
	s24 =	sld [smem:$0x3FFE];
	[sflag:s23] =	ssyncadd.s32 $0xFFFFFFFF  }
0xa5: {  	s26 =	simm.s32 $execute0_lowered;
	[smem:$0x3FD2] =	sst s25  }
0xa6: {  	s5 =	sshll.u32 s26, $0x1;
	_ =	strace $0x8000004C;
	[dreg:$0x1] =	wrdreg $0xFFFFFFFF  }
0xa7: {  	s28 =	simm.s32 $_size_execute0_lowered;
	s3 =	sadd.s32 s3, s5;
	[dreg:$0x0] =	wrdreg $0x0  }
0xa8: {  	s5 =	sshll.u32 s28, $0x1;
	[dreg:$0x2] =	wrdreg s3  }
0xa9: {  	[dreg:$0x3] =	wrdreg s5  }
0xaa: {  	[dreg:$0x4] =	wrdreg $0xC0  }
0xab: {  	_ =	task [dreg:s7], $0x5FFFF  }
0xac: {  	[dreg:$0x1] =	wrdreg $0xFFFFFFFF  }
0xad: {  	[dreg:$0x0] =	wrdreg $0x60  }
0xae: {  	[dreg:$0x2] =	wrdreg s2  }
0xaf: {  	[dreg:$0x3] =	wrdreg s24  }
0xb0: {  	[dreg:$0x4] =	wrdreg $0x84000  }
0xb1: {  	[dreg:$0x5] =	wrdreg $0x9  }
0xb2: {  	_ =	task.clear_ibuf [dreg:s7], $0x6FFFF;
	_ =	strace $0x9000004C  }
0xb3: {  	s29 =	simm.s32 $0x9;
	_ =	strace $0x8000004E  }
0xb4: {  	_ =	swait.ge [sflag:s29], $0x1  }
0xb5: {  	[sflag:s29] =	ssyncadd.s32 $0xFFFFFFFF  }
0xb6: {  	_ =	strace $0x9000004E  }
0xb7: {  	_ =	sfence  }
0xb8: {  	s30 =	sld [smem:$0x0];
	_ =	sdelay $0x2  }
0xb9: {  	s31 =	sshll.u32 s1, $0xD;
	s1 =	sshrl.u32 s1, $0x2  }
0xba: {  	s3 =	sand.u32 $0x4000, s31;
	s1 =	sadd.s32 s1, s30  }
0xbb: {  	s0 =	sor.u32 s3, s0;
	s1 =	sshll.u32 s1, $0x11  }
0xbc: {  	s0 =	sor.u32 s1, s0  }
0xbd: {  	s0 =	sadd.s32 $0x8F2B, s0  }
0xbe: {  	[sflag:s0] =	ssyncadd.remote.s32 $0x1  }
0xbf: {  	_ =	sfence.sel $0xFFFF  }
0xc0: {  	[dreg:$0x0] =	wrdreg $0xFFFFFFFF;
	(pc) =	sbr.abs _section_cstart, $3  }
0xc1: {  	[dreg:$0x1] =	wrdreg $0xFFFFFFFF  }
0xc2: {  	_ =	task.clear_ibuf [dreg:s7], $0x2FFFF;
	_ =	strace $0x9FFFFFFF  }
0xc3: {  	(tm) =	ssettm $0x7FFFFFFF  }
tec
execute0_lowered:
.L_overlay_start_1:
0x0: {  	(tag) =	ssettag $0x1  }
0x1: {  	s1 =	rddreg [dreg:$0x0]  }
0x2: {  	s0 =	rddreg [dreg:$0x1]  }
0x3: {  	s3 =	rddreg [dreg:$0x2];
	s4 =	simm.s32 $0x0  }
0x4: {  	s13 =	stileid.u32;
	s2 =	srdreg.scid;
	s28 =	simm.s32 $0x100  }
0x5: {  	s29 =	simm.s32 $0x300;
	s30 =	simm.s32 $0x180;
	s31 =	simm.s32 $0x4  }
0x6: {  	[smem:$0x7FF] =	sst s4;
	s7 =	smul.u32 $0x13C00, s13;
	s2 =	sand.u32 $0x1, s2  }
0x7: {  	s5 =	sadd.s32 $0x4000, s0;
	s6 =	sadd.s32 $0xE000, s0;
	s12 =	sshll.u32 s13, $0x1  }
0x8: {  	s11 =	smul.u32 $0x4F000, s13;
	s17 =	sshll.u32 s13, $0x6;
	s13 =	simm.s32 $0x0  }
0x9: {  	_ =	strace $0x8000004D;
	s8 =	smul.u32 $0x13C000, s2;
	s10 =	ssub.s32 $0x2, s2  }
0xa: {  	s2 =	sor.u32 s2, s12;
	s9 =	sshrl.u32 s7, $0x3;
	s12 =	sshrl.u32 s10, $0x1  }
0xb: {  	s16 =	sshrl.u32 s11, $0x2;
	s9 =	sadd.s32 s9, s0;
	s7 =	sadd.s32 s7, s8  }
0xc: {  	s15 =	ssub.s32 s10, s12;
	s8 =	sadd.s32 s16, s3;
	s12 =	simm.s32 $0x380  }
0xd: {  	s14 =	sshrl.u32 s7, $0x3;
	s7 =	smul.u32 $0x2800, s2;
	s9 =	sadd.s32 $0x18000, s9  }
0xe: {  	s2 =	simm.s32 $0x1;
	s0 =	sadd.s32 s14, s0;
	[dreg:$0x4] =	wrdreg s9  }
0xf: {  	s9 =	sor.u32 $0x1C07, s17;
	s18 =	sshrl.u32 s7, $0x3;
	s0 =	sadd.s32 $0x3F800, s0  }
0x10: {  	s19 =	sor.u32 $0x10, s18;
	s20 =	sadd.s32 s5, s18;
	[dreg:$0xd] =	wrdreg s0  }
0x11: {  	s21 =	sadd.s32 s6, s18;
	s23 =	sor.u32 $0x20, s18;
	[dreg:$0x5] =	wrdreg s20  }
0x12: {  	s11 =	sor.u32 $0x30, s18;
	s0 =	simm.s32 $0x4400;
	[dreg:$0x6] =	wrdreg s21  }
0x13: {  	s22 =	sadd.s32 s5, s19;
	s10 =	sadd.s32 s6, s19;
	s24 =	sadd.s32 s5, s23  }
0x14: {  	s25 =	sadd.s32 s5, s11;
	s26 =	sadd.s32 s6, s11;
	[dreg:$0x7] =	wrdreg s22  }
0x15: {  	s19 =	smax.u32 s15, $0x1;
	s20 =	sshrl.u32 s8, $0x3;
	[dreg:$0x8] =	wrdreg s10  }
.Ltmp0:
0x16: {  	s21 =	simm.s32 $0x7;
	[dreg:$0x9] =	wrdreg s24;
	(pc) =	sbr.rel .LBB2_1-.Ltmp0, $4  }
0x17: {  	s8 =	simm.s32 $0x5;
	s11 =	simm.s32 $0x6;
	[dreg:$0xb] =	wrdreg s25  }
0x18: {  	s10 =	sadd.s32 s6, s23;
	[dreg:$0xc] =	wrdreg s26;
	s22 =	simm.s32 $0x3  }
0x19: {  	s23 =	simm.s32 $0x200;
	s24 =	simm.s32 $0x80;
	s25 =	simm.s32 $0x400  }
0x1a: {  	s26 =	simm.s32 $0x280;
	[dreg:$0xa] =	wrdreg s10;
	s10 =	simm.s32 $0x2  }
.LBB2_4:
0x1b: {  	_ =	swait.ge [sflag:s10], $0x4000  }
0x1c: {  	[sflag:s10] =	ssyncset.done $0x0  }
0x1d: {  	[sflag:s10] =	ssyncadd.s32 $0xFFFFC000  }
0x1e: {  	[spmem:s3] =	stream.indirect.scatter.add.f32 [tilespmem:s0], [sflag:$0x7], $0x80, s12, s24, $0xb8;
	[tilespmem:$0x1C000] =	vst v63  }
0x1f: {  	_ =	swait.ge [sflag:s21], $0x4000  }
0x20: {  	[sflag:s21] =	ssyncset.done $0x0  }
0x21: {  	s13 =	sadd.s32 $0x1, s13;
	[sflag:s21] =	ssyncadd.s32 $0xFFFFC000  }
0x22: {  	p0 =	sne.s32 s13, s19;
	[bflag:$0x0] =	sbarrier.arrive $0xFFFF  }
.Ltmp1:
0x23: {  	s14 =	rddreg [dreg:$0xd];
	(pc) =	sbr.rel @!p0 .LBB2_5-.Ltmp1, $4  }
0x24: {  	[hbm:s14], [sflag:s9] =	dma.local [spmem:s20], $0x2780  }
0x25: {  	_ =	swait.ge [sflag:s21], $0x2780  }
0x26: {  	[sflag:s21] =	ssyncset.done $0x0  }
0x27: {  	[sflag:s21] =	ssyncadd.s32 $0xFFFFD880  }
.LBB2_1:
0x28: {  	s14 =	rddreg [dreg:$0x4]  }
0x29: {  	[spmem:s20], [sflag:s9] =	dma.local [hbm:s14], $0x2780  }
0x2a: {  	_ =	swait.ge [sflag:s21], $0x2780  }
0x2b: {  	[sflag:s21] =	ssyncset.done $0x0  }
0x2c: {  	[sflag:s21] =	ssyncadd.s32 $0xFFFFD880  }
0x2d: {  	[bflag:$0x0] =	sbarrier.arrive $0xFFFF  }
0x2e: {  	s15 =	rddreg [dreg:$0x5]  }
0x2f: {  	[tilespmem:s4], [sflag:$0x3] =	stream.linear.gather [hbm4b:s15+s4], $0x80, $0x38;
	[tilespmem:$0x1C000] =	vst v63  }
0x30: {  	_ =	swait.ge [sflag:s22], $0x80  }
0x31: {  	[sflag:s22] =	ssyncset.done $0x0  }
0x32: {  	s16 =	rddreg [dreg:$0x6];
	[sflag:s22] =	ssyncadd.s32 $0xFFFFFF80  }
0x33: {  	[tilespmem:s23], [sflag:$0x3] =	stream.linear.gather [hbm4b:s16+s4], $0x80, $0x38;
	[tilespmem:$0x1C000] =	vst v63  }
0x34: {  	_ =	swait.ge [sflag:s22], $0x80  }
0x35: {  	[sflag:s22] =	ssyncset.done $0x0  }
0x36: {  	[sflag:s22] =	ssyncadd.s32 $0xFFFFFF80  }
0x37: {  	[tilespmem:s25], [sflag:$0x1] =	stream.indirect.gather [hbm4b:s1+s24], $0x80, s4, s24, $0xb8;
	[tilespmem:$0x1C000] =	vst v63  }
0x38: {  	s17 =	rddreg [dreg:$0x7]  }
0x39: {  	[tilespmem:s24], [sflag:$0x4] =	stream.linear.gather [hbm4b:s17+s4], $0x80, $0x38;
	[tilespmem:$0x1C000] =	vst v63  }
0x3a: {  	s18 =	rddreg [dreg:$0x8]  }
0x3b: {  	[tilespmem:s26], [sflag:$0x4] =	stream.linear.gather [hbm4b:s18+s4], $0x80, $0x38;
	[tilespmem:$0x1C000] =	vst v63  }
0x3c: {  	s15 =	rddreg [dreg:$0x9]  }
0x3d: {  	[tilespmem:s28], [sflag:$0x5] =	stream.linear.gather [hbm4b:s15+s4], $0x80, $0x38;
	[tilespmem:$0x1C000] =	vst v63  }
0x3e: {  	s16 =	rddreg [dreg:$0xa]  }
0x3f: {  	[tilespmem:s29], [sflag:$0x5] =	stream.linear.gather [hbm4b:s16+s4], $0x80, $0x38;
	[tilespmem:$0x1C000] =	vst v63  }
0x40: {  	s17 =	rddreg [dreg:$0xb]  }
0x41: {  	[tilespmem:s30], [sflag:$0x6] =	stream.linear.gather [hbm4b:s17+s4], $0x80, $0x38;
	[tilespmem:$0x1C000] =	vst v63  }
0x42: {  	s14 =	simm.s32 $0x380;
	s18 =	rddreg [dreg:$0xc]  }
0x43: {  	[tilespmem:s12], [sflag:$0x6] =	stream.linear.gather [hbm4b:s18+s4], $0x80, $0x38;
	[tilespmem:$0x1C000] =	vst v63  }
.LBB2_2:
0x44: {  	_ =	swait.ge [sflag:s31], $0x80  }
0x45: {  	[sflag:s31] =	ssyncset.done $0x0  }
0x46: {  	[sflag:s31] =	ssyncadd.s32 $0xFFFFFF80  }
0x47: {  	_ =	swait.ge [sflag:s31], $0x80  }
0x48: {  	[sflag:s31] =	ssyncset.done $0x0  }
0x49: {  	p0 =	seq.s32 s14, $0x2980;
	[sflag:s31] =	ssyncadd.s32 $0xFFFFFF80  }
0x4a: {  	[tilespmem:s0], [sflag:$0x2] =	stream.indirect.gather [hbm4b:s1+s24], $0x80, s24, s24, $0xb8;
	[tilespmem:$0x1C000] =	vst v63  }
0x4b: {  	s15 =	sadd.s32 @!p0 $0xFFFFFE80, s14;
	_ =	swait.ge [sflag:s2], $0x4000  }
0x4c: {  	s16 =	sand.u32 @!p0 $0x7C00, s15;
	[sflag:s2] =	ssyncset.done $0x0  }
0x4d: {  	s15 =	sand.u32 @!p0 $0x200, s15;
	s16 =	sadd.s32 @!p0 s7, s16;
	[sflag:s2] =	ssyncadd.s32 $0xFFFFC000  }
0x4e: {  	[spmem:s3] =	stream.indirect.scatter.add.f32 [tilespmem:s25], [sflag:$0x7], $0x80, s23, s24, $0xb8;
	[tilespmem:$0x1C000] =	vst v63  }
0x4f: {  	s15 =	sor.u32 @!p0 s15, s16;
	_ =	swait.ge [sflag:s21], $0x4000  }
0x50: {  	s15 =	sshrl.u32 @!p0 s15, $0x3;
	[sflag:s21] =	ssyncset.done $0x0  }
0x51: {  	s17 =	simm.s32 @!p0 $0x0;
	s16 =	sadd.s32 @!p0 s5, s15;
	[sflag:s21] =	ssyncadd.s32 $0xFFFFC000  }
0x52: {  	[tilespmem:s17], [sflag:$0x3] =	stream.linear.gather @!p0 [hbm4b:s16+s17], $0x80, $0x38;
	[tilespmem:$0x1C000] =	vst v63  }
0x53: {  	s15 =	sadd.s32 @!p0 s6, s15;
	s16 =	simm.s32 @!p0 $0x200  }
0x54: {  	[tilespmem:s16], [sflag:$0x3] =	stream.linear.gather @!p0 [hbm4b:s15+s17], $0x80, $0x38;
	[tilespmem:$0x1C000] =	vst v63  }
0x55: {  	_ =	swait.ge [sflag:s8], $0x80  }
0x56: {  	[sflag:s8] =	ssyncset.done $0x0  }
0x57: {  	[sflag:s8] =	ssyncadd.s32 $0xFFFFFF80  }
0x58: {  	_ =	swait.ge [sflag:s8], $0x80  }
0x59: {  	[sflag:s8] =	ssyncset.done $0x0  }
0x5a: {  	[sflag:s8] =	ssyncadd.s32 $0xFFFFFF80  }
0x5b: {  	[tilespmem:s25], [sflag:$0x1] =	stream.indirect.gather [hbm4b:s1+s24], $0x80, s28, s24, $0xb8;
	[tilespmem:$0x1C000] =	vst v63  }
0x5c: {  	s15 =	sadd.s32 @!p0 $0xFFFFFF00, s14;
	_ =	swait.ge [sflag:s10], $0x4000  }
0x5d: {  	s16 =	sand.u32 @!p0 $0x7C00, s15;
	[sflag:s10] =	ssyncset.done $0x0  }
0x5e: {  	s15 =	sand.u32 @!p0 $0x280, s15;
	s16 =	sadd.s32 @!p0 s7, s16;
	[sflag:s10] =	ssyncadd.s32 $0xFFFFC000  }
0x5f: {  	[spmem:s3] =	stream.indirect.scatter.add.f32 [tilespmem:s0], [sflag:$0x7], $0x80, s26, s24, $0xb8;
	[tilespmem:$0x1C000] =	vst v63  }
0x60: {  	s15 =	sor.u32 @!p0 s15, s16;
	_ =	swait.ge [sflag:s21], $0x4000  }
0x61: {  	s15 =	sshrl.u32 @!p0 s15, $0x3;
	[sflag:s21] =	ssyncset.done $0x0  }
0x62: {  	s18 =	simm.s32 @!p0 $0x80;
	s16 =	sadd.s32 @!p0 s5, s15;
	[sflag:s21] =	ssyncadd.s32 $0xFFFFC000  }
0x63: {  	[tilespmem:s18], [sflag:$0x4] =	stream.linear.gather @!p0 [hbm4b:s16+s17], $0x80, $0x38;
	[tilespmem:$0x1C000] =	vst v63  }
0x64: {  	s15 =	sadd.s32 @!p0 s6, s15;
	s16 =	simm.s32 @!p0 $0x280  }
0x65: {  	[tilespmem:s16], [sflag:$0x4] =	stream.linear.gather @!p0 [hbm4b:s15+s17], $0x80, $0x38;
	[tilespmem:$0x1C000] =	vst v63  }
0x66: {  	_ =	swait.ge [sflag:s11], $0x80  }
0x67: {  	[sflag:s11] =	ssyncset.done $0x0  }
0x68: {  	[sflag:s11] =	ssyncadd.s32 $0xFFFFFF80  }
0x69: {  	_ =	swait.ge [sflag:s11], $0x80  }
0x6a: {  	[sflag:s11] =	ssyncset.done $0x0  }
0x6b: {  	[sflag:s11] =	ssyncadd.s32 $0xFFFFFF80  }
0x6c: {  	[tilespmem:s0], [sflag:$0x2] =	stream.indirect.gather [hbm4b:s1+s24], $0x80, s30, s24, $0xb8;
	[tilespmem:$0x1C000] =	vst v63  }
0x6d: {  	_ =	swait.ge [sflag:s2], $0x4000  }
0x6e: {  	[sflag:s2] =	ssyncset.done $0x0  }
.Ltmp2:
0x6f: {  	[sflag:s2] =	ssyncadd.s32 $0xFFFFC000;
	(pc) =	sbr.rel @p0 .LBB2_4-.Ltmp2, $4  }
0x70: {  	[spmem:s3] =	stream.indirect.scatter.add.f32 [tilespmem:s25], [sflag:$0x7], $0x80, s29, s24, $0xb8;
	[tilespmem:$0x1C000] =	vst v63  }
0x71: {  	_ =	swait.ge [sflag:s21], $0x4000  }
0x72: {  	[sflag:s21] =	ssyncset.done $0x0  }
0x73: {  	[sflag:s21] =	ssyncadd.s32 $0xFFFFC000  }
0x74: {  	s15 =	sadd.s32 $0xFFFFFF80, s14  }
0x75: {  	s16 =	sand.u32 $0x7C00, s15  }
0x76: {  	s15 =	sand.u32 $0x300, s15;
	s16 =	sadd.s32 s7, s16  }
0x77: {  	s15 =	sor.u32 s15, s16  }
0x78: {  	s15 =	sshrl.u32 s15, $0x3  }
0x79: {  	s18 =	sadd.s32 s5, s15  }
0x7a: {  	[tilespmem:s28], [sflag:$0x5] =	stream.linear.gather [hbm4b:s18+s4], $0x80, $0x38;
	[tilespmem:$0x1C000] =	vst v63  }
0x7b: {  	s15 =	sadd.s32 s6, s15  }
0x7c: {  	[tilespmem:s29], [sflag:$0x5] =	stream.linear.gather [hbm4b:s15+s4], $0x80, $0x38;
	[tilespmem:$0x1C000] =	vst v63  }
0x7d: {  	_ =	swait.ge [sflag:s22], $0x80  }
0x7e: {  	[sflag:s22] =	ssyncset.done $0x0  }
0x7f: {  	[sflag:s22] =	ssyncadd.s32 $0xFFFFFF80  }
0x80: {  	_ =	swait.ge [sflag:s22], $0x80  }
0x81: {  	[sflag:s22] =	ssyncset.done $0x0  }
0x82: {  	[sflag:s22] =	ssyncadd.s32 $0xFFFFFF80  }
0x83: {  	[tilespmem:s25], [sflag:$0x1] =	stream.indirect.gather [hbm4b:s1+s24], $0x80, s4, s24, $0xb8;
	[tilespmem:$0x1C000] =	vst v63  }
0x84: {  	_ =	swait.ge [sflag:s10], $0x4000  }
0x85: {  	s16 =	sand.u32 $0x7C00, s14;
	[sflag:s10] =	ssyncset.done $0x0  }
0x86: {  	s17 =	sand.u32 $0x380, s14;
	s15 =	sadd.s32 s7, s16;
	[sflag:s10] =	ssyncadd.s32 $0xFFFFC000  }
0x87: {  	[spmem:s3] =	stream.indirect.scatter.add.f32 [tilespmem:s0], [sflag:$0x7], $0x80, s12, s24, $0xb8;
	[tilespmem:$0x1C000] =	vst v63  }
0x88: {  	s15 =	sor.u32 s17, s15;
	_ =	swait.ge [sflag:s21], $0x4000  }
.Ltmp3:
0x89: {  	s15 =	sshrl.u32 s15, $0x3;
	[sflag:s21] =	ssyncset.done $0x0;
	(pc) =	sbr.rel .LBB2_2-.Ltmp3, $4  }
0x8a: {  	s18 =	sadd.s32 s5, s15;
	[sflag:s21] =	ssyncadd.s32 $0xFFFFC000  }
0x8b: {  	[tilespmem:s30], [sflag:$0x6] =	stream.linear.gather [hbm4b:s18+s4], $0x80, $0x38;
	[tilespmem:$0x1C000] =	vst v63  }
0x8c: {  	s14 =	sadd.s32 $0x200, s14;
	s15 =	sadd.s32 s6, s15  }
0x8d: {  	[tilespmem:s12], [sflag:$0x6] =	stream.linear.gather [hbm4b:s15+s4], $0x80, $0x38;
	[tilespmem:$0x1C000] =	vst v63  }
.LBB2_5:
0x8e: {  	_ =	sfence.sel $0x180000  }
0x8f: {  	[bflag:$0x0] =	sbarrier.arrive $0xFFFF  }
0x90: {  	_ =	strace $0x9000004D  }
0x91: {  	s0 =	stileid.u32;
	[bflag:$0x2] =	sbarrier.arrive $0xFFFF  }
0x92: {  	p0 =	sne.s32 s0, $0x0;
	s0 =	rddreg [dreg:$0x3]  }
0x93: {  	s0 =	sadd.s32 @!p0 $0x100000, s0  }
0x94: {  	[sflag:s0] =	ssyncadd.tile.s32 @!p0 $0x1;
	_ =	shalt  }
.Lfunc_end2:
_tile_overlayer_lowered:
.L_overlay_start_2:
0x95: {  	(tag) =	ssettag $0x2  }
0x96: {  	s0 =	rddreg [dreg:$0x0];
	s2 =	stileid.u32  }
0x97: {  	s1 =	rddreg [dreg:$0x1];
	p0 =	sne.s32 s2, $0x0  }
0x98: {  	s3 =	rddreg [dreg:$0x2];
	[bflag:$0x3] =	sbarrier.arrive $0xFFFF;
	s2 =	simm.s32 @!p0 $0x1C07  }
0x99: {  	[timem:s3], [sflag:s2] =	dma.local @!p0 [hbm:s0], s1  }
0x9a: {  	s0 =	simm.s32 @!p0 $0x7  }
0x9b: {  	_ =	swait.ge @!p0 [sflag:s0], s1  }
0x9c: {  	s1 =	ssub.s32 @!p0 $0x0, s1;
	[sflag:s0] =	ssyncset.done @!p0 $0x0  }
0x9d: {  	[sflag:s0] =	ssyncadd.s32 @!p0 s1  }
0x9e: {  	[bflag:$0x3] =	sbarrier.arrive $0xFFFF  }
0x9f: {  	_ =	shalt  }

// kernel: sc_sage_cnt.3.cloned.1.call-start
scs
__scs_entry_jumppad:
0x0: {  	(pc) =	sbr.rel $0x88, $3  }
0x1: {  	(tag) =	ssettag $0x0;
	lr =	simm.s32 $0x1  }
0x2: {  	[smem:$0x3F90] =	sst lr;
	_ =	strace $0xD0000000  }
0x3: {  	_ = 	snop  }
0x4: {  	_ = 	snop  }
0x5: {  	_ = 	snop  }
0x6: {  	_ = 	snop  }
0x7: {  	_ = 	snop  }
__scs_overlays_trampoline_lowered:
0x8: {  	[smem:$0x3F9F] =	sst s0  }
0x9: {  	[smem:$0x3FA0] =	sst s1  }
0xa: {  	[smem:$0x3FA1] =	sst s2  }
0xb: {  	[smem:$0x3FA2] =	sst s3  }
0xc: {  	[smem:$0x3FA3] =	sst s4  }
0xd: {  	[smem:$0x3FA4] =	sst s5  }
0xe: {  	[smem:$0x3FA5] =	sst s6  }
0xf: {  	[smem:$0x3FA6] =	sst s7  }
0x10: {  	[smem:$0x3FA7] =	sst s8  }
0x11: {  	[smem:$0x3FA8] =	sst s9;
	s0 =	simm.s32 @!p0 $0x0  }
0x12: {  	s1 =	sld [smem:$0x3F8E];
	s0 =	simm.s32 @p0 $0x1  }
0x13: {  	[smem:$0x3FA9] =	sst s0;
	s0 =	simm.s32 @!p1 $0x0  }
0x14: {  	s2 =	sld [smem:$0x3F8D];
	s0 =	simm.s32 @p1 $0x1  }
0x15: {  	[smem:$0x3FAA] =	sst s0;
	s0 =	simm.s32 @!p2 $0x0  }
0x16: {  	s3 =	sld [smem:$0x3FDB];
	s0 =	simm.s32 @p2 $0x1  }
0x17: {  	s4 =	simm.s32 $0x1BF5;
	[smem:$0x3FAC] =	sst s0  }
0x18: {  	s0 =	sld [smem:$0x3F8F];
	_ =	swait.ge [sflag:s4], $0x0  }
0x19: {  	s7 =	sld [smem:$0x3F90]  }
0x1a: {  	s8 =	sadd.s32 $0xFFFFE003, lr  }
0x1b: {  	s9 =	sadd.s32 $0xFFFFFEF7, lr;
	s5 =	simm.s32 $0xFFFFFFFF;
	p2 =	slt.u32 s8, $0xFFFFF086  }
0x1c: {  	p1 =	slt.u32 s9, $0xF7A;
	s5 =	simm.s32 @!p2 $0x0  }
0x1d: {  	s5 =	simm.s32 @p1 $0x1;
	p0 =	seq.s32 s7, s2  }
0x1e: {  	s7 =	smul.u32 @!p0 $0xF7A, s2;
	p2 =	seq.s32 @!p0 s5, $0x0  }
0x1f: {  	s9 =	smul.u32 $0xF7A, s1;
	s8 =	simm.s32 @!p0 $0x1BF5;
	p2 =	por !p2, p0  }
0x20: {  	[sflag:s8] =	ssyncset.s32 @!p0 $0xFFFFF086;
	s6 =	sadd.s32 @!p0 s3, s7;
	s7 =	simm.s32 @!p0 $0x108  }
0x21: {  	s3 =	sadd.s32 s3, s9;
	s6 =	sadd.s32 @!p0 $0x88, s6;
	s7 =	simm.s32 @p2 $0x1082  }
0x22: {  	[simem:s7], [sflag:s8] =	dma.local @!p0 [hbm:s6], $0xF7A  }
0x23: {  	s9 =	sor.u32 $0xD0000000, s2;
	s6 =	simm.s32 $0x108;
	_ =	swait.ge @!p0 [sflag:s8], $0x0  }
0x24: {  	s3 =	sadd.s32 $0x88, s3;
	s6 =	simm.s32 @!p1 $0x1082;
	[sflag:s4] =	ssyncset.s32 $0xFFFFF086  }
0x25: {  	[simem:s6], [sflag:s4] =	dma.local [hbm:s3], $0xF7A  }
0x26: {  	[smem:$0x3F90] =	sst s1;
	(tag) =	ssettag s2;
	_ =	strace s9  }
0x27: {  	s1 =	sld [smem:$0x3FA0]  }
0x28: {  	s2 =	sld [smem:$0x3FA1]  }
0x29: {  	s4 =	sld [smem:$0x3FA3]  }
0x2a: {  	p0 =	seq.s32 s5, $0x0;
	s5 =	sld [smem:$0x3FA4]  }
0x2b: {  	s6 =	sld [smem:$0x3FA5]  }
0x2c: {  	s7 =	sld [smem:$0x3FA6]  }
0x2d: {  	s3 =	simm.s32 $0x108;
	s8 =	sld [smem:$0x3FA7]  }
0x2e: {  	s3 =	simm.s32 @!p0 $0x1082;
	s9 =	sld [smem:$0x3FA8]  }
0x2f: {  	lr =	sadd.s32 s0, s3;
	s0 =	sld [smem:$0x3F9F]  }
0x30: {  	s3 =	sld [smem:$0x3FA2]  }
0x31: {  	[smem:$0x3FAB] =	sst s10  }
0x32: {  	s10 =	sld [smem:$0x3FA9];
	_ =	sdelay $0x3  }
0x33: {  	p0 =	seq.s32 s10, $0x1;
	s10 =	sld [smem:$0x3FAB];
	_ =	sdelay $0x3  }
0x34: {  	[smem:$0x3FAB] =	sst s10  }
0x35: {  	s10 =	sld [smem:$0x3FAA];
	_ =	sdelay $0x3  }
0x36: {  	p1 =	seq.s32 s10, $0x1;
	s10 =	sld [smem:$0x3FAB];
	_ =	sdelay $0x3  }
0x37: {  	[smem:$0x3FAB] =	sst s10  }
0x38: {  	s10 =	sld [smem:$0x3FAC]  }
0x39: {  	_ = 	snop;
	(pc) =	sbr.ind lr, $3  }
0x3a: {  	_ = 	snop  }
0x3b: {  	_ = 	snop  }
0x3c: {  	p2 =	seq.s32 s10, $0x1;
	s10 =	sld [smem:$0x3FAB]  }
0x3d: {  	_ =	shalt  }
0x3e: {  	_ =	shalt  }
0x3f: {  	_ =	shalt  }
0x40: {  	_ =	shalt  }
0x41: {  	_ =	shalt  }
0x42: {  	_ =	shalt  }
0x43: {  	_ =	shalt  }
0x44: {  	_ =	shalt  }
0x45: {  	_ =	shalt  }
0x46: {  	_ =	shalt  }
0x47: {  	_ =	shalt  }
0x48: {  	_ =	shalt  }
0x49: {  	_ =	shalt  }
0x4a: {  	_ =	shalt  }
0x4b: {  	_ =	shalt  }
0x4c: {  	_ =	shalt  }
0x4d: {  	_ =	shalt  }
0x4e: {  	_ =	shalt  }
0x4f: {  	_ =	shalt  }
0x50: {  	_ =	shalt  }
0x51: {  	_ =	shalt  }
0x52: {  	_ =	shalt  }
0x53: {  	_ =	shalt  }
0x54: {  	_ =	shalt  }
0x55: {  	_ =	shalt  }
0x56: {  	_ =	shalt  }
0x57: {  	_ =	shalt  }
0x58: {  	_ =	shalt  }
0x59: {  	_ =	shalt  }
0x5a: {  	_ =	shalt  }
0x5b: {  	_ =	shalt  }
0x5c: {  	_ =	shalt  }
0x5d: {  	_ =	shalt  }
0x5e: {  	_ =	shalt  }
0x5f: {  	_ =	shalt  }
0x60: {  	_ =	shalt  }
0x61: {  	_ =	shalt  }
0x62: {  	_ =	shalt  }
0x63: {  	_ =	shalt  }
0x64: {  	_ =	shalt  }
0x65: {  	_ =	shalt  }
0x66: {  	_ =	shalt  }
0x67: {  	_ =	shalt  }
0x68: {  	_ =	shalt  }
0x69: {  	_ =	shalt  }
0x6a: {  	_ =	shalt  }
0x6b: {  	_ =	shalt  }
0x6c: {  	_ =	shalt  }
0x6d: {  	_ =	shalt  }
0x6e: {  	_ =	shalt  }
0x6f: {  	_ =	shalt  }
0x70: {  	_ =	shalt  }
0x71: {  	_ =	shalt  }
0x72: {  	_ =	shalt  }
0x73: {  	_ =	shalt  }
0x74: {  	_ =	shalt  }
0x75: {  	_ =	shalt  }
0x76: {  	_ =	shalt  }
0x77: {  	_ =	shalt  }
0x78: {  	_ =	shalt  }
0x79: {  	_ =	shalt  }
0x7a: {  	_ =	shalt  }
0x7b: {  	_ =	shalt  }
0x7c: {  	_ =	shalt  }
0x7d: {  	_ =	shalt  }
0x7e: {  	_ =	shalt  }
0x7f: {  	_ =	shalt  }
0x80: {  	_ =	shalt  }
0x81: {  	_ =	shalt  }
0x82: {  	_ =	shalt  }
0x83: {  	_ =	shalt  }
0x84: {  	_ =	shalt  }
0x85: {  	_ =	shalt  }
0x86: {  	_ =	shalt  }
0x87: {  	_ =	shalt  }
.Lfunc_end0:
.L_simem_size_0:
called_computation_lowered:
.L_overlay_start_0:
0x88: {  	s2 =	sld [smem:$0x3FD9]  }
0x89: {  	s3 =	sld [smem:$0x3FFE];
	_ =	sdelay $0x1  }
0x8a: {  	s1 =	srdreg.scid  }
0x8b: {  	s0 =	sand.u32 $0x1, s1  }
0x8c: {  	s17 =	sshll.u32 s0, $0xA;
	s2 =	sadd.s32 s3, s2  }
0x8d: {  	s2 =	sadd.s32 s2, s17  }
0x8e: {  	[smem:$0x3FB7] =	sst s2  }
0x8f: {  	_ = 	snop  }
0x90: {  	s2 =	sld [smem:$0x3FD0];
	(tm) =	ssettm $0x1  }
0x91: {  	s18 =	sld [smem:$0x3FFB];
	_ =	sdelay $0x3  }
0x92: {  	_ =	strace s18  }
0x93: {  	s3 =	sld [smem:$0x3FFC];
	_ =	sdelay $0x3  }
0x94: {  	_ =	strace s3  }
0x95: {  	s3 =	sld [smem:$0x3FFD];
	_ =	sdelay $0x3  }
0x96: {  	_ =	strace s3  }
0x97: {  	_ =	strace $0x8FFFFFFF  }
0x98: {  	s19 =	sld [smem:$0x3FDB];
	_ =	sdelay $0x1  }
0x99: {  	s4 =	simm.s32 $_scs_section_size  }
0x9a: {  	s5 =	simm.s32 $_size__tile_overlayer_lowered;
	s6 =	simm.s32 $_tile_overlayer_lowered  }
0x9b: {  	s22 =	simm.s32 $0x1BFF;
	s21 =	sshll.u32 s6, $0x1;
	s3 =	sadd.s32 s4, s19  }
0x9c: {  	s7 =	simm.s32 $0x0;
	s20 =	sshll.u32 s5, $0x1;
	s5 =	sadd.s32 s21, s3  }
0x9d: {  	[timem:s7], [sflag:s22] =	dma.local [hbm:s5], s20  }
0x9e: {  	_ =	swait.ge [sflag:s22], s20  }
0x9f: {  	s4 =	ssub.s32 $0x0, s20;
	[sflag:s22] =	ssyncset.done $0x0  }
0xa0: {  	[sflag:s22] =	ssyncadd.s32 s4;
	_ =	sdelay $0x1  }
0xa1: {  	s23 =	simm.s32 $0x1B8B  }
0xa2: {  	_ =	swait.ge [sflag:s23], $0x1  }
0xa3: {  	[sflag:s23] =	ssyncset.done $0x0  }
0xa4: {  	s25 =	simm.s32 $0x1B8E;
	s24 =	sld [smem:$0x3FFE];
	[sflag:s23] =	ssyncadd.s32 $0xFFFFFFFF  }
0xa5: {  	s26 =	simm.s32 $execute0_lowered;
	[smem:$0x3FD2] =	sst s25  }
0xa6: {  	s5 =	sshll.u32 s26, $0x1;
	_ =	strace $0x80000046;
	[dreg:$0x1] =	wrdreg $0xFFFFFFFF  }
0xa7: {  	s28 =	simm.s32 $_size_execute0_lowered;
	s3 =	sadd.s32 s3, s5;
	[dreg:$0x0] =	wrdreg $0x0  }
0xa8: {  	s5 =	sshll.u32 s28, $0x1;
	[dreg:$0x2] =	wrdreg s3  }
0xa9: {  	[dreg:$0x3] =	wrdreg s5  }
0xaa: {  	[dreg:$0x4] =	wrdreg $0xC0  }
0xab: {  	_ =	task [dreg:s7], $0x5FFFF  }
0xac: {  	[dreg:$0x1] =	wrdreg $0xFFFFFFFF  }
0xad: {  	[dreg:$0x0] =	wrdreg $0x60  }
0xae: {  	[dreg:$0x2] =	wrdreg s24  }
0xaf: {  	[dreg:$0x3] =	wrdreg s2  }
0xb0: {  	[dreg:$0x4] =	wrdreg $0x42000  }
0xb1: {  	[dreg:$0x5] =	wrdreg $0x9  }
0xb2: {  	_ =	task.clear_ibuf [dreg:s7], $0x6FFFF;
	_ =	strace $0x90000046  }
0xb3: {  	s29 =	simm.s32 $0x9;
	_ =	strace $0x80000048  }
0xb4: {  	_ =	swait.ge [sflag:s29], $0x1  }
0xb5: {  	[sflag:s29] =	ssyncadd.s32 $0xFFFFFFFF  }
0xb6: {  	_ =	strace $0x90000048  }
0xb7: {  	_ =	sfence  }
0xb8: {  	s30 =	sld [smem:$0x0];
	_ =	sdelay $0x2  }
0xb9: {  	s31 =	sshll.u32 s1, $0xD;
	s1 =	sshrl.u32 s1, $0x2  }
0xba: {  	s3 =	sand.u32 $0x4000, s31;
	s1 =	sadd.s32 s1, s30  }
0xbb: {  	s0 =	sor.u32 s3, s0;
	s1 =	sshll.u32 s1, $0x11  }
0xbc: {  	s0 =	sor.u32 s1, s0  }
0xbd: {  	s0 =	sadd.s32 $0x8F2B, s0  }
0xbe: {  	[sflag:s0] =	ssyncadd.remote.s32 $0x1  }
0xbf: {  	_ =	sfence.sel $0xFFFF  }
0xc0: {  	[dreg:$0x0] =	wrdreg $0xFFFFFFFF;
	(pc) =	sbr.abs _section_cstart, $3  }
0xc1: {  	[dreg:$0x1] =	wrdreg $0xFFFFFFFF  }
0xc2: {  	_ =	task.clear_ibuf [dreg:s7], $0x2FFFF;
	_ =	strace $0x9FFFFFFF  }
0xc3: {  	(tm) =	ssettm $0x7FFFFFFF  }
tec
execute0_lowered:
.L_overlay_start_1:
0x0: {  	(tag) =	ssettag $0x1  }
0x1: {  	s7 =	rddreg [dreg:$0x0]  }
0x2: {  	s2 =	rddreg [dreg:$0x1]  }
0x3: {  	s3 =	rddreg [dreg:$0x2]  }
0x4: {  	s0 =	rddreg [dreg:$0x3]  }
0x5: {  	s1 =	stileid.u32;
	s5 =	srdreg.scid  }
0x6: {  	s4 =	simm.s32 $0x0;
	s14 =	simm.s32 $0x200;
	s15 =	simm.s32 $0x5  }
0x7: {  	s18 =	simm.s32 $0x1;
	s19 =	simm.s32 $0x80;
	s20 =	simm.s32 $0x100  }
0x8: {  	s21 =	simm.s32 $0x180;
	s22 =	simm.s32 $0x3;
	s23 =	simm.s32 $0x4  }
0x9: {  	s24 =	simm.s32 $0x0;
	s6 =	smul.u32 $0x13C00, s1;
	s8 =	sand.u32 $0x1, s5  }
0xa: {  	[smem:$0x7FF] =	sst s4;
	s5 =	sadd.s32 $0xE000, s7;
	s11 =	smul.u32 $0x4F000, s1  }
0xb: {  	s10 =	sshll.u32 s1, $0x1;
	s16 =	sshll.u32 s1, $0x6;
	s9 =	smul.u32 $0x13C000, s8  }
0xc: {  	_ =	strace $0x80000047;
	s10 =	sor.u32 s8, s10;
	s29 =	ssub.s32 $0x2, s8  }
0xd: {  	s16 =	sor.u32 $0x1C05, s16;
	s12 =	sshrl.u32 s6, $0x3;
	s8 =	sshrl.u32 s29, $0x1  }
0xe: {  	s30 =	sshrl.u32 s11, $0x2;
	s9 =	sadd.s32 s6, s9;
	s6 =	smul.u32 $0x2800, s10  }
.Ltmp0:
0xf: {  	s26 =	sadd.s32 s12, s7;
	s13 =	ssub.s32 s29, s8;
	(pc) =	sbr.rel .LBB2_1-.Ltmp0, $4  }
0x10: {  	s17 =	sadd.s32 s30, s3;
	s9 =	sshrl.u32 s9, $0x3;
	s8 =	sadd.s32 $0x18000, s26  }
0x11: {  	s13 =	smax.u32 s13, $0x1;
	s28 =	sadd.s32 s9, s7;
	s31 =	sshrl.u32 s6, $0x3  }
0x12: {  	s17 =	sshrl.u32 s17, $0x3;
	s7 =	sadd.s32 s5, s31;
	s12 =	sadd.s32 $0x3F800, s28  }
0x13: {  	s9 =	sadd.s32 $0x10, s7;
	s10 =	sadd.s32 $0x20, s7;
	s11 =	sadd.s32 $0x30, s7  }
.LBB2_4:
0x14: {  	_ =	swait.ge [sflag:s23], $0x80  }
0x15: {  	[sflag:s23] =	ssyncset.done $0x0  }
0x16: {  	[sflag:s23] =	ssyncadd.s32 $0xFFFFFF80  }
0x17: {  	[spmem:s3] =	stream.indirect.scatter.add.f32 [tilespmem:s14], [sflag:$0x5], $0x80, s21, s19, $0xb8;
	[tilespmem:$0x17E00] =	vst v63  }
0x18: {  	_ =	swait.ge [sflag:s15], $0x4000  }
0x19: {  	s24 =	sadd.s32 $0x1, s24;
	[sflag:s15] =	ssyncset.done $0x0  }
0x1a: {  	p0 =	sne.s32 s24, s13;
	[sflag:s15] =	ssyncadd.s32 $0xFFFFC000  }
.Ltmp1:
0x1b: {  	[bflag:$0x0] =	sbarrier.arrive $0xFFFF;
	(pc) =	sbr.rel @!p0 .LBB2_5-.Ltmp1, $4  }
0x1c: {  	[hbm:s12], [sflag:s16] =	dma.local [spmem:s17], $0x2780  }
0x1d: {  	_ =	swait.ge [sflag:s15], $0x2780  }
0x1e: {  	[sflag:s15] =	ssyncset.done $0x0  }
0x1f: {  	[sflag:s15] =	ssyncadd.s32 $0xFFFFD880  }
.LBB2_1:
0x20: {  	[tilespmem:s14], [sflag:$0x5] =	stream.linear.gather [hbm4b:s2+s4], $0x4000, $0x38;
	[tilespmem:$0x17E00] =	vst v63  }
0x21: {  	_ =	swait.ge [sflag:s15], $0x4000  }
0x22: {  	[sflag:s15] =	ssyncset.done $0x0  }
0x23: {  	[sflag:s15] =	ssyncadd.s32 $0xFFFFC000  }
0x24: {  	[spmem:s17], [sflag:s16] =	dma.local [hbm:s8], $0x2780  }
0x25: {  	_ =	swait.ge [sflag:s15], $0x2780  }
0x26: {  	[sflag:s15] =	ssyncset.done $0x0  }
0x27: {  	[sflag:s15] =	ssyncadd.s32 $0xFFFFD880  }
0x28: {  	[bflag:$0x0] =	sbarrier.arrive $0xFFFF  }
0x29: {  	[tilespmem:s4], [sflag:$0x1] =	stream.linear.gather [hbm4b:s7+s4], $0x80, $0x38;
	[tilespmem:$0x17E00] =	vst v63  }
0x2a: {  	_ =	swait.ge [sflag:s18], $0x80  }
0x2b: {  	[sflag:s18] =	ssyncset.done $0x0  }
0x2c: {  	[sflag:s18] =	ssyncadd.s32 $0xFFFFFF80  }
0x2d: {  	[tilespmem:s19], [sflag:$0x2] =	stream.linear.gather [hbm4b:s9+s4], $0x80, $0x38;
	[tilespmem:$0x17E00] =	vst v63  }
0x2e: {  	_ = 	snop  }
0x2f: {  	[tilespmem:s20], [sflag:$0x3] =	stream.linear.gather [hbm4b:s10+s4], $0x80, $0x38;
	[tilespmem:$0x17E00] =	vst v63  }
0x30: {  	s25 =	simm.s32 $0x380  }
0x31: {  	[tilespmem:s21], [sflag:$0x4] =	stream.linear.gather [hbm4b:s11+s4], $0x80, $0x38;
	[tilespmem:$0x17E00] =	vst v63  }
.LBB2_2:
0x32: {  	p0 =	seq.s32 s25, $0x380  }
0x33: {  	s26 =	simm.s32 @!p0 $0x1  }
0x34: {  	_ =	swait.ge @!p0 [sflag:s26], $0x80  }
0x35: {  	[sflag:s26] =	ssyncset.done @!p0 $0x0  }
0x36: {  	[sflag:s26] =	ssyncadd.s32 @!p0 $0xFFFFFF80  }
0x37: {  	[spmem:s3] =	stream.indirect.scatter.add.f32 [tilespmem:s14], [sflag:$0x5], $0x80, s4, s19, $0xb8;
	[tilespmem:$0x17E00] =	vst v63  }
0x38: {  	_ =	swait.ge [sflag:s15], $0x4000  }
0x39: {  	p0 =	seq.s32 s25, $0x2980;
	[sflag:s15] =	ssyncset.done $0x0  }
0x3a: {  	s26 =	simm.s32 @p0 $0x2;
	[sflag:s15] =	ssyncadd.s32 $0xFFFFC000  }
0x3b: {  	_ =	swait.ge @p0 [sflag:s26], $0x80  }
0x3c: {  	[sflag:s26] =	ssyncset.done @p0 $0x0  }
0x3d: {  	s28 =	simm.s32 @p0 $0x200;
	[sflag:s26] =	ssyncadd.s32 @p0 $0xFFFFFF80;
	s26 =	simm.s32 @p0 $0x80  }
0x3e: {  	[spmem:s3] =	stream.indirect.scatter.add.f32 @p0 [tilespmem:s28], [sflag:$0x5], $0x80, s26, s26, $0xb8;
	[tilespmem:$0x17E00] =	vst v63  }
0x3f: {  	s26 =	sadd.s32 @!p0 $0xFFFFFE80, s25  }
0x40: {  	s28 =	sand.u32 @!p0 $0x7C00, s26  }
0x41: {  	s29 =	simm.s32 @p0 $0x5;
	s26 =	sand.u32 @!p0 $0x200, s26;
	s28 =	sadd.s32 @!p0 s6, s28  }
0x42: {  	_ =	swait.ge @p0 [sflag:s29], $0x4000;
	s26 =	sor.u32 @!p0 s26, s28  }
0x43: {  	[sflag:s29] =	ssyncset.done @p0 $0x0;
	s26 =	sshrl.u32 @!p0 s26, $0x3  }
0x44: {  	[sflag:s29] =	ssyncadd.s32 @p0 $0xFFFFC000;
	s28 =	simm.s32 @!p0 $0x0;
	s26 =	sadd.s32 @!p0 s5, s26  }
0x45: {  	[tilespmem:s28], [sflag:$0x1] =	stream.linear.gather @!p0 [hbm4b:s26+s28], $0x80, $0x38;
	[tilespmem:$0x17E00] =	vst v63  }
0x46: {  	s26 =	simm.s32 @!p0 $0x2  }
0x47: {  	_ =	swait.ge @!p0 [sflag:s26], $0x80  }
0x48: {  	[sflag:s26] =	ssyncset.done @!p0 $0x0  }
0x49: {  	s29 =	simm.s32 @!p0 $0x200;
	[sflag:s26] =	ssyncadd.s32 @!p0 $0xFFFFFF80;
	s26 =	simm.s32 @!p0 $0x80  }
0x4a: {  	[spmem:s3] =	stream.indirect.scatter.add.f32 @!p0 [tilespmem:s29], [sflag:$0x5], $0x80, s26, s26, $0xb8;
	[tilespmem:$0x17E00] =	vst v63  }
0x4b: {  	s29 =	sadd.s32 @!p0 $0xFFFFFF00, s25  }
0x4c: {  	s30 =	sand.u32 @!p0 $0x7C00, s29  }
0x4d: {  	s31 =	simm.s32 @!p0 $0x5;
	s29 =	sand.u32 @!p0 $0x280, s29;
	s30 =	sadd.s32 @!p0 s6, s30  }
0x4e: {  	_ =	swait.ge @!p0 [sflag:s31], $0x4000;
	s29 =	sor.u32 @!p0 s29, s30  }
0x4f: {  	[sflag:s31] =	ssyncset.done @!p0 $0x0;
	s29 =	sshrl.u32 @!p0 s29, $0x3  }
0x50: {  	[sflag:s31] =	ssyncadd.s32 @!p0 $0xFFFFC000;
	s29 =	sadd.s32 @!p0 s5, s29  }
0x51: {  	[tilespmem:s26], [sflag:$0x2] =	stream.linear.gather @!p0 [hbm4b:s29+s28], $0x80, $0x38;
	[tilespmem:$0x17E00] =	vst v63  }
0x52: {  	_ =	swait.ge [sflag:s22], $0x80  }
0x53: {  	[sflag:s22] =	ssyncset.done $0x0  }
.Ltmp2:
0x54: {  	[sflag:s22] =	ssyncadd.s32 $0xFFFFFF80;
	(pc) =	sbr.rel @p0 .LBB2_4-.Ltmp2, $4  }
0x55: {  	[spmem:s3] =	stream.indirect.scatter.add.f32 [tilespmem:s14], [sflag:$0x5], $0x80, s20, s19, $0xb8;
	[tilespmem:$0x17E00] =	vst v63  }
0x56: {  	_ =	swait.ge [sflag:s15], $0x4000  }
0x57: {  	[sflag:s15] =	ssyncset.done $0x0  }
0x58: {  	[sflag:s15] =	ssyncadd.s32 $0xFFFFC000  }
0x59: {  	s26 =	sadd.s32 $0xFFFFFF80, s25  }
0x5a: {  	s28 =	sand.u32 $0x7C00, s26  }
0x5b: {  	s26 =	sand.u32 $0x300, s26;
	s28 =	sadd.s32 s6, s28  }
0x5c: {  	s26 =	sor.u32 s26, s28  }
0x5d: {  	s26 =	sshrl.u32 s26, $0x3  }
0x5e: {  	s26 =	sadd.s32 s5, s26  }
0x5f: {  	[tilespmem:s20], [sflag:$0x3] =	stream.linear.gather [hbm4b:s26+s4], $0x80, $0x38;
	[tilespmem:$0x17E00] =	vst v63  }
0x60: {  	_ =	swait.ge [sflag:s23], $0x80  }
0x61: {  	[sflag:s23] =	ssyncset.done $0x0  }
0x62: {  	s30 =	sand.u32 $0x7C00, s25;
	[sflag:s23] =	ssyncadd.s32 $0xFFFFFF80  }
0x63: {  	[spmem:s3] =	stream.indirect.scatter.add.f32 [tilespmem:s14], [sflag:$0x5], $0x80, s21, s19, $0xb8;
	[tilespmem:$0x17E00] =	vst v63  }
.Ltmp3:
0x64: {  	s31 =	sand.u32 $0x380, s25;
	s26 =	sadd.s32 s6, s30;
	(pc) =	sbr.rel .LBB2_2-.Ltmp3, $4  }
0x65: {  	s26 =	sor.u32 s31, s26;
	_ =	swait.ge [sflag:s15], $0x4000  }
0x66: {  	s26 =	sshrl.u32 s26, $0x3;
	[sflag:s15] =	ssyncset.done $0x0  }
0x67: {  	s25 =	sadd.s32 $0x200, s25;
	s26 =	sadd.s32 s5, s26;
	[sflag:s15] =	ssyncadd.s32 $0xFFFFC000  }
0x68: {  	[tilespmem:s21], [sflag:$0x4] =	stream.linear.gather [hbm4b:s26+s4], $0x80, $0x38;
	[tilespmem:$0x17E00] =	vst v63  }
.LBB2_5:
0x69: {  	_ =	sfence.sel $0x180000  }
0x6a: {  	[bflag:$0x0] =	sbarrier.arrive $0xFFFF  }
0x6b: {  	p0 =	sne.s32 s1, $0x0;
	_ =	strace $0x90000047  }
0x6c: {  	s0 =	sadd.s32 @!p0 $0x100000, s0;
	[bflag:$0x2] =	sbarrier.arrive $0xFFFF  }
0x6d: {  	[sflag:s0] =	ssyncadd.tile.s32 @!p0 $0x1;
	_ =	shalt  }
.Lfunc_end2:
_tile_overlayer_lowered:
.L_overlay_start_2:
0x6e: {  	(tag) =	ssettag $0x2  }
0x6f: {  	s0 =	rddreg [dreg:$0x0];
	s2 =	stileid.u32  }
0x70: {  	s1 =	rddreg [dreg:$0x1];
	p0 =	sne.s32 s2, $0x0  }
0x71: {  	s3 =	rddreg [dreg:$0x2];
	[bflag:$0x3] =	sbarrier.arrive $0xFFFF;
	s2 =	simm.s32 @!p0 $0x1C05  }
0x72: {  	[timem:s3], [sflag:s2] =	dma.local @!p0 [hbm:s0], s1  }
0x73: {  	s0 =	simm.s32 @!p0 $0x5  }
0x74: {  	_ =	swait.ge @!p0 [sflag:s0], s1  }
0x75: {  	s1 =	ssub.s32 @!p0 $0x0, s1;
	[sflag:s0] =	ssyncset.done @!p0 $0x0  }
0x76: {  	[sflag:s0] =	ssyncadd.s32 @!p0 s1  }
0x77: {  	[bflag:$0x3] =	sbarrier.arrive $0xFFFF  }
0x78: {  	_ =	shalt  }

</sc_bundles>
